<compile_context>
chip_gen: v7x
topology: tpu7x:2x2x1
jax: 0.10.2.dev20260603
libtpu: 0.0.44.dev20260713+nightly
codegen_flags: <defaults>
</compile_context>

<pallas_src>
import functools

import jax
import jax.numpy as jnp
from jax import lax
from jax.experimental import pallas as pl
from jax.experimental.pallas import tpu as pltpu
from jax.experimental.pallas import tpu_sc as plsc

N = 10000
E = 160000
D = 256
STEP = 0.1

NC = 2
NS = 16
NW = NC * NS

EPT = E // NW
EPT_PAD = 5008
N_PAD = 10016

CH = 64
NCH = 80
EPT2 = NCH * CH
N2 = N + 16
RPT2 = N2 // NS
DCH = 64

NB = 5
BN = N // NB

_sc_mesh = plsc.VectorSubcoreMesh(
    core_axis_name="c", subcore_axis_name="s", num_cores=NC, num_subcores=NS
)
_sc_params = pltpu.CompilerParams(
    needs_layout_passes=False, use_tc_tiling_on_sc=False
)


@functools.partial(
    pl.kernel,
    out_type=jax.ShapeDtypeStruct((NB * NW * BN,), jnp.int32),
    mesh=_sc_mesh,
    scratch_types=[
        pltpu.VMEM((EPT_PAD,), jnp.int32),
        pltpu.VMEM((N_PAD,), jnp.int32),
    ],
    compiler_params=_sc_params,
)
def _sc_deg(ei_hbm, deg_out, idx_v, deg_v):
    c = lax.axis_index("c")
    s = lax.axis_index("s")
    wid = c * NS + s

    idx_v[pl.ds(EPT_PAD - 16, 16)] = N + lax.iota(jnp.int32, 16)
    pltpu.sync_copy(ei_hbm.at[0].at[pl.ds(wid * EPT, EPT)],
                    idx_v.at[pl.ds(0, EPT)])

    zeros16 = jnp.zeros((16,), jnp.int32)

    def zbody(i, _):
        deg_v[pl.ds(i * 16, 16)] = zeros16
        return 0

    lax.fori_loop(0, N_PAD // 16, zbody, 0, unroll=4)

    def ebody(i, _):
        vals = idx_v[pl.ds(i * 16, 16)]
        cnt, last = plsc.scan_count(vals)
        plsc.addupdate_scatter(deg_v, [vals], cnt, mask=last)
        return 0

    lax.fori_loop(0, EPT_PAD // 16, ebody, 0, unroll=4)
    for b in range(NB):
        pltpu.sync_copy(deg_v.at[pl.ds(b * BN, BN)],
                        deg_out.at[pl.ds(b * (NW * BN) + wid * BN, BN)])


@functools.partial(
    pl.kernel,
    out_type=jax.ShapeDtypeStruct((NC, N2, 1, D // 2), jnp.int32),
    mesh=_sc_mesh,
    scratch_types=[
        pltpu.VMEM_SHARED((N2, 2, D // 2), jnp.bfloat16),
        pltpu.VMEM((EPT2,), jnp.int32),
        pltpu.VMEM((EPT2,), jnp.int32),
        pltpu.VMEM((CH, 2, D // 2), jnp.bfloat16),
        pltpu.VMEM((CH, 2, D // 2), jnp.bfloat16),
        pltpu.VMEM((CH, 2, D // 2), jnp.bfloat16),
        pltpu.VMEM((DCH, 1, D // 2), jnp.int32),
        pltpu.SemaphoreType.DMA,
        pltpu.SemaphoreType.DMA,
        pltpu.SemaphoreType.DMA,
        pltpu.SemaphoreType.DMA,
        pltpu.SemaphoreType.DMA,
        pltpu.SemaphoreType.DMA,
    ],
    compiler_params=_sc_params,
)
def _sc_spmm(ei_hbm, y_hbm, agg_out,
             agg_sh, idxs_v, idxd_v, b0, b1, b2, dbuf,
             g0, g1, g2, s0, s1, s2):
    bufs = (b0, b1, b2)
    gsem = (g0, g1, g2)
    ssem = (s0, s1, s2)
    c = lax.axis_index("c")
    s = lax.axis_index("s")
    wid = c * NS + s

    for k in range(8):
        idxs_v[pl.ds(EPT - 8 + 16 * k, 16)] = 16 * k + lax.iota(jnp.int32, 16)
        idxd_v[pl.ds(EPT - 8 + 16 * k, 16)] = N + lax.iota(jnp.int32, 16)
    pltpu.sync_copy(ei_hbm.at[0].at[pl.ds(wid * EPT, EPT)],
                    idxs_v.at[pl.ds(0, EPT)])
    pltpu.sync_copy(ei_hbm.at[1].at[pl.ds(wid * EPT, EPT)],
                    idxd_v.at[pl.ds(0, EPT)])

    zb = jnp.zeros((32,), jnp.bfloat16)

    def zrow(r, _):
        for j2 in range(2):
            for k in range(4):
                b0[r, j2, pl.ds(32 * k, 32)] = zb
        return 0

    lax.fori_loop(0, CH, zrow, 0)
    base_row = s * RPT2
    for t in range(RPT2 // CH):
        pltpu.sync_copy(b0.at[pl.ds(0, CH)],
                        agg_sh.at[pl.ds(base_row + t * CH, CH)])
    pltpu.sync_copy(b0.at[pl.ds(0, RPT2 % CH)],
                    agg_sh.at[pl.ds(base_row + (RPT2 // CH) * CH, RPT2 % CH)])
    plsc.subcore_barrier()

    def fire_gather(j, slot):
        pltpu.async_copy(y_hbm.at[idxs_v.at[pl.ds(j * CH, CH)]],
                         bufs[slot], gsem[slot])

    def wait_gather(slot):
        pltpu.make_async_copy(y_hbm.at[idxs_v.at[pl.ds(0, CH)]],
                              bufs[slot], gsem[slot]).wait()

    def fire_scatter(j, slot):
        pltpu.async_copy(bufs[slot], agg_sh.at[idxd_v.at[pl.ds(j * CH, CH)]],
                         ssem[slot], add=True)

    def wait_scatter(slot):
        pltpu.make_async_copy(bufs[slot], agg_sh.at[idxd_v.at[pl.ds(0, CH)]],
                              ssem[slot]).wait()

    fire_gather(0, 0)
    fire_gather(1, 1)

    def body(i, _):
        j0 = 3 * i
        for k in range(3):
            j = j0 + k
            wait_gather(k)
            fire_scatter(j, k)

            @pl.when(j >= 1)
            def _():
                wait_scatter((k + 2) % 3)

            @pl.when(j + 2 < NCH)
            def _():
                fire_gather(j + 2, (k + 2) % 3)

        return 0

    lax.fori_loop(0, NCH // 3, body, 0)
    for j in (NCH - 2, NCH - 1):
        k = j % 3
        wait_gather(k)
        fire_scatter(j, k)
        wait_scatter((k + 2) % 3)
    wait_scatter((NCH - 1) % 3)
    plsc.subcore_barrier()

    for t in range((RPT2 + DCH - 1) // DCH):
        rows = min(DCH, RPT2 - t * DCH)
        pltpu.sync_copy(agg_sh.at[pl.ds(base_row + t * DCH, rows)],
                        b0.at[pl.ds(0, rows)])

        def drow(r, _):
            for j2 in range(2):
                for k in range(4):
                    v = b0[r, j2, pl.ds(32 * k, 32)]
                    dbuf[r, 0, pl.ds(j2 * 64 + 16 * k, 16)] = plsc.bitcast(
                        v, jnp.int32)
            return 0

        lax.fori_loop(0, rows, drow, 0)
        pltpu.sync_copy(dbuf.at[pl.ds(0, rows)],
                        agg_out.at[c].at[pl.ds(base_row + t * DCH, rows)])


def _tc_pre_body(x_ref, degp_ref, y_ref):
    deg = jnp.sum(degp_ref[0], axis=0).astype(jnp.float32)
    dinv = jnp.where(deg > 0, lax.rsqrt(deg), 0.0)
    y_ref[...] = (x_ref[...] * dinv[:, None]).astype(jnp.bfloat16)


_tc_pre = pl.pallas_call(
    _tc_pre_body,
    grid=(NB,),
    in_specs=[
        pl.BlockSpec((BN, D), lambda i: (i, 0)),
        pl.BlockSpec((1, NW, BN), lambda i: (i, 0, 0)),
    ],
    out_specs=pl.BlockSpec((BN, D), lambda i: (i, 0)),
    out_shape=jax.ShapeDtypeStruct((N, D), jnp.bfloat16),
)


def _tc_post_body(agg_ref, degp_ref, x_ref, x0_ref, wt_ref, c0_ref,
                  wse_ref, wso_ref, out_ref):
    a = agg_ref[...]
    w0 = a[0, :, 0, :]
    w1 = a[1, :, 0, :]
    ev = (lax.bitcast_convert_type(w0 << 16, jnp.float32)
          + lax.bitcast_convert_type(w1 << 16, jnp.float32))
    m = jnp.int32(-65536)
    od = (lax.bitcast_convert_type(w0 & m, jnp.float32)
          + lax.bitcast_convert_type(w1 & m, jnp.float32))
    deg = jnp.sum(degp_ref[0], axis=0).astype(jnp.float32)
    dinv = jnp.where(deg > 0, lax.rsqrt(deg), 0.0)
    base = x_ref[...] * c0_ref[...] - jnp.dot(
        x0_ref[...], wt_ref[...], preferred_element_type=jnp.float32
    )
    out_ref[...] = base + jnp.dot(
        ev * dinv[:, None], wse_ref[...], preferred_element_type=jnp.float32
    ) + jnp.dot(
        od * dinv[:, None], wso_ref[...], preferred_element_type=jnp.float32
    )


_tc_post = pl.pallas_call(
    _tc_post_body,
    grid=(NB,),
    in_specs=[
        pl.BlockSpec((NC, BN, 1, D // 2), lambda i: (0, i, 0, 0)),
        pl.BlockSpec((1, NW, BN), lambda i: (i, 0, 0)),
        pl.BlockSpec((BN, D), lambda i: (i, 0)),
        pl.BlockSpec((BN, D), lambda i: (i, 0)),
        pl.BlockSpec((D, D), lambda i: (0, 0)),
        pl.BlockSpec((1, D), lambda i: (0, 0)),
        pl.BlockSpec((D // 2, D), lambda i: (0, 0)),
        pl.BlockSpec((D // 2, D), lambda i: (0, 0)),
    ],
    out_specs=pl.BlockSpec((BN, D), lambda i: (i, 0)),
    out_shape=jax.ShapeDtypeStruct((N, D), jnp.float32),
)


def kernel(x, x0, edge_index, Omega, W, W_tilde):
    degp = _sc_deg(edge_index).reshape(NB, NW, BN)

    y = _tc_pre(x, degp)

    agg_i32 = _sc_spmm(edge_index, y.reshape(N, 2, D // 2))

    c0 = (1.0 - STEP * Omega).astype(jnp.float32).reshape(1, D)
    wt_s = (STEP * W_tilde).astype(jnp.float32)
    ws = (STEP * (W + W.T)).astype(jnp.float32)
    out = _tc_post(agg_i32, degp, x, x0, wt_s, c0, ws[0::2], ws[1::2])
    return out

# --- scband reference (transcript-rebuilt; emitter-appended) ---
"""Pipeline reference for scband-grafflayer-64407329571671 (READ-ONLY COPY).

The authoritative reference and input builder live on the scoring server;
editing this copy changes nothing except your own understanding.
"""

import jax, jax.numpy as jnp
import numpy as np

N = 10000
E = 160000
D = 256
STEP_SIZE = 0.1


def setup_inputs(seed: int = 0) -> dict:
    key = jax.random.key(seed)
    k1, k2, k3, k4, k5 = jax.random.split(key, 5)
    x = jax.random.normal(k1, (N, D), dtype=jnp.float32)
    x0 = jax.random.normal(k2, (N, D), dtype=jnp.float32)
    edge_index = jax.random.randint(k3, (2, E), 0, N, dtype=jnp.int32)
    Omega = jnp.ones((D,), dtype=jnp.float32)
    # kaiming_uniform_(a=sqrt(5)) -> U(-1/sqrt(fan_in), 1/sqrt(fan_in))
    bound = 1.0 / np.sqrt(D)
    W = jax.random.uniform(k4, (D, D), dtype=jnp.float32, minval=-bound, maxval=bound)
    W_tilde = jax.random.uniform(k5, (D, D), dtype=jnp.float32, minval=-bound, maxval=bound)
    return {"x": x, "x0": x0, "edge_index": edge_index, "Omega": Omega, "W": W, "W_tilde": W_tilde}


def reference(x, x0, edge_index, Omega, W, W_tilde):
    # A is the 0/1 adjacency with A[dst, src] = 1 for each edge.
    # sym_norm_adj: D_tilde = diag(A.sum(dim=0)); adj_norm = D^{-1/2} A D^{-1/2}
    src = edge_index[0]
    dst = edge_index[1]
    # column sums of A (A.sum(dim=0)) == counts of src occurrences
    deg = jax.ops.segment_sum(jnp.ones((E,), dtype=jnp.float32), src, num_segments=N)
    deg_inv_sqrt = jnp.where(deg > 0, 1.0 / jnp.sqrt(deg), 0.0)
    # (adj_norm @ x)[i] = sum_j dinv[i] * A[i,j] * dinv[j] * x[j]
    w = deg_inv_sqrt[dst] * deg_inv_sqrt[src]
    msg = w[:, None] * jnp.take(x, src, axis=0)
    agg = jax.ops.segment_sum(msg, dst, num_segments=N)
    convo = agg @ (W + W.T)
    residual = x * Omega
    initial = x0 @ W_tilde
    return x + STEP_SIZE * (-residual + convo - initial)

if __name__ == "__main__":
    import jax
    _d = setup_inputs()
    print(jax.jit(kernel)(*tuple(_d.values())))

</pallas_src>

<mosaic_0001>
#map = affine_map<(d0, d1) -> (0, 0)>
#map1 = affine_map<(d0, d1) -> (0, 0, 0)>
#map2 = affine_map<(d0, d1) -> (0, 0, 0, 0)>
module attributes {stable_mosaic.version = 14 : i64} {
  func.func @_sc_spmm(%arg0: i32, %arg1: i32, %arg2: memref<2x160000xi32, #tpu.memory_space<hbm>>, %arg3: memref<10000x2x128xbf16, #tpu.memory_space<hbm>>, %arg4: memref<2x10016x1x128xi32, #tpu.memory_space<hbm>>, %arg5: memref<10016x2x128xbf16, #tpu.memory_space<vmem_shared>>, %arg6: memref<5120xi32, #tpu.memory_space<vmem>>, %arg7: memref<5120xi32, #tpu.memory_space<vmem>>, %arg8: memref<64x2x128xbf16, #tpu.memory_space<vmem>>, %arg9: memref<64x2x128xbf16, #tpu.memory_space<vmem>>, %arg10: memref<64x2x128xbf16, #tpu.memory_space<vmem>>, %arg11: memref<64x1x128xi32, #tpu.memory_space<vmem>>, %arg12: memref<!tpu.dma_semaphore, #tpu.memory_space<semaphore_mem>>, %arg13: memref<!tpu.dma_semaphore, #tpu.memory_space<semaphore_mem>>, %arg14: memref<!tpu.dma_semaphore, #tpu.memory_space<semaphore_mem>>, %arg15: memref<!tpu.dma_semaphore, #tpu.memory_space<semaphore_mem>>, %arg16: memref<!tpu.dma_semaphore, #tpu.memory_space<semaphore_mem>>, %arg17: memref<!tpu.dma_semaphore, #tpu.memory_space<semaphore_mem>>) attributes {dimension_semantics = [#tpu.dimension_semantics<core_parallel>, #tpu.dimension_semantics<subcore_parallel>], iteration_bounds = array<i64: 2, 16>, scalar_prefetch = 0 : i64, scratch_operands = 13 : i64, tpu.core_type = #tpu.core_type<sc_vector_subcore>, window_params = [{transform_indices = #map}, {transform_indices = #map1}, {transform_indices = #map2}]} {
    %mul3A = arith.constant 16 : i32
    %mul3A_0 = arith.muli %arg0, %mul3A : i32
    %add3A = arith.addi %mul3A_0, %arg1 : i32
    %iota3A = tpu.iota {dimensions = array<i32: 0>} : vector<16xi32>
    %add3A_1 = arith.constant 0 : i32
    %add3A_2 = vector.broadcast %add3A_1 : i32 to vector<16xi32>
    %add3A_3 = arith.addi %add3A_2, %iota3A : vector<16xi32>
    %swap3A = arith.constant 4992 : index
    %swap3A_4 = tpu.vector_load %arg6[%swap3A] {strides = array<i32>} : memref<5120xi32, #tpu.memory_space<vmem>>, vector<16xi32>,
    tpu.vector_store %arg6[%swap3A], %add3A_3 {strides = array<i32>} : memref<5120xi32, #tpu.memory_space<vmem>>, vector<16xi32>,
    %iota3A_5 = tpu.iota {dimensions = array<i32: 0>} : vector<16xi32>
    %add3A_6 = arith.constant 10000 : i32
    %add3A_7 = vector.broadcast %add3A_6 : i32 to vector<16xi32>
    %add3A_8 = arith.addi %add3A_7, %iota3A_5 : vector<16xi32>
    %swap3A_9 = arith.constant 4992 : index
    %swap3A_10 = tpu.vector_load %arg7[%swap3A_9] {strides = array<i32>} : memref<5120xi32, #tpu.memory_space<vmem>>, vector<16xi32>,
    tpu.vector_store %arg7[%swap3A_9], %add3A_8 {strides = array<i32>} : memref<5120xi32, #tpu.memory_space<vmem>>, vector<16xi32>,
    %iota3A_11 = tpu.iota {dimensions = array<i32: 0>} : vector<16xi32>
    %add3A_12 = arith.constant 16 : i32
    %add3A_13 = vector.broadcast %add3A_12 : i32 to vector<16xi32>
    %add3A_14 = arith.addi %add3A_13, %iota3A_11 : vector<16xi32>
    %swap3A_15 = arith.constant 5008 : index
    %swap3A_16 = tpu.vector_load %arg6[%swap3A_15] {strides = array<i32>} : memref<5120xi32, #tpu.memory_space<vmem>>, vector<16xi32>,
    tpu.vector_store %arg6[%swap3A_15], %add3A_14 {strides = array<i32>} : memref<5120xi32, #tpu.memory_space<vmem>>, vector<16xi32>,
    %iota3A_17 = tpu.iota {dimensions = array<i32: 0>} : vector<16xi32>
    %add3A_18 = arith.constant 10000 : i32
    %add3A_19 = vector.broadcast %add3A_18 : i32 to vector<16xi32>
    %add3A_20 = arith.addi %add3A_19, %iota3A_17 : vector<16xi32>
    %swap3A_21 = arith.constant 5008 : index
    %swap3A_22 = tpu.vector_load %arg7[%swap3A_21] {strides = array<i32>} : memref<5120xi32, #tpu.memory_space<vmem>>, vector<16xi32>,
    tpu.vector_store %arg7[%swap3A_21], %add3A_20 {strides = array<i32>} : memref<5120xi32, #tpu.memory_space<vmem>>, vector<16xi32>,
    %iota3A_23 = tpu.iota {dimensions = array<i32: 0>} : vector<16xi32>
    %add3A_24 = arith.constant 32 : i32
    %add3A_25 = vector.broadcast %add3A_24 : i32 to vector<16xi32>
    %add3A_26 = arith.addi %add3A_25, %iota3A_23 : vector<16xi32>
    %swap3A_27 = arith.constant 5024 : index
    %swap3A_28 = tpu.vector_load %arg6[%swap3A_27] {strides = array<i32>} : memref<5120xi32, #tpu.memory_space<vmem>>, vector<16xi32>,
    tpu.vector_store %arg6[%swap3A_27], %add3A_26 {strides = array<i32>} : memref<5120xi32, #tpu.memory_space<vmem>>, vector<16xi32>,
    %iota3A_29 = tpu.iota {dimensions = array<i32: 0>} : vector<16xi32>
    %add3A_30 = arith.constant 10000 : i32
    %add3A_31 = vector.broadcast %add3A_30 : i32 to vector<16xi32>
    %add3A_32 = arith.addi %add3A_31, %iota3A_29 : vector<16xi32>
    %swap3A_33 = arith.constant 5024 : index
    %swap3A_34 = tpu.vector_load %arg7[%swap3A_33] {strides = array<i32>} : memref<5120xi32, #tpu.memory_space<vmem>>, vector<16xi32>,
    tpu.vector_store %arg7[%swap3A_33], %add3A_32 {strides = array<i32>} : memref<5120xi32, #tpu.memory_space<vmem>>, vector<16xi32>,
    %iota3A_35 = tpu.iota {dimensions = array<i32: 0>} : vector<16xi32>
    %add3A_36 = arith.constant 48 : i32
    %add3A_37 = vector.broadcast %add3A_36 : i32 to vector<16xi32>
    %add3A_38 = arith.addi %add3A_37, %iota3A_35 : vector<16xi32>
    %swap3A_39 = arith.constant 5040 : index
    %swap3A_40 = tpu.vector_load %arg6[%swap3A_39] {strides = array<i32>} : memref<5120xi32, #tpu.memory_space<vmem>>, vector<16xi32>,
    tpu.vector_store %arg6[%swap3A_39], %add3A_38 {strides = array<i32>} : memref<5120xi32, #tpu.memory_space<vmem>>, vector<16xi32>,
    %iota3A_41 = tpu.iota {dimensions = array<i32: 0>} : vector<16xi32>
    %add3A_42 = arith.constant 10000 : i32
    %add3A_43 = vector.broadcast %add3A_42 : i32 to vector<16xi32>
    %add3A_44 = arith.addi %add3A_43, %iota3A_41 : vector<16xi32>
    %swap3A_45 = arith.constant 5040 : index
    %swap3A_46 = tpu.vector_load %arg7[%swap3A_45] {strides = array<i32>} : memref<5120xi32, #tpu.memory_space<vmem>>, vector<16xi32>,
    tpu.vector_store %arg7[%swap3A_45], %add3A_44 {strides = array<i32>} : memref<5120xi32, #tpu.memory_space<vmem>>, vector<16xi32>,
    %iota3A_47 = tpu.iota {dimensions = array<i32: 0>} : vector<16xi32>
    %add3A_48 = arith.constant 64 : i32
    %add3A_49 = vector.broadcast %add3A_48 : i32 to vector<16xi32>
    %add3A_50 = arith.addi %add3A_49, %iota3A_47 : vector<16xi32>
    %swap3A_51 = arith.constant 5056 : index
    %swap3A_52 = tpu.vector_load %arg6[%swap3A_51] {strides = array<i32>} : memref<5120xi32, #tpu.memory_space<vmem>>, vector<16xi32>,
    tpu.vector_store %arg6[%swap3A_51], %add3A_50 {strides = array<i32>} : memref<5120xi32, #tpu.memory_space<vmem>>, vector<16xi32>,
    %iota3A_53 = tpu.iota {dimensions = array<i32: 0>} : vector<16xi32>
    %add3A_54 = arith.constant 10000 : i32
    %add3A_55 = vector.broadcast %add3A_54 : i32 to vector<16xi32>
    %add3A_56 = arith.addi %add3A_55, %iota3A_53 : vector<16xi32>
    %swap3A_57 = arith.constant 5056 : index
    %swap3A_58 = tpu.vector_load %arg7[%swap3A_57] {strides = array<i32>} : memref<5120xi32, #tpu.memory_space<vmem>>, vector<16xi32>,
    tpu.vector_store %arg7[%swap3A_57], %add3A_56 {strides = array<i32>} : memref<5120xi32, #tpu.memory_space<vmem>>, vector<16xi32>,
    %iota3A_59 = tpu.iota {dimensions = array<i32: 0>} : vector<16xi32>
    %add3A_60 = arith.constant 80 : i32
    %add3A_61 = vector.broadcast %add3A_60 : i32 to vector<16xi32>
    %add3A_62 = arith.addi %add3A_61, %iota3A_59 : vector<16xi32>
    %swap3A_63 = arith.constant 5072 : index
    %swap3A_64 = tpu.vector_load %arg6[%swap3A_63] {strides = array<i32>} : memref<5120xi32, #tpu.memory_space<vmem>>, vector<16xi32>,
    tpu.vector_store %arg6[%swap3A_63], %add3A_62 {strides = array<i32>} : memref<5120xi32, #tpu.memory_space<vmem>>, vector<16xi32>,
    %iota3A_65 = tpu.iota {dimensions = array<i32: 0>} : vector<16xi32>
    %add3A_66 = arith.constant 10000 : i32
    %add3A_67 = vector.broadcast %add3A_66 : i32 to vector<16xi32>
    %add3A_68 = arith.addi %add3A_67, %iota3A_65 : vector<16xi32>
    %swap3A_69 = arith.constant 5072 : index
    %swap3A_70 = tpu.vector_load %arg7[%swap3A_69] {strides = array<i32>} : memref<5120xi32, #tpu.memory_space<vmem>>, vector<16xi32>,
    tpu.vector_store %arg7[%swap3A_69], %add3A_68 {strides = array<i32>} : memref<5120xi32, #tpu.memory_space<vmem>>, vector<16xi32>,
    %iota3A_71 = tpu.iota {dimensions = array<i32: 0>} : vector<16xi32>
    %add3A_72 = arith.constant 96 : i32
    %add3A_73 = vector.broadcast %add3A_72 : i32 to vector<16xi32>
    %add3A_74 = arith.addi %add3A_73, %iota3A_71 : vector<16xi32>
    %swap3A_75 = arith.constant 5088 : index
    %swap3A_76 = tpu.vector_load %arg6[%swap3A_75] {strides = array<i32>} : memref<5120xi32, #tpu.memory_space<vmem>>, vector<16xi32>,
    tpu.vector_store %arg6[%swap3A_75], %add3A_74 {strides = array<i32>} : memref<5120xi32, #tpu.memory_space<vmem>>, vector<16xi32>,
    %iota3A_77 = tpu.iota {dimensions = array<i32: 0>} : vector<16xi32>
    %add3A_78 = arith.constant 10000 : i32
    %add3A_79 = vector.broadcast %add3A_78 : i32 to vector<16xi32>
    %add3A_80 = arith.addi %add3A_79, %iota3A_77 : vector<16xi32>
    %swap3A_81 = arith.constant 5088 : index
    %swap3A_82 = tpu.vector_load %arg7[%swap3A_81] {strides = array<i32>} : memref<5120xi32, #tpu.memory_space<vmem>>, vector<16xi32>,
    tpu.vector_store %arg7[%swap3A_81], %add3A_80 {strides = array<i32>} : memref<5120xi32, #tpu.memory_space<vmem>>, vector<16xi32>,
    %iota3A_83 = tpu.iota {dimensions = array<i32: 0>} : vector<16xi32>
    %add3A_84 = arith.constant 112 : i32
    %add3A_85 = vector.broadcast %add3A_84 : i32 to vector<16xi32>
    %add3A_86 = arith.addi %add3A_85, %iota3A_83 : vector<16xi32>
    %swap3A_87 = arith.constant 5104 : index
    %swap3A_88 = tpu.vector_load %arg6[%swap3A_87] {strides = array<i32>} : memref<5120xi32, #tpu.memory_space<vmem>>, vector<16xi32>,
    tpu.vector_store %arg6[%swap3A_87], %add3A_86 {strides = array<i32>} : memref<5120xi32, #tpu.memory_space<vmem>>, vector<16xi32>,
    %iota3A_89 = tpu.iota {dimensions = array<i32: 0>} : vector<16xi32>
    %add3A_90 = arith.constant 10000 : i32
    %add3A_91 = vector.broadcast %add3A_90 : i32 to vector<16xi32>
    %add3A_92 = arith.addi %add3A_91, %iota3A_89 : vector<16xi32>
    %swap3A_93 = arith.constant 5104 : index
    %swap3A_94 = tpu.vector_load %arg7[%swap3A_93] {strides = array<i32>} : memref<5120xi32, #tpu.memory_space<vmem>>, vector<16xi32>,
    tpu.vector_store %arg7[%swap3A_93], %add3A_92 {strides = array<i32>} : memref<5120xi32, #tpu.memory_space<vmem>>, vector<16xi32>,
    %mul3A_95 = arith.constant 5000 : i32
    %mul3A_96 = arith.muli %add3A, %mul3A_95 : i32
    %run_scoped3A = arith.constant 0 : i32
    "tpu.region"() ({
      %run_scoped3A_299 = tpu.sem_alloc : memref<!tpu.dma_semaphore, #tpu.memory_space<semaphore_mem>>
      %dma_start3A_300 = arith.constant 0 : i32
      %dma_start3A_301 = tpu.memref_slice %arg6[%dma_start3A_300] : memref<5120xi32, #tpu.memory_space<vmem>> -> memref<5000xi32, #tpu.memory_space<vmem>>
      %dma_start3A_302 = arith.constant 0 : i32
      %dma_start3A_303 = tpu.memref_slice %arg2[%run_scoped3A, %dma_start3A_302] : memref<2x160000xi32, #tpu.memory_space<hbm>> -> memref<1x160000xi32, #tpu.memory_space<hbm>>
      %dma_start3A_304 = tpu.memref_squeeze %dma_start3A_303 : memref<1x160000xi32, #tpu.memory_space<hbm>> -> memref<160000xi32, #tpu.memory_space<hbm>>
      %dma_start3A_305 = tpu.memref_slice %dma_start3A_304[%mul3A_96] : memref<160000xi32, #tpu.memory_space<hbm>> -> memref<5000xi32, #tpu.memory_space<hbm>>
      %dma_start3A_306 = arith.constant 0 : i32
      %dma_start3A_307 = tpu.memref_slice %arg6[%dma_start3A_306] : memref<5120xi32, #tpu.memory_space<vmem>> -> memref<5000xi32, #tpu.memory_space<vmem>>
      %dma_start3A_308 = arith.constant 0 : i32
      %dma_start3A_309 = tpu.memref_slice %arg2[%run_scoped3A, %dma_start3A_308] : memref<2x160000xi32, #tpu.memory_space<hbm>> -> memref<1x160000xi32, #tpu.memory_space<hbm>>
      %dma_start3A_310 = tpu.memref_squeeze %dma_start3A_309 : memref<1x160000xi32, #tpu.memory_space<hbm>> -> memref<160000xi32, #tpu.memory_space<hbm>>
      %dma_start3A_311 = tpu.memref_slice %dma_start3A_310[%mul3A_96] : memref<160000xi32, #tpu.memory_space<hbm>> -> memref<5000xi32, #tpu.memory_space<hbm>>
      tpu.enqueue_dma source(%dma_start3A_311 : memref<5000xi32, #tpu.memory_space<hbm>>) target(%dma_start3A_307 : memref<5000xi32, #tpu.memory_space<vmem>>) target_semaphore(%run_scoped3A_299 : memref<!tpu.dma_semaphore, #tpu.memory_space<semaphore_mem>>)
      %dma_wait3A_312 = arith.constant 0 : i32
      %dma_wait3A_313 = tpu.memref_slice %arg6[%dma_wait3A_312] : memref<5120xi32, #tpu.memory_space<vmem>> -> memref<5000xi32, #tpu.memory_space<vmem>>
      %dma_wait3A_314 = arith.constant 0 : i32
      %dma_wait3A_315 = tpu.memref_slice %arg2[%run_scoped3A, %dma_wait3A_314] : memref<2x160000xi32, #tpu.memory_space<hbm>> -> memref<1x160000xi32, #tpu.memory_space<hbm>>
      %dma_wait3A_316 = tpu.memref_squeeze %dma_wait3A_315 : memref<1x160000xi32, #tpu.memory_space<hbm>> -> memref<160000xi32, #tpu.memory_space<hbm>>
      %dma_wait3A_317 = tpu.memref_slice %dma_wait3A_316[%mul3A_96] : memref<160000xi32, #tpu.memory_space<hbm>> -> memref<5000xi32, #tpu.memory_space<hbm>>
      %dma_wait3A_318 = arith.constant 0 : i32
      %dma_wait3A_319 = tpu.memref_slice %arg6[%dma_wait3A_318] : memref<5120xi32, #tpu.memory_space<vmem>> -> memref<5000xi32, #tpu.memory_space<vmem>>
      %dma_wait3A_320 = arith.constant 0 : i32
      %dma_wait3A_321 = tpu.memref_slice %arg2[%run_scoped3A, %dma_wait3A_320] : memref<2x160000xi32, #tpu.memory_space<hbm>> -> memref<1x160000xi32, #tpu.memory_space<hbm>>
      %dma_wait3A_322 = tpu.memref_squeeze %dma_wait3A_321 : memref<1x160000xi32, #tpu.memory_space<hbm>> -> memref<160000xi32, #tpu.memory_space<hbm>>
      %dma_wait3A_323 = tpu.memref_slice %dma_wait3A_322[%mul3A_96] : memref<160000xi32, #tpu.memory_space<hbm>> -> memref<5000xi32, #tpu.memory_space<hbm>>
      tpu.wait_dma2 semaphore(%run_scoped3A_299 : memref<!tpu.dma_semaphore, #tpu.memory_space<semaphore_mem>>) src(%dma_wait3A_323 : memref<5000xi32, #tpu.memory_space<hbm>>) dst(%dma_wait3A_319 : memref<5000xi32, #tpu.memory_space<vmem>>)
      tpu.yield
    }) : () -> ()
    %mul3A_97 = arith.constant 5000 : i32
    %mul3A_98 = arith.muli %add3A, %mul3A_97 : i32
    %run_scoped3A_99 = arith.constant 1 : i32
    "tpu.region"() ({
      %run_scoped3A_299 = tpu.sem_alloc : memref<!tpu.dma_semaphore, #tpu.memory_space<semaphore_mem>>
      %dma_start3A_300 = arith.constant 0 : i32
      %dma_start3A_301 = tpu.memref_slice %arg7[%dma_start3A_300] : memref<5120xi32, #tpu.memory_space<vmem>> -> memref<5000xi32, #tpu.memory_space<vmem>>
      %dma_start3A_302 = arith.constant 0 : i32
      %dma_start3A_303 = tpu.memref_slice %arg2[%run_scoped3A_99, %dma_start3A_302] : memref<2x160000xi32, #tpu.memory_space<hbm>> -> memref<1x160000xi32, #tpu.memory_space<hbm>>
      %dma_start3A_304 = tpu.memref_squeeze %dma_start3A_303 : memref<1x160000xi32, #tpu.memory_space<hbm>> -> memref<160000xi32, #tpu.memory_space<hbm>>
      %dma_start3A_305 = tpu.memref_slice %dma_start3A_304[%mul3A_98] : memref<160000xi32, #tpu.memory_space<hbm>> -> memref<5000xi32, #tpu.memory_space<hbm>>
      %dma_start3A_306 = arith.constant 0 : i32
      %dma_start3A_307 = tpu.memref_slice %arg7[%dma_start3A_306] : memref<5120xi32, #tpu.memory_space<vmem>> -> memref<5000xi32, #tpu.memory_space<vmem>>
      %dma_start3A_308 = arith.constant 0 : i32
      %dma_start3A_309 = tpu.memref_slice %arg2[%run_scoped3A_99, %dma_start3A_308] : memref<2x160000xi32, #tpu.memory_space<hbm>> -> memref<1x160000xi32, #tpu.memory_space<hbm>>
      %dma_start3A_310 = tpu.memref_squeeze %dma_start3A_309 : memref<1x160000xi32, #tpu.memory_space<hbm>> -> memref<160000xi32, #tpu.memory_space<hbm>>
      %dma_start3A_311 = tpu.memref_slice %dma_start3A_310[%mul3A_98] : memref<160000xi32, #tpu.memory_space<hbm>> -> memref<5000xi32, #tpu.memory_space<hbm>>
      tpu.enqueue_dma source(%dma_start3A_311 : memref<5000xi32, #tpu.memory_space<hbm>>) target(%dma_start3A_307 : memref<5000xi32, #tpu.memory_space<vmem>>) target_semaphore(%run_scoped3A_299 : memref<!tpu.dma_semaphore, #tpu.memory_space<semaphore_mem>>)
      %dma_wait3A_312 = arith.constant 0 : i32
      %dma_wait3A_313 = tpu.memref_slice %arg7[%dma_wait3A_312] : memref<5120xi32, #tpu.memory_space<vmem>> -> memref<5000xi32, #tpu.memory_space<vmem>>
      %dma_wait3A_314 = arith.constant 0 : i32
      %dma_wait3A_315 = tpu.memref_slice %arg2[%run_scoped3A_99, %dma_wait3A_314] : memref<2x160000xi32, #tpu.memory_space<hbm>> -> memref<1x160000xi32, #tpu.memory_space<hbm>>
      %dma_wait3A_316 = tpu.memref_squeeze %dma_wait3A_315 : memref<1x160000xi32, #tpu.memory_space<hbm>> -> memref<160000xi32, #tpu.memory_space<hbm>>
      %dma_wait3A_317 = tpu.memref_slice %dma_wait3A_316[%mul3A_98] : memref<160000xi32, #tpu.memory_space<hbm>> -> memref<5000xi32, #tpu.memory_space<hbm>>
      %dma_wait3A_318 = arith.constant 0 : i32
      %dma_wait3A_319 = tpu.memref_slice %arg7[%dma_wait3A_318] : memref<5120xi32, #tpu.memory_space<vmem>> -> memref<5000xi32, #tpu.memory_space<vmem>>
      %dma_wait3A_320 = arith.constant 0 : i32
      %dma_wait3A_321 = tpu.memref_slice %arg2[%run_scoped3A_99, %dma_wait3A_320] : memref<2x160000xi32, #tpu.memory_space<hbm>> -> memref<1x160000xi32, #tpu.memory_space<hbm>>
      %dma_wait3A_322 = tpu.memref_squeeze %dma_wait3A_321 : memref<1x160000xi32, #tpu.memory_space<hbm>> -> memref<160000xi32, #tpu.memory_space<hbm>>
      %dma_wait3A_323 = tpu.memref_slice %dma_wait3A_322[%mul3A_98] : memref<160000xi32, #tpu.memory_space<hbm>> -> memref<5000xi32, #tpu.memory_space<hbm>>
      tpu.wait_dma2 semaphore(%run_scoped3A_299 : memref<!tpu.dma_semaphore, #tpu.memory_space<semaphore_mem>>) src(%dma_wait3A_323 : memref<5000xi32, #tpu.memory_space<hbm>>) dst(%dma_wait3A_319 : memref<5000xi32, #tpu.memory_space<vmem>>)
      tpu.yield
    }) : () -> ()
    %broadcast_in_dim3A = arith.constant 0.000000e+00 : bf16
    %broadcast_in_dim3A_100 = vector.broadcast %broadcast_in_dim3A : bf16 to vector<32xbf16>
    %scan3A = arith.constant 0 : i32
    %scan3A_101 = arith.constant 0 : i32
    %scan3A_102 = arith.constant 64 : i32
    %scan3A_103 = arith.addi %scan3A_101, %scan3A_102 : i32
    %scan3A_104 = arith.constant 1 : i32
    %scan3A_105 = scf.for %scan3A_299 = %scan3A_101 to %scan3A_103 step %scan3A_104 iter_args(%scan3A_300 = %scan3A) -> (i32)  : i32 {
      %swap3A_301 = arith.constant 0 : i32
      %swap3A_302 = arith.index_cast %scan3A_299 : i32 to index
      %swap3A_303 = arith.index_cast %swap3A_301 : i32 to index
      %swap3A_304 = arith.constant 0 : index
      %swap3A_305 = tpu.vector_load %arg8[%swap3A_302, %swap3A_303, %swap3A_304] {strides = array<i32>} : memref<64x2x128xbf16, #tpu.memory_space<vmem>>, vector<32xbf16>,
      tpu.vector_store %arg8[%swap3A_302, %swap3A_303, %swap3A_304], %broadcast_in_dim3A_100 {strides = array<i32>} : memref<64x2x128xbf16, #tpu.memory_space<vmem>>, vector<32xbf16>,
      %swap3A_306 = arith.constant 0 : i32
      %swap3A_307 = arith.index_cast %scan3A_299 : i32 to index
      %swap3A_308 = arith.index_cast %swap3A_306 : i32 to index
      %swap3A_309 = arith.constant 32 : index
      %swap3A_310 = tpu.vector_load %arg8[%swap3A_307, %swap3A_308, %swap3A_309] {strides = array<i32>} : memref<64x2x128xbf16, #tpu.memory_space<vmem>>, vector<32xbf16>,
      tpu.vector_store %arg8[%swap3A_307, %swap3A_308, %swap3A_309], %broadcast_in_dim3A_100 {strides = array<i32>} : memref<64x2x128xbf16, #tpu.memory_space<vmem>>, vector<32xbf16>,
      %swap3A_311 = arith.constant 0 : i32
      %swap3A_312 = arith.index_cast %scan3A_299 : i32 to index
      %swap3A_313 = arith.index_cast %swap3A_311 : i32 to index
      %swap3A_314 = arith.constant 64 : index
      %swap3A_315 = tpu.vector_load %arg8[%swap3A_312, %swap3A_313, %swap3A_314] {strides = array<i32>} : memref<64x2x128xbf16, #tpu.memory_space<vmem>>, vector<32xbf16>,
      tpu.vector_store %arg8[%swap3A_312, %swap3A_313, %swap3A_314], %broadcast_in_dim3A_100 {strides = array<i32>} : memref<64x2x128xbf16, #tpu.memory_space<vmem>>, vector<32xbf16>,
      %swap3A_316 = arith.constant 0 : i32
      %swap3A_317 = arith.index_cast %scan3A_299 : i32 to index
      %swap3A_318 = arith.index_cast %swap3A_316 : i32 to index
      %swap3A_319 = arith.constant 96 : index
      %swap3A_320 = tpu.vector_load %arg8[%swap3A_317, %swap3A_318, %swap3A_319] {strides = array<i32>} : memref<64x2x128xbf16, #tpu.memory_space<vmem>>, vector<32xbf16>,
      tpu.vector_store %arg8[%swap3A_317, %swap3A_318, %swap3A_319], %broadcast_in_dim3A_100 {strides = array<i32>} : memref<64x2x128xbf16, #tpu.memory_space<vmem>>, vector<32xbf16>,
      %swap3A_321 = arith.constant 1 : i32
      %swap3A_322 = arith.index_cast %scan3A_299 : i32 to index
      %swap3A_323 = arith.index_cast %swap3A_321 : i32 to index
      %swap3A_324 = arith.constant 0 : index
      %swap3A_325 = tpu.vector_load %arg8[%swap3A_322, %swap3A_323, %swap3A_324] {strides = array<i32>} : memref<64x2x128xbf16, #tpu.memory_space<vmem>>, vector<32xbf16>,
      tpu.vector_store %arg8[%swap3A_322, %swap3A_323, %swap3A_324], %broadcast_in_dim3A_100 {strides = array<i32>} : memref<64x2x128xbf16, #tpu.memory_space<vmem>>, vector<32xbf16>,
      %swap3A_326 = arith.constant 1 : i32
      %swap3A_327 = arith.index_cast %scan3A_299 : i32 to index
      %swap3A_328 = arith.index_cast %swap3A_326 : i32 to index
      %swap3A_329 = arith.constant 32 : index
      %swap3A_330 = tpu.vector_load %arg8[%swap3A_327, %swap3A_328, %swap3A_329] {strides = array<i32>} : memref<64x2x128xbf16, #tpu.memory_space<vmem>>, vector<32xbf16>,
      tpu.vector_store %arg8[%swap3A_327, %swap3A_328, %swap3A_329], %broadcast_in_dim3A_100 {strides = array<i32>} : memref<64x2x128xbf16, #tpu.memory_space<vmem>>, vector<32xbf16>,
      %swap3A_331 = arith.constant 1 : i32
      %swap3A_332 = arith.index_cast %scan3A_299 : i32 to index
      %swap3A_333 = arith.index_cast %swap3A_331 : i32 to index
      %swap3A_334 = arith.constant 64 : index
      %swap3A_335 = tpu.vector_load %arg8[%swap3A_332, %swap3A_333, %swap3A_334] {strides = array<i32>} : memref<64x2x128xbf16, #tpu.memory_space<vmem>>, vector<32xbf16>,
      tpu.vector_store %arg8[%swap3A_332, %swap3A_333, %swap3A_334], %broadcast_in_dim3A_100 {strides = array<i32>} : memref<64x2x128xbf16, #tpu.memory_space<vmem>>, vector<32xbf16>,
      %swap3A_336 = arith.constant 1 : i32
      %swap3A_337 = arith.index_cast %scan3A_299 : i32 to index
      %swap3A_338 = arith.index_cast %swap3A_336 : i32 to index
      %swap3A_339 = arith.constant 96 : index
      %swap3A_340 = tpu.vector_load %arg8[%swap3A_337, %swap3A_338, %swap3A_339] {strides = array<i32>} : memref<64x2x128xbf16, #tpu.memory_space<vmem>>, vector<32xbf16>,
      tpu.vector_store %arg8[%swap3A_337, %swap3A_338, %swap3A_339], %broadcast_in_dim3A_100 {strides = array<i32>} : memref<64x2x128xbf16, #tpu.memory_space<vmem>>, vector<32xbf16>,
      %scan3A_341 = arith.constant 0 : i32
      scf.yield %scan3A_341 : i32
    }
    %scan3A_106 = arith.constant 64 : i32
    %mul3A_107 = arith.constant 626 : i32
    %mul3A_108 = arith.muli %arg1, %mul3A_107 : i32
    %add3A_109 = arith.constant 0 : i32
    %add3A_110 = arith.addi %mul3A_108, %add3A_109 : i32
    "tpu.region"() ({
      %run_scoped3A_299 = tpu.sem_alloc : memref<!tpu.dma_semaphore, #tpu.memory_space<semaphore_mem>>
      %dma_start3A_300 = arith.constant 0 : i32
      %dma_start3A_301 = arith.constant 0 : i32
      %dma_start3A_302 = arith.constant 0 : i32
      %dma_start3A_303 = tpu.memref_slice %arg8[%dma_start3A_300, %dma_start3A_301, %dma_start3A_302] : memref<64x2x128xbf16, #tpu.memory_space<vmem>> -> memref<64x2x128xbf16, #tpu.memory_space<vmem>>
      %dma_start3A_304 = arith.constant 0 : i32
      %dma_start3A_305 = arith.constant 0 : i32
      %dma_start3A_306 = tpu.memref_slice %arg5[%add3A_110, %dma_start3A_304, %dma_start3A_305] : memref<10016x2x128xbf16, #tpu.memory_space<vmem_shared>> -> memref<64x2x128xbf16, #tpu.memory_space<vmem_shared>>
      %dma_start3A_307 = arith.constant 0 : i32
      %dma_start3A_308 = arith.constant 0 : i32
      %dma_start3A_309 = tpu.memref_slice %arg5[%add3A_110, %dma_start3A_307, %dma_start3A_308] : memref<10016x2x128xbf16, #tpu.memory_space<vmem_shared>> -> memref<64x2x128xbf16, #tpu.memory_space<vmem_shared>>
      %dma_start3A_310 = arith.constant 0 : i32
      %dma_start3A_311 = arith.constant 0 : i32
      %dma_start3A_312 = arith.constant 0 : i32
      %dma_start3A_313 = tpu.memref_slice %arg8[%dma_start3A_310, %dma_start3A_311, %dma_start3A_312] : memref<64x2x128xbf16, #tpu.memory_space<vmem>> -> memref<64x2x128xbf16, #tpu.memory_space<vmem>>
      tpu.enqueue_dma source(%dma_start3A_313 : memref<64x2x128xbf16, #tpu.memory_space<vmem>>) target(%dma_start3A_309 : memref<64x2x128xbf16, #tpu.memory_space<vmem_shared>>) target_semaphore(%run_scoped3A_299 : memref<!tpu.dma_semaphore, #tpu.memory_space<semaphore_mem>>)
      %dma_wait3A_314 = arith.constant 0 : i32
      %dma_wait3A_315 = arith.constant 0 : i32
      %dma_wait3A_316 = arith.constant 0 : i32
      %dma_wait3A_317 = tpu.memref_slice %arg8[%dma_wait3A_314, %dma_wait3A_315, %dma_wait3A_316] : memref<64x2x128xbf16, #tpu.memory_space<vmem>> -> memref<64x2x128xbf16, #tpu.memory_space<vmem>>
      %dma_wait3A_318 = arith.constant 0 : i32
      %dma_wait3A_319 = arith.constant 0 : i32
      %dma_wait3A_320 = tpu.memref_slice %arg5[%add3A_110, %dma_wait3A_318, %dma_wait3A_319] : memref<10016x2x128xbf16, #tpu.memory_space<vmem_shared>> -> memref<64x2x128xbf16, #tpu.memory_space<vmem_shared>>
      %dma_wait3A_321 = arith.constant 0 : i32
      %dma_wait3A_322 = arith.constant 0 : i32
      %dma_wait3A_323 = tpu.memref_slice %arg5[%add3A_110, %dma_wait3A_321, %dma_wait3A_322] : memref<10016x2x128xbf16, #tpu.memory_space<vmem_shared>> -> memref<64x2x128xbf16, #tpu.memory_space<vmem_shared>>
      %dma_wait3A_324 = arith.constant 0 : i32
      %dma_wait3A_325 = arith.constant 0 : i32
      %dma_wait3A_326 = arith.constant 0 : i32
      %dma_wait3A_327 = tpu.memref_slice %arg8[%dma_wait3A_324, %dma_wait3A_325, %dma_wait3A_326] : memref<64x2x128xbf16, #tpu.memory_space<vmem>> -> memref<64x2x128xbf16, #tpu.memory_space<vmem>>
      tpu.wait_dma2 semaphore(%run_scoped3A_299 : memref<!tpu.dma_semaphore, #tpu.memory_space<semaphore_mem>>) src(%dma_wait3A_327 : memref<64x2x128xbf16, #tpu.memory_space<vmem>>) dst(%dma_wait3A_323 : memref<64x2x128xbf16, #tpu.memory_space<vmem_shared>>)
      tpu.yield
    }) : () -> ()
    %add3A_111 = arith.constant 64 : i32
    %add3A_112 = arith.addi %mul3A_108, %add3A_111 : i32
    "tpu.region"() ({
      %run_scoped3A_299 = tpu.sem_alloc : memref<!tpu.dma_semaphore, #tpu.memory_space<semaphore_mem>>
      %dma_start3A_300 = arith.constant 0 : i32
      %dma_start3A_301 = arith.constant 0 : i32
      %dma_start3A_302 = arith.constant 0 : i32
      %dma_start3A_303 = tpu.memref_slice %arg8[%dma_start3A_300, %dma_start3A_301, %dma_start3A_302] : memref<64x2x128xbf16, #tpu.memory_space<vmem>> -> memref<64x2x128xbf16, #tpu.memory_space<vmem>>
      %dma_start3A_304 = arith.constant 0 : i32
      %dma_start3A_305 = arith.constant 0 : i32
      %dma_start3A_306 = tpu.memref_slice %arg5[%add3A_112, %dma_start3A_304, %dma_start3A_305] : memref<10016x2x128xbf16, #tpu.memory_space<vmem_shared>> -> memref<64x2x128xbf16, #tpu.memory_space<vmem_shared>>
      %dma_start3A_307 = arith.constant 0 : i32
      %dma_start3A_308 = arith.constant 0 : i32
      %dma_start3A_309 = tpu.memref_slice %arg5[%add3A_112, %dma_start3A_307, %dma_start3A_308] : memref<10016x2x128xbf16, #tpu.memory_space<vmem_shared>> -> memref<64x2x128xbf16, #tpu.memory_space<vmem_shared>>
      %dma_start3A_310 = arith.constant 0 : i32
      %dma_start3A_311 = arith.constant 0 : i32
      %dma_start3A_312 = arith.constant 0 : i32
      %dma_start3A_313 = tpu.memref_slice %arg8[%dma_start3A_310, %dma_start3A_311, %dma_start3A_312] : memref<64x2x128xbf16, #tpu.memory_space<vmem>> -> memref<64x2x128xbf16, #tpu.memory_space<vmem>>
      tpu.enqueue_dma source(%dma_start3A_313 : memref<64x2x128xbf16, #tpu.memory_space<vmem>>) target(%dma_start3A_309 : memref<64x2x128xbf16, #tpu.memory_space<vmem_shared>>) target_semaphore(%run_scoped3A_299 : memref<!tpu.dma_semaphore, #tpu.memory_space<semaphore_mem>>)
      %dma_wait3A_314 = arith.constant 0 : i32
      %dma_wait3A_315 = arith.constant 0 : i32
      %dma_wait3A_316 = arith.constant 0 : i32
      %dma_wait3A_317 = tpu.memref_slice %arg8[%dma_wait3A_314, %dma_wait3A_315, %dma_wait3A_316] : memref<64x2x128xbf16, #tpu.memory_space<vmem>> -> memref<64x2x128xbf16, #tpu.memory_space<vmem>>
      %dma_wait3A_318 = arith.constant 0 : i32
      %dma_wait3A_319 = arith.constant 0 : i32
      %dma_wait3A_320 = tpu.memref_slice %arg5[%add3A_112, %dma_wait3A_318, %dma_wait3A_319] : memref<10016x2x128xbf16, #tpu.memory_space<vmem_shared>> -> memref<64x2x128xbf16, #tpu.memory_space<vmem_shared>>
      %dma_wait3A_321 = arith.constant 0 : i32
      %dma_wait3A_322 = arith.constant 0 : i32
      %dma_wait3A_323 = tpu.memref_slice %arg5[%add3A_112, %dma_wait3A_321, %dma_wait3A_322] : memref<10016x2x128xbf16, #tpu.memory_space<vmem_shared>> -> memref<64x2x128xbf16, #tpu.memory_space<vmem_shared>>
      %dma_wait3A_324 = arith.constant 0 : i32
      %dma_wait3A_325 = arith.constant 0 : i32
      %dma_wait3A_326 = arith.constant 0 : i32
      %dma_wait3A_327 = tpu.memref_slice %arg8[%dma_wait3A_324, %dma_wait3A_325, %dma_wait3A_326] : memref<64x2x128xbf16, #tpu.memory_space<vmem>> -> memref<64x2x128xbf16, #tpu.memory_space<vmem>>
      tpu.wait_dma2 semaphore(%run_scoped3A_299 : memref<!tpu.dma_semaphore, #tpu.memory_space<semaphore_mem>>) src(%dma_wait3A_327 : memref<64x2x128xbf16, #tpu.memory_space<vmem>>) dst(%dma_wait3A_323 : memref<64x2x128xbf16, #tpu.memory_space<vmem_shared>>)
      tpu.yield
    }) : () -> ()
    %add3A_113 = arith.constant 128 : i32
    %add3A_114 = arith.addi %mul3A_108, %add3A_113 : i32
    "tpu.region"() ({
      %run_scoped3A_299 = tpu.sem_alloc : memref<!tpu.dma_semaphore, #tpu.memory_space<semaphore_mem>>
      %dma_start3A_300 = arith.constant 0 : i32
      %dma_start3A_301 = arith.constant 0 : i32
      %dma_start3A_302 = arith.constant 0 : i32
      %dma_start3A_303 = tpu.memref_slice %arg8[%dma_start3A_300, %dma_start3A_301, %dma_start3A_302] : memref<64x2x128xbf16, #tpu.memory_space<vmem>> -> memref<64x2x128xbf16, #tpu.memory_space<vmem>>
      %dma_start3A_304 = arith.constant 0 : i32
      %dma_start3A_305 = arith.constant 0 : i32
      %dma_start3A_306 = tpu.memref_slice %arg5[%add3A_114, %dma_start3A_304, %dma_start3A_305] : memref<10016x2x128xbf16, #tpu.memory_space<vmem_shared>> -> memref<64x2x128xbf16, #tpu.memory_space<vmem_shared>>
      %dma_start3A_307 = arith.constant 0 : i32
      %dma_start3A_308 = arith.constant 0 : i32
      %dma_start3A_309 = tpu.memref_slice %arg5[%add3A_114, %dma_start3A_307, %dma_start3A_308] : memref<10016x2x128xbf16, #tpu.memory_space<vmem_shared>> -> memref<64x2x128xbf16, #tpu.memory_space<vmem_shared>>
      %dma_start3A_310 = arith.constant 0 : i32
      %dma_start3A_311 = arith.constant 0 : i32
      %dma_start3A_312 = arith.constant 0 : i32
      %dma_start3A_313 = tpu.memref_slice %arg8[%dma_start3A_310, %dma_start3A_311, %dma_start3A_312] : memref<64x2x128xbf16, #tpu.memory_space<vmem>> -> memref<64x2x128xbf16, #tpu.memory_space<vmem>>
      tpu.enqueue_dma source(%dma_start3A_313 : memref<64x2x128xbf16, #tpu.memory_space<vmem>>) target(%dma_start3A_309 : memref<64x2x128xbf16, #tpu.memory_space<vmem_shared>>) target_semaphore(%run_scoped3A_299 : memref<!tpu.dma_semaphore, #tpu.memory_space<semaphore_mem>>)
      %dma_wait3A_314 = arith.constant 0 : i32
      %dma_wait3A_315 = arith.constant 0 : i32
      %dma_wait3A_316 = arith.constant 0 : i32
      %dma_wait3A_317 = tpu.memref_slice %arg8[%dma_wait3A_314, %dma_wait3A_315, %dma_wait3A_316] : memref<64x2x128xbf16, #tpu.memory_space<vmem>> -> memref<64x2x128xbf16, #tpu.memory_space<vmem>>
      %dma_wait3A_318 = arith.constant 0 : i32
      %dma_wait3A_319 = arith.constant 0 : i32
      %dma_wait3A_320 = tpu.memref_slice %arg5[%add3A_114, %dma_wait3A_318, %dma_wait3A_319] : memref<10016x2x128xbf16, #tpu.memory_space<vmem_shared>> -> memref<64x2x128xbf16, #tpu.memory_space<vmem_shared>>
      %dma_wait3A_321 = arith.constant 0 : i32
      %dma_wait3A_322 = arith.constant 0 : i32
      %dma_wait3A_323 = tpu.memref_slice %arg5[%add3A_114, %dma_wait3A_321, %dma_wait3A_322] : memref<10016x2x128xbf16, #tpu.memory_space<vmem_shared>> -> memref<64x2x128xbf16, #tpu.memory_space<vmem_shared>>
      %dma_wait3A_324 = arith.constant 0 : i32
      %dma_wait3A_325 = arith.constant 0 : i32
      %dma_wait3A_326 = arith.constant 0 : i32
      %dma_wait3A_327 = tpu.memref_slice %arg8[%dma_wait3A_324, %dma_wait3A_325, %dma_wait3A_326] : memref<64x2x128xbf16, #tpu.memory_space<vmem>> -> memref<64x2x128xbf16, #tpu.memory_space<vmem>>
      tpu.wait_dma2 semaphore(%run_scoped3A_299 : memref<!tpu.dma_semaphore, #tpu.memory_space<semaphore_mem>>) src(%dma_wait3A_327 : memref<64x2x128xbf16, #tpu.memory_space<vmem>>) dst(%dma_wait3A_323 : memref<64x2x128xbf16, #tpu.memory_space<vmem_shared>>)
      tpu.yield
    }) : () -> ()
    %add3A_115 = arith.constant 192 : i32
    %add3A_116 = arith.addi %mul3A_108, %add3A_115 : i32
    "tpu.region"() ({
      %run_scoped3A_299 = tpu.sem_alloc : memref<!tpu.dma_semaphore, #tpu.memory_space<semaphore_mem>>
      %dma_start3A_300 = arith.constant 0 : i32
      %dma_start3A_301 = arith.constant 0 : i32
      %dma_start3A_302 = arith.constant 0 : i32
      %dma_start3A_303 = tpu.memref_slice %arg8[%dma_start3A_300, %dma_start3A_301, %dma_start3A_302] : memref<64x2x128xbf16, #tpu.memory_space<vmem>> -> memref<64x2x128xbf16, #tpu.memory_space<vmem>>
      %dma_start3A_304 = arith.constant 0 : i32
      %dma_start3A_305 = arith.constant 0 : i32
      %dma_start3A_306 = tpu.memref_slice %arg5[%add3A_116, %dma_start3A_304, %dma_start3A_305] : memref<10016x2x128xbf16, #tpu.memory_space<vmem_shared>> -> memref<64x2x128xbf16, #tpu.memory_space<vmem_shared>>
      %dma_start3A_307 = arith.constant 0 : i32
      %dma_start3A_308 = arith.constant 0 : i32
      %dma_start3A_309 = tpu.memref_slice %arg5[%add3A_116, %dma_start3A_307, %dma_start3A_308] : memref<10016x2x128xbf16, #tpu.memory_space<vmem_shared>> -> memref<64x2x128xbf16, #tpu.memory_space<vmem_shared>>
      %dma_start3A_310 = arith.constant 0 : i32
      %dma_start3A_311 = arith.constant 0 : i32
      %dma_start3A_312 = arith.constant 0 : i32
      %dma_start3A_313 = tpu.memref_slice %arg8[%dma_start3A_310, %dma_start3A_311, %dma_start3A_312] : memref<64x2x128xbf16, #tpu.memory_space<vmem>> -> memref<64x2x128xbf16, #tpu.memory_space<vmem>>
      tpu.enqueue_dma source(%dma_start3A_313 : memref<64x2x128xbf16, #tpu.memory_space<vmem>>) target(%dma_start3A_309 : memref<64x2x128xbf16, #tpu.memory_space<vmem_shared>>) target_semaphore(%run_scoped3A_299 : memref<!tpu.dma_semaphore, #tpu.memory_space<semaphore_mem>>)
      %dma_wait3A_314 = arith.constant 0 : i32
      %dma_wait3A_315 = arith.constant 0 : i32
      %dma_wait3A_316 = arith.constant 0 : i32
      %dma_wait3A_317 = tpu.memref_slice %arg8[%dma_wait3A_314, %dma_wait3A_315, %dma_wait3A_316] : memref<64x2x128xbf16, #tpu.memory_space<vmem>> -> memref<64x2x128xbf16, #tpu.memory_space<vmem>>
      %dma_wait3A_318 = arith.constant 0 : i32
      %dma_wait3A_319 = arith.constant 0 : i32
      %dma_wait3A_320 = tpu.memref_slice %arg5[%add3A_116, %dma_wait3A_318, %dma_wait3A_319] : memref<10016x2x128xbf16, #tpu.memory_space<vmem_shared>> -> memref<64x2x128xbf16, #tpu.memory_space<vmem_shared>>
      %dma_wait3A_321 = arith.constant 0 : i32
      %dma_wait3A_322 = arith.constant 0 : i32
      %dma_wait3A_323 = tpu.memref_slice %arg5[%add3A_116, %dma_wait3A_321, %dma_wait3A_322] : memref<10016x2x128xbf16, #tpu.memory_space<vmem_shared>> -> memref<64x2x128xbf16, #tpu.memory_space<vmem_shared>>
      %dma_wait3A_324 = arith.constant 0 : i32
      %dma_wait3A_325 = arith.constant 0 : i32
      %dma_wait3A_326 = arith.constant 0 : i32
      %dma_wait3A_327 = tpu.memref_slice %arg8[%dma_wait3A_324, %dma_wait3A_325, %dma_wait3A_326] : memref<64x2x128xbf16, #tpu.memory_space<vmem>> -> memref<64x2x128xbf16, #tpu.memory_space<vmem>>
      tpu.wait_dma2 semaphore(%run_scoped3A_299 : memref<!tpu.dma_semaphore, #tpu.memory_space<semaphore_mem>>) src(%dma_wait3A_327 : memref<64x2x128xbf16, #tpu.memory_space<vmem>>) dst(%dma_wait3A_323 : memref<64x2x128xbf16, #tpu.memory_space<vmem_shared>>)
      tpu.yield
    }) : () -> ()
    %add3A_117 = arith.constant 256 : i32
    %add3A_118 = arith.addi %mul3A_108, %add3A_117 : i32
    "tpu.region"() ({
      %run_scoped3A_299 = tpu.sem_alloc : memref<!tpu.dma_semaphore, #tpu.memory_space<semaphore_mem>>
      %dma_start3A_300 = arith.constant 0 : i32
      %dma_start3A_301 = arith.constant 0 : i32
      %dma_start3A_302 = arith.constant 0 : i32
      %dma_start3A_303 = tpu.memref_slice %arg8[%dma_start3A_300, %dma_start3A_301, %dma_start3A_302] : memref<64x2x128xbf16, #tpu.memory_space<vmem>> -> memref<64x2x128xbf16, #tpu.memory_space<vmem>>
      %dma_start3A_304 = arith.constant 0 : i32
      %dma_start3A_305 = arith.constant 0 : i32
      %dma_start3A_306 = tpu.memref_slice %arg5[%add3A_118, %dma_start3A_304, %dma_start3A_305] : memref<10016x2x128xbf16, #tpu.memory_space<vmem_shared>> -> memref<64x2x128xbf16, #tpu.memory_space<vmem_shared>>
      %dma_start3A_307 = arith.constant 0 : i32
      %dma_start3A_308 = arith.constant 0 : i32
      %dma_start3A_309 = tpu.memref_slice %arg5[%add3A_118, %dma_start3A_307, %dma_start3A_308] : memref<10016x2x128xbf16, #tpu.memory_space<vmem_shared>> -> memref<64x2x128xbf16, #tpu.memory_space<vmem_shared>>
      %dma_start3A_310 = arith.constant 0 : i32
      %dma_start3A_311 = arith.constant 0 : i32
      %dma_start3A_312 = arith.constant 0 : i32
      %dma_start3A_313 = tpu.memref_slice %arg8[%dma_start3A_310, %dma_start3A_311, %dma_start3A_312] : memref<64x2x128xbf16, #tpu.memory_space<vmem>> -> memref<64x2x128xbf16, #tpu.memory_space<vmem>>
      tpu.enqueue_dma source(%dma_start3A_313 : memref<64x2x128xbf16, #tpu.memory_space<vmem>>) target(%dma_start3A_309 : memref<64x2x128xbf16, #tpu.memory_space<vmem_shared>>) target_semaphore(%run_scoped3A_299 : memref<!tpu.dma_semaphore, #tpu.memory_space<semaphore_mem>>)
      %dma_wait3A_314 = arith.constant 0 : i32
      %dma_wait3A_315 = arith.constant 0 : i32
      %dma_wait3A_316 = arith.constant 0 : i32
      %dma_wait3A_317 = tpu.memref_slice %arg8[%dma_wait3A_314, %dma_wait3A_315, %dma_wait3A_316] : memref<64x2x128xbf16, #tpu.memory_space<vmem>> -> memref<64x2x128xbf16, #tpu.memory_space<vmem>>
      %dma_wait3A_318 = arith.constant 0 : i32
      %dma_wait3A_319 = arith.constant 0 : i32
      %dma_wait3A_320 = tpu.memref_slice %arg5[%add3A_118, %dma_wait3A_318, %dma_wait3A_319] : memref<10016x2x128xbf16, #tpu.memory_space<vmem_shared>> -> memref<64x2x128xbf16, #tpu.memory_space<vmem_shared>>
      %dma_wait3A_321 = arith.constant 0 : i32
      %dma_wait3A_322 = arith.constant 0 : i32
      %dma_wait3A_323 = tpu.memref_slice %arg5[%add3A_118, %dma_wait3A_321, %dma_wait3A_322] : memref<10016x2x128xbf16, #tpu.memory_space<vmem_shared>> -> memref<64x2x128xbf16, #tpu.memory_space<vmem_shared>>
      %dma_wait3A_324 = arith.constant 0 : i32
      %dma_wait3A_325 = arith.constant 0 : i32
      %dma_wait3A_326 = arith.constant 0 : i32
      %dma_wait3A_327 = tpu.memref_slice %arg8[%dma_wait3A_324, %dma_wait3A_325, %dma_wait3A_326] : memref<64x2x128xbf16, #tpu.memory_space<vmem>> -> memref<64x2x128xbf16, #tpu.memory_space<vmem>>
      tpu.wait_dma2 semaphore(%run_scoped3A_299 : memref<!tpu.dma_semaphore, #tpu.memory_space<semaphore_mem>>) src(%dma_wait3A_327 : memref<64x2x128xbf16, #tpu.memory_space<vmem>>) dst(%dma_wait3A_323 : memref<64x2x128xbf16, #tpu.memory_space<vmem_shared>>)
      tpu.yield
    }) : () -> ()
    %add3A_119 = arith.constant 320 : i32
    %add3A_120 = arith.addi %mul3A_108, %add3A_119 : i32
    "tpu.region"() ({
      %run_scoped3A_299 = tpu.sem_alloc : memref<!tpu.dma_semaphore, #tpu.memory_space<semaphore_mem>>
      %dma_start3A_300 = arith.constant 0 : i32
      %dma_start3A_301 = arith.constant 0 : i32
      %dma_start3A_302 = arith.constant 0 : i32
      %dma_start3A_303 = tpu.memref_slice %arg8[%dma_start3A_300, %dma_start3A_301, %dma_start3A_302] : memref<64x2x128xbf16, #tpu.memory_space<vmem>> -> memref<64x2x128xbf16, #tpu.memory_space<vmem>>
      %dma_start3A_304 = arith.constant 0 : i32
      %dma_start3A_305 = arith.constant 0 : i32
      %dma_start3A_306 = tpu.memref_slice %arg5[%add3A_120, %dma_start3A_304, %dma_start3A_305] : memref<10016x2x128xbf16, #tpu.memory_space<vmem_shared>> -> memref<64x2x128xbf16, #tpu.memory_space<vmem_shared>>
      %dma_start3A_307 = arith.constant 0 : i32
      %dma_start3A_308 = arith.constant 0 : i32
      %dma_start3A_309 = tpu.memref_slice %arg5[%add3A_120, %dma_start3A_307, %dma_start3A_308] : memref<10016x2x128xbf16, #tpu.memory_space<vmem_shared>> -> memref<64x2x128xbf16, #tpu.memory_space<vmem_shared>>
      %dma_start3A_310 = arith.constant 0 : i32
      %dma_start3A_311 = arith.constant 0 : i32
      %dma_start3A_312 = arith.constant 0 : i32
      %dma_start3A_313 = tpu.memref_slice %arg8[%dma_start3A_310, %dma_start3A_311, %dma_start3A_312] : memref<64x2x128xbf16, #tpu.memory_space<vmem>> -> memref<64x2x128xbf16, #tpu.memory_space<vmem>>
      tpu.enqueue_dma source(%dma_start3A_313 : memref<64x2x128xbf16, #tpu.memory_space<vmem>>) target(%dma_start3A_309 : memref<64x2x128xbf16, #tpu.memory_space<vmem_shared>>) target_semaphore(%run_scoped3A_299 : memref<!tpu.dma_semaphore, #tpu.memory_space<semaphore_mem>>)
      %dma_wait3A_314 = arith.constant 0 : i32
      %dma_wait3A_315 = arith.constant 0 : i32
      %dma_wait3A_316 = arith.constant 0 : i32
      %dma_wait3A_317 = tpu.memref_slice %arg8[%dma_wait3A_314, %dma_wait3A_315, %dma_wait3A_316] : memref<64x2x128xbf16, #tpu.memory_space<vmem>> -> memref<64x2x128xbf16, #tpu.memory_space<vmem>>
      %dma_wait3A_318 = arith.constant 0 : i32
      %dma_wait3A_319 = arith.constant 0 : i32
      %dma_wait3A_320 = tpu.memref_slice %arg5[%add3A_120, %dma_wait3A_318, %dma_wait3A_319] : memref<10016x2x128xbf16, #tpu.memory_space<vmem_shared>> -> memref<64x2x128xbf16, #tpu.memory_space<vmem_shared>>
      %dma_wait3A_321 = arith.constant 0 : i32
      %dma_wait3A_322 = arith.constant 0 : i32
      %dma_wait3A_323 = tpu.memref_slice %arg5[%add3A_120, %dma_wait3A_321, %dma_wait3A_322] : memref<10016x2x128xbf16, #tpu.memory_space<vmem_shared>> -> memref<64x2x128xbf16, #tpu.memory_space<vmem_shared>>
      %dma_wait3A_324 = arith.constant 0 : i32
      %dma_wait3A_325 = arith.constant 0 : i32
      %dma_wait3A_326 = arith.constant 0 : i32
      %dma_wait3A_327 = tpu.memref_slice %arg8[%dma_wait3A_324, %dma_wait3A_325, %dma_wait3A_326] : memref<64x2x128xbf16, #tpu.memory_space<vmem>> -> memref<64x2x128xbf16, #tpu.memory_space<vmem>>
      tpu.wait_dma2 semaphore(%run_scoped3A_299 : memref<!tpu.dma_semaphore, #tpu.memory_space<semaphore_mem>>) src(%dma_wait3A_327 : memref<64x2x128xbf16, #tpu.memory_space<vmem>>) dst(%dma_wait3A_323 : memref<64x2x128xbf16, #tpu.memory_space<vmem_shared>>)
      tpu.yield
    }) : () -> ()
    %add3A_121 = arith.constant 384 : i32
    %add3A_122 = arith.addi %mul3A_108, %add3A_121 : i32
    "tpu.region"() ({
      %run_scoped3A_299 = tpu.sem_alloc : memref<!tpu.dma_semaphore, #tpu.memory_space<semaphore_mem>>
      %dma_start3A_300 = arith.constant 0 : i32
      %dma_start3A_301 = arith.constant 0 : i32
      %dma_start3A_302 = arith.constant 0 : i32
      %dma_start3A_303 = tpu.memref_slice %arg8[%dma_start3A_300, %dma_start3A_301, %dma_start3A_302] : memref<64x2x128xbf16, #tpu.memory_space<vmem>> -> memref<64x2x128xbf16, #tpu.memory_space<vmem>>
      %dma_start3A_304 = arith.constant 0 : i32
      %dma_start3A_305 = arith.constant 0 : i32
      %dma_start3A_306 = tpu.memref_slice %arg5[%add3A_122, %dma_start3A_304, %dma_start3A_305] : memref<10016x2x128xbf16, #tpu.memory_space<vmem_shared>> -> memref<64x2x128xbf16, #tpu.memory_space<vmem_shared>>
      %dma_start3A_307 = arith.constant 0 : i32
      %dma_start3A_308 = arith.constant 0 : i32
      %dma_start3A_309 = tpu.memref_slice %arg5[%add3A_122, %dma_start3A_307, %dma_start3A_308] : memref<10016x2x128xbf16, #tpu.memory_space<vmem_shared>> -> memref<64x2x128xbf16, #tpu.memory_space<vmem_shared>>
      %dma_start3A_310 = arith.constant 0 : i32
      %dma_start3A_311 = arith.constant 0 : i32
      %dma_start3A_312 = arith.constant 0 : i32
      %dma_start3A_313 = tpu.memref_slice %arg8[%dma_start3A_310, %dma_start3A_311, %dma_start3A_312] : memref<64x2x128xbf16, #tpu.memory_space<vmem>> -> memref<64x2x128xbf16, #tpu.memory_space<vmem>>
      tpu.enqueue_dma source(%dma_start3A_313 : memref<64x2x128xbf16, #tpu.memory_space<vmem>>) target(%dma_start3A_309 : memref<64x2x128xbf16, #tpu.memory_space<vmem_shared>>) target_semaphore(%run_scoped3A_299 : memref<!tpu.dma_semaphore, #tpu.memory_space<semaphore_mem>>)
      %dma_wait3A_314 = arith.constant 0 : i32
      %dma_wait3A_315 = arith.constant 0 : i32
      %dma_wait3A_316 = arith.constant 0 : i32
      %dma_wait3A_317 = tpu.memref_slice %arg8[%dma_wait3A_314, %dma_wait3A_315, %dma_wait3A_316] : memref<64x2x128xbf16, #tpu.memory_space<vmem>> -> memref<64x2x128xbf16, #tpu.memory_space<vmem>>
      %dma_wait3A_318 = arith.constant 0 : i32
      %dma_wait3A_319 = arith.constant 0 : i32
      %dma_wait3A_320 = tpu.memref_slice %arg5[%add3A_122, %dma_wait3A_318, %dma_wait3A_319] : memref<10016x2x128xbf16, #tpu.memory_space<vmem_shared>> -> memref<64x2x128xbf16, #tpu.memory_space<vmem_shared>>
      %dma_wait3A_321 = arith.constant 0 : i32
      %dma_wait3A_322 = arith.constant 0 : i32
      %dma_wait3A_323 = tpu.memref_slice %arg5[%add3A_122, %dma_wait3A_321, %dma_wait3A_322] : memref<10016x2x128xbf16, #tpu.memory_space<vmem_shared>> -> memref<64x2x128xbf16, #tpu.memory_space<vmem_shared>>
      %dma_wait3A_324 = arith.constant 0 : i32
      %dma_wait3A_325 = arith.constant 0 : i32
      %dma_wait3A_326 = arith.constant 0 : i32
      %dma_wait3A_327 = tpu.memref_slice %arg8[%dma_wait3A_324, %dma_wait3A_325, %dma_wait3A_326] : memref<64x2x128xbf16, #tpu.memory_space<vmem>> -> memref<64x2x128xbf16, #tpu.memory_space<vmem>>
      tpu.wait_dma2 semaphore(%run_scoped3A_299 : memref<!tpu.dma_semaphore, #tpu.memory_space<semaphore_mem>>) src(%dma_wait3A_327 : memref<64x2x128xbf16, #tpu.memory_space<vmem>>) dst(%dma_wait3A_323 : memref<64x2x128xbf16, #tpu.memory_space<vmem_shared>>)
      tpu.yield
    }) : () -> ()
    %add3A_123 = arith.constant 448 : i32
    %add3A_124 = arith.addi %mul3A_108, %add3A_123 : i32
    "tpu.region"() ({
      %run_scoped3A_299 = tpu.sem_alloc : memref<!tpu.dma_semaphore, #tpu.memory_space<semaphore_mem>>
      %dma_start3A_300 = arith.constant 0 : i32
      %dma_start3A_301 = arith.constant 0 : i32
      %dma_start3A_302 = arith.constant 0 : i32
      %dma_start3A_303 = tpu.memref_slice %arg8[%dma_start3A_300, %dma_start3A_301, %dma_start3A_302] : memref<64x2x128xbf16, #tpu.memory_space<vmem>> -> memref<64x2x128xbf16, #tpu.memory_space<vmem>>
      %dma_start3A_304 = arith.constant 0 : i32
      %dma_start3A_305 = arith.constant 0 : i32
      %dma_start3A_306 = tpu.memref_slice %arg5[%add3A_124, %dma_start3A_304, %dma_start3A_305] : memref<10016x2x128xbf16, #tpu.memory_space<vmem_shared>> -> memref<64x2x128xbf16, #tpu.memory_space<vmem_shared>>
      %dma_start3A_307 = arith.constant 0 : i32
      %dma_start3A_308 = arith.constant 0 : i32
      %dma_start3A_309 = tpu.memref_slice %arg5[%add3A_124, %dma_start3A_307, %dma_start3A_308] : memref<10016x2x128xbf16, #tpu.memory_space<vmem_shared>> -> memref<64x2x128xbf16, #tpu.memory_space<vmem_shared>>
      %dma_start3A_310 = arith.constant 0 : i32
      %dma_start3A_311 = arith.constant 0 : i32
      %dma_start3A_312 = arith.constant 0 : i32
      %dma_start3A_313 = tpu.memref_slice %arg8[%dma_start3A_310, %dma_start3A_311, %dma_start3A_312] : memref<64x2x128xbf16, #tpu.memory_space<vmem>> -> memref<64x2x128xbf16, #tpu.memory_space<vmem>>
      tpu.enqueue_dma source(%dma_start3A_313 : memref<64x2x128xbf16, #tpu.memory_space<vmem>>) target(%dma_start3A_309 : memref<64x2x128xbf16, #tpu.memory_space<vmem_shared>>) target_semaphore(%run_scoped3A_299 : memref<!tpu.dma_semaphore, #tpu.memory_space<semaphore_mem>>)
      %dma_wait3A_314 = arith.constant 0 : i32
      %dma_wait3A_315 = arith.constant 0 : i32
      %dma_wait3A_316 = arith.constant 0 : i32
      %dma_wait3A_317 = tpu.memref_slice %arg8[%dma_wait3A_314, %dma_wait3A_315, %dma_wait3A_316] : memref<64x2x128xbf16, #tpu.memory_space<vmem>> -> memref<64x2x128xbf16, #tpu.memory_space<vmem>>
      %dma_wait3A_318 = arith.constant 0 : i32
      %dma_wait3A_319 = arith.constant 0 : i32
      %dma_wait3A_320 = tpu.memref_slice %arg5[%add3A_124, %dma_wait3A_318, %dma_wait3A_319] : memref<10016x2x128xbf16, #tpu.memory_space<vmem_shared>> -> memref<64x2x128xbf16, #tpu.memory_space<vmem_shared>>
      %dma_wait3A_321 = arith.constant 0 : i32
      %dma_wait3A_322 = arith.constant 0 : i32
      %dma_wait3A_323 = tpu.memref_slice %arg5[%add3A_124, %dma_wait3A_321, %dma_wait3A_322] : memref<10016x2x128xbf16, #tpu.memory_space<vmem_shared>> -> memref<64x2x128xbf16, #tpu.memory_space<vmem_shared>>
      %dma_wait3A_324 = arith.constant 0 : i32
      %dma_wait3A_325 = arith.constant 0 : i32
      %dma_wait3A_326 = arith.constant 0 : i32
      %dma_wait3A_327 = tpu.memref_slice %arg8[%dma_wait3A_324, %dma_wait3A_325, %dma_wait3A_326] : memref<64x2x128xbf16, #tpu.memory_space<vmem>> -> memref<64x2x128xbf16, #tpu.memory_space<vmem>>
      tpu.wait_dma2 semaphore(%run_scoped3A_299 : memref<!tpu.dma_semaphore, #tpu.memory_space<semaphore_mem>>) src(%dma_wait3A_327 : memref<64x2x128xbf16, #tpu.memory_space<vmem>>) dst(%dma_wait3A_323 : memref<64x2x128xbf16, #tpu.memory_space<vmem_shared>>)
      tpu.yield
    }) : () -> ()
    %add3A_125 = arith.constant 512 : i32
    %add3A_126 = arith.addi %mul3A_108, %add3A_125 : i32
    "tpu.region"() ({
      %run_scoped3A_299 = tpu.sem_alloc : memref<!tpu.dma_semaphore, #tpu.memory_space<semaphore_mem>>
      %dma_start3A_300 = arith.constant 0 : i32
      %dma_start3A_301 = arith.constant 0 : i32
      %dma_start3A_302 = arith.constant 0 : i32
      %dma_start3A_303 = tpu.memref_slice %arg8[%dma_start3A_300, %dma_start3A_301, %dma_start3A_302] : memref<64x2x128xbf16, #tpu.memory_space<vmem>> -> memref<64x2x128xbf16, #tpu.memory_space<vmem>>
      %dma_start3A_304 = arith.constant 0 : i32
      %dma_start3A_305 = arith.constant 0 : i32
      %dma_start3A_306 = tpu.memref_slice %arg5[%add3A_126, %dma_start3A_304, %dma_start3A_305] : memref<10016x2x128xbf16, #tpu.memory_space<vmem_shared>> -> memref<64x2x128xbf16, #tpu.memory_space<vmem_shared>>
      %dma_start3A_307 = arith.constant 0 : i32
      %dma_start3A_308 = arith.constant 0 : i32
      %dma_start3A_309 = tpu.memref_slice %arg5[%add3A_126, %dma_start3A_307, %dma_start3A_308] : memref<10016x2x128xbf16, #tpu.memory_space<vmem_shared>> -> memref<64x2x128xbf16, #tpu.memory_space<vmem_shared>>
      %dma_start3A_310 = arith.constant 0 : i32
      %dma_start3A_311 = arith.constant 0 : i32
      %dma_start3A_312 = arith.constant 0 : i32
      %dma_start3A_313 = tpu.memref_slice %arg8[%dma_start3A_310, %dma_start3A_311, %dma_start3A_312] : memref<64x2x128xbf16, #tpu.memory_space<vmem>> -> memref<64x2x128xbf16, #tpu.memory_space<vmem>>
      tpu.enqueue_dma source(%dma_start3A_313 : memref<64x2x128xbf16, #tpu.memory_space<vmem>>) target(%dma_start3A_309 : memref<64x2x128xbf16, #tpu.memory_space<vmem_shared>>) target_semaphore(%run_scoped3A_299 : memref<!tpu.dma_semaphore, #tpu.memory_space<semaphore_mem>>)
      %dma_wait3A_314 = arith.constant 0 : i32
      %dma_wait3A_315 = arith.constant 0 : i32
      %dma_wait3A_316 = arith.constant 0 : i32
      %dma_wait3A_317 = tpu.memref_slice %arg8[%dma_wait3A_314, %dma_wait3A_315, %dma_wait3A_316] : memref<64x2x128xbf16, #tpu.memory_space<vmem>> -> memref<64x2x128xbf16, #tpu.memory_space<vmem>>
      %dma_wait3A_318 = arith.constant 0 : i32
      %dma_wait3A_319 = arith.constant 0 : i32
      %dma_wait3A_320 = tpu.memref_slice %arg5[%add3A_126, %dma_wait3A_318, %dma_wait3A_319] : memref<10016x2x128xbf16, #tpu.memory_space<vmem_shared>> -> memref<64x2x128xbf16, #tpu.memory_space<vmem_shared>>
      %dma_wait3A_321 = arith.constant 0 : i32
      %dma_wait3A_322 = arith.constant 0 : i32
      %dma_wait3A_323 = tpu.memref_slice %arg5[%add3A_126, %dma_wait3A_321, %dma_wait3A_322] : memref<10016x2x128xbf16, #tpu.memory_space<vmem_shared>> -> memref<64x2x128xbf16, #tpu.memory_space<vmem_shared>>
      %dma_wait3A_324 = arith.constant 0 : i32
      %dma_wait3A_325 = arith.constant 0 : i32
      %dma_wait3A_326 = arith.constant 0 : i32
      %dma_wait3A_327 = tpu.memref_slice %arg8[%dma_wait3A_324, %dma_wait3A_325, %dma_wait3A_326] : memref<64x2x128xbf16, #tpu.memory_space<vmem>> -> memref<64x2x128xbf16, #tpu.memory_space<vmem>>
      tpu.wait_dma2 semaphore(%run_scoped3A_299 : memref<!tpu.dma_semaphore, #tpu.memory_space<semaphore_mem>>) src(%dma_wait3A_327 : memref<64x2x128xbf16, #tpu.memory_space<vmem>>) dst(%dma_wait3A_323 : memref<64x2x128xbf16, #tpu.memory_space<vmem_shared>>)
      tpu.yield
    }) : () -> ()
    %add3A_127 = arith.constant 576 : i32
    %add3A_128 = arith.addi %mul3A_108, %add3A_127 : i32
    "tpu.region"() ({
      %run_scoped3A_299 = tpu.sem_alloc : memref<!tpu.dma_semaphore, #tpu.memory_space<semaphore_mem>>
      %dma_start3A_300 = arith.constant 0 : i32
      %dma_start3A_301 = arith.constant 0 : i32
      %dma_start3A_302 = arith.constant 0 : i32
      %dma_start3A_303 = tpu.memref_slice %arg8[%dma_start3A_300, %dma_start3A_301, %dma_start3A_302] : memref<64x2x128xbf16, #tpu.memory_space<vmem>> -> memref<50x2x128xbf16, #tpu.memory_space<vmem>>
      %dma_start3A_304 = arith.constant 0 : i32
      %dma_start3A_305 = arith.constant 0 : i32
      %dma_start3A_306 = tpu.memref_slice %arg5[%add3A_128, %dma_start3A_304, %dma_start3A_305] : memref<10016x2x128xbf16, #tpu.memory_space<vmem_shared>> -> memref<50x2x128xbf16, #tpu.memory_space<vmem_shared>>
      %dma_start3A_307 = arith.constant 0 : i32
      %dma_start3A_308 = arith.constant 0 : i32
      %dma_start3A_309 = tpu.memref_slice %arg5[%add3A_128, %dma_start3A_307, %dma_start3A_308] : memref<10016x2x128xbf16, #tpu.memory_space<vmem_shared>> -> memref<50x2x128xbf16, #tpu.memory_space<vmem_shared>>
      %dma_start3A_310 = arith.constant 0 : i32
      %dma_start3A_311 = arith.constant 0 : i32
      %dma_start3A_312 = arith.constant 0 : i32
      %dma_start3A_313 = tpu.memref_slice %arg8[%dma_start3A_310, %dma_start3A_311, %dma_start3A_312] : memref<64x2x128xbf16, #tpu.memory_space<vmem>> -> memref<50x2x128xbf16, #tpu.memory_space<vmem>>
      tpu.enqueue_dma source(%dma_start3A_313 : memref<50x2x128xbf16, #tpu.memory_space<vmem>>) target(%dma_start3A_309 : memref<50x2x128xbf16, #tpu.memory_space<vmem_shared>>) target_semaphore(%run_scoped3A_299 : memref<!tpu.dma_semaphore, #tpu.memory_space<semaphore_mem>>)
      %dma_wait3A_314 = arith.constant 0 : i32
      %dma_wait3A_315 = arith.constant 0 : i32
      %dma_wait3A_316 = arith.constant 0 : i32
      %dma_wait3A_317 = tpu.memref_slice %arg8[%dma_wait3A_314, %dma_wait3A_315, %dma_wait3A_316] : memref<64x2x128xbf16, #tpu.memory_space<vmem>> -> memref<50x2x128xbf16, #tpu.memory_space<vmem>>
      %dma_wait3A_318 = arith.constant 0 : i32
      %dma_wait3A_319 = arith.constant 0 : i32
      %dma_wait3A_320 = tpu.memref_slice %arg5[%add3A_128, %dma_wait3A_318, %dma_wait3A_319] : memref<10016x2x128xbf16, #tpu.memory_space<vmem_shared>> -> memref<50x2x128xbf16, #tpu.memory_space<vmem_shared>>
      %dma_wait3A_321 = arith.constant 0 : i32
      %dma_wait3A_322 = arith.constant 0 : i32
      %dma_wait3A_323 = tpu.memref_slice %arg5[%add3A_128, %dma_wait3A_321, %dma_wait3A_322] : memref<10016x2x128xbf16, #tpu.memory_space<vmem_shared>> -> memref<50x2x128xbf16, #tpu.memory_space<vmem_shared>>
      %dma_wait3A_324 = arith.constant 0 : i32
      %dma_wait3A_325 = arith.constant 0 : i32
      %dma_wait3A_326 = arith.constant 0 : i32
      %dma_wait3A_327 = tpu.memref_slice %arg8[%dma_wait3A_324, %dma_wait3A_325, %dma_wait3A_326] : memref<64x2x128xbf16, #tpu.memory_space<vmem>> -> memref<50x2x128xbf16, #tpu.memory_space<vmem>>
      tpu.wait_dma2 semaphore(%run_scoped3A_299 : memref<!tpu.dma_semaphore, #tpu.memory_space<semaphore_mem>>) src(%dma_wait3A_327 : memref<50x2x128xbf16, #tpu.memory_space<vmem>>) dst(%dma_wait3A_323 : memref<50x2x128xbf16, #tpu.memory_space<vmem_shared>>)
      tpu.yield
    }) : () -> ()
    %barrier3A = arith.constant 0 : index
    tpu.barrier barrier_id(%barrier3A)
    %dma_start3A = arith.constant 0 : i32
    %dma_start3A_129 = tpu.memref_slice %arg6[%dma_start3A] : memref<5120xi32, #tpu.memory_space<vmem>> -> memref<64xi32, #tpu.memory_space<vmem>>
    %dma_start3A_130 = arith.constant 0 : i32
    %dma_start3A_131 = arith.constant 0 : i32
    %dma_start3A_132 = arith.constant 0 : i32
    %dma_start3A_133 = tpu.memref_slice %arg3[%dma_start3A_130, %dma_start3A_131, %dma_start3A_132] : memref<10000x2x128xbf16, #tpu.memory_space<hbm>> -> memref<10000x2x128xbf16, #tpu.memory_space<hbm>>
    tpu.enqueue_indirect_dma source(%dma_start3A_133 : memref<10000x2x128xbf16, #tpu.memory_space<hbm>>) target(%arg8 : memref<64x2x128xbf16, #tpu.memory_space<vmem>>) offsets(%dma_start3A_129 : memref<64xi32, #tpu.memory_space<vmem>>) semaphore(%arg12 : memref<!tpu.dma_semaphore, #tpu.memory_space<semaphore_mem>>)
    %dma_start3A_134 = arith.constant 64 : i32
    %dma_start3A_135 = tpu.memref_slice %arg6[%dma_start3A_134] : memref<5120xi32, #tpu.memory_space<vmem>> -> memref<64xi32, #tpu.memory_space<vmem>>
    %dma_start3A_136 = arith.constant 0 : i32
    %dma_start3A_137 = arith.constant 0 : i32
    %dma_start3A_138 = arith.constant 0 : i32
    %dma_start3A_139 = tpu.memref_slice %arg3[%dma_start3A_136, %dma_start3A_137, %dma_start3A_138] : memref<10000x2x128xbf16, #tpu.memory_space<hbm>> -> memref<10000x2x128xbf16, #tpu.memory_space<hbm>>
    tpu.enqueue_indirect_dma source(%dma_start3A_139 : memref<10000x2x128xbf16, #tpu.memory_space<hbm>>) target(%arg9 : memref<64x2x128xbf16, #tpu.memory_space<vmem>>) offsets(%dma_start3A_135 : memref<64xi32, #tpu.memory_space<vmem>>) semaphore(%arg13 : memref<!tpu.dma_semaphore, #tpu.memory_space<semaphore_mem>>)
    %scan3A_140 = arith.constant 0 : i32
    %scan3A_141 = arith.constant 0 : i32
    %scan3A_142 = arith.constant 26 : i32
    %scan3A_143 = arith.addi %scan3A_141, %scan3A_142 : i32
    %scan3A_144 = arith.constant 1 : i32
    %scan3A_145 = scf.for %scan3A_299 = %scan3A_141 to %scan3A_143 step %scan3A_144 iter_args(%scan3A_300 = %scan3A_140) -> (i32)  : i32 {
      %mul3A_301 = arith.constant 3 : i32
      %mul3A_302 = arith.muli %mul3A_301, %scan3A_299 : i32
      %add3A_303 = arith.constant 0 : i32
      %add3A_304 = arith.addi %mul3A_302, %add3A_303 : i32
      %dma_wait3A_305 = arith.constant 0 : i32
      %dma_wait3A_306 = tpu.memref_slice %arg6[%dma_wait3A_305] : memref<5120xi32, #tpu.memory_space<vmem>> -> memref<64xi32, #tpu.memory_space<vmem>>
      %dma_wait3A_307 = arith.constant 0 : i32
      %dma_wait3A_308 = arith.constant 0 : i32
      %dma_wait3A_309 = arith.constant 0 : i32
      %dma_wait3A_310 = tpu.memref_slice %arg3[%dma_wait3A_307, %dma_wait3A_308, %dma_wait3A_309] : memref<10000x2x128xbf16, #tpu.memory_space<hbm>> -> memref<10000x2x128xbf16, #tpu.memory_space<hbm>>
      tpu.wait_indirect_dma semaphore(%arg12 : memref<!tpu.dma_semaphore, #tpu.memory_space<semaphore_mem>>) src(%dma_wait3A_310 : memref<10000x2x128xbf16, #tpu.memory_space<hbm>>) dst(%arg8 : memref<64x2x128xbf16, #tpu.memory_space<vmem>>)
      %mul3A_311 = arith.constant 64 : i32
      %mul3A_312 = arith.muli %add3A_304, %mul3A_311 : i32
      %dma_start3A_313 = tpu.memref_slice %arg7[%mul3A_312] : memref<5120xi32, #tpu.memory_space<vmem>> -> memref<64xi32, #tpu.memory_space<vmem>>
      %dma_start3A_314 = arith.constant 0 : i32
      %dma_start3A_315 = arith.constant 0 : i32
      %dma_start3A_316 = arith.constant 0 : i32
      %dma_start3A_317 = tpu.memref_slice %arg5[%dma_start3A_314, %dma_start3A_315, %dma_start3A_316] : memref<10016x2x128xbf16, #tpu.memory_space<vmem_shared>> -> memref<10016x2x128xbf16, #tpu.memory_space<vmem_shared>>
      tpu.enqueue_indirect_dma source(%arg8 : memref<64x2x128xbf16, #tpu.memory_space<vmem>>) target(%dma_start3A_317 : memref<10016x2x128xbf16, #tpu.memory_space<vmem_shared>>) offsets(%dma_start3A_313 : memref<64xi32, #tpu.memory_space<vmem>>) semaphore(%arg15 : memref<!tpu.dma_semaphore, #tpu.memory_space<semaphore_mem>>) {add = true}
      %ge3A = arith.constant 1 : i32
      %ge3A_318 = arith.cmpi sge, %add3A_304, %ge3A : i32
      %convert_element_type3A = arith.extui %ge3A_318 : i1 to i32
      %cond3A = arith.constant 0 : i32
      %cond3A_319 = arith.cmpi ne, %convert_element_type3A, %cond3A : i32
      scf.if %cond3A_319 {
        %dma_wait3A_381 = arith.constant 0 : i32
        %dma_wait3A_382 = tpu.memref_slice %arg7[%dma_wait3A_381] : memref<5120xi32, #tpu.memory_space<vmem>> -> memref<64xi32, #tpu.memory_space<vmem>>
        %dma_wait3A_383 = arith.constant 0 : i32
        %dma_wait3A_384 = arith.constant 0 : i32
        %dma_wait3A_385 = arith.constant 0 : i32
        %dma_wait3A_386 = tpu.memref_slice %arg5[%dma_wait3A_383, %dma_wait3A_384, %dma_wait3A_385] : memref<10016x2x128xbf16, #tpu.memory_space<vmem_shared>> -> memref<10016x2x128xbf16, #tpu.memory_space<vmem_shared>>
        tpu.wait_indirect_dma semaphore(%arg17 : memref<!tpu.dma_semaphore, #tpu.memory_space<semaphore_mem>>) src(%arg10 : memref<64x2x128xbf16, #tpu.memory_space<vmem>>) dst(%dma_wait3A_386 : memref<10016x2x128xbf16, #tpu.memory_space<vmem_shared>>)
      } else {
      }
      %add3A_320 = arith.constant 2 : i32
      %add3A_321 = arith.addi %add3A_304, %add3A_320 : i32
      %lt3A = arith.constant 80 : i32
      %lt3A_322 = arith.cmpi slt, %add3A_321, %lt3A : i32
      %convert_element_type3A_323 = arith.extui %lt3A_322 : i1 to i32
      %cond3A_324 = arith.constant 0 : i32
      %cond3A_325 = arith.cmpi ne, %convert_element_type3A_323, %cond3A_324 : i32
      scf.if %cond3A_325 {
        %add3A_381 = arith.constant 2 : i32
        %add3A_382 = arith.addi %add3A_304, %add3A_381 : i32
        %mul3A_383 = arith.constant 64 : i32
        %mul3A_384 = arith.muli %add3A_382, %mul3A_383 : i32
        %dma_start3A_385 = tpu.memref_slice %arg6[%mul3A_384] : memref<5120xi32, #tpu.memory_space<vmem>> -> memref<64xi32, #tpu.memory_space<vmem>>
        %dma_start3A_386 = arith.constant 0 : i32
        %dma_start3A_387 = arith.constant 0 : i32
        %dma_start3A_388 = arith.constant 0 : i32
        %dma_start3A_389 = tpu.memref_slice %arg3[%dma_start3A_386, %dma_start3A_387, %dma_start3A_388] : memref<10000x2x128xbf16, #tpu.memory_space<hbm>> -> memref<10000x2x128xbf16, #tpu.memory_space<hbm>>
        tpu.enqueue_indirect_dma source(%dma_start3A_389 : memref<10000x2x128xbf16, #tpu.memory_space<hbm>>) target(%arg10 : memref<64x2x128xbf16, #tpu.memory_space<vmem>>) offsets(%dma_start3A_385 : memref<64xi32, #tpu.memory_space<vmem>>) semaphore(%arg14 : memref<!tpu.dma_semaphore, #tpu.memory_space<semaphore_mem>>)
      } else {
      }
      %add3A_326 = arith.constant 1 : i32
      %add3A_327 = arith.addi %mul3A_302, %add3A_326 : i32
      %dma_wait3A_328 = arith.constant 0 : i32
      %dma_wait3A_329 = tpu.memref_slice %arg6[%dma_wait3A_328] : memref<5120xi32, #tpu.memory_space<vmem>> -> memref<64xi32, #tpu.memory_space<vmem>>
      %dma_wait3A_330 = arith.constant 0 : i32
      %dma_wait3A_331 = arith.constant 0 : i32
      %dma_wait3A_332 = arith.constant 0 : i32
      %dma_wait3A_333 = tpu.memref_slice %arg3[%dma_wait3A_330, %dma_wait3A_331, %dma_wait3A_332] : memref<10000x2x128xbf16, #tpu.memory_space<hbm>> -> memref<10000x2x128xbf16, #tpu.memory_space<hbm>>
      tpu.wait_indirect_dma semaphore(%arg13 : memref<!tpu.dma_semaphore, #tpu.memory_space<semaphore_mem>>) src(%dma_wait3A_333 : memref<10000x2x128xbf16, #tpu.memory_space<hbm>>) dst(%arg9 : memref<64x2x128xbf16, #tpu.memory_space<vmem>>)
      %mul3A_334 = arith.constant 64 : i32
      %mul3A_335 = arith.muli %add3A_327, %mul3A_334 : i32
      %dma_start3A_336 = tpu.memref_slice %arg7[%mul3A_335] : memref<5120xi32, #tpu.memory_space<vmem>> -> memref<64xi32, #tpu.memory_space<vmem>>
      %dma_start3A_337 = arith.constant 0 : i32
      %dma_start3A_338 = arith.constant 0 : i32
      %dma_start3A_339 = arith.constant 0 : i32
      %dma_start3A_340 = tpu.memref_slice %arg5[%dma_start3A_337, %dma_start3A_338, %dma_start3A_339] : memref<10016x2x128xbf16, #tpu.memory_space<vmem_shared>> -> memref<10016x2x128xbf16, #tpu.memory_space<vmem_shared>>
      tpu.enqueue_indirect_dma source(%arg9 : memref<64x2x128xbf16, #tpu.memory_space<vmem>>) target(%dma_start3A_340 : memref<10016x2x128xbf16, #tpu.memory_space<vmem_shared>>) offsets(%dma_start3A_336 : memref<64xi32, #tpu.memory_space<vmem>>) semaphore(%arg16 : memref<!tpu.dma_semaphore, #tpu.memory_space<semaphore_mem>>) {add = true}
      %ge3A_341 = arith.constant 1 : i32
      %ge3A_342 = arith.cmpi sge, %add3A_327, %ge3A_341 : i32
      %convert_element_type3A_343 = arith.extui %ge3A_342 : i1 to i32
      %cond3A_344 = arith.constant 0 : i32
      %cond3A_345 = arith.cmpi ne, %convert_element_type3A_343, %cond3A_344 : i32
      scf.if %cond3A_345 {
        %dma_wait3A_381 = arith.constant 0 : i32
        %dma_wait3A_382 = tpu.memref_slice %arg7[%dma_wait3A_381] : memref<5120xi32, #tpu.memory_space<vmem>> -> memref<64xi32, #tpu.memory_space<vmem>>
        %dma_wait3A_383 = arith.constant 0 : i32
        %dma_wait3A_384 = arith.constant 0 : i32
        %dma_wait3A_385 = arith.constant 0 : i32
        %dma_wait3A_386 = tpu.memref_slice %arg5[%dma_wait3A_383, %dma_wait3A_384, %dma_wait3A_385] : memref<10016x2x128xbf16, #tpu.memory_space<vmem_shared>> -> memref<10016x2x128xbf16, #tpu.memory_space<vmem_shared>>
        tpu.wait_indirect_dma semaphore(%arg15 : memref<!tpu.dma_semaphore, #tpu.memory_space<semaphore_mem>>) src(%arg8 : memref<64x2x128xbf16, #tpu.memory_space<vmem>>) dst(%dma_wait3A_386 : memref<10016x2x128xbf16, #tpu.memory_space<vmem_shared>>)
      } else {
      }
      %add3A_346 = arith.constant 2 : i32
      %add3A_347 = arith.addi %add3A_327, %add3A_346 : i32
      %lt3A_348 = arith.constant 80 : i32
      %lt3A_349 = arith.cmpi slt, %add3A_347, %lt3A_348 : i32
      %convert_element_type3A_350 = arith.extui %lt3A_349 : i1 to i32
      %cond3A_351 = arith.constant 0 : i32
      %cond3A_352 = arith.cmpi ne, %convert_element_type3A_350, %cond3A_351 : i32
      scf.if %cond3A_352 {
        %add3A_381 = arith.constant 2 : i32
        %add3A_382 = arith.addi %add3A_327, %add3A_381 : i32
        %mul3A_383 = arith.constant 64 : i32
        %mul3A_384 = arith.muli %add3A_382, %mul3A_383 : i32
        %dma_start3A_385 = tpu.memref_slice %arg6[%mul3A_384] : memref<5120xi32, #tpu.memory_space<vmem>> -> memref<64xi32, #tpu.memory_space<vmem>>
        %dma_start3A_386 = arith.constant 0 : i32
        %dma_start3A_387 = arith.constant 0 : i32
        %dma_start3A_388 = arith.constant 0 : i32
        %dma_start3A_389 = tpu.memref_slice %arg3[%dma_start3A_386, %dma_start3A_387, %dma_start3A_388] : memref<10000x2x128xbf16, #tpu.memory_space<hbm>> -> memref<10000x2x128xbf16, #tpu.memory_space<hbm>>
        tpu.enqueue_indirect_dma source(%dma_start3A_389 : memref<10000x2x128xbf16, #tpu.memory_space<hbm>>) target(%arg8 : memref<64x2x128xbf16, #tpu.memory_space<vmem>>) offsets(%dma_start3A_385 : memref<64xi32, #tpu.memory_space<vmem>>) semaphore(%arg12 : memref<!tpu.dma_semaphore, #tpu.memory_space<semaphore_mem>>)
      } else {
      }
      %add3A_353 = arith.constant 2 : i32
      %add3A_354 = arith.addi %mul3A_302, %add3A_353 : i32
      %dma_wait3A_355 = arith.constant 0 : i32
      %dma_wait3A_356 = tpu.memref_slice %arg6[%dma_wait3A_355] : memref<5120xi32, #tpu.memory_space<vmem>> -> memref<64xi32, #tpu.memory_space<vmem>>
      %dma_wait3A_357 = arith.constant 0 : i32
      %dma_wait3A_358 = arith.constant 0 : i32
      %dma_wait3A_359 = arith.constant 0 : i32
      %dma_wait3A_360 = tpu.memref_slice %arg3[%dma_wait3A_357, %dma_wait3A_358, %dma_wait3A_359] : memref<10000x2x128xbf16, #tpu.memory_space<hbm>> -> memref<10000x2x128xbf16, #tpu.memory_space<hbm>>
      tpu.wait_indirect_dma semaphore(%arg14 : memref<!tpu.dma_semaphore, #tpu.memory_space<semaphore_mem>>) src(%dma_wait3A_360 : memref<10000x2x128xbf16, #tpu.memory_space<hbm>>) dst(%arg10 : memref<64x2x128xbf16, #tpu.memory_space<vmem>>)
      %mul3A_361 = arith.constant 64 : i32
      %mul3A_362 = arith.muli %add3A_354, %mul3A_361 : i32
      %dma_start3A_363 = tpu.memref_slice %arg7[%mul3A_362] : memref<5120xi32, #tpu.memory_space<vmem>> -> memref<64xi32, #tpu.memory_space<vmem>>
      %dma_start3A_364 = arith.constant 0 : i32
      %dma_start3A_365 = arith.constant 0 : i32
      %dma_start3A_366 = arith.constant 0 : i32
      %dma_start3A_367 = tpu.memref_slice %arg5[%dma_start3A_364, %dma_start3A_365, %dma_start3A_366] : memref<10016x2x128xbf16, #tpu.memory_space<vmem_shared>> -> memref<10016x2x128xbf16, #tpu.memory_space<vmem_shared>>
      tpu.enqueue_indirect_dma source(%arg10 : memref<64x2x128xbf16, #tpu.memory_space<vmem>>) target(%dma_start3A_367 : memref<10016x2x128xbf16, #tpu.memory_space<vmem_shared>>) offsets(%dma_start3A_363 : memref<64xi32, #tpu.memory_space<vmem>>) semaphore(%arg17 : memref<!tpu.dma_semaphore, #tpu.memory_space<semaphore_mem>>) {add = true}
      %ge3A_368 = arith.constant 1 : i32
      %ge3A_369 = arith.cmpi sge, %add3A_354, %ge3A_368 : i32
      %convert_element_type3A_370 = arith.extui %ge3A_369 : i1 to i32
      %cond3A_371 = arith.constant 0 : i32
      %cond3A_372 = arith.cmpi ne, %convert_element_type3A_370, %cond3A_371 : i32
      scf.if %cond3A_372 {
        %dma_wait3A_381 = arith.constant 0 : i32
        %dma_wait3A_382 = tpu.memref_slice %arg7[%dma_wait3A_381] : memref<5120xi32, #tpu.memory_space<vmem>> -> memref<64xi32, #tpu.memory_space<vmem>>
        %dma_wait3A_383 = arith.constant 0 : i32
        %dma_wait3A_384 = arith.constant 0 : i32
        %dma_wait3A_385 = arith.constant 0 : i32
        %dma_wait3A_386 = tpu.memref_slice %arg5[%dma_wait3A_383, %dma_wait3A_384, %dma_wait3A_385] : memref<10016x2x128xbf16, #tpu.memory_space<vmem_shared>> -> memref<10016x2x128xbf16, #tpu.memory_space<vmem_shared>>
        tpu.wait_indirect_dma semaphore(%arg16 : memref<!tpu.dma_semaphore, #tpu.memory_space<semaphore_mem>>) src(%arg9 : memref<64x2x128xbf16, #tpu.memory_space<vmem>>) dst(%dma_wait3A_386 : memref<10016x2x128xbf16, #tpu.memory_space<vmem_shared>>)
      } else {
      }
      %add3A_373 = arith.constant 2 : i32
      %add3A_374 = arith.addi %add3A_354, %add3A_373 : i32
      %lt3A_375 = arith.constant 80 : i32
      %lt3A_376 = arith.cmpi slt, %add3A_374, %lt3A_375 : i32
      %convert_element_type3A_377 = arith.extui %lt3A_376 : i1 to i32
      %cond3A_378 = arith.constant 0 : i32
      %cond3A_379 = arith.cmpi ne, %convert_element_type3A_377, %cond3A_378 : i32
      scf.if %cond3A_379 {
        %add3A_381 = arith.constant 2 : i32
        %add3A_382 = arith.addi %add3A_354, %add3A_381 : i32
        %mul3A_383 = arith.constant 64 : i32
        %mul3A_384 = arith.muli %add3A_382, %mul3A_383 : i32
        %dma_start3A_385 = tpu.memref_slice %arg6[%mul3A_384] : memref<5120xi32, #tpu.memory_space<vmem>> -> memref<64xi32, #tpu.memory_space<vmem>>
        %dma_start3A_386 = arith.constant 0 : i32
        %dma_start3A_387 = arith.constant 0 : i32
        %dma_start3A_388 = arith.constant 0 : i32
        %dma_start3A_389 = tpu.memref_slice %arg3[%dma_start3A_386, %dma_start3A_387, %dma_start3A_388] : memref<10000x2x128xbf16, #tpu.memory_space<hbm>> -> memref<10000x2x128xbf16, #tpu.memory_space<hbm>>
        tpu.enqueue_indirect_dma source(%dma_start3A_389 : memref<10000x2x128xbf16, #tpu.memory_space<hbm>>) target(%arg9 : memref<64x2x128xbf16, #tpu.memory_space<vmem>>) offsets(%dma_start3A_385 : memref<64xi32, #tpu.memory_space<vmem>>) semaphore(%arg13 : memref<!tpu.dma_semaphore, #tpu.memory_space<semaphore_mem>>)
      } else {
      }
      %scan3A_380 = arith.constant 0 : i32
      scf.yield %scan3A_380 : i32
    }
    %scan3A_146 = arith.constant 26 : i32
    %dma_wait3A = arith.constant 0 : i32
    %dma_wait3A_147 = tpu.memref_slice %arg6[%dma_wait3A] : memref<5120xi32, #tpu.memory_space<vmem>> -> memref<64xi32, #tpu.memory_space<vmem>>
    %dma_wait3A_148 = arith.constant 0 : i32
    %dma_wait3A_149 = arith.constant 0 : i32
    %dma_wait3A_150 = arith.constant 0 : i32
    %dma_wait3A_151 = tpu.memref_slice %arg3[%dma_wait3A_148, %dma_wait3A_149, %dma_wait3A_150] : memref<10000x2x128xbf16, #tpu.memory_space<hbm>> -> memref<10000x2x128xbf16, #tpu.memory_space<hbm>>
    tpu.wait_indirect_dma semaphore(%arg12 : memref<!tpu.dma_semaphore, #tpu.memory_space<semaphore_mem>>) src(%dma_wait3A_151 : memref<10000x2x128xbf16, #tpu.memory_space<hbm>>) dst(%arg8 : memref<64x2x128xbf16, #tpu.memory_space<vmem>>)
    %dma_start3A_152 = arith.constant 4992 : i32
    %dma_start3A_153 = tpu.memref_slice %arg7[%dma_start3A_152] : memref<5120xi32, #tpu.memory_space<vmem>> -> memref<64xi32, #tpu.memory_space<vmem>>
    %dma_start3A_154 = arith.constant 0 : i32
    %dma_start3A_155 = arith.constant 0 : i32
    %dma_start3A_156 = arith.constant 0 : i32
    %dma_start3A_157 = tpu.memref_slice %arg5[%dma_start3A_154, %dma_start3A_155, %dma_start3A_156] : memref<10016x2x128xbf16, #tpu.memory_space<vmem_shared>> -> memref<10016x2x128xbf16, #tpu.memory_space<vmem_shared>>
    tpu.enqueue_indirect_dma source(%arg8 : memref<64x2x128xbf16, #tpu.memory_space<vmem>>) target(%dma_start3A_157 : memref<10016x2x128xbf16, #tpu.memory_space<vmem_shared>>) offsets(%dma_start3A_153 : memref<64xi32, #tpu.memory_space<vmem>>) semaphore(%arg15 : memref<!tpu.dma_semaphore, #tpu.memory_space<semaphore_mem>>) {add = true}
    %dma_wait3A_158 = arith.constant 0 : i32
    %dma_wait3A_159 = tpu.memref_slice %arg7[%dma_wait3A_158] : memref<5120xi32, #tpu.memory_space<vmem>> -> memref<64xi32, #tpu.memory_space<vmem>>
    %dma_wait3A_160 = arith.constant 0 : i32
    %dma_wait3A_161 = arith.constant 0 : i32
    %dma_wait3A_162 = arith.constant 0 : i32
    %dma_wait3A_163 = tpu.memref_slice %arg5[%dma_wait3A_160, %dma_wait3A_161, %dma_wait3A_162] : memref<10016x2x128xbf16, #tpu.memory_space<vmem_shared>> -> memref<10016x2x128xbf16, #tpu.memory_space<vmem_shared>>
    tpu.wait_indirect_dma semaphore(%arg17 : memref<!tpu.dma_semaphore, #tpu.memory_space<semaphore_mem>>) src(%arg10 : memref<64x2x128xbf16, #tpu.memory_space<vmem>>) dst(%dma_wait3A_163 : memref<10016x2x128xbf16, #tpu.memory_space<vmem_shared>>)
    %dma_wait3A_164 = arith.constant 0 : i32
    %dma_wait3A_165 = tpu.memref_slice %arg6[%dma_wait3A_164] : memref<5120xi32, #tpu.memory_space<vmem>> -> memref<64xi32, #tpu.memory_space<vmem>>
    %dma_wait3A_166 = arith.constant 0 : i32
    %dma_wait3A_167 = arith.constant 0 : i32
    %dma_wait3A_168 = arith.constant 0 : i32
    %dma_wait3A_169 = tpu.memref_slice %arg3[%dma_wait3A_166, %dma_wait3A_167, %dma_wait3A_168] : memref<10000x2x128xbf16, #tpu.memory_space<hbm>> -> memref<10000x2x128xbf16, #tpu.memory_space<hbm>>
    tpu.wait_indirect_dma semaphore(%arg13 : memref<!tpu.dma_semaphore, #tpu.memory_space<semaphore_mem>>) src(%dma_wait3A_169 : memref<10000x2x128xbf16, #tpu.memory_space<hbm>>) dst(%arg9 : memref<64x2x128xbf16, #tpu.memory_space<vmem>>)
    %dma_start3A_170 = arith.constant 5056 : i32
    %dma_start3A_171 = tpu.memref_slice %arg7[%dma_start3A_170] : memref<5120xi32, #tpu.memory_space<vmem>> -> memref<64xi32, #tpu.memory_space<vmem>>
    %dma_start3A_172 = arith.constant 0 : i32
    %dma_start3A_173 = arith.constant 0 : i32
    %dma_start3A_174 = arith.constant 0 : i32
    %dma_start3A_175 = tpu.memref_slice %arg5[%dma_start3A_172, %dma_start3A_173, %dma_start3A_174] : memref<10016x2x128xbf16, #tpu.memory_space<vmem_shared>> -> memref<10016x2x128xbf16, #tpu.memory_space<vmem_shared>>
    tpu.enqueue_indirect_dma source(%arg9 : memref<64x2x128xbf16, #tpu.memory_space<vmem>>) target(%dma_start3A_175 : memref<10016x2x128xbf16, #tpu.memory_space<vmem_shared>>) offsets(%dma_start3A_171 : memref<64xi32, #tpu.memory_space<vmem>>) semaphore(%arg16 : memref<!tpu.dma_semaphore, #tpu.memory_space<semaphore_mem>>) {add = true}
    %dma_wait3A_176 = arith.constant 0 : i32
    %dma_wait3A_177 = tpu.memref_slice %arg7[%dma_wait3A_176] : memref<5120xi32, #tpu.memory_space<vmem>> -> memref<64xi32, #tpu.memory_space<vmem>>
    %dma_wait3A_178 = arith.constant 0 : i32
    %dma_wait3A_179 = arith.constant 0 : i32
    %dma_wait3A_180 = arith.constant 0 : i32
    %dma_wait3A_181 = tpu.memref_slice %arg5[%dma_wait3A_178, %dma_wait3A_179, %dma_wait3A_180] : memref<10016x2x128xbf16, #tpu.memory_space<vmem_shared>> -> memref<10016x2x128xbf16, #tpu.memory_space<vmem_shared>>
    tpu.wait_indirect_dma semaphore(%arg15 : memref<!tpu.dma_semaphore, #tpu.memory_space<semaphore_mem>>) src(%arg8 : memref<64x2x128xbf16, #tpu.memory_space<vmem>>) dst(%dma_wait3A_181 : memref<10016x2x128xbf16, #tpu.memory_space<vmem_shared>>)
    %dma_wait3A_182 = arith.constant 0 : i32
    %dma_wait3A_183 = tpu.memref_slice %arg7[%dma_wait3A_182] : memref<5120xi32, #tpu.memory_space<vmem>> -> memref<64xi32, #tpu.memory_space<vmem>>
    %dma_wait3A_184 = arith.constant 0 : i32
    %dma_wait3A_185 = arith.constant 0 : i32
    %dma_wait3A_186 = arith.constant 0 : i32
    %dma_wait3A_187 = tpu.memref_slice %arg5[%dma_wait3A_184, %dma_wait3A_185, %dma_wait3A_186] : memref<10016x2x128xbf16, #tpu.memory_space<vmem_shared>> -> memref<10016x2x128xbf16, #tpu.memory_space<vmem_shared>>
    tpu.wait_indirect_dma semaphore(%arg16 : memref<!tpu.dma_semaphore, #tpu.memory_space<semaphore_mem>>) src(%arg9 : memref<64x2x128xbf16, #tpu.memory_space<vmem>>) dst(%dma_wait3A_187 : memref<10016x2x128xbf16, #tpu.memory_space<vmem_shared>>)
    %barrier3A_188 = arith.constant 0 : index
    tpu.barrier barrier_id(%barrier3A_188)
    %add3A_189 = arith.constant 0 : i32
    %add3A_190 = arith.addi %mul3A_108, %add3A_189 : i32
    "tpu.region"() ({
      %run_scoped3A_299 = tpu.sem_alloc : memref<!tpu.dma_semaphore, #tpu.memory_space<semaphore_mem>>
      %dma_start3A_300 = arith.constant 0 : i32
      %dma_start3A_301 = arith.constant 0 : i32
      %dma_start3A_302 = arith.constant 0 : i32
      %dma_start3A_303 = tpu.memref_slice %arg8[%dma_start3A_300, %dma_start3A_301, %dma_start3A_302] : memref<64x2x128xbf16, #tpu.memory_space<vmem>> -> memref<64x2x128xbf16, #tpu.memory_space<vmem>>
      %dma_start3A_304 = arith.constant 0 : i32
      %dma_start3A_305 = arith.constant 0 : i32
      %dma_start3A_306 = tpu.memref_slice %arg5[%add3A_190, %dma_start3A_304, %dma_start3A_305] : memref<10016x2x128xbf16, #tpu.memory_space<vmem_shared>> -> memref<64x2x128xbf16, #tpu.memory_space<vmem_shared>>
      %dma_start3A_307 = arith.constant 0 : i32
      %dma_start3A_308 = arith.constant 0 : i32
      %dma_start3A_309 = arith.constant 0 : i32
      %dma_start3A_310 = tpu.memref_slice %arg8[%dma_start3A_307, %dma_start3A_308, %dma_start3A_309] : memref<64x2x128xbf16, #tpu.memory_space<vmem>> -> memref<64x2x128xbf16, #tpu.memory_space<vmem>>
      %dma_start3A_311 = arith.constant 0 : i32
      %dma_start3A_312 = arith.constant 0 : i32
      %dma_start3A_313 = tpu.memref_slice %arg5[%add3A_190, %dma_start3A_311, %dma_start3A_312] : memref<10016x2x128xbf16, #tpu.memory_space<vmem_shared>> -> memref<64x2x128xbf16, #tpu.memory_space<vmem_shared>>
      tpu.enqueue_dma source(%dma_start3A_313 : memref<64x2x128xbf16, #tpu.memory_space<vmem_shared>>) target(%dma_start3A_310 : memref<64x2x128xbf16, #tpu.memory_space<vmem>>) target_semaphore(%run_scoped3A_299 : memref<!tpu.dma_semaphore, #tpu.memory_space<semaphore_mem>>)
      %dma_wait3A_314 = arith.constant 0 : i32
      %dma_wait3A_315 = arith.constant 0 : i32
      %dma_wait3A_316 = arith.constant 0 : i32
      %dma_wait3A_317 = tpu.memref_slice %arg8[%dma_wait3A_314, %dma_wait3A_315, %dma_wait3A_316] : memref<64x2x128xbf16, #tpu.memory_space<vmem>> -> memref<64x2x128xbf16, #tpu.memory_space<vmem>>
      %dma_wait3A_318 = arith.constant 0 : i32
      %dma_wait3A_319 = arith.constant 0 : i32
      %dma_wait3A_320 = tpu.memref_slice %arg5[%add3A_190, %dma_wait3A_318, %dma_wait3A_319] : memref<10016x2x128xbf16, #tpu.memory_space<vmem_shared>> -> memref<64x2x128xbf16, #tpu.memory_space<vmem_shared>>
      %dma_wait3A_321 = arith.constant 0 : i32
      %dma_wait3A_322 = arith.constant 0 : i32
      %dma_wait3A_323 = arith.constant 0 : i32
      %dma_wait3A_324 = tpu.memref_slice %arg8[%dma_wait3A_321, %dma_wait3A_322, %dma_wait3A_323] : memref<64x2x128xbf16, #tpu.memory_space<vmem>> -> memref<64x2x128xbf16, #tpu.memory_space<vmem>>
      %dma_wait3A_325 = arith.constant 0 : i32
      %dma_wait3A_326 = arith.constant 0 : i32
      %dma_wait3A_327 = tpu.memref_slice %arg5[%add3A_190, %dma_wait3A_325, %dma_wait3A_326] : memref<10016x2x128xbf16, #tpu.memory_space<vmem_shared>> -> memref<64x2x128xbf16, #tpu.memory_space<vmem_shared>>
      tpu.wait_dma2 semaphore(%run_scoped3A_299 : memref<!tpu.dma_semaphore, #tpu.memory_space<semaphore_mem>>) src(%dma_wait3A_327 : memref<64x2x128xbf16, #tpu.memory_space<vmem_shared>>) dst(%dma_wait3A_324 : memref<64x2x128xbf16, #tpu.memory_space<vmem>>)
      tpu.yield
    }) : () -> ()
    %scan3A_191 = arith.constant 0 : i32
    %scan3A_192 = arith.constant 0 : i32
    %scan3A_193 = arith.constant 64 : i32
    %scan3A_194 = arith.addi %scan3A_192, %scan3A_193 : i32
    %scan3A_195 = arith.constant 1 : i32
    %scan3A_196 = scf.for %scan3A_299 = %scan3A_192 to %scan3A_194 step %scan3A_195 iter_args(%scan3A_300 = %scan3A_191) -> (i32)  : i32 {
      %get3A = arith.constant 0 : i32
      %get3A_301 = arith.index_cast %scan3A_299 : i32 to index
      %get3A_302 = arith.index_cast %get3A : i32 to index
      %get3A_303 = arith.constant 0 : index
      %get3A_304 = tpu.vector_load %arg8[%get3A_301, %get3A_302, %get3A_303] {strides = array<i32>} : memref<64x2x128xbf16, #tpu.memory_space<vmem>>, vector<32xbf16>,
      %bitcast3A = vector.bitcast %get3A_304 : vector<32xbf16> to vector<16xi32>
      %swap3A_305 = arith.constant 0 : i32
      %swap3A_306 = arith.index_cast %scan3A_299 : i32 to index
      %swap3A_307 = arith.index_cast %swap3A_305 : i32 to index
      %swap3A_308 = arith.constant 0 : index
      %swap3A_309 = tpu.vector_load %arg11[%swap3A_306, %swap3A_307, %swap3A_308] {strides = array<i32>} : memref<64x1x128xi32, #tpu.memory_space<vmem>>, vector<16xi32>,
      tpu.vector_store %arg11[%swap3A_306, %swap3A_307, %swap3A_308], %bitcast3A {strides = array<i32>} : memref<64x1x128xi32, #tpu.memory_space<vmem>>, vector<16xi32>,
      %get3A_310 = arith.constant 0 : i32
      %get3A_311 = arith.index_cast %scan3A_299 : i32 to index
      %get3A_312 = arith.index_cast %get3A_310 : i32 to index
      %get3A_313 = arith.constant 32 : index
      %get3A_314 = tpu.vector_load %arg8[%get3A_311, %get3A_312, %get3A_313] {strides = array<i32>} : memref<64x2x128xbf16, #tpu.memory_space<vmem>>, vector<32xbf16>,
      %bitcast3A_315 = vector.bitcast %get3A_314 : vector<32xbf16> to vector<16xi32>
      %swap3A_316 = arith.constant 0 : i32
      %swap3A_317 = arith.index_cast %scan3A_299 : i32 to index
      %swap3A_318 = arith.index_cast %swap3A_316 : i32 to index
      %swap3A_319 = arith.constant 16 : index
      %swap3A_320 = tpu.vector_load %arg11[%swap3A_317, %swap3A_318, %swap3A_319] {strides = array<i32>} : memref<64x1x128xi32, #tpu.memory_space<vmem>>, vector<16xi32>,
      tpu.vector_store %arg11[%swap3A_317, %swap3A_318, %swap3A_319], %bitcast3A_315 {strides = array<i32>} : memref<64x1x128xi32, #tpu.memory_space<vmem>>, vector<16xi32>,
      %get3A_321 = arith.constant 0 : i32
      %get3A_322 = arith.index_cast %scan3A_299 : i32 to index
      %get3A_323 = arith.index_cast %get3A_321 : i32 to index
      %get3A_324 = arith.constant 64 : index
      %get3A_325 = tpu.vector_load %arg8[%get3A_322, %get3A_323, %get3A_324] {strides = array<i32>} : memref<64x2x128xbf16, #tpu.memory_space<vmem>>, vector<32xbf16>,
      %bitcast3A_326 = vector.bitcast %get3A_325 : vector<32xbf16> to vector<16xi32>
      %swap3A_327 = arith.constant 0 : i32
      %swap3A_328 = arith.index_cast %scan3A_299 : i32 to index
      %swap3A_329 = arith.index_cast %swap3A_327 : i32 to index
      %swap3A_330 = arith.constant 32 : index
      %swap3A_331 = tpu.vector_load %arg11[%swap3A_328, %swap3A_329, %swap3A_330] {strides = array<i32>} : memref<64x1x128xi32, #tpu.memory_space<vmem>>, vector<16xi32>,
      tpu.vector_store %arg11[%swap3A_328, %swap3A_329, %swap3A_330], %bitcast3A_326 {strides = array<i32>} : memref<64x1x128xi32, #tpu.memory_space<vmem>>, vector<16xi32>,
      %get3A_332 = arith.constant 0 : i32
      %get3A_333 = arith.index_cast %scan3A_299 : i32 to index
      %get3A_334 = arith.index_cast %get3A_332 : i32 to index
      %get3A_335 = arith.constant 96 : index
      %get3A_336 = tpu.vector_load %arg8[%get3A_333, %get3A_334, %get3A_335] {strides = array<i32>} : memref<64x2x128xbf16, #tpu.memory_space<vmem>>, vector<32xbf16>,
      %bitcast3A_337 = vector.bitcast %get3A_336 : vector<32xbf16> to vector<16xi32>
      %swap3A_338 = arith.constant 0 : i32
      %swap3A_339 = arith.index_cast %scan3A_299 : i32 to index
      %swap3A_340 = arith.index_cast %swap3A_338 : i32 to index
      %swap3A_341 = arith.constant 48 : index
      %swap3A_342 = tpu.vector_load %arg11[%swap3A_339, %swap3A_340, %swap3A_341] {strides = array<i32>} : memref<64x1x128xi32, #tpu.memory_space<vmem>>, vector<16xi32>,
      tpu.vector_store %arg11[%swap3A_339, %swap3A_340, %swap3A_341], %bitcast3A_337 {strides = array<i32>} : memref<64x1x128xi32, #tpu.memory_space<vmem>>, vector<16xi32>,
      %get3A_343 = arith.constant 1 : i32
      %get3A_344 = arith.index_cast %scan3A_299 : i32 to index
      %get3A_345 = arith.index_cast %get3A_343 : i32 to index
      %get3A_346 = arith.constant 0 : index
      %get3A_347 = tpu.vector_load %arg8[%get3A_344, %get3A_345, %get3A_346] {strides = array<i32>} : memref<64x2x128xbf16, #tpu.memory_space<vmem>>, vector<32xbf16>,
      %bitcast3A_348 = vector.bitcast %get3A_347 : vector<32xbf16> to vector<16xi32>
      %swap3A_349 = arith.constant 0 : i32
      %swap3A_350 = arith.index_cast %scan3A_299 : i32 to index
      %swap3A_351 = arith.index_cast %swap3A_349 : i32 to index
      %swap3A_352 = arith.constant 64 : index
      %swap3A_353 = tpu.vector_load %arg11[%swap3A_350, %swap3A_351, %swap3A_352] {strides = array<i32>} : memref<64x1x128xi32, #tpu.memory_space<vmem>>, vector<16xi32>,
      tpu.vector_store %arg11[%swap3A_350, %swap3A_351, %swap3A_352], %bitcast3A_348 {strides = array<i32>} : memref<64x1x128xi32, #tpu.memory_space<vmem>>, vector<16xi32>,
      %get3A_354 = arith.constant 1 : i32
      %get3A_355 = arith.index_cast %scan3A_299 : i32 to index
      %get3A_356 = arith.index_cast %get3A_354 : i32 to index
      %get3A_357 = arith.constant 32 : index
      %get3A_358 = tpu.vector_load %arg8[%get3A_355, %get3A_356, %get3A_357] {strides = array<i32>} : memref<64x2x128xbf16, #tpu.memory_space<vmem>>, vector<32xbf16>,
      %bitcast3A_359 = vector.bitcast %get3A_358 : vector<32xbf16> to vector<16xi32>
      %swap3A_360 = arith.constant 0 : i32
      %swap3A_361 = arith.index_cast %scan3A_299 : i32 to index
      %swap3A_362 = arith.index_cast %swap3A_360 : i32 to index
      %swap3A_363 = arith.constant 80 : index
      %swap3A_364 = tpu.vector_load %arg11[%swap3A_361, %swap3A_362, %swap3A_363] {strides = array<i32>} : memref<64x1x128xi32, #tpu.memory_space<vmem>>, vector<16xi32>,
      tpu.vector_store %arg11[%swap3A_361, %swap3A_362, %swap3A_363], %bitcast3A_359 {strides = array<i32>} : memref<64x1x128xi32, #tpu.memory_space<vmem>>, vector<16xi32>,
      %get3A_365 = arith.constant 1 : i32
      %get3A_366 = arith.index_cast %scan3A_299 : i32 to index
      %get3A_367 = arith.index_cast %get3A_365 : i32 to index
      %get3A_368 = arith.constant 64 : index
      %get3A_369 = tpu.vector_load %arg8[%get3A_366, %get3A_367, %get3A_368] {strides = array<i32>} : memref<64x2x128xbf16, #tpu.memory_space<vmem>>, vector<32xbf16>,
      %bitcast3A_370 = vector.bitcast %get3A_369 : vector<32xbf16> to vector<16xi32>
      %swap3A_371 = arith.constant 0 : i32
      %swap3A_372 = arith.index_cast %scan3A_299 : i32 to index
      %swap3A_373 = arith.index_cast %swap3A_371 : i32 to index
      %swap3A_374 = arith.constant 96 : index
      %swap3A_375 = tpu.vector_load %arg11[%swap3A_372, %swap3A_373, %swap3A_374] {strides = array<i32>} : memref<64x1x128xi32, #tpu.memory_space<vmem>>, vector<16xi32>,
      tpu.vector_store %arg11[%swap3A_372, %swap3A_373, %swap3A_374], %bitcast3A_370 {strides = array<i32>} : memref<64x1x128xi32, #tpu.memory_space<vmem>>, vector<16xi32>,
      %get3A_376 = arith.constant 1 : i32
      %get3A_377 = arith.index_cast %scan3A_299 : i32 to index
      %get3A_378 = arith.index_cast %get3A_376 : i32 to index
      %get3A_379 = arith.constant 96 : index
      %get3A_380 = tpu.vector_load %arg8[%get3A_377, %get3A_378, %get3A_379] {strides = array<i32>} : memref<64x2x128xbf16, #tpu.memory_space<vmem>>, vector<32xbf16>,
      %bitcast3A_381 = vector.bitcast %get3A_380 : vector<32xbf16> to vector<16xi32>
      %swap3A_382 = arith.constant 0 : i32
      %swap3A_383 = arith.index_cast %scan3A_299 : i32 to index
      %swap3A_384 = arith.index_cast %swap3A_382 : i32 to index
      %swap3A_385 = arith.constant 112 : index
      %swap3A_386 = tpu.vector_load %arg11[%swap3A_383, %swap3A_384, %swap3A_385] {strides = array<i32>} : memref<64x1x128xi32, #tpu.memory_space<vmem>>, vector<16xi32>,
      tpu.vector_store %arg11[%swap3A_383, %swap3A_384, %swap3A_385], %bitcast3A_381 {strides = array<i32>} : memref<64x1x128xi32, #tpu.memory_space<vmem>>, vector<16xi32>,
      %scan3A_387 = arith.constant 0 : i32
      scf.yield %scan3A_387 : i32
    }
    %scan3A_197 = arith.constant 64 : i32
    %add3A_198 = arith.constant 0 : i32
    %add3A_199 = arith.addi %mul3A_108, %add3A_198 : i32
    "tpu.region"() ({
      %run_scoped3A_299 = tpu.sem_alloc : memref<!tpu.dma_semaphore, #tpu.memory_space<semaphore_mem>>
      %dma_start3A_300 = arith.constant 0 : i32
      %dma_start3A_301 = arith.constant 0 : i32
      %dma_start3A_302 = arith.constant 0 : i32
      %dma_start3A_303 = tpu.memref_slice %arg11[%dma_start3A_300, %dma_start3A_301, %dma_start3A_302] : memref<64x1x128xi32, #tpu.memory_space<vmem>> -> memref<64x1x128xi32, #tpu.memory_space<vmem>>
      %dma_start3A_304 = arith.constant 0 : i32
      %dma_start3A_305 = arith.constant 0 : i32
      %dma_start3A_306 = arith.constant 0 : i32
      %dma_start3A_307 = tpu.memref_slice %arg4[%arg0, %dma_start3A_304, %dma_start3A_305, %dma_start3A_306] : memref<2x10016x1x128xi32, #tpu.memory_space<hbm>> -> memref<1x10016x1x128xi32, #tpu.memory_space<hbm>>
      %dma_start3A_308 = tpu.memref_squeeze %dma_start3A_307 : memref<1x10016x1x128xi32, #tpu.memory_space<hbm>> -> memref<10016x1x128xi32, #tpu.memory_space<hbm>>
      %dma_start3A_309 = arith.constant 0 : i32
      %dma_start3A_310 = arith.constant 0 : i32
      %dma_start3A_311 = tpu.memref_slice %dma_start3A_308[%add3A_199, %dma_start3A_309, %dma_start3A_310] : memref<10016x1x128xi32, #tpu.memory_space<hbm>> -> memref<64x1x128xi32, #tpu.memory_space<hbm>>
      %dma_start3A_312 = arith.constant 0 : i32
      %dma_start3A_313 = arith.constant 0 : i32
      %dma_start3A_314 = arith.constant 0 : i32
      %dma_start3A_315 = tpu.memref_slice %arg4[%arg0, %dma_start3A_312, %dma_start3A_313, %dma_start3A_314] : memref<2x10016x1x128xi32, #tpu.memory_space<hbm>> -> memref<1x10016x1x128xi32, #tpu.memory_space<hbm>>
      %dma_start3A_316 = tpu.memref_squeeze %dma_start3A_315 : memref<1x10016x1x128xi32, #tpu.memory_space<hbm>> -> memref<10016x1x128xi32, #tpu.memory_space<hbm>>
      %dma_start3A_317 = arith.constant 0 : i32
      %dma_start3A_318 = arith.constant 0 : i32
      %dma_start3A_319 = tpu.memref_slice %dma_start3A_316[%add3A_199, %dma_start3A_317, %dma_start3A_318] : memref<10016x1x128xi32, #tpu.memory_space<hbm>> -> memref<64x1x128xi32, #tpu.memory_space<hbm>>
      %dma_start3A_320 = arith.constant 0 : i32
      %dma_start3A_321 = arith.constant 0 : i32
      %dma_start3A_322 = arith.constant 0 : i32
      %dma_start3A_323 = tpu.memref_slice %arg11[%dma_start3A_320, %dma_start3A_321, %dma_start3A_322] : memref<64x1x128xi32, #tpu.memory_space<vmem>> -> memref<64x1x128xi32, #tpu.memory_space<vmem>>
      tpu.enqueue_dma source(%dma_start3A_323 : memref<64x1x128xi32, #tpu.memory_space<vmem>>) target(%dma_start3A_319 : memref<64x1x128xi32, #tpu.memory_space<hbm>>) target_semaphore(%run_scoped3A_299 : memref<!tpu.dma_semaphore, #tpu.memory_space<semaphore_mem>>)
      %dma_wait3A_324 = arith.constant 0 : i32
      %dma_wait3A_325 = arith.constant 0 : i32
      %dma_wait3A_326 = arith.constant 0 : i32
      %dma_wait3A_327 = tpu.memref_slice %arg11[%dma_wait3A_324, %dma_wait3A_325, %dma_wait3A_326] : memref<64x1x128xi32, #tpu.memory_space<vmem>> -> memref<64x1x128xi32, #tpu.memory_space<vmem>>
      %dma_wait3A_328 = arith.constant 0 : i32
      %dma_wait3A_329 = arith.constant 0 : i32
      %dma_wait3A_330 = arith.constant 0 : i32
      %dma_wait3A_331 = tpu.memref_slice %arg4[%arg0, %dma_wait3A_328, %dma_wait3A_329, %dma_wait3A_330] : memref<2x10016x1x128xi32, #tpu.memory_space<hbm>> -> memref<1x10016x1x128xi32, #tpu.memory_space<hbm>>
      %dma_wait3A_332 = tpu.memref_squeeze %dma_wait3A_331 : memref<1x10016x1x128xi32, #tpu.memory_space<hbm>> -> memref<10016x1x128xi32, #tpu.memory_space<hbm>>
      %dma_wait3A_333 = arith.constant 0 : i32
      %dma_wait3A_334 = arith.constant 0 : i32
      %dma_wait3A_335 = tpu.memref_slice %dma_wait3A_332[%add3A_199, %dma_wait3A_333, %dma_wait3A_334] : memref<10016x1x128xi32, #tpu.memory_space<hbm>> -> memref<64x1x128xi32, #tpu.memory_space<hbm>>
      %dma_wait3A_336 = arith.constant 0 : i32
      %dma_wait3A_337 = arith.constant 0 : i32
      %dma_wait3A_338 = arith.constant 0 : i32
      %dma_wait3A_339 = tpu.memref_slice %arg4[%arg0, %dma_wait3A_336, %dma_wait3A_337, %dma_wait3A_338] : memref<2x10016x1x128xi32, #tpu.memory_space<hbm>> -> memref<1x10016x1x128xi32, #tpu.memory_space<hbm>>
      %dma_wait3A_340 = tpu.memref_squeeze %dma_wait3A_339 : memref<1x10016x1x128xi32, #tpu.memory_space<hbm>> -> memref<10016x1x128xi32, #tpu.memory_space<hbm>>
      %dma_wait3A_341 = arith.constant 0 : i32
      %dma_wait3A_342 = arith.constant 0 : i32
      %dma_wait3A_343 = tpu.memref_slice %dma_wait3A_340[%add3A_199, %dma_wait3A_341, %dma_wait3A_342] : memref<10016x1x128xi32, #tpu.memory_space<hbm>> -> memref<64x1x128xi32, #tpu.memory_space<hbm>>
      %dma_wait3A_344 = arith.constant 0 : i32
      %dma_wait3A_345 = arith.constant 0 : i32
      %dma_wait3A_346 = arith.constant 0 : i32
      %dma_wait3A_347 = tpu.memref_slice %arg11[%dma_wait3A_344, %dma_wait3A_345, %dma_wait3A_346] : memref<64x1x128xi32, #tpu.memory_space<vmem>> -> memref<64x1x128xi32, #tpu.memory_space<vmem>>
      tpu.wait_dma2 semaphore(%run_scoped3A_299 : memref<!tpu.dma_semaphore, #tpu.memory_space<semaphore_mem>>) src(%dma_wait3A_347 : memref<64x1x128xi32, #tpu.memory_space<vmem>>) dst(%dma_wait3A_343 : memref<64x1x128xi32, #tpu.memory_space<hbm>>)
      tpu.yield
    }) : () -> ()
    %add3A_200 = arith.constant 64 : i32
    %add3A_201 = arith.addi %mul3A_108, %add3A_200 : i32
    "tpu.region"() ({
      %run_scoped3A_299 = tpu.sem_alloc : memref<!tpu.dma_semaphore, #tpu.memory_space<semaphore_mem>>
      %dma_start3A_300 = arith.constant 0 : i32
      %dma_start3A_301 = arith.constant 0 : i32
      %dma_start3A_302 = arith.constant 0 : i32
      %dma_start3A_303 = tpu.memref_slice %arg8[%dma_start3A_300, %dma_start3A_301, %dma_start3A_302] : memref<64x2x128xbf16, #tpu.memory_space<vmem>> -> memref<64x2x128xbf16, #tpu.memory_space<vmem>>
      %dma_start3A_304 = arith.constant 0 : i32
      %dma_start3A_305 = arith.constant 0 : i32
      %dma_start3A_306 = tpu.memref_slice %arg5[%add3A_201, %dma_start3A_304, %dma_start3A_305] : memref<10016x2x128xbf16, #tpu.memory_space<vmem_shared>> -> memref<64x2x128xbf16, #tpu.memory_space<vmem_shared>>
      %dma_start3A_307 = arith.constant 0 : i32
      %dma_start3A_308 = arith.constant 0 : i32
      %dma_start3A_309 = arith.constant 0 : i32
      %dma_start3A_310 = tpu.memref_slice %arg8[%dma_start3A_307, %dma_start3A_308, %dma_start3A_309] : memref<64x2x128xbf16, #tpu.memory_space<vmem>> -> memref<64x2x128xbf16, #tpu.memory_space<vmem>>
      %dma_start3A_311 = arith.constant 0 : i32
      %dma_start3A_312 = arith.constant 0 : i32
      %dma_start3A_313 = tpu.memref_slice %arg5[%add3A_201, %dma_start3A_311, %dma_start3A_312] : memref<10016x2x128xbf16, #tpu.memory_space<vmem_shared>> -> memref<64x2x128xbf16, #tpu.memory_space<vmem_shared>>
      tpu.enqueue_dma source(%dma_start3A_313 : memref<64x2x128xbf16, #tpu.memory_space<vmem_shared>>) target(%dma_start3A_310 : memref<64x2x128xbf16, #tpu.memory_space<vmem>>) target_semaphore(%run_scoped3A_299 : memref<!tpu.dma_semaphore, #tpu.memory_space<semaphore_mem>>)
      %dma_wait3A_314 = arith.constant 0 : i32
      %dma_wait3A_315 = arith.constant 0 : i32
      %dma_wait3A_316 = arith.constant 0 : i32
      %dma_wait3A_317 = tpu.memref_slice %arg8[%dma_wait3A_314, %dma_wait3A_315, %dma_wait3A_316] : memref<64x2x128xbf16, #tpu.memory_space<vmem>> -> memref<64x2x128xbf16, #tpu.memory_space<vmem>>
      %dma_wait3A_318 = arith.constant 0 : i32
      %dma_wait3A_319 = arith.constant 0 : i32
      %dma_wait3A_320 = tpu.memref_slice %arg5[%add3A_201, %dma_wait3A_318, %dma_wait3A_319] : memref<10016x2x128xbf16, #tpu.memory_space<vmem_shared>> -> memref<64x2x128xbf16, #tpu.memory_space<vmem_shared>>
      %dma_wait3A_321 = arith.constant 0 : i32
      %dma_wait3A_322 = arith.constant 0 : i32
      %dma_wait3A_323 = arith.constant 0 : i32
      %dma_wait3A_324 = tpu.memref_slice %arg8[%dma_wait3A_321, %dma_wait3A_322, %dma_wait3A_323] : memref<64x2x128xbf16, #tpu.memory_space<vmem>> -> memref<64x2x128xbf16, #tpu.memory_space<vmem>>
      %dma_wait3A_325 = arith.constant 0 : i32
      %dma_wait3A_326 = arith.constant 0 : i32
      %dma_wait3A_327 = tpu.memref_slice %arg5[%add3A_201, %dma_wait3A_325, %dma_wait3A_326] : memref<10016x2x128xbf16, #tpu.memory_space<vmem_shared>> -> memref<64x2x128xbf16, #tpu.memory_space<vmem_shared>>
      tpu.wait_dma2 semaphore(%run_scoped3A_299 : memref<!tpu.dma_semaphore, #tpu.memory_space<semaphore_mem>>) src(%dma_wait3A_327 : memref<64x2x128xbf16, #tpu.memory_space<vmem_shared>>) dst(%dma_wait3A_324 : memref<64x2x128xbf16, #tpu.memory_space<vmem>>)
      tpu.yield
    }) : () -> ()
    %scan3A_202 = arith.constant 0 : i32
    %scan3A_203 = arith.constant 0 : i32
    %scan3A_204 = arith.constant 64 : i32
    %scan3A_205 = arith.addi %scan3A_203, %scan3A_204 : i32
    %scan3A_206 = arith.constant 1 : i32
    %scan3A_207 = scf.for %scan3A_299 = %scan3A_203 to %scan3A_205 step %scan3A_206 iter_args(%scan3A_300 = %scan3A_202) -> (i32)  : i32 {
      %get3A = arith.constant 0 : i32
      %get3A_301 = arith.index_cast %scan3A_299 : i32 to index
      %get3A_302 = arith.index_cast %get3A : i32 to index
      %get3A_303 = arith.constant 0 : index
      %get3A_304 = tpu.vector_load %arg8[%get3A_301, %get3A_302, %get3A_303] {strides = array<i32>} : memref<64x2x128xbf16, #tpu.memory_space<vmem>>, vector<32xbf16>,
      %bitcast3A = vector.bitcast %get3A_304 : vector<32xbf16> to vector<16xi32>
      %swap3A_305 = arith.constant 0 : i32
      %swap3A_306 = arith.index_cast %scan3A_299 : i32 to index
      %swap3A_307 = arith.index_cast %swap3A_305 : i32 to index
      %swap3A_308 = arith.constant 0 : index
      %swap3A_309 = tpu.vector_load %arg11[%swap3A_306, %swap3A_307, %swap3A_308] {strides = array<i32>} : memref<64x1x128xi32, #tpu.memory_space<vmem>>, vector<16xi32>,
      tpu.vector_store %arg11[%swap3A_306, %swap3A_307, %swap3A_308], %bitcast3A {strides = array<i32>} : memref<64x1x128xi32, #tpu.memory_space<vmem>>, vector<16xi32>,
      %get3A_310 = arith.constant 0 : i32
      %get3A_311 = arith.index_cast %scan3A_299 : i32 to index
      %get3A_312 = arith.index_cast %get3A_310 : i32 to index
      %get3A_313 = arith.constant 32 : index
      %get3A_314 = tpu.vector_load %arg8[%get3A_311, %get3A_312, %get3A_313] {strides = array<i32>} : memref<64x2x128xbf16, #tpu.memory_space<vmem>>, vector<32xbf16>,
      %bitcast3A_315 = vector.bitcast %get3A_314 : vector<32xbf16> to vector<16xi32>
      %swap3A_316 = arith.constant 0 : i32
      %swap3A_317 = arith.index_cast %scan3A_299 : i32 to index
      %swap3A_318 = arith.index_cast %swap3A_316 : i32 to index
      %swap3A_319 = arith.constant 16 : index
      %swap3A_320 = tpu.vector_load %arg11[%swap3A_317, %swap3A_318, %swap3A_319] {strides = array<i32>} : memref<64x1x128xi32, #tpu.memory_space<vmem>>, vector<16xi32>,
      tpu.vector_store %arg11[%swap3A_317, %swap3A_318, %swap3A_319], %bitcast3A_315 {strides = array<i32>} : memref<64x1x128xi32, #tpu.memory_space<vmem>>, vector<16xi32>,
      %get3A_321 = arith.constant 0 : i32
      %get3A_322 = arith.index_cast %scan3A_299 : i32 to index
      %get3A_323 = arith.index_cast %get3A_321 : i32 to index
      %get3A_324 = arith.constant 64 : index
      %get3A_325 = tpu.vector_load %arg8[%get3A_322, %get3A_323, %get3A_324] {strides = array<i32>} : memref<64x2x128xbf16, #tpu.memory_space<vmem>>, vector<32xbf16>,
      %bitcast3A_326 = vector.bitcast %get3A_325 : vector<32xbf16> to vector<16xi32>
      %swap3A_327 = arith.constant 0 : i32
      %swap3A_328 = arith.index_cast %scan3A_299 : i32 to index
      %swap3A_329 = arith.index_cast %swap3A_327 : i32 to index
      %swap3A_330 = arith.constant 32 : index
      %swap3A_331 = tpu.vector_load %arg11[%swap3A_328, %swap3A_329, %swap3A_330] {strides = array<i32>} : memref<64x1x128xi32, #tpu.memory_space<vmem>>, vector<16xi32>,
      tpu.vector_store %arg11[%swap3A_328, %swap3A_329, %swap3A_330], %bitcast3A_326 {strides = array<i32>} : memref<64x1x128xi32, #tpu.memory_space<vmem>>, vector<16xi32>,
      %get3A_332 = arith.constant 0 : i32
      %get3A_333 = arith.index_cast %scan3A_299 : i32 to index
      %get3A_334 = arith.index_cast %get3A_332 : i32 to index
      %get3A_335 = arith.constant 96 : index
      %get3A_336 = tpu.vector_load %arg8[%get3A_333, %get3A_334, %get3A_335] {strides = array<i32>} : memref<64x2x128xbf16, #tpu.memory_space<vmem>>, vector<32xbf16>,
      %bitcast3A_337 = vector.bitcast %get3A_336 : vector<32xbf16> to vector<16xi32>
      %swap3A_338 = arith.constant 0 : i32
      %swap3A_339 = arith.index_cast %scan3A_299 : i32 to index
      %swap3A_340 = arith.index_cast %swap3A_338 : i32 to index
      %swap3A_341 = arith.constant 48 : index
      %swap3A_342 = tpu.vector_load %arg11[%swap3A_339, %swap3A_340, %swap3A_341] {strides = array<i32>} : memref<64x1x128xi32, #tpu.memory_space<vmem>>, vector<16xi32>,
      tpu.vector_store %arg11[%swap3A_339, %swap3A_340, %swap3A_341], %bitcast3A_337 {strides = array<i32>} : memref<64x1x128xi32, #tpu.memory_space<vmem>>, vector<16xi32>,
      %get3A_343 = arith.constant 1 : i32
      %get3A_344 = arith.index_cast %scan3A_299 : i32 to index
      %get3A_345 = arith.index_cast %get3A_343 : i32 to index
      %get3A_346 = arith.constant 0 : index
      %get3A_347 = tpu.vector_load %arg8[%get3A_344, %get3A_345, %get3A_346] {strides = array<i32>} : memref<64x2x128xbf16, #tpu.memory_space<vmem>>, vector<32xbf16>,
      %bitcast3A_348 = vector.bitcast %get3A_347 : vector<32xbf16> to vector<16xi32>
      %swap3A_349 = arith.constant 0 : i32
      %swap3A_350 = arith.index_cast %scan3A_299 : i32 to index
      %swap3A_351 = arith.index_cast %swap3A_349 : i32 to index
      %swap3A_352 = arith.constant 64 : index
      %swap3A_353 = tpu.vector_load %arg11[%swap3A_350, %swap3A_351, %swap3A_352] {strides = array<i32>} : memref<64x1x128xi32, #tpu.memory_space<vmem>>, vector<16xi32>,
      tpu.vector_store %arg11[%swap3A_350, %swap3A_351, %swap3A_352], %bitcast3A_348 {strides = array<i32>} : memref<64x1x128xi32, #tpu.memory_space<vmem>>, vector<16xi32>,
      %get3A_354 = arith.constant 1 : i32
      %get3A_355 = arith.index_cast %scan3A_299 : i32 to index
      %get3A_356 = arith.index_cast %get3A_354 : i32 to index
      %get3A_357 = arith.constant 32 : index
      %get3A_358 = tpu.vector_load %arg8[%get3A_355, %get3A_356, %get3A_357] {strides = array<i32>} : memref<64x2x128xbf16, #tpu.memory_space<vmem>>, vector<32xbf16>,
      %bitcast3A_359 = vector.bitcast %get3A_358 : vector<32xbf16> to vector<16xi32>
      %swap3A_360 = arith.constant 0 : i32
      %swap3A_361 = arith.index_cast %scan3A_299 : i32 to index
      %swap3A_362 = arith.index_cast %swap3A_360 : i32 to index
      %swap3A_363 = arith.constant 80 : index
      %swap3A_364 = tpu.vector_load %arg11[%swap3A_361, %swap3A_362, %swap3A_363] {strides = array<i32>} : memref<64x1x128xi32, #tpu.memory_space<vmem>>, vector<16xi32>,
      tpu.vector_store %arg11[%swap3A_361, %swap3A_362, %swap3A_363], %bitcast3A_359 {strides = array<i32>} : memref<64x1x128xi32, #tpu.memory_space<vmem>>, vector<16xi32>,
      %get3A_365 = arith.constant 1 : i32
      %get3A_366 = arith.index_cast %scan3A_299 : i32 to index
      %get3A_367 = arith.index_cast %get3A_365 : i32 to index
      %get3A_368 = arith.constant 64 : index
      %get3A_369 = tpu.vector_load %arg8[%get3A_366, %get3A_367, %get3A_368] {strides = array<i32>} : memref<64x2x128xbf16, #tpu.memory_space<vmem>>, vector<32xbf16>,
      %bitcast3A_370 = vector.bitcast %get3A_369 : vector<32xbf16> to vector<16xi32>
      %swap3A_371 = arith.constant 0 : i32
      %swap3A_372 = arith.index_cast %scan3A_299 : i32 to index
      %swap3A_373 = arith.index_cast %swap3A_371 : i32 to index
      %swap3A_374 = arith.constant 96 : index
      %swap3A_375 = tpu.vector_load %arg11[%swap3A_372, %swap3A_373, %swap3A_374] {strides = array<i32>} : memref<64x1x128xi32, #tpu.memory_space<vmem>>, vector<16xi32>,
      tpu.vector_store %arg11[%swap3A_372, %swap3A_373, %swap3A_374], %bitcast3A_370 {strides = array<i32>} : memref<64x1x128xi32, #tpu.memory_space<vmem>>, vector<16xi32>,
      %get3A_376 = arith.constant 1 : i32
      %get3A_377 = arith.index_cast %scan3A_299 : i32 to index
      %get3A_378 = arith.index_cast %get3A_376 : i32 to index
      %get3A_379 = arith.constant 96 : index
      %get3A_380 = tpu.vector_load %arg8[%get3A_377, %get3A_378, %get3A_379] {strides = array<i32>} : memref<64x2x128xbf16, #tpu.memory_space<vmem>>, vector<32xbf16>,
      %bitcast3A_381 = vector.bitcast %get3A_380 : vector<32xbf16> to vector<16xi32>
      %swap3A_382 = arith.constant 0 : i32
      %swap3A_383 = arith.index_cast %scan3A_299 : i32 to index
      %swap3A_384 = arith.index_cast %swap3A_382 : i32 to index
      %swap3A_385 = arith.constant 112 : index
      %swap3A_386 = tpu.vector_load %arg11[%swap3A_383, %swap3A_384, %swap3A_385] {strides = array<i32>} : memref<64x1x128xi32, #tpu.memory_space<vmem>>, vector<16xi32>,
      tpu.vector_store %arg11[%swap3A_383, %swap3A_384, %swap3A_385], %bitcast3A_381 {strides = array<i32>} : memref<64x1x128xi32, #tpu.memory_space<vmem>>, vector<16xi32>,
      %scan3A_387 = arith.constant 0 : i32
      scf.yield %scan3A_387 : i32
    }
    %scan3A_208 = arith.constant 64 : i32
    %add3A_209 = arith.constant 64 : i32
    %add3A_210 = arith.addi %mul3A_108, %add3A_209 : i32
    "tpu.region"() ({
      %run_scoped3A_299 = tpu.sem_alloc : memref<!tpu.dma_semaphore, #tpu.memory_space<semaphore_mem>>
      %dma_start3A_300 = arith.constant 0 : i32
      %dma_start3A_301 = arith.constant 0 : i32
      %dma_start3A_302 = arith.constant 0 : i32
      %dma_start3A_303 = tpu.memref_slice %arg11[%dma_start3A_300, %dma_start3A_301, %dma_start3A_302] : memref<64x1x128xi32, #tpu.memory_space<vmem>> -> memref<64x1x128xi32, #tpu.memory_space<vmem>>
      %dma_start3A_304 = arith.constant 0 : i32
      %dma_start3A_305 = arith.constant 0 : i32
      %dma_start3A_306 = arith.constant 0 : i32
      %dma_start3A_307 = tpu.memref_slice %arg4[%arg0, %dma_start3A_304, %dma_start3A_305, %dma_start3A_306] : memref<2x10016x1x128xi32, #tpu.memory_space<hbm>> -> memref<1x10016x1x128xi32, #tpu.memory_space<hbm>>
      %dma_start3A_308 = tpu.memref_squeeze %dma_start3A_307 : memref<1x10016x1x128xi32, #tpu.memory_space<hbm>> -> memref<10016x1x128xi32, #tpu.memory_space<hbm>>
      %dma_start3A_309 = arith.constant 0 : i32
      %dma_start3A_310 = arith.constant 0 : i32
      %dma_start3A_311 = tpu.memref_slice %dma_start3A_308[%add3A_210, %dma_start3A_309, %dma_start3A_310] : memref<10016x1x128xi32, #tpu.memory_space<hbm>> -> memref<64x1x128xi32, #tpu.memory_space<hbm>>
      %dma_start3A_312 = arith.constant 0 : i32
      %dma_start3A_313 = arith.constant 0 : i32
      %dma_start3A_314 = arith.constant 0 : i32
      %dma_start3A_315 = tpu.memref_slice %arg4[%arg0, %dma_start3A_312, %dma_start3A_313, %dma_start3A_314] : memref<2x10016x1x128xi32, #tpu.memory_space<hbm>> -> memref<1x10016x1x128xi32, #tpu.memory_space<hbm>>
      %dma_start3A_316 = tpu.memref_squeeze %dma_start3A_315 : memref<1x10016x1x128xi32, #tpu.memory_space<hbm>> -> memref<10016x1x128xi32, #tpu.memory_space<hbm>>
      %dma_start3A_317 = arith.constant 0 : i32
      %dma_start3A_318 = arith.constant 0 : i32
      %dma_start3A_319 = tpu.memref_slice %dma_start3A_316[%add3A_210, %dma_start3A_317, %dma_start3A_318] : memref<10016x1x128xi32, #tpu.memory_space<hbm>> -> memref<64x1x128xi32, #tpu.memory_space<hbm>>
      %dma_start3A_320 = arith.constant 0 : i32
      %dma_start3A_321 = arith.constant 0 : i32
      %dma_start3A_322 = arith.constant 0 : i32
      %dma_start3A_323 = tpu.memref_slice %arg11[%dma_start3A_320, %dma_start3A_321, %dma_start3A_322] : memref<64x1x128xi32, #tpu.memory_space<vmem>> -> memref<64x1x128xi32, #tpu.memory_space<vmem>>
      tpu.enqueue_dma source(%dma_start3A_323 : memref<64x1x128xi32, #tpu.memory_space<vmem>>) target(%dma_start3A_319 : memref<64x1x128xi32, #tpu.memory_space<hbm>>) target_semaphore(%run_scoped3A_299 : memref<!tpu.dma_semaphore, #tpu.memory_space<semaphore_mem>>)
      %dma_wait3A_324 = arith.constant 0 : i32
      %dma_wait3A_325 = arith.constant 0 : i32
      %dma_wait3A_326 = arith.constant 0 : i32
      %dma_wait3A_327 = tpu.memref_slice %arg11[%dma_wait3A_324, %dma_wait3A_325, %dma_wait3A_326] : memref<64x1x128xi32, #tpu.memory_space<vmem>> -> memref<64x1x128xi32, #tpu.memory_space<vmem>>
      %dma_wait3A_328 = arith.constant 0 : i32
      %dma_wait3A_329 = arith.constant 0 : i32
      %dma_wait3A_330 = arith.constant 0 : i32
      %dma_wait3A_331 = tpu.memref_slice %arg4[%arg0, %dma_wait3A_328, %dma_wait3A_329, %dma_wait3A_330] : memref<2x10016x1x128xi32, #tpu.memory_space<hbm>> -> memref<1x10016x1x128xi32, #tpu.memory_space<hbm>>
      %dma_wait3A_332 = tpu.memref_squeeze %dma_wait3A_331 : memref<1x10016x1x128xi32, #tpu.memory_space<hbm>> -> memref<10016x1x128xi32, #tpu.memory_space<hbm>>
      %dma_wait3A_333 = arith.constant 0 : i32
      %dma_wait3A_334 = arith.constant 0 : i32
      %dma_wait3A_335 = tpu.memref_slice %dma_wait3A_332[%add3A_210, %dma_wait3A_333, %dma_wait3A_334] : memref<10016x1x128xi32, #tpu.memory_space<hbm>> -> memref<64x1x128xi32, #tpu.memory_space<hbm>>
      %dma_wait3A_336 = arith.constant 0 : i32
      %dma_wait3A_337 = arith.constant 0 : i32
      %dma_wait3A_338 = arith.constant 0 : i32
      %dma_wait3A_339 = tpu.memref_slice %arg4[%arg0, %dma_wait3A_336, %dma_wait3A_337, %dma_wait3A_338] : memref<2x10016x1x128xi32, #tpu.memory_space<hbm>> -> memref<1x10016x1x128xi32, #tpu.memory_space<hbm>>
      %dma_wait3A_340 = tpu.memref_squeeze %dma_wait3A_339 : memref<1x10016x1x128xi32, #tpu.memory_space<hbm>> -> memref<10016x1x128xi32, #tpu.memory_space<hbm>>
      %dma_wait3A_341 = arith.constant 0 : i32
      %dma_wait3A_342 = arith.constant 0 : i32
      %dma_wait3A_343 = tpu.memref_slice %dma_wait3A_340[%add3A_210, %dma_wait3A_341, %dma_wait3A_342] : memref<10016x1x128xi32, #tpu.memory_space<hbm>> -> memref<64x1x128xi32, #tpu.memory_space<hbm>>
      %dma_wait3A_344 = arith.constant 0 : i32
      %dma_wait3A_345 = arith.constant 0 : i32
      %dma_wait3A_346 = arith.constant 0 : i32
      %dma_wait3A_347 = tpu.memref_slice %arg11[%dma_wait3A_344, %dma_wait3A_345, %dma_wait3A_346] : memref<64x1x128xi32, #tpu.memory_space<vmem>> -> memref<64x1x128xi32, #tpu.memory_space<vmem>>
      tpu.wait_dma2 semaphore(%run_scoped3A_299 : memref<!tpu.dma_semaphore, #tpu.memory_space<semaphore_mem>>) src(%dma_wait3A_347 : memref<64x1x128xi32, #tpu.memory_space<vmem>>) dst(%dma_wait3A_343 : memref<64x1x128xi32, #tpu.memory_space<hbm>>)
      tpu.yield
    }) : () -> ()
    %add3A_211 = arith.constant 128 : i32
    %add3A_212 = arith.addi %mul3A_108, %add3A_211 : i32
    "tpu.region"() ({
      %run_scoped3A_299 = tpu.sem_alloc : memref<!tpu.dma_semaphore, #tpu.memory_space<semaphore_mem>>
      %dma_start3A_300 = arith.constant 0 : i32
      %dma_start3A_301 = arith.constant 0 : i32
      %dma_start3A_302 = arith.constant 0 : i32
      %dma_start3A_303 = tpu.memref_slice %arg8[%dma_start3A_300, %dma_start3A_301, %dma_start3A_302] : memref<64x2x128xbf16, #tpu.memory_space<vmem>> -> memref<64x2x128xbf16, #tpu.memory_space<vmem>>
      %dma_start3A_304 = arith.constant 0 : i32
      %dma_start3A_305 = arith.constant 0 : i32
      %dma_start3A_306 = tpu.memref_slice %arg5[%add3A_212, %dma_start3A_304, %dma_start3A_305] : memref<10016x2x128xbf16, #tpu.memory_space<vmem_shared>> -> memref<64x2x128xbf16, #tpu.memory_space<vmem_shared>>
      %dma_start3A_307 = arith.constant 0 : i32
      %dma_start3A_308 = arith.constant 0 : i32
      %dma_start3A_309 = arith.constant 0 : i32
      %dma_start3A_310 = tpu.memref_slice %arg8[%dma_start3A_307, %dma_start3A_308, %dma_start3A_309] : memref<64x2x128xbf16, #tpu.memory_space<vmem>> -> memref<64x2x128xbf16, #tpu.memory_space<vmem>>
      %dma_start3A_311 = arith.constant 0 : i32
      %dma_start3A_312 = arith.constant 0 : i32
      %dma_start3A_313 = tpu.memref_slice %arg5[%add3A_212, %dma_start3A_311, %dma_start3A_312] : memref<10016x2x128xbf16, #tpu.memory_space<vmem_shared>> -> memref<64x2x128xbf16, #tpu.memory_space<vmem_shared>>
      tpu.enqueue_dma source(%dma_start3A_313 : memref<64x2x128xbf16, #tpu.memory_space<vmem_shared>>) target(%dma_start3A_310 : memref<64x2x128xbf16, #tpu.memory_space<vmem>>) target_semaphore(%run_scoped3A_299 : memref<!tpu.dma_semaphore, #tpu.memory_space<semaphore_mem>>)
      %dma_wait3A_314 = arith.constant 0 : i32
      %dma_wait3A_315 = arith.constant 0 : i32
      %dma_wait3A_316 = arith.constant 0 : i32
      %dma_wait3A_317 = tpu.memref_slice %arg8[%dma_wait3A_314, %dma_wait3A_315, %dma_wait3A_316] : memref<64x2x128xbf16, #tpu.memory_space<vmem>> -> memref<64x2x128xbf16, #tpu.memory_space<vmem>>
      %dma_wait3A_318 = arith.constant 0 : i32
      %dma_wait3A_319 = arith.constant 0 : i32
      %dma_wait3A_320 = tpu.memref_slice %arg5[%add3A_212, %dma_wait3A_318, %dma_wait3A_319] : memref<10016x2x128xbf16, #tpu.memory_space<vmem_shared>> -> memref<64x2x128xbf16, #tpu.memory_space<vmem_shared>>
      %dma_wait3A_321 = arith.constant 0 : i32
      %dma_wait3A_322 = arith.constant 0 : i32
      %dma_wait3A_323 = arith.constant 0 : i32
      %dma_wait3A_324 = tpu.memref_slice %arg8[%dma_wait3A_321, %dma_wait3A_322, %dma_wait3A_323] : memref<64x2x128xbf16, #tpu.memory_space<vmem>> -> memref<64x2x128xbf16, #tpu.memory_space<vmem>>
      %dma_wait3A_325 = arith.constant 0 : i32
      %dma_wait3A_326 = arith.constant 0 : i32
      %dma_wait3A_327 = tpu.memref_slice %arg5[%add3A_212, %dma_wait3A_325, %dma_wait3A_326] : memref<10016x2x128xbf16, #tpu.memory_space<vmem_shared>> -> memref<64x2x128xbf16, #tpu.memory_space<vmem_shared>>
      tpu.wait_dma2 semaphore(%run_scoped3A_299 : memref<!tpu.dma_semaphore, #tpu.memory_space<semaphore_mem>>) src(%dma_wait3A_327 : memref<64x2x128xbf16, #tpu.memory_space<vmem_shared>>) dst(%dma_wait3A_324 : memref<64x2x128xbf16, #tpu.memory_space<vmem>>)
      tpu.yield
    }) : () -> ()
    %scan3A_213 = arith.constant 0 : i32
    %scan3A_214 = arith.constant 0 : i32
    %scan3A_215 = arith.constant 64 : i32
    %scan3A_216 = arith.addi %scan3A_214, %scan3A_215 : i32
    %scan3A_217 = arith.constant 1 : i32
    %scan3A_218 = scf.for %scan3A_299 = %scan3A_214 to %scan3A_216 step %scan3A_217 iter_args(%scan3A_300 = %scan3A_213) -> (i32)  : i32 {
      %get3A = arith.constant 0 : i32
      %get3A_301 = arith.index_cast %scan3A_299 : i32 to index
      %get3A_302 = arith.index_cast %get3A : i32 to index
      %get3A_303 = arith.constant 0 : index
      %get3A_304 = tpu.vector_load %arg8[%get3A_301, %get3A_302, %get3A_303] {strides = array<i32>} : memref<64x2x128xbf16, #tpu.memory_space<vmem>>, vector<32xbf16>,
      %bitcast3A = vector.bitcast %get3A_304 : vector<32xbf16> to vector<16xi32>
      %swap3A_305 = arith.constant 0 : i32
      %swap3A_306 = arith.index_cast %scan3A_299 : i32 to index
      %swap3A_307 = arith.index_cast %swap3A_305 : i32 to index
      %swap3A_308 = arith.constant 0 : index
      %swap3A_309 = tpu.vector_load %arg11[%swap3A_306, %swap3A_307, %swap3A_308] {strides = array<i32>} : memref<64x1x128xi32, #tpu.memory_space<vmem>>, vector<16xi32>,
      tpu.vector_store %arg11[%swap3A_306, %swap3A_307, %swap3A_308], %bitcast3A {strides = array<i32>} : memref<64x1x128xi32, #tpu.memory_space<vmem>>, vector<16xi32>,
      %get3A_310 = arith.constant 0 : i32
      %get3A_311 = arith.index_cast %scan3A_299 : i32 to index
      %get3A_312 = arith.index_cast %get3A_310 : i32 to index
      %get3A_313 = arith.constant 32 : index
      %get3A_314 = tpu.vector_load %arg8[%get3A_311, %get3A_312, %get3A_313] {strides = array<i32>} : memref<64x2x128xbf16, #tpu.memory_space<vmem>>, vector<32xbf16>,
      %bitcast3A_315 = vector.bitcast %get3A_314 : vector<32xbf16> to vector<16xi32>
      %swap3A_316 = arith.constant 0 : i32
      %swap3A_317 = arith.index_cast %scan3A_299 : i32 to index
      %swap3A_318 = arith.index_cast %swap3A_316 : i32 to index
      %swap3A_319 = arith.constant 16 : index
      %swap3A_320 = tpu.vector_load %arg11[%swap3A_317, %swap3A_318, %swap3A_319] {strides = array<i32>} : memref<64x1x128xi32, #tpu.memory_space<vmem>>, vector<16xi32>,
      tpu.vector_store %arg11[%swap3A_317, %swap3A_318, %swap3A_319], %bitcast3A_315 {strides = array<i32>} : memref<64x1x128xi32, #tpu.memory_space<vmem>>, vector<16xi32>,
      %get3A_321 = arith.constant 0 : i32
      %get3A_322 = arith.index_cast %scan3A_299 : i32 to index
      %get3A_323 = arith.index_cast %get3A_321 : i32 to index
      %get3A_324 = arith.constant 64 : index
      %get3A_325 = tpu.vector_load %arg8[%get3A_322, %get3A_323, %get3A_324] {strides = array<i32>} : memref<64x2x128xbf16, #tpu.memory_space<vmem>>, vector<32xbf16>,
      %bitcast3A_326 = vector.bitcast %get3A_325 : vector<32xbf16> to vector<16xi32>
      %swap3A_327 = arith.constant 0 : i32
      %swap3A_328 = arith.index_cast %scan3A_299 : i32 to index
      %swap3A_329 = arith.index_cast %swap3A_327 : i32 to index
      %swap3A_330 = arith.constant 32 : index
      %swap3A_331 = tpu.vector_load %arg11[%swap3A_328, %swap3A_329, %swap3A_330] {strides = array<i32>} : memref<64x1x128xi32, #tpu.memory_space<vmem>>, vector<16xi32>,
      tpu.vector_store %arg11[%swap3A_328, %swap3A_329, %swap3A_330], %bitcast3A_326 {strides = array<i32>} : memref<64x1x128xi32, #tpu.memory_space<vmem>>, vector<16xi32>,
      %get3A_332 = arith.constant 0 : i32
      %get3A_333 = arith.index_cast %scan3A_299 : i32 to index
      %get3A_334 = arith.index_cast %get3A_332 : i32 to index
      %get3A_335 = arith.constant 96 : index
      %get3A_336 = tpu.vector_load %arg8[%get3A_333, %get3A_334, %get3A_335] {strides = array<i32>} : memref<64x2x128xbf16, #tpu.memory_space<vmem>>, vector<32xbf16>,
      %bitcast3A_337 = vector.bitcast %get3A_336 : vector<32xbf16> to vector<16xi32>
      %swap3A_338 = arith.constant 0 : i32
      %swap3A_339 = arith.index_cast %scan3A_299 : i32 to index
      %swap3A_340 = arith.index_cast %swap3A_338 : i32 to index
      %swap3A_341 = arith.constant 48 : index
      %swap3A_342 = tpu.vector_load %arg11[%swap3A_339, %swap3A_340, %swap3A_341] {strides = array<i32>} : memref<64x1x128xi32, #tpu.memory_space<vmem>>, vector<16xi32>,
      tpu.vector_store %arg11[%swap3A_339, %swap3A_340, %swap3A_341], %bitcast3A_337 {strides = array<i32>} : memref<64x1x128xi32, #tpu.memory_space<vmem>>, vector<16xi32>,
      %get3A_343 = arith.constant 1 : i32
      %get3A_344 = arith.index_cast %scan3A_299 : i32 to index
      %get3A_345 = arith.index_cast %get3A_343 : i32 to index
      %get3A_346 = arith.constant 0 : index
      %get3A_347 = tpu.vector_load %arg8[%get3A_344, %get3A_345, %get3A_346] {strides = array<i32>} : memref<64x2x128xbf16, #tpu.memory_space<vmem>>, vector<32xbf16>,
      %bitcast3A_348 = vector.bitcast %get3A_347 : vector<32xbf16> to vector<16xi32>
      %swap3A_349 = arith.constant 0 : i32
      %swap3A_350 = arith.index_cast %scan3A_299 : i32 to index
      %swap3A_351 = arith.index_cast %swap3A_349 : i32 to index
      %swap3A_352 = arith.constant 64 : index
      %swap3A_353 = tpu.vector_load %arg11[%swap3A_350, %swap3A_351, %swap3A_352] {strides = array<i32>} : memref<64x1x128xi32, #tpu.memory_space<vmem>>, vector<16xi32>,
      tpu.vector_store %arg11[%swap3A_350, %swap3A_351, %swap3A_352], %bitcast3A_348 {strides = array<i32>} : memref<64x1x128xi32, #tpu.memory_space<vmem>>, vector<16xi32>,
      %get3A_354 = arith.constant 1 : i32
      %get3A_355 = arith.index_cast %scan3A_299 : i32 to index
      %get3A_356 = arith.index_cast %get3A_354 : i32 to index
      %get3A_357 = arith.constant 32 : index
      %get3A_358 = tpu.vector_load %arg8[%get3A_355, %get3A_356, %get3A_357] {strides = array<i32>} : memref<64x2x128xbf16, #tpu.memory_space<vmem>>, vector<32xbf16>,
      %bitcast3A_359 = vector.bitcast %get3A_358 : vector<32xbf16> to vector<16xi32>
      %swap3A_360 = arith.constant 0 : i32
      %swap3A_361 = arith.index_cast %scan3A_299 : i32 to index
      %swap3A_362 = arith.index_cast %swap3A_360 : i32 to index
      %swap3A_363 = arith.constant 80 : index
      %swap3A_364 = tpu.vector_load %arg11[%swap3A_361, %swap3A_362, %swap3A_363] {strides = array<i32>} : memref<64x1x128xi32, #tpu.memory_space<vmem>>, vector<16xi32>,
      tpu.vector_store %arg11[%swap3A_361, %swap3A_362, %swap3A_363], %bitcast3A_359 {strides = array<i32>} : memref<64x1x128xi32, #tpu.memory_space<vmem>>, vector<16xi32>,
      %get3A_365 = arith.constant 1 : i32
      %get3A_366 = arith.index_cast %scan3A_299 : i32 to index
      %get3A_367 = arith.index_cast %get3A_365 : i32 to index
      %get3A_368 = arith.constant 64 : index
      %get3A_369 = tpu.vector_load %arg8[%get3A_366, %get3A_367, %get3A_368] {strides = array<i32>} : memref<64x2x128xbf16, #tpu.memory_space<vmem>>, vector<32xbf16>,
      %bitcast3A_370 = vector.bitcast %get3A_369 : vector<32xbf16> to vector<16xi32>
      %swap3A_371 = arith.constant 0 : i32
      %swap3A_372 = arith.index_cast %scan3A_299 : i32 to index
      %swap3A_373 = arith.index_cast %swap3A_371 : i32 to index
      %swap3A_374 = arith.constant 96 : index
      %swap3A_375 = tpu.vector_load %arg11[%swap3A_372, %swap3A_373, %swap3A_374] {strides = array<i32>} : memref<64x1x128xi32, #tpu.memory_space<vmem>>, vector<16xi32>,
      tpu.vector_store %arg11[%swap3A_372, %swap3A_373, %swap3A_374], %bitcast3A_370 {strides = array<i32>} : memref<64x1x128xi32, #tpu.memory_space<vmem>>, vector<16xi32>,
      %get3A_376 = arith.constant 1 : i32
      %get3A_377 = arith.index_cast %scan3A_299 : i32 to index
      %get3A_378 = arith.index_cast %get3A_376 : i32 to index
      %get3A_379 = arith.constant 96 : index
      %get3A_380 = tpu.vector_load %arg8[%get3A_377, %get3A_378, %get3A_379] {strides = array<i32>} : memref<64x2x128xbf16, #tpu.memory_space<vmem>>, vector<32xbf16>,
      %bitcast3A_381 = vector.bitcast %get3A_380 : vector<32xbf16> to vector<16xi32>
      %swap3A_382 = arith.constant 0 : i32
      %swap3A_383 = arith.index_cast %scan3A_299 : i32 to index
      %swap3A_384 = arith.index_cast %swap3A_382 : i32 to index
      %swap3A_385 = arith.constant 112 : index
      %swap3A_386 = tpu.vector_load %arg11[%swap3A_383, %swap3A_384, %swap3A_385] {strides = array<i32>} : memref<64x1x128xi32, #tpu.memory_space<vmem>>, vector<16xi32>,
      tpu.vector_store %arg11[%swap3A_383, %swap3A_384, %swap3A_385], %bitcast3A_381 {strides = array<i32>} : memref<64x1x128xi32, #tpu.memory_space<vmem>>, vector<16xi32>,
      %scan3A_387 = arith.constant 0 : i32
      scf.yield %scan3A_387 : i32
    }
    %scan3A_219 = arith.constant 64 : i32
    %add3A_220 = arith.constant 128 : i32
    %add3A_221 = arith.addi %mul3A_108, %add3A_220 : i32
    "tpu.region"() ({
      %run_scoped3A_299 = tpu.sem_alloc : memref<!tpu.dma_semaphore, #tpu.memory_space<semaphore_mem>>
      %dma_start3A_300 = arith.constant 0 : i32
      %dma_start3A_301 = arith.constant 0 : i32
      %dma_start3A_302 = arith.constant 0 : i32
      %dma_start3A_303 = tpu.memref_slice %arg11[%dma_start3A_300, %dma_start3A_301, %dma_start3A_302] : memref<64x1x128xi32, #tpu.memory_space<vmem>> -> memref<64x1x128xi32, #tpu.memory_space<vmem>>
      %dma_start3A_304 = arith.constant 0 : i32
      %dma_start3A_305 = arith.constant 0 : i32
      %dma_start3A_306 = arith.constant 0 : i32
      %dma_start3A_307 = tpu.memref_slice %arg4[%arg0, %dma_start3A_304, %dma_start3A_305, %dma_start3A_306] : memref<2x10016x1x128xi32, #tpu.memory_space<hbm>> -> memref<1x10016x1x128xi32, #tpu.memory_space<hbm>>
      %dma_start3A_308 = tpu.memref_squeeze %dma_start3A_307 : memref<1x10016x1x128xi32, #tpu.memory_space<hbm>> -> memref<10016x1x128xi32, #tpu.memory_space<hbm>>
      %dma_start3A_309 = arith.constant 0 : i32
      %dma_start3A_310 = arith.constant 0 : i32
      %dma_start3A_311 = tpu.memref_slice %dma_start3A_308[%add3A_221, %dma_start3A_309, %dma_start3A_310] : memref<10016x1x128xi32, #tpu.memory_space<hbm>> -> memref<64x1x128xi32, #tpu.memory_space<hbm>>
      %dma_start3A_312 = arith.constant 0 : i32
      %dma_start3A_313 = arith.constant 0 : i32
      %dma_start3A_314 = arith.constant 0 : i32
      %dma_start3A_315 = tpu.memref_slice %arg4[%arg0, %dma_start3A_312, %dma_start3A_313, %dma_start3A_314] : memref<2x10016x1x128xi32, #tpu.memory_space<hbm>> -> memref<1x10016x1x128xi32, #tpu.memory_space<hbm>>
      %dma_start3A_316 = tpu.memref_squeeze %dma_start3A_315 : memref<1x10016x1x128xi32, #tpu.memory_space<hbm>> -> memref<10016x1x128xi32, #tpu.memory_space<hbm>>
      %dma_start3A_317 = arith.constant 0 : i32
      %dma_start3A_318 = arith.constant 0 : i32
      %dma_start3A_319 = tpu.memref_slice %dma_start3A_316[%add3A_221, %dma_start3A_317, %dma_start3A_318] : memref<10016x1x128xi32, #tpu.memory_space<hbm>> -> memref<64x1x128xi32, #tpu.memory_space<hbm>>
      %dma_start3A_320 = arith.constant 0 : i32
      %dma_start3A_321 = arith.constant 0 : i32
      %dma_start3A_322 = arith.constant 0 : i32
      %dma_start3A_323 = tpu.memref_slice %arg11[%dma_start3A_320, %dma_start3A_321, %dma_start3A_322] : memref<64x1x128xi32, #tpu.memory_space<vmem>> -> memref<64x1x128xi32, #tpu.memory_space<vmem>>
      tpu.enqueue_dma source(%dma_start3A_323 : memref<64x1x128xi32, #tpu.memory_space<vmem>>) target(%dma_start3A_319 : memref<64x1x128xi32, #tpu.memory_space<hbm>>) target_semaphore(%run_scoped3A_299 : memref<!tpu.dma_semaphore, #tpu.memory_space<semaphore_mem>>)
      %dma_wait3A_324 = arith.constant 0 : i32
      %dma_wait3A_325 = arith.constant 0 : i32
      %dma_wait3A_326 = arith.constant 0 : i32
      %dma_wait3A_327 = tpu.memref_slice %arg11[%dma_wait3A_324, %dma_wait3A_325, %dma_wait3A_326] : memref<64x1x128xi32, #tpu.memory_space<vmem>> -> memref<64x1x128xi32, #tpu.memory_space<vmem>>
      %dma_wait3A_328 = arith.constant 0 : i32
      %dma_wait3A_329 = arith.constant 0 : i32
      %dma_wait3A_330 = arith.constant 0 : i32
      %dma_wait3A_331 = tpu.memref_slice %arg4[%arg0, %dma_wait3A_328, %dma_wait3A_329, %dma_wait3A_330] : memref<2x10016x1x128xi32, #tpu.memory_space<hbm>> -> memref<1x10016x1x128xi32, #tpu.memory_space<hbm>>
      %dma_wait3A_332 = tpu.memref_squeeze %dma_wait3A_331 : memref<1x10016x1x128xi32, #tpu.memory_space<hbm>> -> memref<10016x1x128xi32, #tpu.memory_space<hbm>>
      %dma_wait3A_333 = arith.constant 0 : i32
      %dma_wait3A_334 = arith.constant 0 : i32
      %dma_wait3A_335 = tpu.memref_slice %dma_wait3A_332[%add3A_221, %dma_wait3A_333, %dma_wait3A_334] : memref<10016x1x128xi32, #tpu.memory_space<hbm>> -> memref<64x1x128xi32, #tpu.memory_space<hbm>>
      %dma_wait3A_336 = arith.constant 0 : i32
      %dma_wait3A_337 = arith.constant 0 : i32
      %dma_wait3A_338 = arith.constant 0 : i32
      %dma_wait3A_339 = tpu.memref_slice %arg4[%arg0, %dma_wait3A_336, %dma_wait3A_337, %dma_wait3A_338] : memref<2x10016x1x128xi32, #tpu.memory_space<hbm>> -> memref<1x10016x1x128xi32, #tpu.memory_space<hbm>>
      %dma_wait3A_340 = tpu.memref_squeeze %dma_wait3A_339 : memref<1x10016x1x128xi32, #tpu.memory_space<hbm>> -> memref<10016x1x128xi32, #tpu.memory_space<hbm>>
      %dma_wait3A_341 = arith.constant 0 : i32
      %dma_wait3A_342 = arith.constant 0 : i32
      %dma_wait3A_343 = tpu.memref_slice %dma_wait3A_340[%add3A_221, %dma_wait3A_341, %dma_wait3A_342] : memref<10016x1x128xi32, #tpu.memory_space<hbm>> -> memref<64x1x128xi32, #tpu.memory_space<hbm>>
      %dma_wait3A_344 = arith.constant 0 : i32
      %dma_wait3A_345 = arith.constant 0 : i32
      %dma_wait3A_346 = arith.constant 0 : i32
      %dma_wait3A_347 = tpu.memref_slice %arg11[%dma_wait3A_344, %dma_wait3A_345, %dma_wait3A_346] : memref<64x1x128xi32, #tpu.memory_space<vmem>> -> memref<64x1x128xi32, #tpu.memory_space<vmem>>
      tpu.wait_dma2 semaphore(%run_scoped3A_299 : memref<!tpu.dma_semaphore, #tpu.memory_space<semaphore_mem>>) src(%dma_wait3A_347 : memref<64x1x128xi32, #tpu.memory_space<vmem>>) dst(%dma_wait3A_343 : memref<64x1x128xi32, #tpu.memory_space<hbm>>)
      tpu.yield
    }) : () -> ()
    %add3A_222 = arith.constant 192 : i32
    %add3A_223 = arith.addi %mul3A_108, %add3A_222 : i32
    "tpu.region"() ({
      %run_scoped3A_299 = tpu.sem_alloc : memref<!tpu.dma_semaphore, #tpu.memory_space<semaphore_mem>>
      %dma_start3A_300 = arith.constant 0 : i32
      %dma_start3A_301 = arith.constant 0 : i32
      %dma_start3A_302 = arith.constant 0 : i32
      %dma_start3A_303 = tpu.memref_slice %arg8[%dma_start3A_300, %dma_start3A_301, %dma_start3A_302] : memref<64x2x128xbf16, #tpu.memory_space<vmem>> -> memref<64x2x128xbf16, #tpu.memory_space<vmem>>
      %dma_start3A_304 = arith.constant 0 : i32
      %dma_start3A_305 = arith.constant 0 : i32
      %dma_start3A_306 = tpu.memref_slice %arg5[%add3A_223, %dma_start3A_304, %dma_start3A_305] : memref<10016x2x128xbf16, #tpu.memory_space<vmem_shared>> -> memref<64x2x128xbf16, #tpu.memory_space<vmem_shared>>
      %dma_start3A_307 = arith.constant 0 : i32
      %dma_start3A_308 = arith.constant 0 : i32
      %dma_start3A_309 = arith.constant 0 : i32
      %dma_start3A_310 = tpu.memref_slice %arg8[%dma_start3A_307, %dma_start3A_308, %dma_start3A_309] : memref<64x2x128xbf16, #tpu.memory_space<vmem>> -> memref<64x2x128xbf16, #tpu.memory_space<vmem>>
      %dma_start3A_311 = arith.constant 0 : i32
      %dma_start3A_312 = arith.constant 0 : i32
      %dma_start3A_313 = tpu.memref_slice %arg5[%add3A_223, %dma_start3A_311, %dma_start3A_312] : memref<10016x2x128xbf16, #tpu.memory_space<vmem_shared>> -> memref<64x2x128xbf16, #tpu.memory_space<vmem_shared>>
      tpu.enqueue_dma source(%dma_start3A_313 : memref<64x2x128xbf16, #tpu.memory_space<vmem_shared>>) target(%dma_start3A_310 : memref<64x2x128xbf16, #tpu.memory_space<vmem>>) target_semaphore(%run_scoped3A_299 : memref<!tpu.dma_semaphore, #tpu.memory_space<semaphore_mem>>)
      %dma_wait3A_314 = arith.constant 0 : i32
      %dma_wait3A_315 = arith.constant 0 : i32
      %dma_wait3A_316 = arith.constant 0 : i32
      %dma_wait3A_317 = tpu.memref_slice %arg8[%dma_wait3A_314, %dma_wait3A_315, %dma_wait3A_316] : memref<64x2x128xbf16, #tpu.memory_space<vmem>> -> memref<64x2x128xbf16, #tpu.memory_space<vmem>>
      %dma_wait3A_318 = arith.constant 0 : i32
      %dma_wait3A_319 = arith.constant 0 : i32
      %dma_wait3A_320 = tpu.memref_slice %arg5[%add3A_223, %dma_wait3A_318, %dma_wait3A_319] : memref<10016x2x128xbf16, #tpu.memory_space<vmem_shared>> -> memref<64x2x128xbf16, #tpu.memory_space<vmem_shared>>
      %dma_wait3A_321 = arith.constant 0 : i32
      %dma_wait3A_322 = arith.constant 0 : i32
      %dma_wait3A_323 = arith.constant 0 : i32
      %dma_wait3A_324 = tpu.memref_slice %arg8[%dma_wait3A_321, %dma_wait3A_322, %dma_wait3A_323] : memref<64x2x128xbf16, #tpu.memory_space<vmem>> -> memref<64x2x128xbf16, #tpu.memory_space<vmem>>
      %dma_wait3A_325 = arith.constant 0 : i32
      %dma_wait3A_326 = arith.constant 0 : i32
      %dma_wait3A_327 = tpu.memref_slice %arg5[%add3A_223, %dma_wait3A_325, %dma_wait3A_326] : memref<10016x2x128xbf16, #tpu.memory_space<vmem_shared>> -> memref<64x2x128xbf16, #tpu.memory_space<vmem_shared>>
      tpu.wait_dma2 semaphore(%run_scoped3A_299 : memref<!tpu.dma_semaphore, #tpu.memory_space<semaphore_mem>>) src(%dma_wait3A_327 : memref<64x2x128xbf16, #tpu.memory_space<vmem_shared>>) dst(%dma_wait3A_324 : memref<64x2x128xbf16, #tpu.memory_space<vmem>>)
      tpu.yield
    }) : () -> ()
    %scan3A_224 = arith.constant 0 : i32
    %scan3A_225 = arith.constant 0 : i32
    %scan3A_226 = arith.constant 64 : i32
    %scan3A_227 = arith.addi %scan3A_225, %scan3A_226 : i32
    %scan3A_228 = arith.constant 1 : i32
    %scan3A_229 = scf.for %scan3A_299 = %scan3A_225 to %scan3A_227 step %scan3A_228 iter_args(%scan3A_300 = %scan3A_224) -> (i32)  : i32 {
      %get3A = arith.constant 0 : i32
      %get3A_301 = arith.index_cast %scan3A_299 : i32 to index
      %get3A_302 = arith.index_cast %get3A : i32 to index
      %get3A_303 = arith.constant 0 : index
      %get3A_304 = tpu.vector_load %arg8[%get3A_301, %get3A_302, %get3A_303] {strides = array<i32>} : memref<64x2x128xbf16, #tpu.memory_space<vmem>>, vector<32xbf16>,
      %bitcast3A = vector.bitcast %get3A_304 : vector<32xbf16> to vector<16xi32>
      %swap3A_305 = arith.constant 0 : i32
      %swap3A_306 = arith.index_cast %scan3A_299 : i32 to index
      %swap3A_307 = arith.index_cast %swap3A_305 : i32 to index
      %swap3A_308 = arith.constant 0 : index
      %swap3A_309 = tpu.vector_load %arg11[%swap3A_306, %swap3A_307, %swap3A_308] {strides = array<i32>} : memref<64x1x128xi32, #tpu.memory_space<vmem>>, vector<16xi32>,
      tpu.vector_store %arg11[%swap3A_306, %swap3A_307, %swap3A_308], %bitcast3A {strides = array<i32>} : memref<64x1x128xi32, #tpu.memory_space<vmem>>, vector<16xi32>,
      %get3A_310 = arith.constant 0 : i32
      %get3A_311 = arith.index_cast %scan3A_299 : i32 to index
      %get3A_312 = arith.index_cast %get3A_310 : i32 to index
      %get3A_313 = arith.constant 32 : index
      %get3A_314 = tpu.vector_load %arg8[%get3A_311, %get3A_312, %get3A_313] {strides = array<i32>} : memref<64x2x128xbf16, #tpu.memory_space<vmem>>, vector<32xbf16>,
      %bitcast3A_315 = vector.bitcast %get3A_314 : vector<32xbf16> to vector<16xi32>
      %swap3A_316 = arith.constant 0 : i32
      %swap3A_317 = arith.index_cast %scan3A_299 : i32 to index
      %swap3A_318 = arith.index_cast %swap3A_316 : i32 to index
      %swap3A_319 = arith.constant 16 : index
      %swap3A_320 = tpu.vector_load %arg11[%swap3A_317, %swap3A_318, %swap3A_319] {strides = array<i32>} : memref<64x1x128xi32, #tpu.memory_space<vmem>>, vector<16xi32>,
      tpu.vector_store %arg11[%swap3A_317, %swap3A_318, %swap3A_319], %bitcast3A_315 {strides = array<i32>} : memref<64x1x128xi32, #tpu.memory_space<vmem>>, vector<16xi32>,
      %get3A_321 = arith.constant 0 : i32
      %get3A_322 = arith.index_cast %scan3A_299 : i32 to index
      %get3A_323 = arith.index_cast %get3A_321 : i32 to index
      %get3A_324 = arith.constant 64 : index
      %get3A_325 = tpu.vector_load %arg8[%get3A_322, %get3A_323, %get3A_324] {strides = array<i32>} : memref<64x2x128xbf16, #tpu.memory_space<vmem>>, vector<32xbf16>,
      %bitcast3A_326 = vector.bitcast %get3A_325 : vector<32xbf16> to vector<16xi32>
      %swap3A_327 = arith.constant 0 : i32
      %swap3A_328 = arith.index_cast %scan3A_299 : i32 to index
      %swap3A_329 = arith.index_cast %swap3A_327 : i32 to index
      %swap3A_330 = arith.constant 32 : index
      %swap3A_331 = tpu.vector_load %arg11[%swap3A_328, %swap3A_329, %swap3A_330] {strides = array<i32>} : memref<64x1x128xi32, #tpu.memory_space<vmem>>, vector<16xi32>,
      tpu.vector_store %arg11[%swap3A_328, %swap3A_329, %swap3A_330], %bitcast3A_326 {strides = array<i32>} : memref<64x1x128xi32, #tpu.memory_space<vmem>>, vector<16xi32>,
      %get3A_332 = arith.constant 0 : i32
      %get3A_333 = arith.index_cast %scan3A_299 : i32 to index
      %get3A_334 = arith.index_cast %get3A_332 : i32 to index
      %get3A_335 = arith.constant 96 : index
      %get3A_336 = tpu.vector_load %arg8[%get3A_333, %get3A_334, %get3A_335] {strides = array<i32>} : memref<64x2x128xbf16, #tpu.memory_space<vmem>>, vector<32xbf16>,
      %bitcast3A_337 = vector.bitcast %get3A_336 : vector<32xbf16> to vector<16xi32>
      %swap3A_338 = arith.constant 0 : i32
      %swap3A_339 = arith.index_cast %scan3A_299 : i32 to index
      %swap3A_340 = arith.index_cast %swap3A_338 : i32 to index
      %swap3A_341 = arith.constant 48 : index
      %swap3A_342 = tpu.vector_load %arg11[%swap3A_339, %swap3A_340, %swap3A_341] {strides = array<i32>} : memref<64x1x128xi32, #tpu.memory_space<vmem>>, vector<16xi32>,
      tpu.vector_store %arg11[%swap3A_339, %swap3A_340, %swap3A_341], %bitcast3A_337 {strides = array<i32>} : memref<64x1x128xi32, #tpu.memory_space<vmem>>, vector<16xi32>,
      %get3A_343 = arith.constant 1 : i32
      %get3A_344 = arith.index_cast %scan3A_299 : i32 to index
      %get3A_345 = arith.index_cast %get3A_343 : i32 to index
      %get3A_346 = arith.constant 0 : index
      %get3A_347 = tpu.vector_load %arg8[%get3A_344, %get3A_345, %get3A_346] {strides = array<i32>} : memref<64x2x128xbf16, #tpu.memory_space<vmem>>, vector<32xbf16>,
      %bitcast3A_348 = vector.bitcast %get3A_347 : vector<32xbf16> to vector<16xi32>
      %swap3A_349 = arith.constant 0 : i32
      %swap3A_350 = arith.index_cast %scan3A_299 : i32 to index
      %swap3A_351 = arith.index_cast %swap3A_349 : i32 to index
      %swap3A_352 = arith.constant 64 : index
      %swap3A_353 = tpu.vector_load %arg11[%swap3A_350, %swap3A_351, %swap3A_352] {strides = array<i32>} : memref<64x1x128xi32, #tpu.memory_space<vmem>>, vector<16xi32>,
      tpu.vector_store %arg11[%swap3A_350, %swap3A_351, %swap3A_352], %bitcast3A_348 {strides = array<i32>} : memref<64x1x128xi32, #tpu.memory_space<vmem>>, vector<16xi32>,
      %get3A_354 = arith.constant 1 : i32
      %get3A_355 = arith.index_cast %scan3A_299 : i32 to index
      %get3A_356 = arith.index_cast %get3A_354 : i32 to index
      %get3A_357 = arith.constant 32 : index
      %get3A_358 = tpu.vector_load %arg8[%get3A_355, %get3A_356, %get3A_357] {strides = array<i32>} : memref<64x2x128xbf16, #tpu.memory_space<vmem>>, vector<32xbf16>,
      %bitcast3A_359 = vector.bitcast %get3A_358 : vector<32xbf16> to vector<16xi32>
      %swap3A_360 = arith.constant 0 : i32
      %swap3A_361 = arith.index_cast %scan3A_299 : i32 to index
      %swap3A_362 = arith.index_cast %swap3A_360 : i32 to index
      %swap3A_363 = arith.constant 80 : index
      %swap3A_364 = tpu.vector_load %arg11[%swap3A_361, %swap3A_362, %swap3A_363] {strides = array<i32>} : memref<64x1x128xi32, #tpu.memory_space<vmem>>, vector<16xi32>,
      tpu.vector_store %arg11[%swap3A_361, %swap3A_362, %swap3A_363], %bitcast3A_359 {strides = array<i32>} : memref<64x1x128xi32, #tpu.memory_space<vmem>>, vector<16xi32>,
      %get3A_365 = arith.constant 1 : i32
      %get3A_366 = arith.index_cast %scan3A_299 : i32 to index
      %get3A_367 = arith.index_cast %get3A_365 : i32 to index
      %get3A_368 = arith.constant 64 : index
      %get3A_369 = tpu.vector_load %arg8[%get3A_366, %get3A_367, %get3A_368] {strides = array<i32>} : memref<64x2x128xbf16, #tpu.memory_space<vmem>>, vector<32xbf16>,
      %bitcast3A_370 = vector.bitcast %get3A_369 : vector<32xbf16> to vector<16xi32>
      %swap3A_371 = arith.constant 0 : i32
      %swap3A_372 = arith.index_cast %scan3A_299 : i32 to index
      %swap3A_373 = arith.index_cast %swap3A_371 : i32 to index
      %swap3A_374 = arith.constant 96 : index
      %swap3A_375 = tpu.vector_load %arg11[%swap3A_372, %swap3A_373, %swap3A_374] {strides = array<i32>} : memref<64x1x128xi32, #tpu.memory_space<vmem>>, vector<16xi32>,
      tpu.vector_store %arg11[%swap3A_372, %swap3A_373, %swap3A_374], %bitcast3A_370 {strides = array<i32>} : memref<64x1x128xi32, #tpu.memory_space<vmem>>, vector<16xi32>,
      %get3A_376 = arith.constant 1 : i32
      %get3A_377 = arith.index_cast %scan3A_299 : i32 to index
      %get3A_378 = arith.index_cast %get3A_376 : i32 to index
      %get3A_379 = arith.constant 96 : index
      %get3A_380 = tpu.vector_load %arg8[%get3A_377, %get3A_378, %get3A_379] {strides = array<i32>} : memref<64x2x128xbf16, #tpu.memory_space<vmem>>, vector<32xbf16>,
      %bitcast3A_381 = vector.bitcast %get3A_380 : vector<32xbf16> to vector<16xi32>
      %swap3A_382 = arith.constant 0 : i32
      %swap3A_383 = arith.index_cast %scan3A_299 : i32 to index
      %swap3A_384 = arith.index_cast %swap3A_382 : i32 to index
      %swap3A_385 = arith.constant 112 : index
      %swap3A_386 = tpu.vector_load %arg11[%swap3A_383, %swap3A_384, %swap3A_385] {strides = array<i32>} : memref<64x1x128xi32, #tpu.memory_space<vmem>>, vector<16xi32>,
      tpu.vector_store %arg11[%swap3A_383, %swap3A_384, %swap3A_385], %bitcast3A_381 {strides = array<i32>} : memref<64x1x128xi32, #tpu.memory_space<vmem>>, vector<16xi32>,
      %scan3A_387 = arith.constant 0 : i32
      scf.yield %scan3A_387 : i32
    }
    %scan3A_230 = arith.constant 64 : i32
    %add3A_231 = arith.constant 192 : i32
    %add3A_232 = arith.addi %mul3A_108, %add3A_231 : i32
    "tpu.region"() ({
      %run_scoped3A_299 = tpu.sem_alloc : memref<!tpu.dma_semaphore, #tpu.memory_space<semaphore_mem>>
      %dma_start3A_300 = arith.constant 0 : i32
      %dma_start3A_301 = arith.constant 0 : i32
      %dma_start3A_302 = arith.constant 0 : i32
      %dma_start3A_303 = tpu.memref_slice %arg11[%dma_start3A_300, %dma_start3A_301, %dma_start3A_302] : memref<64x1x128xi32, #tpu.memory_space<vmem>> -> memref<64x1x128xi32, #tpu.memory_space<vmem>>
      %dma_start3A_304 = arith.constant 0 : i32
      %dma_start3A_305 = arith.constant 0 : i32
      %dma_start3A_306 = arith.constant 0 : i32
      %dma_start3A_307 = tpu.memref_slice %arg4[%arg0, %dma_start3A_304, %dma_start3A_305, %dma_start3A_306] : memref<2x10016x1x128xi32, #tpu.memory_space<hbm>> -> memref<1x10016x1x128xi32, #tpu.memory_space<hbm>>
      %dma_start3A_308 = tpu.memref_squeeze %dma_start3A_307 : memref<1x10016x1x128xi32, #tpu.memory_space<hbm>> -> memref<10016x1x128xi32, #tpu.memory_space<hbm>>
      %dma_start3A_309 = arith.constant 0 : i32
      %dma_start3A_310 = arith.constant 0 : i32
      %dma_start3A_311 = tpu.memref_slice %dma_start3A_308[%add3A_232, %dma_start3A_309, %dma_start3A_310] : memref<10016x1x128xi32, #tpu.memory_space<hbm>> -> memref<64x1x128xi32, #tpu.memory_space<hbm>>
      %dma_start3A_312 = arith.constant 0 : i32
      %dma_start3A_313 = arith.constant 0 : i32
      %dma_start3A_314 = arith.constant 0 : i32
      %dma_start3A_315 = tpu.memref_slice %arg4[%arg0, %dma_start3A_312, %dma_start3A_313, %dma_start3A_314] : memref<2x10016x1x128xi32, #tpu.memory_space<hbm>> -> memref<1x10016x1x128xi32, #tpu.memory_space<hbm>>
      %dma_start3A_316 = tpu.memref_squeeze %dma_start3A_315 : memref<1x10016x1x128xi32, #tpu.memory_space<hbm>> -> memref<10016x1x128xi32, #tpu.memory_space<hbm>>
      %dma_start3A_317 = arith.constant 0 : i32
      %dma_start3A_318 = arith.constant 0 : i32
      %dma_start3A_319 = tpu.memref_slice %dma_start3A_316[%add3A_232, %dma_start3A_317, %dma_start3A_318] : memref<10016x1x128xi32, #tpu.memory_space<hbm>> -> memref<64x1x128xi32, #tpu.memory_space<hbm>>
      %dma_start3A_320 = arith.constant 0 : i32
      %dma_start3A_321 = arith.constant 0 : i32
      %dma_start3A_322 = arith.constant 0 : i32
      %dma_start3A_323 = tpu.memref_slice %arg11[%dma_start3A_320, %dma_start3A_321, %dma_start3A_322] : memref<64x1x128xi32, #tpu.memory_space<vmem>> -> memref<64x1x128xi32, #tpu.memory_space<vmem>>
      tpu.enqueue_dma source(%dma_start3A_323 : memref<64x1x128xi32, #tpu.memory_space<vmem>>) target(%dma_start3A_319 : memref<64x1x128xi32, #tpu.memory_space<hbm>>) target_semaphore(%run_scoped3A_299 : memref<!tpu.dma_semaphore, #tpu.memory_space<semaphore_mem>>)
      %dma_wait3A_324 = arith.constant 0 : i32
      %dma_wait3A_325 = arith.constant 0 : i32
      %dma_wait3A_326 = arith.constant 0 : i32
      %dma_wait3A_327 = tpu.memref_slice %arg11[%dma_wait3A_324, %dma_wait3A_325, %dma_wait3A_326] : memref<64x1x128xi32, #tpu.memory_space<vmem>> -> memref<64x1x128xi32, #tpu.memory_space<vmem>>
      %dma_wait3A_328 = arith.constant 0 : i32
      %dma_wait3A_329 = arith.constant 0 : i32
      %dma_wait3A_330 = arith.constant 0 : i32
      %dma_wait3A_331 = tpu.memref_slice %arg4[%arg0, %dma_wait3A_328, %dma_wait3A_329, %dma_wait3A_330] : memref<2x10016x1x128xi32, #tpu.memory_space<hbm>> -> memref<1x10016x1x128xi32, #tpu.memory_space<hbm>>
      %dma_wait3A_332 = tpu.memref_squeeze %dma_wait3A_331 : memref<1x10016x1x128xi32, #tpu.memory_space<hbm>> -> memref<10016x1x128xi32, #tpu.memory_space<hbm>>
      %dma_wait3A_333 = arith.constant 0 : i32
      %dma_wait3A_334 = arith.constant 0 : i32
      %dma_wait3A_335 = tpu.memref_slice %dma_wait3A_332[%add3A_232, %dma_wait3A_333, %dma_wait3A_334] : memref<10016x1x128xi32, #tpu.memory_space<hbm>> -> memref<64x1x128xi32, #tpu.memory_space<hbm>>
      %dma_wait3A_336 = arith.constant 0 : i32
      %dma_wait3A_337 = arith.constant 0 : i32
      %dma_wait3A_338 = arith.constant 0 : i32
      %dma_wait3A_339 = tpu.memref_slice %arg4[%arg0, %dma_wait3A_336, %dma_wait3A_337, %dma_wait3A_338] : memref<2x10016x1x128xi32, #tpu.memory_space<hbm>> -> memref<1x10016x1x128xi32, #tpu.memory_space<hbm>>
      %dma_wait3A_340 = tpu.memref_squeeze %dma_wait3A_339 : memref<1x10016x1x128xi32, #tpu.memory_space<hbm>> -> memref<10016x1x128xi32, #tpu.memory_space<hbm>>
      %dma_wait3A_341 = arith.constant 0 : i32
      %dma_wait3A_342 = arith.constant 0 : i32
      %dma_wait3A_343 = tpu.memref_slice %dma_wait3A_340[%add3A_232, %dma_wait3A_341, %dma_wait3A_342] : memref<10016x1x128xi32, #tpu.memory_space<hbm>> -> memref<64x1x128xi32, #tpu.memory_space<hbm>>
      %dma_wait3A_344 = arith.constant 0 : i32
      %dma_wait3A_345 = arith.constant 0 : i32
      %dma_wait3A_346 = arith.constant 0 : i32
      %dma_wait3A_347 = tpu.memref_slice %arg11[%dma_wait3A_344, %dma_wait3A_345, %dma_wait3A_346] : memref<64x1x128xi32, #tpu.memory_space<vmem>> -> memref<64x1x128xi32, #tpu.memory_space<vmem>>
      tpu.wait_dma2 semaphore(%run_scoped3A_299 : memref<!tpu.dma_semaphore, #tpu.memory_space<semaphore_mem>>) src(%dma_wait3A_347 : memref<64x1x128xi32, #tpu.memory_space<vmem>>) dst(%dma_wait3A_343 : memref<64x1x128xi32, #tpu.memory_space<hbm>>)
      tpu.yield
    }) : () -> ()
    %add3A_233 = arith.constant 256 : i32
    %add3A_234 = arith.addi %mul3A_108, %add3A_233 : i32
    "tpu.region"() ({
      %run_scoped3A_299 = tpu.sem_alloc : memref<!tpu.dma_semaphore, #tpu.memory_space<semaphore_mem>>
      %dma_start3A_300 = arith.constant 0 : i32
      %dma_start3A_301 = arith.constant 0 : i32
      %dma_start3A_302 = arith.constant 0 : i32
      %dma_start3A_303 = tpu.memref_slice %arg8[%dma_start3A_300, %dma_start3A_301, %dma_start3A_302] : memref<64x2x128xbf16, #tpu.memory_space<vmem>> -> memref<64x2x128xbf16, #tpu.memory_space<vmem>>
      %dma_start3A_304 = arith.constant 0 : i32
      %dma_start3A_305 = arith.constant 0 : i32
      %dma_start3A_306 = tpu.memref_slice %arg5[%add3A_234, %dma_start3A_304, %dma_start3A_305] : memref<10016x2x128xbf16, #tpu.memory_space<vmem_shared>> -> memref<64x2x128xbf16, #tpu.memory_space<vmem_shared>>
      %dma_start3A_307 = arith.constant 0 : i32
      %dma_start3A_308 = arith.constant 0 : i32
      %dma_start3A_309 = arith.constant 0 : i32
      %dma_start3A_310 = tpu.memref_slice %arg8[%dma_start3A_307, %dma_start3A_308, %dma_start3A_309] : memref<64x2x128xbf16, #tpu.memory_space<vmem>> -> memref<64x2x128xbf16, #tpu.memory_space<vmem>>
      %dma_start3A_311 = arith.constant 0 : i32
      %dma_start3A_312 = arith.constant 0 : i32
      %dma_start3A_313 = tpu.memref_slice %arg5[%add3A_234, %dma_start3A_311, %dma_start3A_312] : memref<10016x2x128xbf16, #tpu.memory_space<vmem_shared>> -> memref<64x2x128xbf16, #tpu.memory_space<vmem_shared>>
      tpu.enqueue_dma source(%dma_start3A_313 : memref<64x2x128xbf16, #tpu.memory_space<vmem_shared>>) target(%dma_start3A_310 : memref<64x2x128xbf16, #tpu.memory_space<vmem>>) target_semaphore(%run_scoped3A_299 : memref<!tpu.dma_semaphore, #tpu.memory_space<semaphore_mem>>)
      %dma_wait3A_314 = arith.constant 0 : i32
      %dma_wait3A_315 = arith.constant 0 : i32
      %dma_wait3A_316 = arith.constant 0 : i32
      %dma_wait3A_317 = tpu.memref_slice %arg8[%dma_wait3A_314, %dma_wait3A_315, %dma_wait3A_316] : memref<64x2x128xbf16, #tpu.memory_space<vmem>> -> memref<64x2x128xbf16, #tpu.memory_space<vmem>>
      %dma_wait3A_318 = arith.constant 0 : i32
      %dma_wait3A_319 = arith.constant 0 : i32
      %dma_wait3A_320 = tpu.memref_slice %arg5[%add3A_234, %dma_wait3A_318, %dma_wait3A_319] : memref<10016x2x128xbf16, #tpu.memory_space<vmem_shared>> -> memref<64x2x128xbf16, #tpu.memory_space<vmem_shared>>
      %dma_wait3A_321 = arith.constant 0 : i32
      %dma_wait3A_322 = arith.constant 0 : i32
      %dma_wait3A_323 = arith.constant 0 : i32
      %dma_wait3A_324 = tpu.memref_slice %arg8[%dma_wait3A_321, %dma_wait3A_322, %dma_wait3A_323] : memref<64x2x128xbf16, #tpu.memory_space<vmem>> -> memref<64x2x128xbf16, #tpu.memory_space<vmem>>
      %dma_wait3A_325 = arith.constant 0 : i32
      %dma_wait3A_326 = arith.constant 0 : i32
      %dma_wait3A_327 = tpu.memref_slice %arg5[%add3A_234, %dma_wait3A_325, %dma_wait3A_326] : memref<10016x2x128xbf16, #tpu.memory_space<vmem_shared>> -> memref<64x2x128xbf16, #tpu.memory_space<vmem_shared>>
      tpu.wait_dma2 semaphore(%run_scoped3A_299 : memref<!tpu.dma_semaphore, #tpu.memory_space<semaphore_mem>>) src(%dma_wait3A_327 : memref<64x2x128xbf16, #tpu.memory_space<vmem_shared>>) dst(%dma_wait3A_324 : memref<64x2x128xbf16, #tpu.memory_space<vmem>>)
      tpu.yield
    }) : () -> ()
    %scan3A_235 = arith.constant 0 : i32
    %scan3A_236 = arith.constant 0 : i32
    %scan3A_237 = arith.constant 64 : i32
    %scan3A_238 = arith.addi %scan3A_236, %scan3A_237 : i32
    %scan3A_239 = arith.constant 1 : i32
    %scan3A_240 = scf.for %scan3A_299 = %scan3A_236 to %scan3A_238 step %scan3A_239 iter_args(%scan3A_300 = %scan3A_235) -> (i32)  : i32 {
      %get3A = arith.constant 0 : i32
      %get3A_301 = arith.index_cast %scan3A_299 : i32 to index
      %get3A_302 = arith.index_cast %get3A : i32 to index
      %get3A_303 = arith.constant 0 : index
      %get3A_304 = tpu.vector_load %arg8[%get3A_301, %get3A_302, %get3A_303] {strides = array<i32>} : memref<64x2x128xbf16, #tpu.memory_space<vmem>>, vector<32xbf16>,
      %bitcast3A = vector.bitcast %get3A_304 : vector<32xbf16> to vector<16xi32>
      %swap3A_305 = arith.constant 0 : i32
      %swap3A_306 = arith.index_cast %scan3A_299 : i32 to index
      %swap3A_307 = arith.index_cast %swap3A_305 : i32 to index
      %swap3A_308 = arith.constant 0 : index
      %swap3A_309 = tpu.vector_load %arg11[%swap3A_306, %swap3A_307, %swap3A_308] {strides = array<i32>} : memref<64x1x128xi32, #tpu.memory_space<vmem>>, vector<16xi32>,
      tpu.vector_store %arg11[%swap3A_306, %swap3A_307, %swap3A_308], %bitcast3A {strides = array<i32>} : memref<64x1x128xi32, #tpu.memory_space<vmem>>, vector<16xi32>,
      %get3A_310 = arith.constant 0 : i32
      %get3A_311 = arith.index_cast %scan3A_299 : i32 to index
      %get3A_312 = arith.index_cast %get3A_310 : i32 to index
      %get3A_313 = arith.constant 32 : index
      %get3A_314 = tpu.vector_load %arg8[%get3A_311, %get3A_312, %get3A_313] {strides = array<i32>} : memref<64x2x128xbf16, #tpu.memory_space<vmem>>, vector<32xbf16>,
      %bitcast3A_315 = vector.bitcast %get3A_314 : vector<32xbf16> to vector<16xi32>
      %swap3A_316 = arith.constant 0 : i32
      %swap3A_317 = arith.index_cast %scan3A_299 : i32 to index
      %swap3A_318 = arith.index_cast %swap3A_316 : i32 to index
      %swap3A_319 = arith.constant 16 : index
      %swap3A_320 = tpu.vector_load %arg11[%swap3A_317, %swap3A_318, %swap3A_319] {strides = array<i32>} : memref<64x1x128xi32, #tpu.memory_space<vmem>>, vector<16xi32>,
      tpu.vector_store %arg11[%swap3A_317, %swap3A_318, %swap3A_319], %bitcast3A_315 {strides = array<i32>} : memref<64x1x128xi32, #tpu.memory_space<vmem>>, vector<16xi32>,
      %get3A_321 = arith.constant 0 : i32
      %get3A_322 = arith.index_cast %scan3A_299 : i32 to index
      %get3A_323 = arith.index_cast %get3A_321 : i32 to index
      %get3A_324 = arith.constant 64 : index
      %get3A_325 = tpu.vector_load %arg8[%get3A_322, %get3A_323, %get3A_324] {strides = array<i32>} : memref<64x2x128xbf16, #tpu.memory_space<vmem>>, vector<32xbf16>,
      %bitcast3A_326 = vector.bitcast %get3A_325 : vector<32xbf16> to vector<16xi32>
      %swap3A_327 = arith.constant 0 : i32
      %swap3A_328 = arith.index_cast %scan3A_299 : i32 to index
      %swap3A_329 = arith.index_cast %swap3A_327 : i32 to index
      %swap3A_330 = arith.constant 32 : index
      %swap3A_331 = tpu.vector_load %arg11[%swap3A_328, %swap3A_329, %swap3A_330] {strides = array<i32>} : memref<64x1x128xi32, #tpu.memory_space<vmem>>, vector<16xi32>,
      tpu.vector_store %arg11[%swap3A_328, %swap3A_329, %swap3A_330], %bitcast3A_326 {strides = array<i32>} : memref<64x1x128xi32, #tpu.memory_space<vmem>>, vector<16xi32>,
      %get3A_332 = arith.constant 0 : i32
      %get3A_333 = arith.index_cast %scan3A_299 : i32 to index
      %get3A_334 = arith.index_cast %get3A_332 : i32 to index
      %get3A_335 = arith.constant 96 : index
      %get3A_336 = tpu.vector_load %arg8[%get3A_333, %get3A_334, %get3A_335] {strides = array<i32>} : memref<64x2x128xbf16, #tpu.memory_space<vmem>>, vector<32xbf16>,
      %bitcast3A_337 = vector.bitcast %get3A_336 : vector<32xbf16> to vector<16xi32>
      %swap3A_338 = arith.constant 0 : i32
      %swap3A_339 = arith.index_cast %scan3A_299 : i32 to index
      %swap3A_340 = arith.index_cast %swap3A_338 : i32 to index
      %swap3A_341 = arith.constant 48 : index
      %swap3A_342 = tpu.vector_load %arg11[%swap3A_339, %swap3A_340, %swap3A_341] {strides = array<i32>} : memref<64x1x128xi32, #tpu.memory_space<vmem>>, vector<16xi32>,
      tpu.vector_store %arg11[%swap3A_339, %swap3A_340, %swap3A_341], %bitcast3A_337 {strides = array<i32>} : memref<64x1x128xi32, #tpu.memory_space<vmem>>, vector<16xi32>,
      %get3A_343 = arith.constant 1 : i32
      %get3A_344 = arith.index_cast %scan3A_299 : i32 to index
      %get3A_345 = arith.index_cast %get3A_343 : i32 to index
      %get3A_346 = arith.constant 0 : index
      %get3A_347 = tpu.vector_load %arg8[%get3A_344, %get3A_345, %get3A_346] {strides = array<i32>} : memref<64x2x128xbf16, #tpu.memory_space<vmem>>, vector<32xbf16>,
      %bitcast3A_348 = vector.bitcast %get3A_347 : vector<32xbf16> to vector<16xi32>
      %swap3A_349 = arith.constant 0 : i32
      %swap3A_350 = arith.index_cast %scan3A_299 : i32 to index
      %swap3A_351 = arith.index_cast %swap3A_349 : i32 to index
      %swap3A_352 = arith.constant 64 : index
      %swap3A_353 = tpu.vector_load %arg11[%swap3A_350, %swap3A_351, %swap3A_352] {strides = array<i32>} : memref<64x1x128xi32, #tpu.memory_space<vmem>>, vector<16xi32>,
      tpu.vector_store %arg11[%swap3A_350, %swap3A_351, %swap3A_352], %bitcast3A_348 {strides = array<i32>} : memref<64x1x128xi32, #tpu.memory_space<vmem>>, vector<16xi32>,
      %get3A_354 = arith.constant 1 : i32
      %get3A_355 = arith.index_cast %scan3A_299 : i32 to index
      %get3A_356 = arith.index_cast %get3A_354 : i32 to index
      %get3A_357 = arith.constant 32 : index
      %get3A_358 = tpu.vector_load %arg8[%get3A_355, %get3A_356, %get3A_357] {strides = array<i32>} : memref<64x2x128xbf16, #tpu.memory_space<vmem>>, vector<32xbf16>,
      %bitcast3A_359 = vector.bitcast %get3A_358 : vector<32xbf16> to vector<16xi32>
      %swap3A_360 = arith.constant 0 : i32
      %swap3A_361 = arith.index_cast %scan3A_299 : i32 to index
      %swap3A_362 = arith.index_cast %swap3A_360 : i32 to index
      %swap3A_363 = arith.constant 80 : index
      %swap3A_364 = tpu.vector_load %arg11[%swap3A_361, %swap3A_362, %swap3A_363] {strides = array<i32>} : memref<64x1x128xi32, #tpu.memory_space<vmem>>, vector<16xi32>,
      tpu.vector_store %arg11[%swap3A_361, %swap3A_362, %swap3A_363], %bitcast3A_359 {strides = array<i32>} : memref<64x1x128xi32, #tpu.memory_space<vmem>>, vector<16xi32>,
      %get3A_365 = arith.constant 1 : i32
      %get3A_366 = arith.index_cast %scan3A_299 : i32 to index
      %get3A_367 = arith.index_cast %get3A_365 : i32 to index
      %get3A_368 = arith.constant 64 : index
      %get3A_369 = tpu.vector_load %arg8[%get3A_366, %get3A_367, %get3A_368] {strides = array<i32>} : memref<64x2x128xbf16, #tpu.memory_space<vmem>>, vector<32xbf16>,
      %bitcast3A_370 = vector.bitcast %get3A_369 : vector<32xbf16> to vector<16xi32>
      %swap3A_371 = arith.constant 0 : i32
      %swap3A_372 = arith.index_cast %scan3A_299 : i32 to index
      %swap3A_373 = arith.index_cast %swap3A_371 : i32 to index
      %swap3A_374 = arith.constant 96 : index
      %swap3A_375 = tpu.vector_load %arg11[%swap3A_372, %swap3A_373, %swap3A_374] {strides = array<i32>} : memref<64x1x128xi32, #tpu.memory_space<vmem>>, vector<16xi32>,
      tpu.vector_store %arg11[%swap3A_372, %swap3A_373, %swap3A_374], %bitcast3A_370 {strides = array<i32>} : memref<64x1x128xi32, #tpu.memory_space<vmem>>, vector<16xi32>,
      %get3A_376 = arith.constant 1 : i32
      %get3A_377 = arith.index_cast %scan3A_299 : i32 to index
      %get3A_378 = arith.index_cast %get3A_376 : i32 to index
      %get3A_379 = arith.constant 96 : index
      %get3A_380 = tpu.vector_load %arg8[%get3A_377, %get3A_378, %get3A_379] {strides = array<i32>} : memref<64x2x128xbf16, #tpu.memory_space<vmem>>, vector<32xbf16>,
      %bitcast3A_381 = vector.bitcast %get3A_380 : vector<32xbf16> to vector<16xi32>
      %swap3A_382 = arith.constant 0 : i32
      %swap3A_383 = arith.index_cast %scan3A_299 : i32 to index
      %swap3A_384 = arith.index_cast %swap3A_382 : i32 to index
      %swap3A_385 = arith.constant 112 : index
      %swap3A_386 = tpu.vector_load %arg11[%swap3A_383, %swap3A_384, %swap3A_385] {strides = array<i32>} : memref<64x1x128xi32, #tpu.memory_space<vmem>>, vector<16xi32>,
      tpu.vector_store %arg11[%swap3A_383, %swap3A_384, %swap3A_385], %bitcast3A_381 {strides = array<i32>} : memref<64x1x128xi32, #tpu.memory_space<vmem>>, vector<16xi32>,
      %scan3A_387 = arith.constant 0 : i32
      scf.yield %scan3A_387 : i32
    }
    %scan3A_241 = arith.constant 64 : i32
    %add3A_242 = arith.constant 256 : i32
    %add3A_243 = arith.addi %mul3A_108, %add3A_242 : i32
    "tpu.region"() ({
      %run_scoped3A_299 = tpu.sem_alloc : memref<!tpu.dma_semaphore, #tpu.memory_space<semaphore_mem>>
      %dma_start3A_300 = arith.constant 0 : i32
      %dma_start3A_301 = arith.constant 0 : i32
      %dma_start3A_302 = arith.constant 0 : i32
      %dma_start3A_303 = tpu.memref_slice %arg11[%dma_start3A_300, %dma_start3A_301, %dma_start3A_302] : memref<64x1x128xi32, #tpu.memory_space<vmem>> -> memref<64x1x128xi32, #tpu.memory_space<vmem>>
      %dma_start3A_304 = arith.constant 0 : i32
      %dma_start3A_305 = arith.constant 0 : i32
      %dma_start3A_306 = arith.constant 0 : i32
      %dma_start3A_307 = tpu.memref_slice %arg4[%arg0, %dma_start3A_304, %dma_start3A_305, %dma_start3A_306] : memref<2x10016x1x128xi32, #tpu.memory_space<hbm>> -> memref<1x10016x1x128xi32, #tpu.memory_space<hbm>>
      %dma_start3A_308 = tpu.memref_squeeze %dma_start3A_307 : memref<1x10016x1x128xi32, #tpu.memory_space<hbm>> -> memref<10016x1x128xi32, #tpu.memory_space<hbm>>
      %dma_start3A_309 = arith.constant 0 : i32
      %dma_start3A_310 = arith.constant 0 : i32
      %dma_start3A_311 = tpu.memref_slice %dma_start3A_308[%add3A_243, %dma_start3A_309, %dma_start3A_310] : memref<10016x1x128xi32, #tpu.memory_space<hbm>> -> memref<64x1x128xi32, #tpu.memory_space<hbm>>
      %dma_start3A_312 = arith.constant 0 : i32
      %dma_start3A_313 = arith.constant 0 : i32
      %dma_start3A_314 = arith.constant 0 : i32
      %dma_start3A_315 = tpu.memref_slice %arg4[%arg0, %dma_start3A_312, %dma_start3A_313, %dma_start3A_314] : memref<2x10016x1x128xi32, #tpu.memory_space<hbm>> -> memref<1x10016x1x128xi32, #tpu.memory_space<hbm>>
      %dma_start3A_316 = tpu.memref_squeeze %dma_start3A_315 : memref<1x10016x1x128xi32, #tpu.memory_space<hbm>> -> memref<10016x1x128xi32, #tpu.memory_space<hbm>>
      %dma_start3A_317 = arith.constant 0 : i32
      %dma_start3A_318 = arith.constant 0 : i32
      %dma_start3A_319 = tpu.memref_slice %dma_start3A_316[%add3A_243, %dma_start3A_317, %dma_start3A_318] : memref<10016x1x128xi32, #tpu.memory_space<hbm>> -> memref<64x1x128xi32, #tpu.memory_space<hbm>>
      %dma_start3A_320 = arith.constant 0 : i32
      %dma_start3A_321 = arith.constant 0 : i32
      %dma_start3A_322 = arith.constant 0 : i32
      %dma_start3A_323 = tpu.memref_slice %arg11[%dma_start3A_320, %dma_start3A_321, %dma_start3A_322] : memref<64x1x128xi32, #tpu.memory_space<vmem>> -> memref<64x1x128xi32, #tpu.memory_space<vmem>>
      tpu.enqueue_dma source(%dma_start3A_323 : memref<64x1x128xi32, #tpu.memory_space<vmem>>) target(%dma_start3A_319 : memref<64x1x128xi32, #tpu.memory_space<hbm>>) target_semaphore(%run_scoped3A_299 : memref<!tpu.dma_semaphore, #tpu.memory_space<semaphore_mem>>)
      %dma_wait3A_324 = arith.constant 0 : i32
      %dma_wait3A_325 = arith.constant 0 : i32
      %dma_wait3A_326 = arith.constant 0 : i32
      %dma_wait3A_327 = tpu.memref_slice %arg11[%dma_wait3A_324, %dma_wait3A_325, %dma_wait3A_326] : memref<64x1x128xi32, #tpu.memory_space<vmem>> -> memref<64x1x128xi32, #tpu.memory_space<vmem>>
      %dma_wait3A_328 = arith.constant 0 : i32
      %dma_wait3A_329 = arith.constant 0 : i32
      %dma_wait3A_330 = arith.constant 0 : i32
      %dma_wait3A_331 = tpu.memref_slice %arg4[%arg0, %dma_wait3A_328, %dma_wait3A_329, %dma_wait3A_330] : memref<2x10016x1x128xi32, #tpu.memory_space<hbm>> -> memref<1x10016x1x128xi32, #tpu.memory_space<hbm>>
      %dma_wait3A_332 = tpu.memref_squeeze %dma_wait3A_331 : memref<1x10016x1x128xi32, #tpu.memory_space<hbm>> -> memref<10016x1x128xi32, #tpu.memory_space<hbm>>
      %dma_wait3A_333 = arith.constant 0 : i32
      %dma_wait3A_334 = arith.constant 0 : i32
      %dma_wait3A_335 = tpu.memref_slice %dma_wait3A_332[%add3A_243, %dma_wait3A_333, %dma_wait3A_334] : memref<10016x1x128xi32, #tpu.memory_space<hbm>> -> memref<64x1x128xi32, #tpu.memory_space<hbm>>
      %dma_wait3A_336 = arith.constant 0 : i32
      %dma_wait3A_337 = arith.constant 0 : i32
      %dma_wait3A_338 = arith.constant 0 : i32
      %dma_wait3A_339 = tpu.memref_slice %arg4[%arg0, %dma_wait3A_336, %dma_wait3A_337, %dma_wait3A_338] : memref<2x10016x1x128xi32, #tpu.memory_space<hbm>> -> memref<1x10016x1x128xi32, #tpu.memory_space<hbm>>
      %dma_wait3A_340 = tpu.memref_squeeze %dma_wait3A_339 : memref<1x10016x1x128xi32, #tpu.memory_space<hbm>> -> memref<10016x1x128xi32, #tpu.memory_space<hbm>>
      %dma_wait3A_341 = arith.constant 0 : i32
      %dma_wait3A_342 = arith.constant 0 : i32
      %dma_wait3A_343 = tpu.memref_slice %dma_wait3A_340[%add3A_243, %dma_wait3A_341, %dma_wait3A_342] : memref<10016x1x128xi32, #tpu.memory_space<hbm>> -> memref<64x1x128xi32, #tpu.memory_space<hbm>>
      %dma_wait3A_344 = arith.constant 0 : i32
      %dma_wait3A_345 = arith.constant 0 : i32
      %dma_wait3A_346 = arith.constant 0 : i32
      %dma_wait3A_347 = tpu.memref_slice %arg11[%dma_wait3A_344, %dma_wait3A_345, %dma_wait3A_346] : memref<64x1x128xi32, #tpu.memory_space<vmem>> -> memref<64x1x128xi32, #tpu.memory_space<vmem>>
      tpu.wait_dma2 semaphore(%run_scoped3A_299 : memref<!tpu.dma_semaphore, #tpu.memory_space<semaphore_mem>>) src(%dma_wait3A_347 : memref<64x1x128xi32, #tpu.memory_space<vmem>>) dst(%dma_wait3A_343 : memref<64x1x128xi32, #tpu.memory_space<hbm>>)
      tpu.yield
    }) : () -> ()
    %add3A_244 = arith.constant 320 : i32
    %add3A_245 = arith.addi %mul3A_108, %add3A_244 : i32
    "tpu.region"() ({
      %run_scoped3A_299 = tpu.sem_alloc : memref<!tpu.dma_semaphore, #tpu.memory_space<semaphore_mem>>
      %dma_start3A_300 = arith.constant 0 : i32
      %dma_start3A_301 = arith.constant 0 : i32
      %dma_start3A_302 = arith.constant 0 : i32
      %dma_start3A_303 = tpu.memref_slice %arg8[%dma_start3A_300, %dma_start3A_301, %dma_start3A_302] : memref<64x2x128xbf16, #tpu.memory_space<vmem>> -> memref<64x2x128xbf16, #tpu.memory_space<vmem>>
      %dma_start3A_304 = arith.constant 0 : i32
      %dma_start3A_305 = arith.constant 0 : i32
      %dma_start3A_306 = tpu.memref_slice %arg5[%add3A_245, %dma_start3A_304, %dma_start3A_305] : memref<10016x2x128xbf16, #tpu.memory_space<vmem_shared>> -> memref<64x2x128xbf16, #tpu.memory_space<vmem_shared>>
      %dma_start3A_307 = arith.constant 0 : i32
      %dma_start3A_308 = arith.constant 0 : i32
      %dma_start3A_309 = arith.constant 0 : i32
      %dma_start3A_310 = tpu.memref_slice %arg8[%dma_start3A_307, %dma_start3A_308, %dma_start3A_309] : memref<64x2x128xbf16, #tpu.memory_space<vmem>> -> memref<64x2x128xbf16, #tpu.memory_space<vmem>>
      %dma_start3A_311 = arith.constant 0 : i32
      %dma_start3A_312 = arith.constant 0 : i32
      %dma_start3A_313 = tpu.memref_slice %arg5[%add3A_245, %dma_start3A_311, %dma_start3A_312] : memref<10016x2x128xbf16, #tpu.memory_space<vmem_shared>> -> memref<64x2x128xbf16, #tpu.memory_space<vmem_shared>>
      tpu.enqueue_dma source(%dma_start3A_313 : memref<64x2x128xbf16, #tpu.memory_space<vmem_shared>>) target(%dma_start3A_310 : memref<64x2x128xbf16, #tpu.memory_space<vmem>>) target_semaphore(%run_scoped3A_299 : memref<!tpu.dma_semaphore, #tpu.memory_space<semaphore_mem>>)
      %dma_wait3A_314 = arith.constant 0 : i32
      %dma_wait3A_315 = arith.constant 0 : i32
      %dma_wait3A_316 = arith.constant 0 : i32
      %dma_wait3A_317 = tpu.memref_slice %arg8[%dma_wait3A_314, %dma_wait3A_315, %dma_wait3A_316] : memref<64x2x128xbf16, #tpu.memory_space<vmem>> -> memref<64x2x128xbf16, #tpu.memory_space<vmem>>
      %dma_wait3A_318 = arith.constant 0 : i32
      %dma_wait3A_319 = arith.constant 0 : i32
      %dma_wait3A_320 = tpu.memref_slice %arg5[%add3A_245, %dma_wait3A_318, %dma_wait3A_319] : memref<10016x2x128xbf16, #tpu.memory_space<vmem_shared>> -> memref<64x2x128xbf16, #tpu.memory_space<vmem_shared>>
      %dma_wait3A_321 = arith.constant 0 : i32
      %dma_wait3A_322 = arith.constant 0 : i32
      %dma_wait3A_323 = arith.constant 0 : i32
      %dma_wait3A_324 = tpu.memref_slice %arg8[%dma_wait3A_321, %dma_wait3A_322, %dma_wait3A_323] : memref<64x2x128xbf16, #tpu.memory_space<vmem>> -> memref<64x2x128xbf16, #tpu.memory_space<vmem>>
      %dma_wait3A_325 = arith.constant 0 : i32
      %dma_wait3A_326 = arith.constant 0 : i32
      %dma_wait3A_327 = tpu.memref_slice %arg5[%add3A_245, %dma_wait3A_325, %dma_wait3A_326] : memref<10016x2x128xbf16, #tpu.memory_space<vmem_shared>> -> memref<64x2x128xbf16, #tpu.memory_space<vmem_shared>>
      tpu.wait_dma2 semaphore(%run_scoped3A_299 : memref<!tpu.dma_semaphore, #tpu.memory_space<semaphore_mem>>) src(%dma_wait3A_327 : memref<64x2x128xbf16, #tpu.memory_space<vmem_shared>>) dst(%dma_wait3A_324 : memref<64x2x128xbf16, #tpu.memory_space<vmem>>)
      tpu.yield
    }) : () -> ()
    %scan3A_246 = arith.constant 0 : i32
    %scan3A_247 = arith.constant 0 : i32
    %scan3A_248 = arith.constant 64 : i32
    %scan3A_249 = arith.addi %scan3A_247, %scan3A_248 : i32
    %scan3A_250 = arith.constant 1 : i32
    %scan3A_251 = scf.for %scan3A_299 = %scan3A_247 to %scan3A_249 step %scan3A_250 iter_args(%scan3A_300 = %scan3A_246) -> (i32)  : i32 {
      %get3A = arith.constant 0 : i32
      %get3A_301 = arith.index_cast %scan3A_299 : i32 to index
      %get3A_302 = arith.index_cast %get3A : i32 to index
      %get3A_303 = arith.constant 0 : index
      %get3A_304 = tpu.vector_load %arg8[%get3A_301, %get3A_302, %get3A_303] {strides = array<i32>} : memref<64x2x128xbf16, #tpu.memory_space<vmem>>, vector<32xbf16>,
      %bitcast3A = vector.bitcast %get3A_304 : vector<32xbf16> to vector<16xi32>
      %swap3A_305 = arith.constant 0 : i32
      %swap3A_306 = arith.index_cast %scan3A_299 : i32 to index
      %swap3A_307 = arith.index_cast %swap3A_305 : i32 to index
      %swap3A_308 = arith.constant 0 : index
      %swap3A_309 = tpu.vector_load %arg11[%swap3A_306, %swap3A_307, %swap3A_308] {strides = array<i32>} : memref<64x1x128xi32, #tpu.memory_space<vmem>>, vector<16xi32>,
      tpu.vector_store %arg11[%swap3A_306, %swap3A_307, %swap3A_308], %bitcast3A {strides = array<i32>} : memref<64x1x128xi32, #tpu.memory_space<vmem>>, vector<16xi32>,
      %get3A_310 = arith.constant 0 : i32
      %get3A_311 = arith.index_cast %scan3A_299 : i32 to index
      %get3A_312 = arith.index_cast %get3A_310 : i32 to index
      %get3A_313 = arith.constant 32 : index
      %get3A_314 = tpu.vector_load %arg8[%get3A_311, %get3A_312, %get3A_313] {strides = array<i32>} : memref<64x2x128xbf16, #tpu.memory_space<vmem>>, vector<32xbf16>,
      %bitcast3A_315 = vector.bitcast %get3A_314 : vector<32xbf16> to vector<16xi32>
      %swap3A_316 = arith.constant 0 : i32
      %swap3A_317 = arith.index_cast %scan3A_299 : i32 to index
      %swap3A_318 = arith.index_cast %swap3A_316 : i32 to index
      %swap3A_319 = arith.constant 16 : index
      %swap3A_320 = tpu.vector_load %arg11[%swap3A_317, %swap3A_318, %swap3A_319] {strides = array<i32>} : memref<64x1x128xi32, #tpu.memory_space<vmem>>, vector<16xi32>,
      tpu.vector_store %arg11[%swap3A_317, %swap3A_318, %swap3A_319], %bitcast3A_315 {strides = array<i32>} : memref<64x1x128xi32, #tpu.memory_space<vmem>>, vector<16xi32>,
      %get3A_321 = arith.constant 0 : i32
      %get3A_322 = arith.index_cast %scan3A_299 : i32 to index
      %get3A_323 = arith.index_cast %get3A_321 : i32 to index
      %get3A_324 = arith.constant 64 : index
      %get3A_325 = tpu.vector_load %arg8[%get3A_322, %get3A_323, %get3A_324] {strides = array<i32>} : memref<64x2x128xbf16, #tpu.memory_space<vmem>>, vector<32xbf16>,
      %bitcast3A_326 = vector.bitcast %get3A_325 : vector<32xbf16> to vector<16xi32>
      %swap3A_327 = arith.constant 0 : i32
      %swap3A_328 = arith.index_cast %scan3A_299 : i32 to index
      %swap3A_329 = arith.index_cast %swap3A_327 : i32 to index
      %swap3A_330 = arith.constant 32 : index
      %swap3A_331 = tpu.vector_load %arg11[%swap3A_328, %swap3A_329, %swap3A_330] {strides = array<i32>} : memref<64x1x128xi32, #tpu.memory_space<vmem>>, vector<16xi32>,
      tpu.vector_store %arg11[%swap3A_328, %swap3A_329, %swap3A_330], %bitcast3A_326 {strides = array<i32>} : memref<64x1x128xi32, #tpu.memory_space<vmem>>, vector<16xi32>,
      %get3A_332 = arith.constant 0 : i32
      %get3A_333 = arith.index_cast %scan3A_299 : i32 to index
      %get3A_334 = arith.index_cast %get3A_332 : i32 to index
      %get3A_335 = arith.constant 96 : index
      %get3A_336 = tpu.vector_load %arg8[%get3A_333, %get3A_334, %get3A_335] {strides = array<i32>} : memref<64x2x128xbf16, #tpu.memory_space<vmem>>, vector<32xbf16>,
      %bitcast3A_337 = vector.bitcast %get3A_336 : vector<32xbf16> to vector<16xi32>
      %swap3A_338 = arith.constant 0 : i32
      %swap3A_339 = arith.index_cast %scan3A_299 : i32 to index
      %swap3A_340 = arith.index_cast %swap3A_338 : i32 to index
      %swap3A_341 = arith.constant 48 : index
      %swap3A_342 = tpu.vector_load %arg11[%swap3A_339, %swap3A_340, %swap3A_341] {strides = array<i32>} : memref<64x1x128xi32, #tpu.memory_space<vmem>>, vector<16xi32>,
      tpu.vector_store %arg11[%swap3A_339, %swap3A_340, %swap3A_341], %bitcast3A_337 {strides = array<i32>} : memref<64x1x128xi32, #tpu.memory_space<vmem>>, vector<16xi32>,
      %get3A_343 = arith.constant 1 : i32
      %get3A_344 = arith.index_cast %scan3A_299 : i32 to index
      %get3A_345 = arith.index_cast %get3A_343 : i32 to index
      %get3A_346 = arith.constant 0 : index
      %get3A_347 = tpu.vector_load %arg8[%get3A_344, %get3A_345, %get3A_346] {strides = array<i32>} : memref<64x2x128xbf16, #tpu.memory_space<vmem>>, vector<32xbf16>,
      %bitcast3A_348 = vector.bitcast %get3A_347 : vector<32xbf16> to vector<16xi32>
      %swap3A_349 = arith.constant 0 : i32
      %swap3A_350 = arith.index_cast %scan3A_299 : i32 to index
      %swap3A_351 = arith.index_cast %swap3A_349 : i32 to index
      %swap3A_352 = arith.constant 64 : index
      %swap3A_353 = tpu.vector_load %arg11[%swap3A_350, %swap3A_351, %swap3A_352] {strides = array<i32>} : memref<64x1x128xi32, #tpu.memory_space<vmem>>, vector<16xi32>,
      tpu.vector_store %arg11[%swap3A_350, %swap3A_351, %swap3A_352], %bitcast3A_348 {strides = array<i32>} : memref<64x1x128xi32, #tpu.memory_space<vmem>>, vector<16xi32>,
      %get3A_354 = arith.constant 1 : i32
      %get3A_355 = arith.index_cast %scan3A_299 : i32 to index
      %get3A_356 = arith.index_cast %get3A_354 : i32 to index
      %get3A_357 = arith.constant 32 : index
      %get3A_358 = tpu.vector_load %arg8[%get3A_355, %get3A_356, %get3A_357] {strides = array<i32>} : memref<64x2x128xbf16, #tpu.memory_space<vmem>>, vector<32xbf16>,
      %bitcast3A_359 = vector.bitcast %get3A_358 : vector<32xbf16> to vector<16xi32>
      %swap3A_360 = arith.constant 0 : i32
      %swap3A_361 = arith.index_cast %scan3A_299 : i32 to index
      %swap3A_362 = arith.index_cast %swap3A_360 : i32 to index
      %swap3A_363 = arith.constant 80 : index
      %swap3A_364 = tpu.vector_load %arg11[%swap3A_361, %swap3A_362, %swap3A_363] {strides = array<i32>} : memref<64x1x128xi32, #tpu.memory_space<vmem>>, vector<16xi32>,
      tpu.vector_store %arg11[%swap3A_361, %swap3A_362, %swap3A_363], %bitcast3A_359 {strides = array<i32>} : memref<64x1x128xi32, #tpu.memory_space<vmem>>, vector<16xi32>,
      %get3A_365 = arith.constant 1 : i32
      %get3A_366 = arith.index_cast %scan3A_299 : i32 to index
      %get3A_367 = arith.index_cast %get3A_365 : i32 to index
      %get3A_368 = arith.constant 64 : index
      %get3A_369 = tpu.vector_load %arg8[%get3A_366, %get3A_367, %get3A_368] {strides = array<i32>} : memref<64x2x128xbf16, #tpu.memory_space<vmem>>, vector<32xbf16>,
      %bitcast3A_370 = vector.bitcast %get3A_369 : vector<32xbf16> to vector<16xi32>
      %swap3A_371 = arith.constant 0 : i32
      %swap3A_372 = arith.index_cast %scan3A_299 : i32 to index
      %swap3A_373 = arith.index_cast %swap3A_371 : i32 to index
      %swap3A_374 = arith.constant 96 : index
      %swap3A_375 = tpu.vector_load %arg11[%swap3A_372, %swap3A_373, %swap3A_374] {strides = array<i32>} : memref<64x1x128xi32, #tpu.memory_space<vmem>>, vector<16xi32>,
      tpu.vector_store %arg11[%swap3A_372, %swap3A_373, %swap3A_374], %bitcast3A_370 {strides = array<i32>} : memref<64x1x128xi32, #tpu.memory_space<vmem>>, vector<16xi32>,
      %get3A_376 = arith.constant 1 : i32
      %get3A_377 = arith.index_cast %scan3A_299 : i32 to index
      %get3A_378 = arith.index_cast %get3A_376 : i32 to index
      %get3A_379 = arith.constant 96 : index
      %get3A_380 = tpu.vector_load %arg8[%get3A_377, %get3A_378, %get3A_379] {strides = array<i32>} : memref<64x2x128xbf16, #tpu.memory_space<vmem>>, vector<32xbf16>,
      %bitcast3A_381 = vector.bitcast %get3A_380 : vector<32xbf16> to vector<16xi32>
      %swap3A_382 = arith.constant 0 : i32
      %swap3A_383 = arith.index_cast %scan3A_299 : i32 to index
      %swap3A_384 = arith.index_cast %swap3A_382 : i32 to index
      %swap3A_385 = arith.constant 112 : index
      %swap3A_386 = tpu.vector_load %arg11[%swap3A_383, %swap3A_384, %swap3A_385] {strides = array<i32>} : memref<64x1x128xi32, #tpu.memory_space<vmem>>, vector<16xi32>,
      tpu.vector_store %arg11[%swap3A_383, %swap3A_384, %swap3A_385], %bitcast3A_381 {strides = array<i32>} : memref<64x1x128xi32, #tpu.memory_space<vmem>>, vector<16xi32>,
      %scan3A_387 = arith.constant 0 : i32
      scf.yield %scan3A_387 : i32
    }
    %scan3A_252 = arith.constant 64 : i32
    %add3A_253 = arith.constant 320 : i32
    %add3A_254 = arith.addi %mul3A_108, %add3A_253 : i32
    "tpu.region"() ({
      %run_scoped3A_299 = tpu.sem_alloc : memref<!tpu.dma_semaphore, #tpu.memory_space<semaphore_mem>>
      %dma_start3A_300 = arith.constant 0 : i32
      %dma_start3A_301 = arith.constant 0 : i32
      %dma_start3A_302 = arith.constant 0 : i32
      %dma_start3A_303 = tpu.memref_slice %arg11[%dma_start3A_300, %dma_start3A_301, %dma_start3A_302] : memref<64x1x128xi32, #tpu.memory_space<vmem>> -> memref<64x1x128xi32, #tpu.memory_space<vmem>>
      %dma_start3A_304 = arith.constant 0 : i32
      %dma_start3A_305 = arith.constant 0 : i32
      %dma_start3A_306 = arith.constant 0 : i32
      %dma_start3A_307 = tpu.memref_slice %arg4[%arg0, %dma_start3A_304, %dma_start3A_305, %dma_start3A_306] : memref<2x10016x1x128xi32, #tpu.memory_space<hbm>> -> memref<1x10016x1x128xi32, #tpu.memory_space<hbm>>
      %dma_start3A_308 = tpu.memref_squeeze %dma_start3A_307 : memref<1x10016x1x128xi32, #tpu.memory_space<hbm>> -> memref<10016x1x128xi32, #tpu.memory_space<hbm>>
      %dma_start3A_309 = arith.constant 0 : i32
      %dma_start3A_310 = arith.constant 0 : i32
      %dma_start3A_311 = tpu.memref_slice %dma_start3A_308[%add3A_254, %dma_start3A_309, %dma_start3A_310] : memref<10016x1x128xi32, #tpu.memory_space<hbm>> -> memref<64x1x128xi32, #tpu.memory_space<hbm>>
      %dma_start3A_312 = arith.constant 0 : i32
      %dma_start3A_313 = arith.constant 0 : i32
      %dma_start3A_314 = arith.constant 0 : i32
      %dma_start3A_315 = tpu.memref_slice %arg4[%arg0, %dma_start3A_312, %dma_start3A_313, %dma_start3A_314] : memref<2x10016x1x128xi32, #tpu.memory_space<hbm>> -> memref<1x10016x1x128xi32, #tpu.memory_space<hbm>>
      %dma_start3A_316 = tpu.memref_squeeze %dma_start3A_315 : memref<1x10016x1x128xi32, #tpu.memory_space<hbm>> -> memref<10016x1x128xi32, #tpu.memory_space<hbm>>
      %dma_start3A_317 = arith.constant 0 : i32
      %dma_start3A_318 = arith.constant 0 : i32
      %dma_start3A_319 = tpu.memref_slice %dma_start3A_316[%add3A_254, %dma_start3A_317, %dma_start3A_318] : memref<10016x1x128xi32, #tpu.memory_space<hbm>> -> memref<64x1x128xi32, #tpu.memory_space<hbm>>
      %dma_start3A_320 = arith.constant 0 : i32
      %dma_start3A_321 = arith.constant 0 : i32
      %dma_start3A_322 = arith.constant 0 : i32
      %dma_start3A_323 = tpu.memref_slice %arg11[%dma_start3A_320, %dma_start3A_321, %dma_start3A_322] : memref<64x1x128xi32, #tpu.memory_space<vmem>> -> memref<64x1x128xi32, #tpu.memory_space<vmem>>
      tpu.enqueue_dma source(%dma_start3A_323 : memref<64x1x128xi32, #tpu.memory_space<vmem>>) target(%dma_start3A_319 : memref<64x1x128xi32, #tpu.memory_space<hbm>>) target_semaphore(%run_scoped3A_299 : memref<!tpu.dma_semaphore, #tpu.memory_space<semaphore_mem>>)
      %dma_wait3A_324 = arith.constant 0 : i32
      %dma_wait3A_325 = arith.constant 0 : i32
      %dma_wait3A_326 = arith.constant 0 : i32
      %dma_wait3A_327 = tpu.memref_slice %arg11[%dma_wait3A_324, %dma_wait3A_325, %dma_wait3A_326] : memref<64x1x128xi32, #tpu.memory_space<vmem>> -> memref<64x1x128xi32, #tpu.memory_space<vmem>>
      %dma_wait3A_328 = arith.constant 0 : i32
      %dma_wait3A_329 = arith.constant 0 : i32
      %dma_wait3A_330 = arith.constant 0 : i32
      %dma_wait3A_331 = tpu.memref_slice %arg4[%arg0, %dma_wait3A_328, %dma_wait3A_329, %dma_wait3A_330] : memref<2x10016x1x128xi32, #tpu.memory_space<hbm>> -> memref<1x10016x1x128xi32, #tpu.memory_space<hbm>>
      %dma_wait3A_332 = tpu.memref_squeeze %dma_wait3A_331 : memref<1x10016x1x128xi32, #tpu.memory_space<hbm>> -> memref<10016x1x128xi32, #tpu.memory_space<hbm>>
      %dma_wait3A_333 = arith.constant 0 : i32
      %dma_wait3A_334 = arith.constant 0 : i32
      %dma_wait3A_335 = tpu.memref_slice %dma_wait3A_332[%add3A_254, %dma_wait3A_333, %dma_wait3A_334] : memref<10016x1x128xi32, #tpu.memory_space<hbm>> -> memref<64x1x128xi32, #tpu.memory_space<hbm>>
      %dma_wait3A_336 = arith.constant 0 : i32
      %dma_wait3A_337 = arith.constant 0 : i32
      %dma_wait3A_338 = arith.constant 0 : i32
      %dma_wait3A_339 = tpu.memref_slice %arg4[%arg0, %dma_wait3A_336, %dma_wait3A_337, %dma_wait3A_338] : memref<2x10016x1x128xi32, #tpu.memory_space<hbm>> -> memref<1x10016x1x128xi32, #tpu.memory_space<hbm>>
      %dma_wait3A_340 = tpu.memref_squeeze %dma_wait3A_339 : memref<1x10016x1x128xi32, #tpu.memory_space<hbm>> -> memref<10016x1x128xi32, #tpu.memory_space<hbm>>
      %dma_wait3A_341 = arith.constant 0 : i32
      %dma_wait3A_342 = arith.constant 0 : i32
      %dma_wait3A_343 = tpu.memref_slice %dma_wait3A_340[%add3A_254, %dma_wait3A_341, %dma_wait3A_342] : memref<10016x1x128xi32, #tpu.memory_space<hbm>> -> memref<64x1x128xi32, #tpu.memory_space<hbm>>
      %dma_wait3A_344 = arith.constant 0 : i32
      %dma_wait3A_345 = arith.constant 0 : i32
      %dma_wait3A_346 = arith.constant 0 : i32
      %dma_wait3A_347 = tpu.memref_slice %arg11[%dma_wait3A_344, %dma_wait3A_345, %dma_wait3A_346] : memref<64x1x128xi32, #tpu.memory_space<vmem>> -> memref<64x1x128xi32, #tpu.memory_space<vmem>>
      tpu.wait_dma2 semaphore(%run_scoped3A_299 : memref<!tpu.dma_semaphore, #tpu.memory_space<semaphore_mem>>) src(%dma_wait3A_347 : memref<64x1x128xi32, #tpu.memory_space<vmem>>) dst(%dma_wait3A_343 : memref<64x1x128xi32, #tpu.memory_space<hbm>>)
      tpu.yield
    }) : () -> ()
    %add3A_255 = arith.constant 384 : i32
    %add3A_256 = arith.addi %mul3A_108, %add3A_255 : i32
    "tpu.region"() ({
      %run_scoped3A_299 = tpu.sem_alloc : memref<!tpu.dma_semaphore, #tpu.memory_space<semaphore_mem>>
      %dma_start3A_300 = arith.constant 0 : i32
      %dma_start3A_301 = arith.constant 0 : i32
      %dma_start3A_302 = arith.constant 0 : i32
      %dma_start3A_303 = tpu.memref_slice %arg8[%dma_start3A_300, %dma_start3A_301, %dma_start3A_302] : memref<64x2x128xbf16, #tpu.memory_space<vmem>> -> memref<64x2x128xbf16, #tpu.memory_space<vmem>>
      %dma_start3A_304 = arith.constant 0 : i32
      %dma_start3A_305 = arith.constant 0 : i32
      %dma_start3A_306 = tpu.memref_slice %arg5[%add3A_256, %dma_start3A_304, %dma_start3A_305] : memref<10016x2x128xbf16, #tpu.memory_space<vmem_shared>> -> memref<64x2x128xbf16, #tpu.memory_space<vmem_shared>>
      %dma_start3A_307 = arith.constant 0 : i32
      %dma_start3A_308 = arith.constant 0 : i32
      %dma_start3A_309 = arith.constant 0 : i32
      %dma_start3A_310 = tpu.memref_slice %arg8[%dma_start3A_307, %dma_start3A_308, %dma_start3A_309] : memref<64x2x128xbf16, #tpu.memory_space<vmem>> -> memref<64x2x128xbf16, #tpu.memory_space<vmem>>
      %dma_start3A_311 = arith.constant 0 : i32
      %dma_start3A_312 = arith.constant 0 : i32
      %dma_start3A_313 = tpu.memref_slice %arg5[%add3A_256, %dma_start3A_311, %dma_start3A_312] : memref<10016x2x128xbf16, #tpu.memory_space<vmem_shared>> -> memref<64x2x128xbf16, #tpu.memory_space<vmem_shared>>
      tpu.enqueue_dma source(%dma_start3A_313 : memref<64x2x128xbf16, #tpu.memory_space<vmem_shared>>) target(%dma_start3A_310 : memref<64x2x128xbf16, #tpu.memory_space<vmem>>) target_semaphore(%run_scoped3A_299 : memref<!tpu.dma_semaphore, #tpu.memory_space<semaphore_mem>>)
      %dma_wait3A_314 = arith.constant 0 : i32
      %dma_wait3A_315 = arith.constant 0 : i32
      %dma_wait3A_316 = arith.constant 0 : i32
      %dma_wait3A_317 = tpu.memref_slice %arg8[%dma_wait3A_314, %dma_wait3A_315, %dma_wait3A_316] : memref<64x2x128xbf16, #tpu.memory_space<vmem>> -> memref<64x2x128xbf16, #tpu.memory_space<vmem>>
      %dma_wait3A_318 = arith.constant 0 : i32
      %dma_wait3A_319 = arith.constant 0 : i32
      %dma_wait3A_320 = tpu.memref_slice %arg5[%add3A_256, %dma_wait3A_318, %dma_wait3A_319] : memref<10016x2x128xbf16, #tpu.memory_space<vmem_shared>> -> memref<64x2x128xbf16, #tpu.memory_space<vmem_shared>>
      %dma_wait3A_321 = arith.constant 0 : i32
      %dma_wait3A_322 = arith.constant 0 : i32
      %dma_wait3A_323 = arith.constant 0 : i32
      %dma_wait3A_324 = tpu.memref_slice %arg8[%dma_wait3A_321, %dma_wait3A_322, %dma_wait3A_323] : memref<64x2x128xbf16, #tpu.memory_space<vmem>> -> memref<64x2x128xbf16, #tpu.memory_space<vmem>>
      %dma_wait3A_325 = arith.constant 0 : i32
      %dma_wait3A_326 = arith.constant 0 : i32
      %dma_wait3A_327 = tpu.memref_slice %arg5[%add3A_256, %dma_wait3A_325, %dma_wait3A_326] : memref<10016x2x128xbf16, #tpu.memory_space<vmem_shared>> -> memref<64x2x128xbf16, #tpu.memory_space<vmem_shared>>
      tpu.wait_dma2 semaphore(%run_scoped3A_299 : memref<!tpu.dma_semaphore, #tpu.memory_space<semaphore_mem>>) src(%dma_wait3A_327 : memref<64x2x128xbf16, #tpu.memory_space<vmem_shared>>) dst(%dma_wait3A_324 : memref<64x2x128xbf16, #tpu.memory_space<vmem>>)
      tpu.yield
    }) : () -> ()
    %scan3A_257 = arith.constant 0 : i32
    %scan3A_258 = arith.constant 0 : i32
    %scan3A_259 = arith.constant 64 : i32
    %scan3A_260 = arith.addi %scan3A_258, %scan3A_259 : i32
    %scan3A_261 = arith.constant 1 : i32
    %scan3A_262 = scf.for %scan3A_299 = %scan3A_258 to %scan3A_260 step %scan3A_261 iter_args(%scan3A_300 = %scan3A_257) -> (i32)  : i32 {
      %get3A = arith.constant 0 : i32
      %get3A_301 = arith.index_cast %scan3A_299 : i32 to index
      %get3A_302 = arith.index_cast %get3A : i32 to index
      %get3A_303 = arith.constant 0 : index
      %get3A_304 = tpu.vector_load %arg8[%get3A_301, %get3A_302, %get3A_303] {strides = array<i32>} : memref<64x2x128xbf16, #tpu.memory_space<vmem>>, vector<32xbf16>,
      %bitcast3A = vector.bitcast %get3A_304 : vector<32xbf16> to vector<16xi32>
      %swap3A_305 = arith.constant 0 : i32
      %swap3A_306 = arith.index_cast %scan3A_299 : i32 to index
      %swap3A_307 = arith.index_cast %swap3A_305 : i32 to index
      %swap3A_308 = arith.constant 0 : index
      %swap3A_309 = tpu.vector_load %arg11[%swap3A_306, %swap3A_307, %swap3A_308] {strides = array<i32>} : memref<64x1x128xi32, #tpu.memory_space<vmem>>, vector<16xi32>,
      tpu.vector_store %arg11[%swap3A_306, %swap3A_307, %swap3A_308], %bitcast3A {strides = array<i32>} : memref<64x1x128xi32, #tpu.memory_space<vmem>>, vector<16xi32>,
      %get3A_310 = arith.constant 0 : i32
      %get3A_311 = arith.index_cast %scan3A_299 : i32 to index
      %get3A_312 = arith.index_cast %get3A_310 : i32 to index
      %get3A_313 = arith.constant 32 : index
      %get3A_314 = tpu.vector_load %arg8[%get3A_311, %get3A_312, %get3A_313] {strides = array<i32>} : memref<64x2x128xbf16, #tpu.memory_space<vmem>>, vector<32xbf16>,
      %bitcast3A_315 = vector.bitcast %get3A_314 : vector<32xbf16> to vector<16xi32>
      %swap3A_316 = arith.constant 0 : i32
      %swap3A_317 = arith.index_cast %scan3A_299 : i32 to index
      %swap3A_318 = arith.index_cast %swap3A_316 : i32 to index
      %swap3A_319 = arith.constant 16 : index
      %swap3A_320 = tpu.vector_load %arg11[%swap3A_317, %swap3A_318, %swap3A_319] {strides = array<i32>} : memref<64x1x128xi32, #tpu.memory_space<vmem>>, vector<16xi32>,
      tpu.vector_store %arg11[%swap3A_317, %swap3A_318, %swap3A_319], %bitcast3A_315 {strides = array<i32>} : memref<64x1x128xi32, #tpu.memory_space<vmem>>, vector<16xi32>,
      %get3A_321 = arith.constant 0 : i32
      %get3A_322 = arith.index_cast %scan3A_299 : i32 to index
      %get3A_323 = arith.index_cast %get3A_321 : i32 to index
      %get3A_324 = arith.constant 64 : index
      %get3A_325 = tpu.vector_load %arg8[%get3A_322, %get3A_323, %get3A_324] {strides = array<i32>} : memref<64x2x128xbf16, #tpu.memory_space<vmem>>, vector<32xbf16>,
      %bitcast3A_326 = vector.bitcast %get3A_325 : vector<32xbf16> to vector<16xi32>
      %swap3A_327 = arith.constant 0 : i32
      %swap3A_328 = arith.index_cast %scan3A_299 : i32 to index
      %swap3A_329 = arith.index_cast %swap3A_327 : i32 to index
      %swap3A_330 = arith.constant 32 : index
      %swap3A_331 = tpu.vector_load %arg11[%swap3A_328, %swap3A_329, %swap3A_330] {strides = array<i32>} : memref<64x1x128xi32, #tpu.memory_space<vmem>>, vector<16xi32>,
      tpu.vector_store %arg11[%swap3A_328, %swap3A_329, %swap3A_330], %bitcast3A_326 {strides = array<i32>} : memref<64x1x128xi32, #tpu.memory_space<vmem>>, vector<16xi32>,
      %get3A_332 = arith.constant 0 : i32
      %get3A_333 = arith.index_cast %scan3A_299 : i32 to index
      %get3A_334 = arith.index_cast %get3A_332 : i32 to index
      %get3A_335 = arith.constant 96 : index
      %get3A_336 = tpu.vector_load %arg8[%get3A_333, %get3A_334, %get3A_335] {strides = array<i32>} : memref<64x2x128xbf16, #tpu.memory_space<vmem>>, vector<32xbf16>,
      %bitcast3A_337 = vector.bitcast %get3A_336 : vector<32xbf16> to vector<16xi32>
      %swap3A_338 = arith.constant 0 : i32
      %swap3A_339 = arith.index_cast %scan3A_299 : i32 to index
      %swap3A_340 = arith.index_cast %swap3A_338 : i32 to index
      %swap3A_341 = arith.constant 48 : index
      %swap3A_342 = tpu.vector_load %arg11[%swap3A_339, %swap3A_340, %swap3A_341] {strides = array<i32>} : memref<64x1x128xi32, #tpu.memory_space<vmem>>, vector<16xi32>,
      tpu.vector_store %arg11[%swap3A_339, %swap3A_340, %swap3A_341], %bitcast3A_337 {strides = array<i32>} : memref<64x1x128xi32, #tpu.memory_space<vmem>>, vector<16xi32>,
      %get3A_343 = arith.constant 1 : i32
      %get3A_344 = arith.index_cast %scan3A_299 : i32 to index
      %get3A_345 = arith.index_cast %get3A_343 : i32 to index
      %get3A_346 = arith.constant 0 : index
      %get3A_347 = tpu.vector_load %arg8[%get3A_344, %get3A_345, %get3A_346] {strides = array<i32>} : memref<64x2x128xbf16, #tpu.memory_space<vmem>>, vector<32xbf16>,
      %bitcast3A_348 = vector.bitcast %get3A_347 : vector<32xbf16> to vector<16xi32>
      %swap3A_349 = arith.constant 0 : i32
      %swap3A_350 = arith.index_cast %scan3A_299 : i32 to index
      %swap3A_351 = arith.index_cast %swap3A_349 : i32 to index
      %swap3A_352 = arith.constant 64 : index
      %swap3A_353 = tpu.vector_load %arg11[%swap3A_350, %swap3A_351, %swap3A_352] {strides = array<i32>} : memref<64x1x128xi32, #tpu.memory_space<vmem>>, vector<16xi32>,
      tpu.vector_store %arg11[%swap3A_350, %swap3A_351, %swap3A_352], %bitcast3A_348 {strides = array<i32>} : memref<64x1x128xi32, #tpu.memory_space<vmem>>, vector<16xi32>,
      %get3A_354 = arith.constant 1 : i32
      %get3A_355 = arith.index_cast %scan3A_299 : i32 to index
      %get3A_356 = arith.index_cast %get3A_354 : i32 to index
      %get3A_357 = arith.constant 32 : index
      %get3A_358 = tpu.vector_load %arg8[%get3A_355, %get3A_356, %get3A_357] {strides = array<i32>} : memref<64x2x128xbf16, #tpu.memory_space<vmem>>, vector<32xbf16>,
      %bitcast3A_359 = vector.bitcast %get3A_358 : vector<32xbf16> to vector<16xi32>
      %swap3A_360 = arith.constant 0 : i32
      %swap3A_361 = arith.index_cast %scan3A_299 : i32 to index
      %swap3A_362 = arith.index_cast %swap3A_360 : i32 to index
      %swap3A_363 = arith.constant 80 : index
      %swap3A_364 = tpu.vector_load %arg11[%swap3A_361, %swap3A_362, %swap3A_363] {strides = array<i32>} : memref<64x1x128xi32, #tpu.memory_space<vmem>>, vector<16xi32>,
      tpu.vector_store %arg11[%swap3A_361, %swap3A_362, %swap3A_363], %bitcast3A_359 {strides = array<i32>} : memref<64x1x128xi32, #tpu.memory_space<vmem>>, vector<16xi32>,
      %get3A_365 = arith.constant 1 : i32
      %get3A_366 = arith.index_cast %scan3A_299 : i32 to index
      %get3A_367 = arith.index_cast %get3A_365 : i32 to index
      %get3A_368 = arith.constant 64 : index
      %get3A_369 = tpu.vector_load %arg8[%get3A_366, %get3A_367, %get3A_368] {strides = array<i32>} : memref<64x2x128xbf16, #tpu.memory_space<vmem>>, vector<32xbf16>,
      %bitcast3A_370 = vector.bitcast %get3A_369 : vector<32xbf16> to vector<16xi32>
      %swap3A_371 = arith.constant 0 : i32
      %swap3A_372 = arith.index_cast %scan3A_299 : i32 to index
      %swap3A_373 = arith.index_cast %swap3A_371 : i32 to index
      %swap3A_374 = arith.constant 96 : index
      %swap3A_375 = tpu.vector_load %arg11[%swap3A_372, %swap3A_373, %swap3A_374] {strides = array<i32>} : memref<64x1x128xi32, #tpu.memory_space<vmem>>, vector<16xi32>,
      tpu.vector_store %arg11[%swap3A_372, %swap3A_373, %swap3A_374], %bitcast3A_370 {strides = array<i32>} : memref<64x1x128xi32, #tpu.memory_space<vmem>>, vector<16xi32>,
      %get3A_376 = arith.constant 1 : i32
      %get3A_377 = arith.index_cast %scan3A_299 : i32 to index
      %get3A_378 = arith.index_cast %get3A_376 : i32 to index
      %get3A_379 = arith.constant 96 : index
      %get3A_380 = tpu.vector_load %arg8[%get3A_377, %get3A_378, %get3A_379] {strides = array<i32>} : memref<64x2x128xbf16, #tpu.memory_space<vmem>>, vector<32xbf16>,
      %bitcast3A_381 = vector.bitcast %get3A_380 : vector<32xbf16> to vector<16xi32>
      %swap3A_382 = arith.constant 0 : i32
      %swap3A_383 = arith.index_cast %scan3A_299 : i32 to index
      %swap3A_384 = arith.index_cast %swap3A_382 : i32 to index
      %swap3A_385 = arith.constant 112 : index
      %swap3A_386 = tpu.vector_load %arg11[%swap3A_383, %swap3A_384, %swap3A_385] {strides = array<i32>} : memref<64x1x128xi32, #tpu.memory_space<vmem>>, vector<16xi32>,
      tpu.vector_store %arg11[%swap3A_383, %swap3A_384, %swap3A_385], %bitcast3A_381 {strides = array<i32>} : memref<64x1x128xi32, #tpu.memory_space<vmem>>, vector<16xi32>,
      %scan3A_387 = arith.constant 0 : i32
      scf.yield %scan3A_387 : i32
    }
    %scan3A_263 = arith.constant 64 : i32
    %add3A_264 = arith.constant 384 : i32
    %add3A_265 = arith.addi %mul3A_108, %add3A_264 : i32
    "tpu.region"() ({
      %run_scoped3A_299 = tpu.sem_alloc : memref<!tpu.dma_semaphore, #tpu.memory_space<semaphore_mem>>
      %dma_start3A_300 = arith.constant 0 : i32
      %dma_start3A_301 = arith.constant 0 : i32
      %dma_start3A_302 = arith.constant 0 : i32
      %dma_start3A_303 = tpu.memref_slice %arg11[%dma_start3A_300, %dma_start3A_301, %dma_start3A_302] : memref<64x1x128xi32, #tpu.memory_space<vmem>> -> memref<64x1x128xi32, #tpu.memory_space<vmem>>
      %dma_start3A_304 = arith.constant 0 : i32
      %dma_start3A_305 = arith.constant 0 : i32
      %dma_start3A_306 = arith.constant 0 : i32
      %dma_start3A_307 = tpu.memref_slice %arg4[%arg0, %dma_start3A_304, %dma_start3A_305, %dma_start3A_306] : memref<2x10016x1x128xi32, #tpu.memory_space<hbm>> -> memref<1x10016x1x128xi32, #tpu.memory_space<hbm>>
      %dma_start3A_308 = tpu.memref_squeeze %dma_start3A_307 : memref<1x10016x1x128xi32, #tpu.memory_space<hbm>> -> memref<10016x1x128xi32, #tpu.memory_space<hbm>>
      %dma_start3A_309 = arith.constant 0 : i32
      %dma_start3A_310 = arith.constant 0 : i32
      %dma_start3A_311 = tpu.memref_slice %dma_start3A_308[%add3A_265, %dma_start3A_309, %dma_start3A_310] : memref<10016x1x128xi32, #tpu.memory_space<hbm>> -> memref<64x1x128xi32, #tpu.memory_space<hbm>>
      %dma_start3A_312 = arith.constant 0 : i32
      %dma_start3A_313 = arith.constant 0 : i32
      %dma_start3A_314 = arith.constant 0 : i32
      %dma_start3A_315 = tpu.memref_slice %arg4[%arg0, %dma_start3A_312, %dma_start3A_313, %dma_start3A_314] : memref<2x10016x1x128xi32, #tpu.memory_space<hbm>> -> memref<1x10016x1x128xi32, #tpu.memory_space<hbm>>
      %dma_start3A_316 = tpu.memref_squeeze %dma_start3A_315 : memref<1x10016x1x128xi32, #tpu.memory_space<hbm>> -> memref<10016x1x128xi32, #tpu.memory_space<hbm>>
      %dma_start3A_317 = arith.constant 0 : i32
      %dma_start3A_318 = arith.constant 0 : i32
      %dma_start3A_319 = tpu.memref_slice %dma_start3A_316[%add3A_265, %dma_start3A_317, %dma_start3A_318] : memref<10016x1x128xi32, #tpu.memory_space<hbm>> -> memref<64x1x128xi32, #tpu.memory_space<hbm>>
      %dma_start3A_320 = arith.constant 0 : i32
      %dma_start3A_321 = arith.constant 0 : i32
      %dma_start3A_322 = arith.constant 0 : i32
      %dma_start3A_323 = tpu.memref_slice %arg11[%dma_start3A_320, %dma_start3A_321, %dma_start3A_322] : memref<64x1x128xi32, #tpu.memory_space<vmem>> -> memref<64x1x128xi32, #tpu.memory_space<vmem>>
      tpu.enqueue_dma source(%dma_start3A_323 : memref<64x1x128xi32, #tpu.memory_space<vmem>>) target(%dma_start3A_319 : memref<64x1x128xi32, #tpu.memory_space<hbm>>) target_semaphore(%run_scoped3A_299 : memref<!tpu.dma_semaphore, #tpu.memory_space<semaphore_mem>>)
      %dma_wait3A_324 = arith.constant 0 : i32
      %dma_wait3A_325 = arith.constant 0 : i32
      %dma_wait3A_326 = arith.constant 0 : i32
      %dma_wait3A_327 = tpu.memref_slice %arg11[%dma_wait3A_324, %dma_wait3A_325, %dma_wait3A_326] : memref<64x1x128xi32, #tpu.memory_space<vmem>> -> memref<64x1x128xi32, #tpu.memory_space<vmem>>
      %dma_wait3A_328 = arith.constant 0 : i32
      %dma_wait3A_329 = arith.constant 0 : i32
      %dma_wait3A_330 = arith.constant 0 : i32
      %dma_wait3A_331 = tpu.memref_slice %arg4[%arg0, %dma_wait3A_328, %dma_wait3A_329, %dma_wait3A_330] : memref<2x10016x1x128xi32, #tpu.memory_space<hbm>> -> memref<1x10016x1x128xi32, #tpu.memory_space<hbm>>
      %dma_wait3A_332 = tpu.memref_squeeze %dma_wait3A_331 : memref<1x10016x1x128xi32, #tpu.memory_space<hbm>> -> memref<10016x1x128xi32, #tpu.memory_space<hbm>>
      %dma_wait3A_333 = arith.constant 0 : i32
      %dma_wait3A_334 = arith.constant 0 : i32
      %dma_wait3A_335 = tpu.memref_slice %dma_wait3A_332[%add3A_265, %dma_wait3A_333, %dma_wait3A_334] : memref<10016x1x128xi32, #tpu.memory_space<hbm>> -> memref<64x1x128xi32, #tpu.memory_space<hbm>>
      %dma_wait3A_336 = arith.constant 0 : i32
      %dma_wait3A_337 = arith.constant 0 : i32
      %dma_wait3A_338 = arith.constant 0 : i32
      %dma_wait3A_339 = tpu.memref_slice %arg4[%arg0, %dma_wait3A_336, %dma_wait3A_337, %dma_wait3A_338] : memref<2x10016x1x128xi32, #tpu.memory_space<hbm>> -> memref<1x10016x1x128xi32, #tpu.memory_space<hbm>>
      %dma_wait3A_340 = tpu.memref_squeeze %dma_wait3A_339 : memref<1x10016x1x128xi32, #tpu.memory_space<hbm>> -> memref<10016x1x128xi32, #tpu.memory_space<hbm>>
      %dma_wait3A_341 = arith.constant 0 : i32
      %dma_wait3A_342 = arith.constant 0 : i32
      %dma_wait3A_343 = tpu.memref_slice %dma_wait3A_340[%add3A_265, %dma_wait3A_341, %dma_wait3A_342] : memref<10016x1x128xi32, #tpu.memory_space<hbm>> -> memref<64x1x128xi32, #tpu.memory_space<hbm>>
      %dma_wait3A_344 = arith.constant 0 : i32
      %dma_wait3A_345 = arith.constant 0 : i32
      %dma_wait3A_346 = arith.constant 0 : i32
      %dma_wait3A_347 = tpu.memref_slice %arg11[%dma_wait3A_344, %dma_wait3A_345, %dma_wait3A_346] : memref<64x1x128xi32, #tpu.memory_space<vmem>> -> memref<64x1x128xi32, #tpu.memory_space<vmem>>
      tpu.wait_dma2 semaphore(%run_scoped3A_299 : memref<!tpu.dma_semaphore, #tpu.memory_space<semaphore_mem>>) src(%dma_wait3A_347 : memref<64x1x128xi32, #tpu.memory_space<vmem>>) dst(%dma_wait3A_343 : memref<64x1x128xi32, #tpu.memory_space<hbm>>)
      tpu.yield
    }) : () -> ()
    %add3A_266 = arith.constant 448 : i32
    %add3A_267 = arith.addi %mul3A_108, %add3A_266 : i32
    "tpu.region"() ({
      %run_scoped3A_299 = tpu.sem_alloc : memref<!tpu.dma_semaphore, #tpu.memory_space<semaphore_mem>>
      %dma_start3A_300 = arith.constant 0 : i32
      %dma_start3A_301 = arith.constant 0 : i32
      %dma_start3A_302 = arith.constant 0 : i32
      %dma_start3A_303 = tpu.memref_slice %arg8[%dma_start3A_300, %dma_start3A_301, %dma_start3A_302] : memref<64x2x128xbf16, #tpu.memory_space<vmem>> -> memref<64x2x128xbf16, #tpu.memory_space<vmem>>
      %dma_start3A_304 = arith.constant 0 : i32
      %dma_start3A_305 = arith.constant 0 : i32
      %dma_start3A_306 = tpu.memref_slice %arg5[%add3A_267, %dma_start3A_304, %dma_start3A_305] : memref<10016x2x128xbf16, #tpu.memory_space<vmem_shared>> -> memref<64x2x128xbf16, #tpu.memory_space<vmem_shared>>
      %dma_start3A_307 = arith.constant 0 : i32
      %dma_start3A_308 = arith.constant 0 : i32
      %dma_start3A_309 = arith.constant 0 : i32
      %dma_start3A_310 = tpu.memref_slice %arg8[%dma_start3A_307, %dma_start3A_308, %dma_start3A_309] : memref<64x2x128xbf16, #tpu.memory_space<vmem>> -> memref<64x2x128xbf16, #tpu.memory_space<vmem>>
      %dma_start3A_311 = arith.constant 0 : i32
      %dma_start3A_312 = arith.constant 0 : i32
      %dma_start3A_313 = tpu.memref_slice %arg5[%add3A_267, %dma_start3A_311, %dma_start3A_312] : memref<10016x2x128xbf16, #tpu.memory_space<vmem_shared>> -> memref<64x2x128xbf16, #tpu.memory_space<vmem_shared>>
      tpu.enqueue_dma source(%dma_start3A_313 : memref<64x2x128xbf16, #tpu.memory_space<vmem_shared>>) target(%dma_start3A_310 : memref<64x2x128xbf16, #tpu.memory_space<vmem>>) target_semaphore(%run_scoped3A_299 : memref<!tpu.dma_semaphore, #tpu.memory_space<semaphore_mem>>)
      %dma_wait3A_314 = arith.constant 0 : i32
      %dma_wait3A_315 = arith.constant 0 : i32
      %dma_wait3A_316 = arith.constant 0 : i32
      %dma_wait3A_317 = tpu.memref_slice %arg8[%dma_wait3A_314, %dma_wait3A_315, %dma_wait3A_316] : memref<64x2x128xbf16, #tpu.memory_space<vmem>> -> memref<64x2x128xbf16, #tpu.memory_space<vmem>>
      %dma_wait3A_318 = arith.constant 0 : i32
      %dma_wait3A_319 = arith.constant 0 : i32
      %dma_wait3A_320 = tpu.memref_slice %arg5[%add3A_267, %dma_wait3A_318, %dma_wait3A_319] : memref<10016x2x128xbf16, #tpu.memory_space<vmem_shared>> -> memref<64x2x128xbf16, #tpu.memory_space<vmem_shared>>
      %dma_wait3A_321 = arith.constant 0 : i32
      %dma_wait3A_322 = arith.constant 0 : i32
      %dma_wait3A_323 = arith.constant 0 : i32
      %dma_wait3A_324 = tpu.memref_slice %arg8[%dma_wait3A_321, %dma_wait3A_322, %dma_wait3A_323] : memref<64x2x128xbf16, #tpu.memory_space<vmem>> -> memref<64x2x128xbf16, #tpu.memory_space<vmem>>
      %dma_wait3A_325 = arith.constant 0 : i32
      %dma_wait3A_326 = arith.constant 0 : i32
      %dma_wait3A_327 = tpu.memref_slice %arg5[%add3A_267, %dma_wait3A_325, %dma_wait3A_326] : memref<10016x2x128xbf16, #tpu.memory_space<vmem_shared>> -> memref<64x2x128xbf16, #tpu.memory_space<vmem_shared>>
      tpu.wait_dma2 semaphore(%run_scoped3A_299 : memref<!tpu.dma_semaphore, #tpu.memory_space<semaphore_mem>>) src(%dma_wait3A_327 : memref<64x2x128xbf16, #tpu.memory_space<vmem_shared>>) dst(%dma_wait3A_324 : memref<64x2x128xbf16, #tpu.memory_space<vmem>>)
      tpu.yield
    }) : () -> ()
    %scan3A_268 = arith.constant 0 : i32
    %scan3A_269 = arith.constant 0 : i32
    %scan3A_270 = arith.constant 64 : i32
    %scan3A_271 = arith.addi %scan3A_269, %scan3A_270 : i32
    %scan3A_272 = arith.constant 1 : i32
    %scan3A_273 = scf.for %scan3A_299 = %scan3A_269 to %scan3A_271 step %scan3A_272 iter_args(%scan3A_300 = %scan3A_268) -> (i32)  : i32 {
      %get3A = arith.constant 0 : i32
      %get3A_301 = arith.index_cast %scan3A_299 : i32 to index
      %get3A_302 = arith.index_cast %get3A : i32 to index
      %get3A_303 = arith.constant 0 : index
      %get3A_304 = tpu.vector_load %arg8[%get3A_301, %get3A_302, %get3A_303] {strides = array<i32>} : memref<64x2x128xbf16, #tpu.memory_space<vmem>>, vector<32xbf16>,
      %bitcast3A = vector.bitcast %get3A_304 : vector<32xbf16> to vector<16xi32>
      %swap3A_305 = arith.constant 0 : i32
      %swap3A_306 = arith.index_cast %scan3A_299 : i32 to index
      %swap3A_307 = arith.index_cast %swap3A_305 : i32 to index
      %swap3A_308 = arith.constant 0 : index
      %swap3A_309 = tpu.vector_load %arg11[%swap3A_306, %swap3A_307, %swap3A_308] {strides = array<i32>} : memref<64x1x128xi32, #tpu.memory_space<vmem>>, vector<16xi32>,
      tpu.vector_store %arg11[%swap3A_306, %swap3A_307, %swap3A_308], %bitcast3A {strides = array<i32>} : memref<64x1x128xi32, #tpu.memory_space<vmem>>, vector<16xi32>,
      %get3A_310 = arith.constant 0 : i32
      %get3A_311 = arith.index_cast %scan3A_299 : i32 to index
      %get3A_312 = arith.index_cast %get3A_310 : i32 to index
      %get3A_313 = arith.constant 32 : index
      %get3A_314 = tpu.vector_load %arg8[%get3A_311, %get3A_312, %get3A_313] {strides = array<i32>} : memref<64x2x128xbf16, #tpu.memory_space<vmem>>, vector<32xbf16>,
      %bitcast3A_315 = vector.bitcast %get3A_314 : vector<32xbf16> to vector<16xi32>
      %swap3A_316 = arith.constant 0 : i32
      %swap3A_317 = arith.index_cast %scan3A_299 : i32 to index
      %swap3A_318 = arith.index_cast %swap3A_316 : i32 to index
      %swap3A_319 = arith.constant 16 : index
      %swap3A_320 = tpu.vector_load %arg11[%swap3A_317, %swap3A_318, %swap3A_319] {strides = array<i32>} : memref<64x1x128xi32, #tpu.memory_space<vmem>>, vector<16xi32>,
      tpu.vector_store %arg11[%swap3A_317, %swap3A_318, %swap3A_319], %bitcast3A_315 {strides = array<i32>} : memref<64x1x128xi32, #tpu.memory_space<vmem>>, vector<16xi32>,
      %get3A_321 = arith.constant 0 : i32
      %get3A_322 = arith.index_cast %scan3A_299 : i32 to index
      %get3A_323 = arith.index_cast %get3A_321 : i32 to index
      %get3A_324 = arith.constant 64 : index
      %get3A_325 = tpu.vector_load %arg8[%get3A_322, %get3A_323, %get3A_324] {strides = array<i32>} : memref<64x2x128xbf16, #tpu.memory_space<vmem>>, vector<32xbf16>,
      %bitcast3A_326 = vector.bitcast %get3A_325 : vector<32xbf16> to vector<16xi32>
      %swap3A_327 = arith.constant 0 : i32
      %swap3A_328 = arith.index_cast %scan3A_299 : i32 to index
      %swap3A_329 = arith.index_cast %swap3A_327 : i32 to index
      %swap3A_330 = arith.constant 32 : index
      %swap3A_331 = tpu.vector_load %arg11[%swap3A_328, %swap3A_329, %swap3A_330] {strides = array<i32>} : memref<64x1x128xi32, #tpu.memory_space<vmem>>, vector<16xi32>,
      tpu.vector_store %arg11[%swap3A_328, %swap3A_329, %swap3A_330], %bitcast3A_326 {strides = array<i32>} : memref<64x1x128xi32, #tpu.memory_space<vmem>>, vector<16xi32>,
      %get3A_332 = arith.constant 0 : i32
      %get3A_333 = arith.index_cast %scan3A_299 : i32 to index
      %get3A_334 = arith.index_cast %get3A_332 : i32 to index
      %get3A_335 = arith.constant 96 : index
      %get3A_336 = tpu.vector_load %arg8[%get3A_333, %get3A_334, %get3A_335] {strides = array<i32>} : memref<64x2x128xbf16, #tpu.memory_space<vmem>>, vector<32xbf16>,
      %bitcast3A_337 = vector.bitcast %get3A_336 : vector<32xbf16> to vector<16xi32>
      %swap3A_338 = arith.constant 0 : i32
      %swap3A_339 = arith.index_cast %scan3A_299 : i32 to index
      %swap3A_340 = arith.index_cast %swap3A_338 : i32 to index
      %swap3A_341 = arith.constant 48 : index
      %swap3A_342 = tpu.vector_load %arg11[%swap3A_339, %swap3A_340, %swap3A_341] {strides = array<i32>} : memref<64x1x128xi32, #tpu.memory_space<vmem>>, vector<16xi32>,
      tpu.vector_store %arg11[%swap3A_339, %swap3A_340, %swap3A_341], %bitcast3A_337 {strides = array<i32>} : memref<64x1x128xi32, #tpu.memory_space<vmem>>, vector<16xi32>,
      %get3A_343 = arith.constant 1 : i32
      %get3A_344 = arith.index_cast %scan3A_299 : i32 to index
      %get3A_345 = arith.index_cast %get3A_343 : i32 to index
      %get3A_346 = arith.constant 0 : index
      %get3A_347 = tpu.vector_load %arg8[%get3A_344, %get3A_345, %get3A_346] {strides = array<i32>} : memref<64x2x128xbf16, #tpu.memory_space<vmem>>, vector<32xbf16>,
      %bitcast3A_348 = vector.bitcast %get3A_347 : vector<32xbf16> to vector<16xi32>
      %swap3A_349 = arith.constant 0 : i32
      %swap3A_350 = arith.index_cast %scan3A_299 : i32 to index
      %swap3A_351 = arith.index_cast %swap3A_349 : i32 to index
      %swap3A_352 = arith.constant 64 : index
      %swap3A_353 = tpu.vector_load %arg11[%swap3A_350, %swap3A_351, %swap3A_352] {strides = array<i32>} : memref<64x1x128xi32, #tpu.memory_space<vmem>>, vector<16xi32>,
      tpu.vector_store %arg11[%swap3A_350, %swap3A_351, %swap3A_352], %bitcast3A_348 {strides = array<i32>} : memref<64x1x128xi32, #tpu.memory_space<vmem>>, vector<16xi32>,
      %get3A_354 = arith.constant 1 : i32
      %get3A_355 = arith.index_cast %scan3A_299 : i32 to index
      %get3A_356 = arith.index_cast %get3A_354 : i32 to index
      %get3A_357 = arith.constant 32 : index
      %get3A_358 = tpu.vector_load %arg8[%get3A_355, %get3A_356, %get3A_357] {strides = array<i32>} : memref<64x2x128xbf16, #tpu.memory_space<vmem>>, vector<32xbf16>,
      %bitcast3A_359 = vector.bitcast %get3A_358 : vector<32xbf16> to vector<16xi32>
      %swap3A_360 = arith.constant 0 : i32
      %swap3A_361 = arith.index_cast %scan3A_299 : i32 to index
      %swap3A_362 = arith.index_cast %swap3A_360 : i32 to index
      %swap3A_363 = arith.constant 80 : index
      %swap3A_364 = tpu.vector_load %arg11[%swap3A_361, %swap3A_362, %swap3A_363] {strides = array<i32>} : memref<64x1x128xi32, #tpu.memory_space<vmem>>, vector<16xi32>,
      tpu.vector_store %arg11[%swap3A_361, %swap3A_362, %swap3A_363], %bitcast3A_359 {strides = array<i32>} : memref<64x1x128xi32, #tpu.memory_space<vmem>>, vector<16xi32>,
      %get3A_365 = arith.constant 1 : i32
      %get3A_366 = arith.index_cast %scan3A_299 : i32 to index
      %get3A_367 = arith.index_cast %get3A_365 : i32 to index
      %get3A_368 = arith.constant 64 : index
      %get3A_369 = tpu.vector_load %arg8[%get3A_366, %get3A_367, %get3A_368] {strides = array<i32>} : memref<64x2x128xbf16, #tpu.memory_space<vmem>>, vector<32xbf16>,
      %bitcast3A_370 = vector.bitcast %get3A_369 : vector<32xbf16> to vector<16xi32>
      %swap3A_371 = arith.constant 0 : i32
      %swap3A_372 = arith.index_cast %scan3A_299 : i32 to index
      %swap3A_373 = arith.index_cast %swap3A_371 : i32 to index
      %swap3A_374 = arith.constant 96 : index
      %swap3A_375 = tpu.vector_load %arg11[%swap3A_372, %swap3A_373, %swap3A_374] {strides = array<i32>} : memref<64x1x128xi32, #tpu.memory_space<vmem>>, vector<16xi32>,
      tpu.vector_store %arg11[%swap3A_372, %swap3A_373, %swap3A_374], %bitcast3A_370 {strides = array<i32>} : memref<64x1x128xi32, #tpu.memory_space<vmem>>, vector<16xi32>,
      %get3A_376 = arith.constant 1 : i32
      %get3A_377 = arith.index_cast %scan3A_299 : i32 to index
      %get3A_378 = arith.index_cast %get3A_376 : i32 to index
      %get3A_379 = arith.constant 96 : index
      %get3A_380 = tpu.vector_load %arg8[%get3A_377, %get3A_378, %get3A_379] {strides = array<i32>} : memref<64x2x128xbf16, #tpu.memory_space<vmem>>, vector<32xbf16>,
      %bitcast3A_381 = vector.bitcast %get3A_380 : vector<32xbf16> to vector<16xi32>
      %swap3A_382 = arith.constant 0 : i32
      %swap3A_383 = arith.index_cast %scan3A_299 : i32 to index
      %swap3A_384 = arith.index_cast %swap3A_382 : i32 to index
      %swap3A_385 = arith.constant 112 : index
      %swap3A_386 = tpu.vector_load %arg11[%swap3A_383, %swap3A_384, %swap3A_385] {strides = array<i32>} : memref<64x1x128xi32, #tpu.memory_space<vmem>>, vector<16xi32>,
      tpu.vector_store %arg11[%swap3A_383, %swap3A_384, %swap3A_385], %bitcast3A_381 {strides = array<i32>} : memref<64x1x128xi32, #tpu.memory_space<vmem>>, vector<16xi32>,
      %scan3A_387 = arith.constant 0 : i32
      scf.yield %scan3A_387 : i32
    }
    %scan3A_274 = arith.constant 64 : i32
    %add3A_275 = arith.constant 448 : i32
    %add3A_276 = arith.addi %mul3A_108, %add3A_275 : i32
    "tpu.region"() ({
      %run_scoped3A_299 = tpu.sem_alloc : memref<!tpu.dma_semaphore, #tpu.memory_space<semaphore_mem>>
      %dma_start3A_300 = arith.constant 0 : i32
      %dma_start3A_301 = arith.constant 0 : i32
      %dma_start3A_302 = arith.constant 0 : i32
      %dma_start3A_303 = tpu.memref_slice %arg11[%dma_start3A_300, %dma_start3A_301, %dma_start3A_302] : memref<64x1x128xi32, #tpu.memory_space<vmem>> -> memref<64x1x128xi32, #tpu.memory_space<vmem>>
      %dma_start3A_304 = arith.constant 0 : i32
      %dma_start3A_305 = arith.constant 0 : i32
      %dma_start3A_306 = arith.constant 0 : i32
      %dma_start3A_307 = tpu.memref_slice %arg4[%arg0, %dma_start3A_304, %dma_start3A_305, %dma_start3A_306] : memref<2x10016x1x128xi32, #tpu.memory_space<hbm>> -> memref<1x10016x1x128xi32, #tpu.memory_space<hbm>>
      %dma_start3A_308 = tpu.memref_squeeze %dma_start3A_307 : memref<1x10016x1x128xi32, #tpu.memory_space<hbm>> -> memref<10016x1x128xi32, #tpu.memory_space<hbm>>
      %dma_start3A_309 = arith.constant 0 : i32
      %dma_start3A_310 = arith.constant 0 : i32
      %dma_start3A_311 = tpu.memref_slice %dma_start3A_308[%add3A_276, %dma_start3A_309, %dma_start3A_310] : memref<10016x1x128xi32, #tpu.memory_space<hbm>> -> memref<64x1x128xi32, #tpu.memory_space<hbm>>
      %dma_start3A_312 = arith.constant 0 : i32
      %dma_start3A_313 = arith.constant 0 : i32
      %dma_start3A_314 = arith.constant 0 : i32
      %dma_start3A_315 = tpu.memref_slice %arg4[%arg0, %dma_start3A_312, %dma_start3A_313, %dma_start3A_314] : memref<2x10016x1x128xi32, #tpu.memory_space<hbm>> -> memref<1x10016x1x128xi32, #tpu.memory_space<hbm>>
      %dma_start3A_316 = tpu.memref_squeeze %dma_start3A_315 : memref<1x10016x1x128xi32, #tpu.memory_space<hbm>> -> memref<10016x1x128xi32, #tpu.memory_space<hbm>>
      %dma_start3A_317 = arith.constant 0 : i32
      %dma_start3A_318 = arith.constant 0 : i32
      %dma_start3A_319 = tpu.memref_slice %dma_start3A_316[%add3A_276, %dma_start3A_317, %dma_start3A_318] : memref<10016x1x128xi32, #tpu.memory_space<hbm>> -> memref<64x1x128xi32, #tpu.memory_space<hbm>>
      %dma_start3A_320 = arith.constant 0 : i32
      %dma_start3A_321 = arith.constant 0 : i32
      %dma_start3A_322 = arith.constant 0 : i32
      %dma_start3A_323 = tpu.memref_slice %arg11[%dma_start3A_320, %dma_start3A_321, %dma_start3A_322] : memref<64x1x128xi32, #tpu.memory_space<vmem>> -> memref<64x1x128xi32, #tpu.memory_space<vmem>>
      tpu.enqueue_dma source(%dma_start3A_323 : memref<64x1x128xi32, #tpu.memory_space<vmem>>) target(%dma_start3A_319 : memref<64x1x128xi32, #tpu.memory_space<hbm>>) target_semaphore(%run_scoped3A_299 : memref<!tpu.dma_semaphore, #tpu.memory_space<semaphore_mem>>)
      %dma_wait3A_324 = arith.constant 0 : i32
      %dma_wait3A_325 = arith.constant 0 : i32
      %dma_wait3A_326 = arith.constant 0 : i32
      %dma_wait3A_327 = tpu.memref_slice %arg11[%dma_wait3A_324, %dma_wait3A_325, %dma_wait3A_326] : memref<64x1x128xi32, #tpu.memory_space<vmem>> -> memref<64x1x128xi32, #tpu.memory_space<vmem>>
      %dma_wait3A_328 = arith.constant 0 : i32
      %dma_wait3A_329 = arith.constant 0 : i32
      %dma_wait3A_330 = arith.constant 0 : i32
      %dma_wait3A_331 = tpu.memref_slice %arg4[%arg0, %dma_wait3A_328, %dma_wait3A_329, %dma_wait3A_330] : memref<2x10016x1x128xi32, #tpu.memory_space<hbm>> -> memref<1x10016x1x128xi32, #tpu.memory_space<hbm>>
      %dma_wait3A_332 = tpu.memref_squeeze %dma_wait3A_331 : memref<1x10016x1x128xi32, #tpu.memory_space<hbm>> -> memref<10016x1x128xi32, #tpu.memory_space<hbm>>
      %dma_wait3A_333 = arith.constant 0 : i32
      %dma_wait3A_334 = arith.constant 0 : i32
      %dma_wait3A_335 = tpu.memref_slice %dma_wait3A_332[%add3A_276, %dma_wait3A_333, %dma_wait3A_334] : memref<10016x1x128xi32, #tpu.memory_space<hbm>> -> memref<64x1x128xi32, #tpu.memory_space<hbm>>
      %dma_wait3A_336 = arith.constant 0 : i32
      %dma_wait3A_337 = arith.constant 0 : i32
      %dma_wait3A_338 = arith.constant 0 : i32
      %dma_wait3A_339 = tpu.memref_slice %arg4[%arg0, %dma_wait3A_336, %dma_wait3A_337, %dma_wait3A_338] : memref<2x10016x1x128xi32, #tpu.memory_space<hbm>> -> memref<1x10016x1x128xi32, #tpu.memory_space<hbm>>
      %dma_wait3A_340 = tpu.memref_squeeze %dma_wait3A_339 : memref<1x10016x1x128xi32, #tpu.memory_space<hbm>> -> memref<10016x1x128xi32, #tpu.memory_space<hbm>>
      %dma_wait3A_341 = arith.constant 0 : i32
      %dma_wait3A_342 = arith.constant 0 : i32
      %dma_wait3A_343 = tpu.memref_slice %dma_wait3A_340[%add3A_276, %dma_wait3A_341, %dma_wait3A_342] : memref<10016x1x128xi32, #tpu.memory_space<hbm>> -> memref<64x1x128xi32, #tpu.memory_space<hbm>>
      %dma_wait3A_344 = arith.constant 0 : i32
      %dma_wait3A_345 = arith.constant 0 : i32
      %dma_wait3A_346 = arith.constant 0 : i32
      %dma_wait3A_347 = tpu.memref_slice %arg11[%dma_wait3A_344, %dma_wait3A_345, %dma_wait3A_346] : memref<64x1x128xi32, #tpu.memory_space<vmem>> -> memref<64x1x128xi32, #tpu.memory_space<vmem>>
      tpu.wait_dma2 semaphore(%run_scoped3A_299 : memref<!tpu.dma_semaphore, #tpu.memory_space<semaphore_mem>>) src(%dma_wait3A_347 : memref<64x1x128xi32, #tpu.memory_space<vmem>>) dst(%dma_wait3A_343 : memref<64x1x128xi32, #tpu.memory_space<hbm>>)
      tpu.yield
    }) : () -> ()
    %add3A_277 = arith.constant 512 : i32
    %add3A_278 = arith.addi %mul3A_108, %add3A_277 : i32
    "tpu.region"() ({
      %run_scoped3A_299 = tpu.sem_alloc : memref<!tpu.dma_semaphore, #tpu.memory_space<semaphore_mem>>
      %dma_start3A_300 = arith.constant 0 : i32
      %dma_start3A_301 = arith.constant 0 : i32
      %dma_start3A_302 = arith.constant 0 : i32
      %dma_start3A_303 = tpu.memref_slice %arg8[%dma_start3A_300, %dma_start3A_301, %dma_start3A_302] : memref<64x2x128xbf16, #tpu.memory_space<vmem>> -> memref<64x2x128xbf16, #tpu.memory_space<vmem>>
      %dma_start3A_304 = arith.constant 0 : i32
      %dma_start3A_305 = arith.constant 0 : i32
      %dma_start3A_306 = tpu.memref_slice %arg5[%add3A_278, %dma_start3A_304, %dma_start3A_305] : memref<10016x2x128xbf16, #tpu.memory_space<vmem_shared>> -> memref<64x2x128xbf16, #tpu.memory_space<vmem_shared>>
      %dma_start3A_307 = arith.constant 0 : i32
      %dma_start3A_308 = arith.constant 0 : i32
      %dma_start3A_309 = arith.constant 0 : i32
      %dma_start3A_310 = tpu.memref_slice %arg8[%dma_start3A_307, %dma_start3A_308, %dma_start3A_309] : memref<64x2x128xbf16, #tpu.memory_space<vmem>> -> memref<64x2x128xbf16, #tpu.memory_space<vmem>>
      %dma_start3A_311 = arith.constant 0 : i32
      %dma_start3A_312 = arith.constant 0 : i32
      %dma_start3A_313 = tpu.memref_slice %arg5[%add3A_278, %dma_start3A_311, %dma_start3A_312] : memref<10016x2x128xbf16, #tpu.memory_space<vmem_shared>> -> memref<64x2x128xbf16, #tpu.memory_space<vmem_shared>>
      tpu.enqueue_dma source(%dma_start3A_313 : memref<64x2x128xbf16, #tpu.memory_space<vmem_shared>>) target(%dma_start3A_310 : memref<64x2x128xbf16, #tpu.memory_space<vmem>>) target_semaphore(%run_scoped3A_299 : memref<!tpu.dma_semaphore, #tpu.memory_space<semaphore_mem>>)
      %dma_wait3A_314 = arith.constant 0 : i32
      %dma_wait3A_315 = arith.constant 0 : i32
      %dma_wait3A_316 = arith.constant 0 : i32
      %dma_wait3A_317 = tpu.memref_slice %arg8[%dma_wait3A_314, %dma_wait3A_315, %dma_wait3A_316] : memref<64x2x128xbf16, #tpu.memory_space<vmem>> -> memref<64x2x128xbf16, #tpu.memory_space<vmem>>
      %dma_wait3A_318 = arith.constant 0 : i32
      %dma_wait3A_319 = arith.constant 0 : i32
      %dma_wait3A_320 = tpu.memref_slice %arg5[%add3A_278, %dma_wait3A_318, %dma_wait3A_319] : memref<10016x2x128xbf16, #tpu.memory_space<vmem_shared>> -> memref<64x2x128xbf16, #tpu.memory_space<vmem_shared>>
      %dma_wait3A_321 = arith.constant 0 : i32
      %dma_wait3A_322 = arith.constant 0 : i32
      %dma_wait3A_323 = arith.constant 0 : i32
      %dma_wait3A_324 = tpu.memref_slice %arg8[%dma_wait3A_321, %dma_wait3A_322, %dma_wait3A_323] : memref<64x2x128xbf16, #tpu.memory_space<vmem>> -> memref<64x2x128xbf16, #tpu.memory_space<vmem>>
      %dma_wait3A_325 = arith.constant 0 : i32
      %dma_wait3A_326 = arith.constant 0 : i32
      %dma_wait3A_327 = tpu.memref_slice %arg5[%add3A_278, %dma_wait3A_325, %dma_wait3A_326] : memref<10016x2x128xbf16, #tpu.memory_space<vmem_shared>> -> memref<64x2x128xbf16, #tpu.memory_space<vmem_shared>>
      tpu.wait_dma2 semaphore(%run_scoped3A_299 : memref<!tpu.dma_semaphore, #tpu.memory_space<semaphore_mem>>) src(%dma_wait3A_327 : memref<64x2x128xbf16, #tpu.memory_space<vmem_shared>>) dst(%dma_wait3A_324 : memref<64x2x128xbf16, #tpu.memory_space<vmem>>)
      tpu.yield
    }) : () -> ()
    %scan3A_279 = arith.constant 0 : i32
    %scan3A_280 = arith.constant 0 : i32
    %scan3A_281 = arith.constant 64 : i32
    %scan3A_282 = arith.addi %scan3A_280, %scan3A_281 : i32
    %scan3A_283 = arith.constant 1 : i32
    %scan3A_284 = scf.for %scan3A_299 = %scan3A_280 to %scan3A_282 step %scan3A_283 iter_args(%scan3A_300 = %scan3A_279) -> (i32)  : i32 {
      %get3A = arith.constant 0 : i32
      %get3A_301 = arith.index_cast %scan3A_299 : i32 to index
      %get3A_302 = arith.index_cast %get3A : i32 to index
      %get3A_303 = arith.constant 0 : index
      %get3A_304 = tpu.vector_load %arg8[%get3A_301, %get3A_302, %get3A_303] {strides = array<i32>} : memref<64x2x128xbf16, #tpu.memory_space<vmem>>, vector<32xbf16>,
      %bitcast3A = vector.bitcast %get3A_304 : vector<32xbf16> to vector<16xi32>
      %swap3A_305 = arith.constant 0 : i32
      %swap3A_306 = arith.index_cast %scan3A_299 : i32 to index
      %swap3A_307 = arith.index_cast %swap3A_305 : i32 to index
      %swap3A_308 = arith.constant 0 : index
      %swap3A_309 = tpu.vector_load %arg11[%swap3A_306, %swap3A_307, %swap3A_308] {strides = array<i32>} : memref<64x1x128xi32, #tpu.memory_space<vmem>>, vector<16xi32>,
      tpu.vector_store %arg11[%swap3A_306, %swap3A_307, %swap3A_308], %bitcast3A {strides = array<i32>} : memref<64x1x128xi32, #tpu.memory_space<vmem>>, vector<16xi32>,
      %get3A_310 = arith.constant 0 : i32
      %get3A_311 = arith.index_cast %scan3A_299 : i32 to index
      %get3A_312 = arith.index_cast %get3A_310 : i32 to index
      %get3A_313 = arith.constant 32 : index
      %get3A_314 = tpu.vector_load %arg8[%get3A_311, %get3A_312, %get3A_313] {strides = array<i32>} : memref<64x2x128xbf16, #tpu.memory_space<vmem>>, vector<32xbf16>,
      %bitcast3A_315 = vector.bitcast %get3A_314 : vector<32xbf16> to vector<16xi32>
      %swap3A_316 = arith.constant 0 : i32
      %swap3A_317 = arith.index_cast %scan3A_299 : i32 to index
      %swap3A_318 = arith.index_cast %swap3A_316 : i32 to index
      %swap3A_319 = arith.constant 16 : index
      %swap3A_320 = tpu.vector_load %arg11[%swap3A_317, %swap3A_318, %swap3A_319] {strides = array<i32>} : memref<64x1x128xi32, #tpu.memory_space<vmem>>, vector<16xi32>,
      tpu.vector_store %arg11[%swap3A_317, %swap3A_318, %swap3A_319], %bitcast3A_315 {strides = array<i32>} : memref<64x1x128xi32, #tpu.memory_space<vmem>>, vector<16xi32>,
      %get3A_321 = arith.constant 0 : i32
      %get3A_322 = arith.index_cast %scan3A_299 : i32 to index
      %get3A_323 = arith.index_cast %get3A_321 : i32 to index
      %get3A_324 = arith.constant 64 : index
      %get3A_325 = tpu.vector_load %arg8[%get3A_322, %get3A_323, %get3A_324] {strides = array<i32>} : memref<64x2x128xbf16, #tpu.memory_space<vmem>>, vector<32xbf16>,
      %bitcast3A_326 = vector.bitcast %get3A_325 : vector<32xbf16> to vector<16xi32>
      %swap3A_327 = arith.constant 0 : i32
      %swap3A_328 = arith.index_cast %scan3A_299 : i32 to index
      %swap3A_329 = arith.index_cast %swap3A_327 : i32 to index
      %swap3A_330 = arith.constant 32 : index
      %swap3A_331 = tpu.vector_load %arg11[%swap3A_328, %swap3A_329, %swap3A_330] {strides = array<i32>} : memref<64x1x128xi32, #tpu.memory_space<vmem>>, vector<16xi32>,
      tpu.vector_store %arg11[%swap3A_328, %swap3A_329, %swap3A_330], %bitcast3A_326 {strides = array<i32>} : memref<64x1x128xi32, #tpu.memory_space<vmem>>, vector<16xi32>,
      %get3A_332 = arith.constant 0 : i32
      %get3A_333 = arith.index_cast %scan3A_299 : i32 to index
      %get3A_334 = arith.index_cast %get3A_332 : i32 to index
      %get3A_335 = arith.constant 96 : index
      %get3A_336 = tpu.vector_load %arg8[%get3A_333, %get3A_334, %get3A_335] {strides = array<i32>} : memref<64x2x128xbf16, #tpu.memory_space<vmem>>, vector<32xbf16>,
      %bitcast3A_337 = vector.bitcast %get3A_336 : vector<32xbf16> to vector<16xi32>
      %swap3A_338 = arith.constant 0 : i32
      %swap3A_339 = arith.index_cast %scan3A_299 : i32 to index
      %swap3A_340 = arith.index_cast %swap3A_338 : i32 to index
      %swap3A_341 = arith.constant 48 : index
      %swap3A_342 = tpu.vector_load %arg11[%swap3A_339, %swap3A_340, %swap3A_341] {strides = array<i32>} : memref<64x1x128xi32, #tpu.memory_space<vmem>>, vector<16xi32>,
      tpu.vector_store %arg11[%swap3A_339, %swap3A_340, %swap3A_341], %bitcast3A_337 {strides = array<i32>} : memref<64x1x128xi32, #tpu.memory_space<vmem>>, vector<16xi32>,
      %get3A_343 = arith.constant 1 : i32
      %get3A_344 = arith.index_cast %scan3A_299 : i32 to index
      %get3A_345 = arith.index_cast %get3A_343 : i32 to index
      %get3A_346 = arith.constant 0 : index
      %get3A_347 = tpu.vector_load %arg8[%get3A_344, %get3A_345, %get3A_346] {strides = array<i32>} : memref<64x2x128xbf16, #tpu.memory_space<vmem>>, vector<32xbf16>,
      %bitcast3A_348 = vector.bitcast %get3A_347 : vector<32xbf16> to vector<16xi32>
      %swap3A_349 = arith.constant 0 : i32
      %swap3A_350 = arith.index_cast %scan3A_299 : i32 to index
      %swap3A_351 = arith.index_cast %swap3A_349 : i32 to index
      %swap3A_352 = arith.constant 64 : index
      %swap3A_353 = tpu.vector_load %arg11[%swap3A_350, %swap3A_351, %swap3A_352] {strides = array<i32>} : memref<64x1x128xi32, #tpu.memory_space<vmem>>, vector<16xi32>,
      tpu.vector_store %arg11[%swap3A_350, %swap3A_351, %swap3A_352], %bitcast3A_348 {strides = array<i32>} : memref<64x1x128xi32, #tpu.memory_space<vmem>>, vector<16xi32>,
      %get3A_354 = arith.constant 1 : i32
      %get3A_355 = arith.index_cast %scan3A_299 : i32 to index
      %get3A_356 = arith.index_cast %get3A_354 : i32 to index
      %get3A_357 = arith.constant 32 : index
      %get3A_358 = tpu.vector_load %arg8[%get3A_355, %get3A_356, %get3A_357] {strides = array<i32>} : memref<64x2x128xbf16, #tpu.memory_space<vmem>>, vector<32xbf16>,
      %bitcast3A_359 = vector.bitcast %get3A_358 : vector<32xbf16> to vector<16xi32>
      %swap3A_360 = arith.constant 0 : i32
      %swap3A_361 = arith.index_cast %scan3A_299 : i32 to index
      %swap3A_362 = arith.index_cast %swap3A_360 : i32 to index
      %swap3A_363 = arith.constant 80 : index
      %swap3A_364 = tpu.vector_load %arg11[%swap3A_361, %swap3A_362, %swap3A_363] {strides = array<i32>} : memref<64x1x128xi32, #tpu.memory_space<vmem>>, vector<16xi32>,
      tpu.vector_store %arg11[%swap3A_361, %swap3A_362, %swap3A_363], %bitcast3A_359 {strides = array<i32>} : memref<64x1x128xi32, #tpu.memory_space<vmem>>, vector<16xi32>,
      %get3A_365 = arith.constant 1 : i32
      %get3A_366 = arith.index_cast %scan3A_299 : i32 to index
      %get3A_367 = arith.index_cast %get3A_365 : i32 to index
      %get3A_368 = arith.constant 64 : index
      %get3A_369 = tpu.vector_load %arg8[%get3A_366, %get3A_367, %get3A_368] {strides = array<i32>} : memref<64x2x128xbf16, #tpu.memory_space<vmem>>, vector<32xbf16>,
      %bitcast3A_370 = vector.bitcast %get3A_369 : vector<32xbf16> to vector<16xi32>
      %swap3A_371 = arith.constant 0 : i32
      %swap3A_372 = arith.index_cast %scan3A_299 : i32 to index
      %swap3A_373 = arith.index_cast %swap3A_371 : i32 to index
      %swap3A_374 = arith.constant 96 : index
      %swap3A_375 = tpu.vector_load %arg11[%swap3A_372, %swap3A_373, %swap3A_374] {strides = array<i32>} : memref<64x1x128xi32, #tpu.memory_space<vmem>>, vector<16xi32>,
      tpu.vector_store %arg11[%swap3A_372, %swap3A_373, %swap3A_374], %bitcast3A_370 {strides = array<i32>} : memref<64x1x128xi32, #tpu.memory_space<vmem>>, vector<16xi32>,
      %get3A_376 = arith.constant 1 : i32
      %get3A_377 = arith.index_cast %scan3A_299 : i32 to index
      %get3A_378 = arith.index_cast %get3A_376 : i32 to index
      %get3A_379 = arith.constant 96 : index
      %get3A_380 = tpu.vector_load %arg8[%get3A_377, %get3A_378, %get3A_379] {strides = array<i32>} : memref<64x2x128xbf16, #tpu.memory_space<vmem>>, vector<32xbf16>,
      %bitcast3A_381 = vector.bitcast %get3A_380 : vector<32xbf16> to vector<16xi32>
      %swap3A_382 = arith.constant 0 : i32
      %swap3A_383 = arith.index_cast %scan3A_299 : i32 to index
      %swap3A_384 = arith.index_cast %swap3A_382 : i32 to index
      %swap3A_385 = arith.constant 112 : index
      %swap3A_386 = tpu.vector_load %arg11[%swap3A_383, %swap3A_384, %swap3A_385] {strides = array<i32>} : memref<64x1x128xi32, #tpu.memory_space<vmem>>, vector<16xi32>,
      tpu.vector_store %arg11[%swap3A_383, %swap3A_384, %swap3A_385], %bitcast3A_381 {strides = array<i32>} : memref<64x1x128xi32, #tpu.memory_space<vmem>>, vector<16xi32>,
      %scan3A_387 = arith.constant 0 : i32
      scf.yield %scan3A_387 : i32
    }
    %scan3A_285 = arith.constant 64 : i32
    %add3A_286 = arith.constant 512 : i32
    %add3A_287 = arith.addi %mul3A_108, %add3A_286 : i32
    "tpu.region"() ({
      %run_scoped3A_299 = tpu.sem_alloc : memref<!tpu.dma_semaphore, #tpu.memory_space<semaphore_mem>>
      %dma_start3A_300 = arith.constant 0 : i32
      %dma_start3A_301 = arith.constant 0 : i32
      %dma_start3A_302 = arith.constant 0 : i32
      %dma_start3A_303 = tpu.memref_slice %arg11[%dma_start3A_300, %dma_start3A_301, %dma_start3A_302] : memref<64x1x128xi32, #tpu.memory_space<vmem>> -> memref<64x1x128xi32, #tpu.memory_space<vmem>>
      %dma_start3A_304 = arith.constant 0 : i32
      %dma_start3A_305 = arith.constant 0 : i32
      %dma_start3A_306 = arith.constant 0 : i32
      %dma_start3A_307 = tpu.memref_slice %arg4[%arg0, %dma_start3A_304, %dma_start3A_305, %dma_start3A_306] : memref<2x10016x1x128xi32, #tpu.memory_space<hbm>> -> memref<1x10016x1x128xi32, #tpu.memory_space<hbm>>
      %dma_start3A_308 = tpu.memref_squeeze %dma_start3A_307 : memref<1x10016x1x128xi32, #tpu.memory_space<hbm>> -> memref<10016x1x128xi32, #tpu.memory_space<hbm>>
      %dma_start3A_309 = arith.constant 0 : i32
      %dma_start3A_310 = arith.constant 0 : i32
      %dma_start3A_311 = tpu.memref_slice %dma_start3A_308[%add3A_287, %dma_start3A_309, %dma_start3A_310] : memref<10016x1x128xi32, #tpu.memory_space<hbm>> -> memref<64x1x128xi32, #tpu.memory_space<hbm>>
      %dma_start3A_312 = arith.constant 0 : i32
      %dma_start3A_313 = arith.constant 0 : i32
      %dma_start3A_314 = arith.constant 0 : i32
      %dma_start3A_315 = tpu.memref_slice %arg4[%arg0, %dma_start3A_312, %dma_start3A_313, %dma_start3A_314] : memref<2x10016x1x128xi32, #tpu.memory_space<hbm>> -> memref<1x10016x1x128xi32, #tpu.memory_space<hbm>>
      %dma_start3A_316 = tpu.memref_squeeze %dma_start3A_315 : memref<1x10016x1x128xi32, #tpu.memory_space<hbm>> -> memref<10016x1x128xi32, #tpu.memory_space<hbm>>
      %dma_start3A_317 = arith.constant 0 : i32
      %dma_start3A_318 = arith.constant 0 : i32
      %dma_start3A_319 = tpu.memref_slice %dma_start3A_316[%add3A_287, %dma_start3A_317, %dma_start3A_318] : memref<10016x1x128xi32, #tpu.memory_space<hbm>> -> memref<64x1x128xi32, #tpu.memory_space<hbm>>
      %dma_start3A_320 = arith.constant 0 : i32
      %dma_start3A_321 = arith.constant 0 : i32
      %dma_start3A_322 = arith.constant 0 : i32
      %dma_start3A_323 = tpu.memref_slice %arg11[%dma_start3A_320, %dma_start3A_321, %dma_start3A_322] : memref<64x1x128xi32, #tpu.memory_space<vmem>> -> memref<64x1x128xi32, #tpu.memory_space<vmem>>
      tpu.enqueue_dma source(%dma_start3A_323 : memref<64x1x128xi32, #tpu.memory_space<vmem>>) target(%dma_start3A_319 : memref<64x1x128xi32, #tpu.memory_space<hbm>>) target_semaphore(%run_scoped3A_299 : memref<!tpu.dma_semaphore, #tpu.memory_space<semaphore_mem>>)
      %dma_wait3A_324 = arith.constant 0 : i32
      %dma_wait3A_325 = arith.constant 0 : i32
      %dma_wait3A_326 = arith.constant 0 : i32
      %dma_wait3A_327 = tpu.memref_slice %arg11[%dma_wait3A_324, %dma_wait3A_325, %dma_wait3A_326] : memref<64x1x128xi32, #tpu.memory_space<vmem>> -> memref<64x1x128xi32, #tpu.memory_space<vmem>>
      %dma_wait3A_328 = arith.constant 0 : i32
      %dma_wait3A_329 = arith.constant 0 : i32
      %dma_wait3A_330 = arith.constant 0 : i32
      %dma_wait3A_331 = tpu.memref_slice %arg4[%arg0, %dma_wait3A_328, %dma_wait3A_329, %dma_wait3A_330] : memref<2x10016x1x128xi32, #tpu.memory_space<hbm>> -> memref<1x10016x1x128xi32, #tpu.memory_space<hbm>>
      %dma_wait3A_332 = tpu.memref_squeeze %dma_wait3A_331 : memref<1x10016x1x128xi32, #tpu.memory_space<hbm>> -> memref<10016x1x128xi32, #tpu.memory_space<hbm>>
      %dma_wait3A_333 = arith.constant 0 : i32
      %dma_wait3A_334 = arith.constant 0 : i32
      %dma_wait3A_335 = tpu.memref_slice %dma_wait3A_332[%add3A_287, %dma_wait3A_333, %dma_wait3A_334] : memref<10016x1x128xi32, #tpu.memory_space<hbm>> -> memref<64x1x128xi32, #tpu.memory_space<hbm>>
      %dma_wait3A_336 = arith.constant 0 : i32
      %dma_wait3A_337 = arith.constant 0 : i32
      %dma_wait3A_338 = arith.constant 0 : i32
      %dma_wait3A_339 = tpu.memref_slice %arg4[%arg0, %dma_wait3A_336, %dma_wait3A_337, %dma_wait3A_338] : memref<2x10016x1x128xi32, #tpu.memory_space<hbm>> -> memref<1x10016x1x128xi32, #tpu.memory_space<hbm>>
      %dma_wait3A_340 = tpu.memref_squeeze %dma_wait3A_339 : memref<1x10016x1x128xi32, #tpu.memory_space<hbm>> -> memref<10016x1x128xi32, #tpu.memory_space<hbm>>
      %dma_wait3A_341 = arith.constant 0 : i32
      %dma_wait3A_342 = arith.constant 0 : i32
      %dma_wait3A_343 = tpu.memref_slice %dma_wait3A_340[%add3A_287, %dma_wait3A_341, %dma_wait3A_342] : memref<10016x1x128xi32, #tpu.memory_space<hbm>> -> memref<64x1x128xi32, #tpu.memory_space<hbm>>
      %dma_wait3A_344 = arith.constant 0 : i32
      %dma_wait3A_345 = arith.constant 0 : i32
      %dma_wait3A_346 = arith.constant 0 : i32
      %dma_wait3A_347 = tpu.memref_slice %arg11[%dma_wait3A_344, %dma_wait3A_345, %dma_wait3A_346] : memref<64x1x128xi32, #tpu.memory_space<vmem>> -> memref<64x1x128xi32, #tpu.memory_space<vmem>>
      tpu.wait_dma2 semaphore(%run_scoped3A_299 : memref<!tpu.dma_semaphore, #tpu.memory_space<semaphore_mem>>) src(%dma_wait3A_347 : memref<64x1x128xi32, #tpu.memory_space<vmem>>) dst(%dma_wait3A_343 : memref<64x1x128xi32, #tpu.memory_space<hbm>>)
      tpu.yield
    }) : () -> ()
    %add3A_288 = arith.constant 576 : i32
    %add3A_289 = arith.addi %mul3A_108, %add3A_288 : i32
    "tpu.region"() ({
      %run_scoped3A_299 = tpu.sem_alloc : memref<!tpu.dma_semaphore, #tpu.memory_space<semaphore_mem>>
      %dma_start3A_300 = arith.constant 0 : i32
      %dma_start3A_301 = arith.constant 0 : i32
      %dma_start3A_302 = arith.constant 0 : i32
      %dma_start3A_303 = tpu.memref_slice %arg8[%dma_start3A_300, %dma_start3A_301, %dma_start3A_302] : memref<64x2x128xbf16, #tpu.memory_space<vmem>> -> memref<50x2x128xbf16, #tpu.memory_space<vmem>>
      %dma_start3A_304 = arith.constant 0 : i32
      %dma_start3A_305 = arith.constant 0 : i32
      %dma_start3A_306 = tpu.memref_slice %arg5[%add3A_289, %dma_start3A_304, %dma_start3A_305] : memref<10016x2x128xbf16, #tpu.memory_space<vmem_shared>> -> memref<50x2x128xbf16, #tpu.memory_space<vmem_shared>>
      %dma_start3A_307 = arith.constant 0 : i32
      %dma_start3A_308 = arith.constant 0 : i32
      %dma_start3A_309 = arith.constant 0 : i32
      %dma_start3A_310 = tpu.memref_slice %arg8[%dma_start3A_307, %dma_start3A_308, %dma_start3A_309] : memref<64x2x128xbf16, #tpu.memory_space<vmem>> -> memref<50x2x128xbf16, #tpu.memory_space<vmem>>
      %dma_start3A_311 = arith.constant 0 : i32
      %dma_start3A_312 = arith.constant 0 : i32
      %dma_start3A_313 = tpu.memref_slice %arg5[%add3A_289, %dma_start3A_311, %dma_start3A_312] : memref<10016x2x128xbf16, #tpu.memory_space<vmem_shared>> -> memref<50x2x128xbf16, #tpu.memory_space<vmem_shared>>
      tpu.enqueue_dma source(%dma_start3A_313 : memref<50x2x128xbf16, #tpu.memory_space<vmem_shared>>) target(%dma_start3A_310 : memref<50x2x128xbf16, #tpu.memory_space<vmem>>) target_semaphore(%run_scoped3A_299 : memref<!tpu.dma_semaphore, #tpu.memory_space<semaphore_mem>>)
      %dma_wait3A_314 = arith.constant 0 : i32
      %dma_wait3A_315 = arith.constant 0 : i32
      %dma_wait3A_316 = arith.constant 0 : i32
      %dma_wait3A_317 = tpu.memref_slice %arg8[%dma_wait3A_314, %dma_wait3A_315, %dma_wait3A_316] : memref<64x2x128xbf16, #tpu.memory_space<vmem>> -> memref<50x2x128xbf16, #tpu.memory_space<vmem>>
      %dma_wait3A_318 = arith.constant 0 : i32
      %dma_wait3A_319 = arith.constant 0 : i32
      %dma_wait3A_320 = tpu.memref_slice %arg5[%add3A_289, %dma_wait3A_318, %dma_wait3A_319] : memref<10016x2x128xbf16, #tpu.memory_space<vmem_shared>> -> memref<50x2x128xbf16, #tpu.memory_space<vmem_shared>>
      %dma_wait3A_321 = arith.constant 0 : i32
      %dma_wait3A_322 = arith.constant 0 : i32
      %dma_wait3A_323 = arith.constant 0 : i32
      %dma_wait3A_324 = tpu.memref_slice %arg8[%dma_wait3A_321, %dma_wait3A_322, %dma_wait3A_323] : memref<64x2x128xbf16, #tpu.memory_space<vmem>> -> memref<50x2x128xbf16, #tpu.memory_space<vmem>>
      %dma_wait3A_325 = arith.constant 0 : i32
      %dma_wait3A_326 = arith.constant 0 : i32
      %dma_wait3A_327 = tpu.memref_slice %arg5[%add3A_289, %dma_wait3A_325, %dma_wait3A_326] : memref<10016x2x128xbf16, #tpu.memory_space<vmem_shared>> -> memref<50x2x128xbf16, #tpu.memory_space<vmem_shared>>
      tpu.wait_dma2 semaphore(%run_scoped3A_299 : memref<!tpu.dma_semaphore, #tpu.memory_space<semaphore_mem>>) src(%dma_wait3A_327 : memref<50x2x128xbf16, #tpu.memory_space<vmem_shared>>) dst(%dma_wait3A_324 : memref<50x2x128xbf16, #tpu.memory_space<vmem>>)
      tpu.yield
    }) : () -> ()
    %scan3A_290 = arith.constant 0 : i32
    %scan3A_291 = arith.constant 0 : i32
    %scan3A_292 = arith.constant 50 : i32
    %scan3A_293 = arith.addi %scan3A_291, %scan3A_292 : i32
    %scan3A_294 = arith.constant 1 : i32
    %scan3A_295 = scf.for %scan3A_299 = %scan3A_291 to %scan3A_293 step %scan3A_294 iter_args(%scan3A_300 = %scan3A_290) -> (i32)  : i32 {
      %get3A = arith.constant 0 : i32
      %get3A_301 = arith.index_cast %scan3A_299 : i32 to index
      %get3A_302 = arith.index_cast %get3A : i32 to index
      %get3A_303 = arith.constant 0 : index
      %get3A_304 = tpu.vector_load %arg8[%get3A_301, %get3A_302, %get3A_303] {strides = array<i32>} : memref<64x2x128xbf16, #tpu.memory_space<vmem>>, vector<32xbf16>,
      %bitcast3A = vector.bitcast %get3A_304 : vector<32xbf16> to vector<16xi32>
      %swap3A_305 = arith.constant 0 : i32
      %swap3A_306 = arith.index_cast %scan3A_299 : i32 to index
      %swap3A_307 = arith.index_cast %swap3A_305 : i32 to index
      %swap3A_308 = arith.constant 0 : index
      %swap3A_309 = tpu.vector_load %arg11[%swap3A_306, %swap3A_307, %swap3A_308] {strides = array<i32>} : memref<64x1x128xi32, #tpu.memory_space<vmem>>, vector<16xi32>,
      tpu.vector_store %arg11[%swap3A_306, %swap3A_307, %swap3A_308], %bitcast3A {strides = array<i32>} : memref<64x1x128xi32, #tpu.memory_space<vmem>>, vector<16xi32>,
      %get3A_310 = arith.constant 0 : i32
      %get3A_311 = arith.index_cast %scan3A_299 : i32 to index
      %get3A_312 = arith.index_cast %get3A_310 : i32 to index
      %get3A_313 = arith.constant 32 : index
      %get3A_314 = tpu.vector_load %arg8[%get3A_311, %get3A_312, %get3A_313] {strides = array<i32>} : memref<64x2x128xbf16, #tpu.memory_space<vmem>>, vector<32xbf16>,
      %bitcast3A_315 = vector.bitcast %get3A_314 : vector<32xbf16> to vector<16xi32>
      %swap3A_316 = arith.constant 0 : i32
      %swap3A_317 = arith.index_cast %scan3A_299 : i32 to index
      %swap3A_318 = arith.index_cast %swap3A_316 : i32 to index
      %swap3A_319 = arith.constant 16 : index
      %swap3A_320 = tpu.vector_load %arg11[%swap3A_317, %swap3A_318, %swap3A_319] {strides = array<i32>} : memref<64x1x128xi32, #tpu.memory_space<vmem>>, vector<16xi32>,
      tpu.vector_store %arg11[%swap3A_317, %swap3A_318, %swap3A_319], %bitcast3A_315 {strides = array<i32>} : memref<64x1x128xi32, #tpu.memory_space<vmem>>, vector<16xi32>,
      %get3A_321 = arith.constant 0 : i32
      %get3A_322 = arith.index_cast %scan3A_299 : i32 to index
      %get3A_323 = arith.index_cast %get3A_321 : i32 to index
      %get3A_324 = arith.constant 64 : index
      %get3A_325 = tpu.vector_load %arg8[%get3A_322, %get3A_323, %get3A_324] {strides = array<i32>} : memref<64x2x128xbf16, #tpu.memory_space<vmem>>, vector<32xbf16>,
      %bitcast3A_326 = vector.bitcast %get3A_325 : vector<32xbf16> to vector<16xi32>
      %swap3A_327 = arith.constant 0 : i32
      %swap3A_328 = arith.index_cast %scan3A_299 : i32 to index
      %swap3A_329 = arith.index_cast %swap3A_327 : i32 to index
      %swap3A_330 = arith.constant 32 : index
      %swap3A_331 = tpu.vector_load %arg11[%swap3A_328, %swap3A_329, %swap3A_330] {strides = array<i32>} : memref<64x1x128xi32, #tpu.memory_space<vmem>>, vector<16xi32>,
      tpu.vector_store %arg11[%swap3A_328, %swap3A_329, %swap3A_330], %bitcast3A_326 {strides = array<i32>} : memref<64x1x128xi32, #tpu.memory_space<vmem>>, vector<16xi32>,
      %get3A_332 = arith.constant 0 : i32
      %get3A_333 = arith.index_cast %scan3A_299 : i32 to index
      %get3A_334 = arith.index_cast %get3A_332 : i32 to index
      %get3A_335 = arith.constant 96 : index
      %get3A_336 = tpu.vector_load %arg8[%get3A_333, %get3A_334, %get3A_335] {strides = array<i32>} : memref<64x2x128xbf16, #tpu.memory_space<vmem>>, vector<32xbf16>,
      %bitcast3A_337 = vector.bitcast %get3A_336 : vector<32xbf16> to vector<16xi32>
      %swap3A_338 = arith.constant 0 : i32
      %swap3A_339 = arith.index_cast %scan3A_299 : i32 to index
      %swap3A_340 = arith.index_cast %swap3A_338 : i32 to index
      %swap3A_341 = arith.constant 48 : index
      %swap3A_342 = tpu.vector_load %arg11[%swap3A_339, %swap3A_340, %swap3A_341] {strides = array<i32>} : memref<64x1x128xi32, #tpu.memory_space<vmem>>, vector<16xi32>,
      tpu.vector_store %arg11[%swap3A_339, %swap3A_340, %swap3A_341], %bitcast3A_337 {strides = array<i32>} : memref<64x1x128xi32, #tpu.memory_space<vmem>>, vector<16xi32>,
      %get3A_343 = arith.constant 1 : i32
      %get3A_344 = arith.index_cast %scan3A_299 : i32 to index
      %get3A_345 = arith.index_cast %get3A_343 : i32 to index
      %get3A_346 = arith.constant 0 : index
      %get3A_347 = tpu.vector_load %arg8[%get3A_344, %get3A_345, %get3A_346] {strides = array<i32>} : memref<64x2x128xbf16, #tpu.memory_space<vmem>>, vector<32xbf16>,
      %bitcast3A_348 = vector.bitcast %get3A_347 : vector<32xbf16> to vector<16xi32>
      %swap3A_349 = arith.constant 0 : i32
      %swap3A_350 = arith.index_cast %scan3A_299 : i32 to index
      %swap3A_351 = arith.index_cast %swap3A_349 : i32 to index
      %swap3A_352 = arith.constant 64 : index
      %swap3A_353 = tpu.vector_load %arg11[%swap3A_350, %swap3A_351, %swap3A_352] {strides = array<i32>} : memref<64x1x128xi32, #tpu.memory_space<vmem>>, vector<16xi32>,
      tpu.vector_store %arg11[%swap3A_350, %swap3A_351, %swap3A_352], %bitcast3A_348 {strides = array<i32>} : memref<64x1x128xi32, #tpu.memory_space<vmem>>, vector<16xi32>,
      %get3A_354 = arith.constant 1 : i32
      %get3A_355 = arith.index_cast %scan3A_299 : i32 to index
      %get3A_356 = arith.index_cast %get3A_354 : i32 to index
      %get3A_357 = arith.constant 32 : index
      %get3A_358 = tpu.vector_load %arg8[%get3A_355, %get3A_356, %get3A_357] {strides = array<i32>} : memref<64x2x128xbf16, #tpu.memory_space<vmem>>, vector<32xbf16>,
      %bitcast3A_359 = vector.bitcast %get3A_358 : vector<32xbf16> to vector<16xi32>
      %swap3A_360 = arith.constant 0 : i32
      %swap3A_361 = arith.index_cast %scan3A_299 : i32 to index
      %swap3A_362 = arith.index_cast %swap3A_360 : i32 to index
      %swap3A_363 = arith.constant 80 : index
      %swap3A_364 = tpu.vector_load %arg11[%swap3A_361, %swap3A_362, %swap3A_363] {strides = array<i32>} : memref<64x1x128xi32, #tpu.memory_space<vmem>>, vector<16xi32>,
      tpu.vector_store %arg11[%swap3A_361, %swap3A_362, %swap3A_363], %bitcast3A_359 {strides = array<i32>} : memref<64x1x128xi32, #tpu.memory_space<vmem>>, vector<16xi32>,
      %get3A_365 = arith.constant 1 : i32
      %get3A_366 = arith.index_cast %scan3A_299 : i32 to index
      %get3A_367 = arith.index_cast %get3A_365 : i32 to index
      %get3A_368 = arith.constant 64 : index
      %get3A_369 = tpu.vector_load %arg8[%get3A_366, %get3A_367, %get3A_368] {strides = array<i32>} : memref<64x2x128xbf16, #tpu.memory_space<vmem>>, vector<32xbf16>,
      %bitcast3A_370 = vector.bitcast %get3A_369 : vector<32xbf16> to vector<16xi32>
      %swap3A_371 = arith.constant 0 : i32
      %swap3A_372 = arith.index_cast %scan3A_299 : i32 to index
      %swap3A_373 = arith.index_cast %swap3A_371 : i32 to index
      %swap3A_374 = arith.constant 96 : index
      %swap3A_375 = tpu.vector_load %arg11[%swap3A_372, %swap3A_373, %swap3A_374] {strides = array<i32>} : memref<64x1x128xi32, #tpu.memory_space<vmem>>, vector<16xi32>,
      tpu.vector_store %arg11[%swap3A_372, %swap3A_373, %swap3A_374], %bitcast3A_370 {strides = array<i32>} : memref<64x1x128xi32, #tpu.memory_space<vmem>>, vector<16xi32>,
      %get3A_376 = arith.constant 1 : i32
      %get3A_377 = arith.index_cast %scan3A_299 : i32 to index
      %get3A_378 = arith.index_cast %get3A_376 : i32 to index
      %get3A_379 = arith.constant 96 : index
      %get3A_380 = tpu.vector_load %arg8[%get3A_377, %get3A_378, %get3A_379] {strides = array<i32>} : memref<64x2x128xbf16, #tpu.memory_space<vmem>>, vector<32xbf16>,
      %bitcast3A_381 = vector.bitcast %get3A_380 : vector<32xbf16> to vector<16xi32>
      %swap3A_382 = arith.constant 0 : i32
      %swap3A_383 = arith.index_cast %scan3A_299 : i32 to index
      %swap3A_384 = arith.index_cast %swap3A_382 : i32 to index
      %swap3A_385 = arith.constant 112 : index
      %swap3A_386 = tpu.vector_load %arg11[%swap3A_383, %swap3A_384, %swap3A_385] {strides = array<i32>} : memref<64x1x128xi32, #tpu.memory_space<vmem>>, vector<16xi32>,
      tpu.vector_store %arg11[%swap3A_383, %swap3A_384, %swap3A_385], %bitcast3A_381 {strides = array<i32>} : memref<64x1x128xi32, #tpu.memory_space<vmem>>, vector<16xi32>,
      %scan3A_387 = arith.constant 0 : i32
      scf.yield %scan3A_387 : i32
    }
    %scan3A_296 = arith.constant 50 : i32
    %add3A_297 = arith.constant 576 : i32
    %add3A_298 = arith.addi %mul3A_108, %add3A_297 : i32
    "tpu.region"() ({
      %run_scoped3A_299 = tpu.sem_alloc : memref<!tpu.dma_semaphore, #tpu.memory_space<semaphore_mem>>
      %dma_start3A_300 = arith.constant 0 : i32
      %dma_start3A_301 = arith.constant 0 : i32
      %dma_start3A_302 = arith.constant 0 : i32
      %dma_start3A_303 = tpu.memref_slice %arg11[%dma_start3A_300, %dma_start3A_301, %dma_start3A_302] : memref<64x1x128xi32, #tpu.memory_space<vmem>> -> memref<50x1x128xi32, #tpu.memory_space<vmem>>
      %dma_start3A_304 = arith.constant 0 : i32
      %dma_start3A_305 = arith.constant 0 : i32
      %dma_start3A_306 = arith.constant 0 : i32
      %dma_start3A_307 = tpu.memref_slice %arg4[%arg0, %dma_start3A_304, %dma_start3A_305, %dma_start3A_306] : memref<2x10016x1x128xi32, #tpu.memory_space<hbm>> -> memref<1x10016x1x128xi32, #tpu.memory_space<hbm>>
      %dma_start3A_308 = tpu.memref_squeeze %dma_start3A_307 : memref<1x10016x1x128xi32, #tpu.memory_space<hbm>> -> memref<10016x1x128xi32, #tpu.memory_space<hbm>>
      %dma_start3A_309 = arith.constant 0 : i32
      %dma_start3A_310 = arith.constant 0 : i32
      %dma_start3A_311 = tpu.memref_slice %dma_start3A_308[%add3A_298, %dma_start3A_309, %dma_start3A_310] : memref<10016x1x128xi32, #tpu.memory_space<hbm>> -> memref<50x1x128xi32, #tpu.memory_space<hbm>>
      %dma_start3A_312 = arith.constant 0 : i32
      %dma_start3A_313 = arith.constant 0 : i32
      %dma_start3A_314 = arith.constant 0 : i32
      %dma_start3A_315 = tpu.memref_slice %arg4[%arg0, %dma_start3A_312, %dma_start3A_313, %dma_start3A_314] : memref<2x10016x1x128xi32, #tpu.memory_space<hbm>> -> memref<1x10016x1x128xi32, #tpu.memory_space<hbm>>
      %dma_start3A_316 = tpu.memref_squeeze %dma_start3A_315 : memref<1x10016x1x128xi32, #tpu.memory_space<hbm>> -> memref<10016x1x128xi32, #tpu.memory_space<hbm>>
      %dma_start3A_317 = arith.constant 0 : i32
      %dma_start3A_318 = arith.constant 0 : i32
      %dma_start3A_319 = tpu.memref_slice %dma_start3A_316[%add3A_298, %dma_start3A_317, %dma_start3A_318] : memref<10016x1x128xi32, #tpu.memory_space<hbm>> -> memref<50x1x128xi32, #tpu.memory_space<hbm>>
      %dma_start3A_320 = arith.constant 0 : i32
      %dma_start3A_321 = arith.constant 0 : i32
      %dma_start3A_322 = arith.constant 0 : i32
      %dma_start3A_323 = tpu.memref_slice %arg11[%dma_start3A_320, %dma_start3A_321, %dma_start3A_322] : memref<64x1x128xi32, #tpu.memory_space<vmem>> -> memref<50x1x128xi32, #tpu.memory_space<vmem>>
      tpu.enqueue_dma source(%dma_start3A_323 : memref<50x1x128xi32, #tpu.memory_space<vmem>>) target(%dma_start3A_319 : memref<50x1x128xi32, #tpu.memory_space<hbm>>) target_semaphore(%run_scoped3A_299 : memref<!tpu.dma_semaphore, #tpu.memory_space<semaphore_mem>>)
      %dma_wait3A_324 = arith.constant 0 : i32
      %dma_wait3A_325 = arith.constant 0 : i32
      %dma_wait3A_326 = arith.constant 0 : i32
      %dma_wait3A_327 = tpu.memref_slice %arg11[%dma_wait3A_324, %dma_wait3A_325, %dma_wait3A_326] : memref<64x1x128xi32, #tpu.memory_space<vmem>> -> memref<50x1x128xi32, #tpu.memory_space<vmem>>
      %dma_wait3A_328 = arith.constant 0 : i32
      %dma_wait3A_329 = arith.constant 0 : i32
      %dma_wait3A_330 = arith.constant 0 : i32
      %dma_wait3A_331 = tpu.memref_slice %arg4[%arg0, %dma_wait3A_328, %dma_wait3A_329, %dma_wait3A_330] : memref<2x10016x1x128xi32, #tpu.memory_space<hbm>> -> memref<1x10016x1x128xi32, #tpu.memory_space<hbm>>
      %dma_wait3A_332 = tpu.memref_squeeze %dma_wait3A_331 : memref<1x10016x1x128xi32, #tpu.memory_space<hbm>> -> memref<10016x1x128xi32, #tpu.memory_space<hbm>>
      %dma_wait3A_333 = arith.constant 0 : i32
      %dma_wait3A_334 = arith.constant 0 : i32
      %dma_wait3A_335 = tpu.memref_slice %dma_wait3A_332[%add3A_298, %dma_wait3A_333, %dma_wait3A_334] : memref<10016x1x128xi32, #tpu.memory_space<hbm>> -> memref<50x1x128xi32, #tpu.memory_space<hbm>>
      %dma_wait3A_336 = arith.constant 0 : i32
      %dma_wait3A_337 = arith.constant 0 : i32
      %dma_wait3A_338 = arith.constant 0 : i32
      %dma_wait3A_339 = tpu.memref_slice %arg4[%arg0, %dma_wait3A_336, %dma_wait3A_337, %dma_wait3A_338] : memref<2x10016x1x128xi32, #tpu.memory_space<hbm>> -> memref<1x10016x1x128xi32, #tpu.memory_space<hbm>>
      %dma_wait3A_340 = tpu.memref_squeeze %dma_wait3A_339 : memref<1x10016x1x128xi32, #tpu.memory_space<hbm>> -> memref<10016x1x128xi32, #tpu.memory_space<hbm>>
      %dma_wait3A_341 = arith.constant 0 : i32
      %dma_wait3A_342 = arith.constant 0 : i32
      %dma_wait3A_343 = tpu.memref_slice %dma_wait3A_340[%add3A_298, %dma_wait3A_341, %dma_wait3A_342] : memref<10016x1x128xi32, #tpu.memory_space<hbm>> -> memref<50x1x128xi32, #tpu.memory_space<hbm>>
      %dma_wait3A_344 = arith.constant 0 : i32
      %dma_wait3A_345 = arith.constant 0 : i32
      %dma_wait3A_346 = arith.constant 0 : i32
      %dma_wait3A_347 = tpu.memref_slice %arg11[%dma_wait3A_344, %dma_wait3A_345, %dma_wait3A_346] : memref<64x1x128xi32, #tpu.memory_space<vmem>> -> memref<50x1x128xi32, #tpu.memory_space<vmem>>
      tpu.wait_dma2 semaphore(%run_scoped3A_299 : memref<!tpu.dma_semaphore, #tpu.memory_space<semaphore_mem>>) src(%dma_wait3A_347 : memref<50x1x128xi32, #tpu.memory_space<vmem>>) dst(%dma_wait3A_343 : memref<50x1x128xi32, #tpu.memory_space<hbm>>)
      tpu.yield
    }) : () -> ()
    return
  }
}

#map = affine_map<(d0, d1) -> (0, 0)>
#map1 = affine_map<(d0, d1) -> (0)>
module attributes {stable_mosaic.version = 14 : i64} {
  func.func @_sc_deg(%arg0: i32, %arg1: i32, %arg2: memref<2x160000xi32, #tpu.memory_space<hbm>>, %arg3: memref<320000xi32, #tpu.memory_space<hbm>>, %arg4: memref<5008xi32, #tpu.memory_space<vmem>>, %arg5: memref<10016xi32, #tpu.memory_space<vmem>>) attributes {dimension_semantics = [#tpu.dimension_semantics<core_parallel>, #tpu.dimension_semantics<subcore_parallel>], iteration_bounds = array<i64: 2, 16>, scalar_prefetch = 0 : i64, scratch_operands = 2 : i64, tpu.core_type = #tpu.core_type<sc_vector_subcore>, window_params = [{transform_indices = #map}, {transform_indices = #map1}]} {
    %mul3A = arith.constant 16 : i32
    %mul3A_0 = arith.muli %arg0, %mul3A : i32
    %add3A = arith.addi %mul3A_0, %arg1 : i32
    %iota3A = tpu.iota {dimensions = array<i32: 0>} : vector<16xi32>
    %add3A_1 = arith.constant 10000 : i32
    %add3A_2 = vector.broadcast %add3A_1 : i32 to vector<16xi32>
    %add3A_3 = arith.addi %add3A_2, %iota3A : vector<16xi32>
    %swap3A = arith.constant 4992 : index
    %swap3A_4 = tpu.vector_load %arg4[%swap3A] {strides = array<i32>} : memref<5008xi32, #tpu.memory_space<vmem>>, vector<16xi32>,
    tpu.vector_store %arg4[%swap3A], %add3A_3 {strides = array<i32>} : memref<5008xi32, #tpu.memory_space<vmem>>, vector<16xi32>,
    %mul3A_5 = arith.constant 5000 : i32
    %mul3A_6 = arith.muli %add3A, %mul3A_5 : i32
    %run_scoped3A = arith.constant 0 : i32
    "tpu.region"() ({
      %run_scoped3A_64 = tpu.sem_alloc : memref<!tpu.dma_semaphore, #tpu.memory_space<semaphore_mem>>
      %dma_start3A = arith.constant 0 : i32
      %dma_start3A_65 = tpu.memref_slice %arg4[%dma_start3A] : memref<5008xi32, #tpu.memory_space<vmem>> -> memref<5000xi32, #tpu.memory_space<vmem>>
      %dma_start3A_66 = arith.constant 0 : i32
      %dma_start3A_67 = tpu.memref_slice %arg2[%run_scoped3A, %dma_start3A_66] : memref<2x160000xi32, #tpu.memory_space<hbm>> -> memref<1x160000xi32, #tpu.memory_space<hbm>>
      %dma_start3A_68 = tpu.memref_squeeze %dma_start3A_67 : memref<1x160000xi32, #tpu.memory_space<hbm>> -> memref<160000xi32, #tpu.memory_space<hbm>>
      %dma_start3A_69 = tpu.memref_slice %dma_start3A_68[%mul3A_6] : memref<160000xi32, #tpu.memory_space<hbm>> -> memref<5000xi32, #tpu.memory_space<hbm>>
      %dma_start3A_70 = arith.constant 0 : i32
      %dma_start3A_71 = tpu.memref_slice %arg4[%dma_start3A_70] : memref<5008xi32, #tpu.memory_space<vmem>> -> memref<5000xi32, #tpu.memory_space<vmem>>
      %dma_start3A_72 = arith.constant 0 : i32
      %dma_start3A_73 = tpu.memref_slice %arg2[%run_scoped3A, %dma_start3A_72] : memref<2x160000xi32, #tpu.memory_space<hbm>> -> memref<1x160000xi32, #tpu.memory_space<hbm>>
      %dma_start3A_74 = tpu.memref_squeeze %dma_start3A_73 : memref<1x160000xi32, #tpu.memory_space<hbm>> -> memref<160000xi32, #tpu.memory_space<hbm>>
      %dma_start3A_75 = tpu.memref_slice %dma_start3A_74[%mul3A_6] : memref<160000xi32, #tpu.memory_space<hbm>> -> memref<5000xi32, #tpu.memory_space<hbm>>
      tpu.enqueue_dma source(%dma_start3A_75 : memref<5000xi32, #tpu.memory_space<hbm>>) target(%dma_start3A_71 : memref<5000xi32, #tpu.memory_space<vmem>>) target_semaphore(%run_scoped3A_64 : memref<!tpu.dma_semaphore, #tpu.memory_space<semaphore_mem>>)
      %dma_wait3A = arith.constant 0 : i32
      %dma_wait3A_76 = tpu.memref_slice %arg4[%dma_wait3A] : memref<5008xi32, #tpu.memory_space<vmem>> -> memref<5000xi32, #tpu.memory_space<vmem>>
      %dma_wait3A_77 = arith.constant 0 : i32
      %dma_wait3A_78 = tpu.memref_slice %arg2[%run_scoped3A, %dma_wait3A_77] : memref<2x160000xi32, #tpu.memory_space<hbm>> -> memref<1x160000xi32, #tpu.memory_space<hbm>>
      %dma_wait3A_79 = tpu.memref_squeeze %dma_wait3A_78 : memref<1x160000xi32, #tpu.memory_space<hbm>> -> memref<160000xi32, #tpu.memory_space<hbm>>
      %dma_wait3A_80 = tpu.memref_slice %dma_wait3A_79[%mul3A_6] : memref<160000xi32, #tpu.memory_space<hbm>> -> memref<5000xi32, #tpu.memory_space<hbm>>
      %dma_wait3A_81 = arith.constant 0 : i32
      %dma_wait3A_82 = tpu.memref_slice %arg4[%dma_wait3A_81] : memref<5008xi32, #tpu.memory_space<vmem>> -> memref<5000xi32, #tpu.memory_space<vmem>>
      %dma_wait3A_83 = arith.constant 0 : i32
      %dma_wait3A_84 = tpu.memref_slice %arg2[%run_scoped3A, %dma_wait3A_83] : memref<2x160000xi32, #tpu.memory_space<hbm>> -> memref<1x160000xi32, #tpu.memory_space<hbm>>
      %dma_wait3A_85 = tpu.memref_squeeze %dma_wait3A_84 : memref<1x160000xi32, #tpu.memory_space<hbm>> -> memref<160000xi32, #tpu.memory_space<hbm>>
      %dma_wait3A_86 = tpu.memref_slice %dma_wait3A_85[%mul3A_6] : memref<160000xi32, #tpu.memory_space<hbm>> -> memref<5000xi32, #tpu.memory_space<hbm>>
      tpu.wait_dma2 semaphore(%run_scoped3A_64 : memref<!tpu.dma_semaphore, #tpu.memory_space<semaphore_mem>>) src(%dma_wait3A_86 : memref<5000xi32, #tpu.memory_space<hbm>>) dst(%dma_wait3A_82 : memref<5000xi32, #tpu.memory_space<vmem>>)
      tpu.yield
    }) : () -> ()
    %broadcast_in_dim3A = arith.constant 0 : i32
    %broadcast_in_dim3A_7 = vector.broadcast %broadcast_in_dim3A : i32 to vector<16xi32>
    %scan3A = arith.constant 0 : i32
    %scan3A_8 = arith.constant 0 : i32
    %scan3A_9 = arith.constant 624 : i32
    %scan3A_10 = arith.addi %scan3A_8, %scan3A_9 : i32
    %scan3A_11 = arith.constant 4 : i32
    %scan3A_12 = scf.for %scan3A_64 = %scan3A_8 to %scan3A_10 step %scan3A_11 iter_args(%scan3A_65 = %scan3A) -> (i32)  : i32 {
      %mul3A_66 = arith.constant 16 : i32
      %mul3A_67 = arith.muli %scan3A_64, %mul3A_66 : i32
      %swap3A_68 = arith.index_cast %mul3A_67 : i32 to index
      %swap3A_69 = tpu.vector_load %arg5[%swap3A_68] {strides = array<i32>} : memref<10016xi32, #tpu.memory_space<vmem>>, vector<16xi32>,
      tpu.vector_store %arg5[%swap3A_68], %broadcast_in_dim3A_7 {strides = array<i32>} : memref<10016xi32, #tpu.memory_space<vmem>>, vector<16xi32>,
      %scan3A_70 = arith.constant 0 : i32
      %scan3A_71 = arith.constant 1 : i32
      %scan3A_72 = arith.addi %scan3A_64, %scan3A_71 : i32
      %mul3A_73 = arith.constant 16 : i32
      %mul3A_74 = arith.muli %scan3A_72, %mul3A_73 : i32
      %swap3A_75 = arith.index_cast %mul3A_74 : i32 to index
      %swap3A_76 = tpu.vector_load %arg5[%swap3A_75] {strides = array<i32>} : memref<10016xi32, #tpu.memory_space<vmem>>, vector<16xi32>,
      tpu.vector_store %arg5[%swap3A_75], %broadcast_in_dim3A_7 {strides = array<i32>} : memref<10016xi32, #tpu.memory_space<vmem>>, vector<16xi32>,
      %scan3A_77 = arith.constant 0 : i32
      %scan3A_78 = arith.constant 2 : i32
      %scan3A_79 = arith.addi %scan3A_64, %scan3A_78 : i32
      %mul3A_80 = arith.constant 16 : i32
      %mul3A_81 = arith.muli %scan3A_79, %mul3A_80 : i32
      %swap3A_82 = arith.index_cast %mul3A_81 : i32 to index
      %swap3A_83 = tpu.vector_load %arg5[%swap3A_82] {strides = array<i32>} : memref<10016xi32, #tpu.memory_space<vmem>>, vector<16xi32>,
      tpu.vector_store %arg5[%swap3A_82], %broadcast_in_dim3A_7 {strides = array<i32>} : memref<10016xi32, #tpu.memory_space<vmem>>, vector<16xi32>,
      %scan3A_84 = arith.constant 0 : i32
      %scan3A_85 = arith.constant 3 : i32
      %scan3A_86 = arith.addi %scan3A_64, %scan3A_85 : i32
      %mul3A_87 = arith.constant 16 : i32
      %mul3A_88 = arith.muli %scan3A_86, %mul3A_87 : i32
      %swap3A_89 = arith.index_cast %mul3A_88 : i32 to index
      %swap3A_90 = tpu.vector_load %arg5[%swap3A_89] {strides = array<i32>} : memref<10016xi32, #tpu.memory_space<vmem>>, vector<16xi32>,
      tpu.vector_store %arg5[%swap3A_89], %broadcast_in_dim3A_7 {strides = array<i32>} : memref<10016xi32, #tpu.memory_space<vmem>>, vector<16xi32>,
      %scan3A_91 = arith.constant 0 : i32
      scf.yield %scan3A_91 : i32
    }
    %scan3A_13 = arith.constant 624 : i32
    %scan3A_14 = arith.addi %scan3A_8, %scan3A_13 : i32
    %mul3A_15 = arith.constant 16 : i32
    %mul3A_16 = arith.muli %scan3A_14, %mul3A_15 : i32
    %swap3A_17 = arith.index_cast %mul3A_16 : i32 to index
    %swap3A_18 = tpu.vector_load %arg5[%swap3A_17] {strides = array<i32>} : memref<10016xi32, #tpu.memory_space<vmem>>, vector<16xi32>,
    tpu.vector_store %arg5[%swap3A_17], %broadcast_in_dim3A_7 {strides = array<i32>} : memref<10016xi32, #tpu.memory_space<vmem>>, vector<16xi32>,
    %scan3A_19 = arith.constant 0 : i32
    %scan3A_20 = arith.constant 625 : i32
    %scan3A_21 = arith.addi %scan3A_8, %scan3A_20 : i32
    %mul3A_22 = arith.constant 16 : i32
    %mul3A_23 = arith.muli %scan3A_21, %mul3A_22 : i32
    %swap3A_24 = arith.index_cast %mul3A_23 : i32 to index
    %swap3A_25 = tpu.vector_load %arg5[%swap3A_24] {strides = array<i32>} : memref<10016xi32, #tpu.memory_space<vmem>>, vector<16xi32>,
    tpu.vector_store %arg5[%swap3A_24], %broadcast_in_dim3A_7 {strides = array<i32>} : memref<10016xi32, #tpu.memory_space<vmem>>, vector<16xi32>,
    %scan3A_26 = arith.constant 0 : i32
    %scan3A_27 = arith.constant 626 : i32
    %scan3A_28 = arith.constant 0 : i32
    %scan3A_29 = arith.constant 0 : i32
    %scan3A_30 = arith.constant 312 : i32
    %scan3A_31 = arith.addi %scan3A_29, %scan3A_30 : i32
    %scan3A_32 = arith.constant 4 : i32
    %scan3A_33 = scf.for %scan3A_64 = %scan3A_29 to %scan3A_31 step %scan3A_32 iter_args(%scan3A_65 = %scan3A_28) -> (i32)  : i32 {
      %mul3A_66 = arith.constant 16 : i32
      %mul3A_67 = arith.muli %scan3A_64, %mul3A_66 : i32
      %get3A_68 = arith.index_cast %mul3A_67 : i32 to index
      %get3A_69 = tpu.vector_load %arg4[%get3A_68] {strides = array<i32>} : memref<5008xi32, #tpu.memory_space<vmem>>, vector<16xi32>,
      %broadcast_in_dim3A_70 = arith.constant true
      %broadcast_in_dim3A_71 = vector.broadcast %broadcast_in_dim3A_70 : i1 to vector<16xi1>
      %unique3A_72, %unique3A_73 = tpu.scan_count mask(%broadcast_in_dim3A_71 : vector<16xi1>) value(%get3A_69 : vector<16xi32>) : vector<16xi1>, vector<16xi32>
      tpu.vector_store_idx %arg5[%get3A_69], %unique3A_73 masked %unique3A_72 {add = true} : memref<10016xi32, #tpu.memory_space<vmem>>[vector<16xi32>], vector<16xi32>, vector<16xi1>
      %scan3A_74 = arith.constant 0 : i32
      %scan3A_75 = arith.constant 1 : i32
      %scan3A_76 = arith.addi %scan3A_64, %scan3A_75 : i32
      %mul3A_77 = arith.constant 16 : i32
      %mul3A_78 = arith.muli %scan3A_76, %mul3A_77 : i32
      %get3A_79 = arith.index_cast %mul3A_78 : i32 to index
      %get3A_80 = tpu.vector_load %arg4[%get3A_79] {strides = array<i32>} : memref<5008xi32, #tpu.memory_space<vmem>>, vector<16xi32>,
      %broadcast_in_dim3A_81 = arith.constant true
      %broadcast_in_dim3A_82 = vector.broadcast %broadcast_in_dim3A_81 : i1 to vector<16xi1>
      %unique3A_83, %unique3A_84 = tpu.scan_count mask(%broadcast_in_dim3A_82 : vector<16xi1>) value(%get3A_80 : vector<16xi32>) : vector<16xi1>, vector<16xi32>
      tpu.vector_store_idx %arg5[%get3A_80], %unique3A_84 masked %unique3A_83 {add = true} : memref<10016xi32, #tpu.memory_space<vmem>>[vector<16xi32>], vector<16xi32>, vector<16xi1>
      %scan3A_85 = arith.constant 0 : i32
      %scan3A_86 = arith.constant 2 : i32
      %scan3A_87 = arith.addi %scan3A_64, %scan3A_86 : i32
      %mul3A_88 = arith.constant 16 : i32
      %mul3A_89 = arith.muli %scan3A_87, %mul3A_88 : i32
      %get3A_90 = arith.index_cast %mul3A_89 : i32 to index
      %get3A_91 = tpu.vector_load %arg4[%get3A_90] {strides = array<i32>} : memref<5008xi32, #tpu.memory_space<vmem>>, vector<16xi32>,
      %broadcast_in_dim3A_92 = arith.constant true
      %broadcast_in_dim3A_93 = vector.broadcast %broadcast_in_dim3A_92 : i1 to vector<16xi1>
      %unique3A_94, %unique3A_95 = tpu.scan_count mask(%broadcast_in_dim3A_93 : vector<16xi1>) value(%get3A_91 : vector<16xi32>) : vector<16xi1>, vector<16xi32>
      tpu.vector_store_idx %arg5[%get3A_91], %unique3A_95 masked %unique3A_94 {add = true} : memref<10016xi32, #tpu.memory_space<vmem>>[vector<16xi32>], vector<16xi32>, vector<16xi1>
      %scan3A_96 = arith.constant 0 : i32
      %scan3A_97 = arith.constant 3 : i32
      %scan3A_98 = arith.addi %scan3A_64, %scan3A_97 : i32
      %mul3A_99 = arith.constant 16 : i32
      %mul3A_100 = arith.muli %scan3A_98, %mul3A_99 : i32
      %get3A_101 = arith.index_cast %mul3A_100 : i32 to index
      %get3A_102 = tpu.vector_load %arg4[%get3A_101] {strides = array<i32>} : memref<5008xi32, #tpu.memory_space<vmem>>, vector<16xi32>,
      %broadcast_in_dim3A_103 = arith.constant true
      %broadcast_in_dim3A_104 = vector.broadcast %broadcast_in_dim3A_103 : i1 to vector<16xi1>
      %unique3A_105, %unique3A_106 = tpu.scan_count mask(%broadcast_in_dim3A_104 : vector<16xi1>) value(%get3A_102 : vector<16xi32>) : vector<16xi1>, vector<16xi32>
      tpu.vector_store_idx %arg5[%get3A_102], %unique3A_106 masked %unique3A_105 {add = true} : memref<10016xi32, #tpu.memory_space<vmem>>[vector<16xi32>], vector<16xi32>, vector<16xi1>
      %scan3A_107 = arith.constant 0 : i32
      scf.yield %scan3A_107 : i32
    }
    %scan3A_34 = arith.constant 312 : i32
    %scan3A_35 = arith.addi %scan3A_29, %scan3A_34 : i32
    %mul3A_36 = arith.constant 16 : i32
    %mul3A_37 = arith.muli %scan3A_35, %mul3A_36 : i32
    %get3A = arith.index_cast %mul3A_37 : i32 to index
    %get3A_38 = tpu.vector_load %arg4[%get3A] {strides = array<i32>} : memref<5008xi32, #tpu.memory_space<vmem>>, vector<16xi32>,
    %broadcast_in_dim3A_39 = arith.constant true
    %broadcast_in_dim3A_40 = vector.broadcast %broadcast_in_dim3A_39 : i1 to vector<16xi1>
    %unique3A, %unique3A_41 = tpu.scan_count mask(%broadcast_in_dim3A_40 : vector<16xi1>) value(%get3A_38 : vector<16xi32>) : vector<16xi1>, vector<16xi32>
    tpu.vector_store_idx %arg5[%get3A_38], %unique3A_41 masked %unique3A {add = true} : memref<10016xi32, #tpu.memory_space<vmem>>[vector<16xi32>], vector<16xi32>, vector<16xi1>
    %scan3A_42 = arith.constant 0 : i32
    %scan3A_43 = arith.constant 313 : i32
    %mul3A_44 = arith.constant 2000 : i32
    %mul3A_45 = arith.muli %add3A, %mul3A_44 : i32
    %add3A_46 = arith.constant 0 : i32
    %add3A_47 = arith.addi %add3A_46, %mul3A_45 : i32
    "tpu.region"() ({
      %run_scoped3A_64 = tpu.sem_alloc : memref<!tpu.dma_semaphore, #tpu.memory_space<semaphore_mem>>
      %dma_start3A = arith.constant 0 : i32
      %dma_start3A_65 = tpu.memref_slice %arg5[%dma_start3A] : memref<10016xi32, #tpu.memory_space<vmem>> -> memref<2000xi32, #tpu.memory_space<vmem>>
      %dma_start3A_66 = tpu.memref_slice %arg3[%add3A_47] : memref<320000xi32, #tpu.memory_space<hbm>> -> memref<2000xi32, #tpu.memory_space<hbm>>
      %dma_start3A_67 = tpu.memref_slice %arg3[%add3A_47] : memref<320000xi32, #tpu.memory_space<hbm>> -> memref<2000xi32, #tpu.memory_space<hbm>>
      %dma_start3A_68 = arith.constant 0 : i32
      %dma_start3A_69 = tpu.memref_slice %arg5[%dma_start3A_68] : memref<10016xi32, #tpu.memory_space<vmem>> -> memref<2000xi32, #tpu.memory_space<vmem>>
      tpu.enqueue_dma source(%dma_start3A_69 : memref<2000xi32, #tpu.memory_space<vmem>>) target(%dma_start3A_67 : memref<2000xi32, #tpu.memory_space<hbm>>) target_semaphore(%run_scoped3A_64 : memref<!tpu.dma_semaphore, #tpu.memory_space<semaphore_mem>>)
      %dma_wait3A = arith.constant 0 : i32
      %dma_wait3A_70 = tpu.memref_slice %arg5[%dma_wait3A] : memref<10016xi32, #tpu.memory_space<vmem>> -> memref<2000xi32, #tpu.memory_space<vmem>>
      %dma_wait3A_71 = tpu.memref_slice %arg3[%add3A_47] : memref<320000xi32, #tpu.memory_space<hbm>> -> memref<2000xi32, #tpu.memory_space<hbm>>
      %dma_wait3A_72 = tpu.memref_slice %arg3[%add3A_47] : memref<320000xi32, #tpu.memory_space<hbm>> -> memref<2000xi32, #tpu.memory_space<hbm>>
      %dma_wait3A_73 = arith.constant 0 : i32
      %dma_wait3A_74 = tpu.memref_slice %arg5[%dma_wait3A_73] : memref<10016xi32, #tpu.memory_space<vmem>> -> memref<2000xi32, #tpu.memory_space<vmem>>
      tpu.wait_dma2 semaphore(%run_scoped3A_64 : memref<!tpu.dma_semaphore, #tpu.memory_space<semaphore_mem>>) src(%dma_wait3A_74 : memref<2000xi32, #tpu.memory_space<vmem>>) dst(%dma_wait3A_72 : memref<2000xi32, #tpu.memory_space<hbm>>)
      tpu.yield
    }) : () -> ()
    %mul3A_48 = arith.constant 2000 : i32
    %mul3A_49 = arith.muli %add3A, %mul3A_48 : i32
    %add3A_50 = arith.constant 64000 : i32
    %add3A_51 = arith.addi %add3A_50, %mul3A_49 : i32
    "tpu.region"() ({
      %run_scoped3A_64 = tpu.sem_alloc : memref<!tpu.dma_semaphore, #tpu.memory_space<semaphore_mem>>
      %dma_start3A = arith.constant 2000 : i32
      %dma_start3A_65 = tpu.memref_slice %arg5[%dma_start3A] : memref<10016xi32, #tpu.memory_space<vmem>> -> memref<2000xi32, #tpu.memory_space<vmem>>
      %dma_start3A_66 = tpu.memref_slice %arg3[%add3A_51] : memref<320000xi32, #tpu.memory_space<hbm>> -> memref<2000xi32, #tpu.memory_space<hbm>>
      %dma_start3A_67 = tpu.memref_slice %arg3[%add3A_51] : memref<320000xi32, #tpu.memory_space<hbm>> -> memref<2000xi32, #tpu.memory_space<hbm>>
      %dma_start3A_68 = arith.constant 2000 : i32
      %dma_start3A_69 = tpu.memref_slice %arg5[%dma_start3A_68] : memref<10016xi32, #tpu.memory_space<vmem>> -> memref<2000xi32, #tpu.memory_space<vmem>>
      tpu.enqueue_dma source(%dma_start3A_69 : memref<2000xi32, #tpu.memory_space<vmem>>) target(%dma_start3A_67 : memref<2000xi32, #tpu.memory_space<hbm>>) target_semaphore(%run_scoped3A_64 : memref<!tpu.dma_semaphore, #tpu.memory_space<semaphore_mem>>)
      %dma_wait3A = arith.constant 2000 : i32
      %dma_wait3A_70 = tpu.memref_slice %arg5[%dma_wait3A] : memref<10016xi32, #tpu.memory_space<vmem>> -> memref<2000xi32, #tpu.memory_space<vmem>>
      %dma_wait3A_71 = tpu.memref_slice %arg3[%add3A_51] : memref<320000xi32, #tpu.memory_space<hbm>> -> memref<2000xi32, #tpu.memory_space<hbm>>
      %dma_wait3A_72 = tpu.memref_slice %arg3[%add3A_51] : memref<320000xi32, #tpu.memory_space<hbm>> -> memref<2000xi32, #tpu.memory_space<hbm>>
      %dma_wait3A_73 = arith.constant 2000 : i32
      %dma_wait3A_74 = tpu.memref_slice %arg5[%dma_wait3A_73] : memref<10016xi32, #tpu.memory_space<vmem>> -> memref<2000xi32, #tpu.memory_space<vmem>>
      tpu.wait_dma2 semaphore(%run_scoped3A_64 : memref<!tpu.dma_semaphore, #tpu.memory_space<semaphore_mem>>) src(%dma_wait3A_74 : memref<2000xi32, #tpu.memory_space<vmem>>) dst(%dma_wait3A_72 : memref<2000xi32, #tpu.memory_space<hbm>>)
      tpu.yield
    }) : () -> ()
    %mul3A_52 = arith.constant 2000 : i32
    %mul3A_53 = arith.muli %add3A, %mul3A_52 : i32
    %add3A_54 = arith.constant 128000 : i32
    %add3A_55 = arith.addi %add3A_54, %mul3A_53 : i32
    "tpu.region"() ({
      %run_scoped3A_64 = tpu.sem_alloc : memref<!tpu.dma_semaphore, #tpu.memory_space<semaphore_mem>>
      %dma_start3A = arith.constant 4000 : i32
      %dma_start3A_65 = tpu.memref_slice %arg5[%dma_start3A] : memref<10016xi32, #tpu.memory_space<vmem>> -> memref<2000xi32, #tpu.memory_space<vmem>>
      %dma_start3A_66 = tpu.memref_slice %arg3[%add3A_55] : memref<320000xi32, #tpu.memory_space<hbm>> -> memref<2000xi32, #tpu.memory_space<hbm>>
      %dma_start3A_67 = tpu.memref_slice %arg3[%add3A_55] : memref<320000xi32, #tpu.memory_space<hbm>> -> memref<2000xi32, #tpu.memory_space<hbm>>
      %dma_start3A_68 = arith.constant 4000 : i32
      %dma_start3A_69 = tpu.memref_slice %arg5[%dma_start3A_68] : memref<10016xi32, #tpu.memory_space<vmem>> -> memref<2000xi32, #tpu.memory_space<vmem>>
      tpu.enqueue_dma source(%dma_start3A_69 : memref<2000xi32, #tpu.memory_space<vmem>>) target(%dma_start3A_67 : memref<2000xi32, #tpu.memory_space<hbm>>) target_semaphore(%run_scoped3A_64 : memref<!tpu.dma_semaphore, #tpu.memory_space<semaphore_mem>>)
      %dma_wait3A = arith.constant 4000 : i32
      %dma_wait3A_70 = tpu.memref_slice %arg5[%dma_wait3A] : memref<10016xi32, #tpu.memory_space<vmem>> -> memref<2000xi32, #tpu.memory_space<vmem>>
      %dma_wait3A_71 = tpu.memref_slice %arg3[%add3A_55] : memref<320000xi32, #tpu.memory_space<hbm>> -> memref<2000xi32, #tpu.memory_space<hbm>>
      %dma_wait3A_72 = tpu.memref_slice %arg3[%add3A_55] : memref<320000xi32, #tpu.memory_space<hbm>> -> memref<2000xi32, #tpu.memory_space<hbm>>
      %dma_wait3A_73 = arith.constant 4000 : i32
      %dma_wait3A_74 = tpu.memref_slice %arg5[%dma_wait3A_73] : memref<10016xi32, #tpu.memory_space<vmem>> -> memref<2000xi32, #tpu.memory_space<vmem>>
      tpu.wait_dma2 semaphore(%run_scoped3A_64 : memref<!tpu.dma_semaphore, #tpu.memory_space<semaphore_mem>>) src(%dma_wait3A_74 : memref<2000xi32, #tpu.memory_space<vmem>>) dst(%dma_wait3A_72 : memref<2000xi32, #tpu.memory_space<hbm>>)
      tpu.yield
    }) : () -> ()
    %mul3A_56 = arith.constant 2000 : i32
    %mul3A_57 = arith.muli %add3A, %mul3A_56 : i32
    %add3A_58 = arith.constant 192000 : i32
    %add3A_59 = arith.addi %add3A_58, %mul3A_57 : i32
    "tpu.region"() ({
      %run_scoped3A_64 = tpu.sem_alloc : memref<!tpu.dma_semaphore, #tpu.memory_space<semaphore_mem>>
      %dma_start3A = arith.constant 6000 : i32
      %dma_start3A_65 = tpu.memref_slice %arg5[%dma_start3A] : memref<10016xi32, #tpu.memory_space<vmem>> -> memref<2000xi32, #tpu.memory_space<vmem>>
      %dma_start3A_66 = tpu.memref_slice %arg3[%add3A_59] : memref<320000xi32, #tpu.memory_space<hbm>> -> memref<2000xi32, #tpu.memory_space<hbm>>
      %dma_start3A_67 = tpu.memref_slice %arg3[%add3A_59] : memref<320000xi32, #tpu.memory_space<hbm>> -> memref<2000xi32, #tpu.memory_space<hbm>>
      %dma_start3A_68 = arith.constant 6000 : i32
      %dma_start3A_69 = tpu.memref_slice %arg5[%dma_start3A_68] : memref<10016xi32, #tpu.memory_space<vmem>> -> memref<2000xi32, #tpu.memory_space<vmem>>
      tpu.enqueue_dma source(%dma_start3A_69 : memref<2000xi32, #tpu.memory_space<vmem>>) target(%dma_start3A_67 : memref<2000xi32, #tpu.memory_space<hbm>>) target_semaphore(%run_scoped3A_64 : memref<!tpu.dma_semaphore, #tpu.memory_space<semaphore_mem>>)
      %dma_wait3A = arith.constant 6000 : i32
      %dma_wait3A_70 = tpu.memref_slice %arg5[%dma_wait3A] : memref<10016xi32, #tpu.memory_space<vmem>> -> memref<2000xi32, #tpu.memory_space<vmem>>
      %dma_wait3A_71 = tpu.memref_slice %arg3[%add3A_59] : memref<320000xi32, #tpu.memory_space<hbm>> -> memref<2000xi32, #tpu.memory_space<hbm>>
      %dma_wait3A_72 = tpu.memref_slice %arg3[%add3A_59] : memref<320000xi32, #tpu.memory_space<hbm>> -> memref<2000xi32, #tpu.memory_space<hbm>>
      %dma_wait3A_73 = arith.constant 6000 : i32
      %dma_wait3A_74 = tpu.memref_slice %arg5[%dma_wait3A_73] : memref<10016xi32, #tpu.memory_space<vmem>> -> memref<2000xi32, #tpu.memory_space<vmem>>
      tpu.wait_dma2 semaphore(%run_scoped3A_64 : memref<!tpu.dma_semaphore, #tpu.memory_space<semaphore_mem>>) src(%dma_wait3A_74 : memref<2000xi32, #tpu.memory_space<vmem>>) dst(%dma_wait3A_72 : memref<2000xi32, #tpu.memory_space<hbm>>)
      tpu.yield
    }) : () -> ()
    %mul3A_60 = arith.constant 2000 : i32
    %mul3A_61 = arith.muli %add3A, %mul3A_60 : i32
    %add3A_62 = arith.constant 256000 : i32
    %add3A_63 = arith.addi %add3A_62, %mul3A_61 : i32
    "tpu.region"() ({
      %run_scoped3A_64 = tpu.sem_alloc : memref<!tpu.dma_semaphore, #tpu.memory_space<semaphore_mem>>
      %dma_start3A = arith.constant 8000 : i32
      %dma_start3A_65 = tpu.memref_slice %arg5[%dma_start3A] : memref<10016xi32, #tpu.memory_space<vmem>> -> memref<2000xi32, #tpu.memory_space<vmem>>
      %dma_start3A_66 = tpu.memref_slice %arg3[%add3A_63] : memref<320000xi32, #tpu.memory_space<hbm>> -> memref<2000xi32, #tpu.memory_space<hbm>>
      %dma_start3A_67 = tpu.memref_slice %arg3[%add3A_63] : memref<320000xi32, #tpu.memory_space<hbm>> -> memref<2000xi32, #tpu.memory_space<hbm>>
      %dma_start3A_68 = arith.constant 8000 : i32
      %dma_start3A_69 = tpu.memref_slice %arg5[%dma_start3A_68] : memref<10016xi32, #tpu.memory_space<vmem>> -> memref<2000xi32, #tpu.memory_space<vmem>>
      tpu.enqueue_dma source(%dma_start3A_69 : memref<2000xi32, #tpu.memory_space<vmem>>) target(%dma_start3A_67 : memref<2000xi32, #tpu.memory_space<hbm>>) target_semaphore(%run_scoped3A_64 : memref<!tpu.dma_semaphore, #tpu.memory_space<semaphore_mem>>)
      %dma_wait3A = arith.constant 8000 : i32
      %dma_wait3A_70 = tpu.memref_slice %arg5[%dma_wait3A] : memref<10016xi32, #tpu.memory_space<vmem>> -> memref<2000xi32, #tpu.memory_space<vmem>>
      %dma_wait3A_71 = tpu.memref_slice %arg3[%add3A_63] : memref<320000xi32, #tpu.memory_space<hbm>> -> memref<2000xi32, #tpu.memory_space<hbm>>
      %dma_wait3A_72 = tpu.memref_slice %arg3[%add3A_63] : memref<320000xi32, #tpu.memory_space<hbm>> -> memref<2000xi32, #tpu.memory_space<hbm>>
      %dma_wait3A_73 = arith.constant 8000 : i32
      %dma_wait3A_74 = tpu.memref_slice %arg5[%dma_wait3A_73] : memref<10016xi32, #tpu.memory_space<vmem>> -> memref<2000xi32, #tpu.memory_space<vmem>>
      tpu.wait_dma2 semaphore(%run_scoped3A_64 : memref<!tpu.dma_semaphore, #tpu.memory_space<semaphore_mem>>) src(%dma_wait3A_74 : memref<2000xi32, #tpu.memory_space<vmem>>) dst(%dma_wait3A_72 : memref<2000xi32, #tpu.memory_space<hbm>>)
      tpu.yield
    }) : () -> ()
    return
  }
}

module attributes {stable_mosaic.version = 14 : i64} {
  func.func @_tc_pre_body(%arg0: i32, %arg1: memref<2000x256xf32, #tpu.memory_space<vmem>>, %arg2: memref<1x32x2000xi32, #tpu.memory_space<vmem>>, %arg3: memref<2000x256xbf16, #tpu.memory_space<vmem>>) attributes {dimension_semantics = [#tpu.dimension_semantics<arbitrary>], iteration_bounds = array<i64: 5>, scalar_prefetch = 0 : i64, scratch_operands = 0 : i64, tpu.core_type = #tpu.core_type<tc>, window_params = [{transform_indices = @transform_0, window_bounds = array<i64: 2000, 256>}, {transform_indices = @transform_1, window_bounds = array<i64: 1, 32, 2000>}, {transform_indices = @transform_2, window_bounds = array<i64: 2000, 256>}]} {
    %get3A = arith.constant 0 : index
    %get3A_0 = arith.constant 0 : index
    %get3A_1 = arith.constant 0 : index
    %get3A_2 = vector.load %arg2[%get3A, %get3A_0, %get3A_1] : memref<1x32x2000xi32, #tpu.memory_space<vmem>>, vector<1x32x2000xi32>
    %get3A_3 = vector.shape_cast %get3A_2 : vector<1x32x2000xi32> to vector<32x2000xi32>
    %reduce_sum3A = arith.constant dense<0> : vector<2000xi32>
    %reduce_sum3A_4 = vector.multi_reduction <add>, %get3A_3, %reduce_sum3A [0] : vector<32x2000xi32> to vector<2000xi32>
    %convert_element_type3A = arith.sitofp %reduce_sum3A_4 : vector<2000xi32> to vector<2000xf32>
    %gt3A = arith.constant 0.000000e+00 : f32
    %gt3A_5 = vector.broadcast %gt3A : f32 to vector<2000xf32>
    %gt3A_6 = arith.cmpf ogt, %convert_element_type3A, %gt3A_5 : vector<2000xf32>
    %rsqrt3A = math.rsqrt %convert_element_type3A : vector<2000xf32>
    %jit3A = arith.constant 0.000000e+00 : f32
    %broadcast_in_dim3A = vector.broadcast %jit3A : f32 to vector<2000xf32>
    %select_n3A = arith.select %gt3A_6, %rsqrt3A, %broadcast_in_dim3A : vector<2000xi1>, vector<2000xf32>
    %get3A_7 = arith.constant 0 : index
    %get3A_8 = arith.constant 0 : index
    %get3A_9 = vector.load %arg1[%get3A_7, %get3A_8] : memref<2000x256xf32, #tpu.memory_space<vmem>>, vector<2000x256xf32>
    %broadcast_in_dim3A_10 = vector.shape_cast %select_n3A : vector<2000xf32> to vector<2000x1xf32>
    %mul3A = vector.broadcast %broadcast_in_dim3A_10 : vector<2000x1xf32> to vector<2000x256xf32>
    %mul3A_11 = arith.mulf %get3A_9, %mul3A : vector<2000x256xf32>
    %convert_element_type3A_12 = arith.truncf %mul3A_11 : vector<2000x256xf32> to vector<2000x256xbf16>
    %swap3A = arith.constant 0 : index
    %swap3A_13 = arith.constant 0 : index
    %swap3A_14 = vector.load %arg3[%swap3A, %swap3A_13] : memref<2000x256xbf16, #tpu.memory_space<vmem>>, vector<2000x256xbf16>
    tpu.vector_store %arg3[%swap3A, %swap3A_13], %convert_element_type3A_12 {strides = array<i32>} : memref<2000x256xbf16, #tpu.memory_space<vmem>>, vector<2000x256xbf16>,
    return
  }
  func.func @transform_0(%arg0: i32) -> (i32, i32) {
    %c0_i32 = arith.constant 0 : i32
    %c0_i32_0 = arith.constant 0 : i32
    return %arg0, %c0_i32 : i32, i32
  }
  func.func @transform_1(%arg0: i32) -> (i32, i32, i32) {
    %c0_i32 = arith.constant 0 : i32
    %c0_i32_0 = arith.constant 0 : i32
    %c0_i32_1 = arith.constant 0 : i32
    return %arg0, %c0_i32, %c0_i32_0 : i32, i32, i32
  }
  func.func @transform_2(%arg0: i32) -> (i32, i32) {
    %c0_i32 = arith.constant 0 : i32
    %c0_i32_0 = arith.constant 0 : i32
    return %arg0, %c0_i32 : i32, i32
  }
}

module attributes {stable_mosaic.version = 14 : i64} {
  func.func @_tc_post_body(%arg0: i32, %arg1: memref<2x2000x1x128xi32, #tpu.memory_space<vmem>>, %arg2: memref<1x32x2000xi32, #tpu.memory_space<vmem>>, %arg3: memref<2000x256xf32, #tpu.memory_space<vmem>>, %arg4: memref<2000x256xf32, #tpu.memory_space<vmem>>, %arg5: memref<256x256xf32, #tpu.memory_space<vmem>>, %arg6: memref<1x256xf32, #tpu.memory_space<vmem>>, %arg7: memref<128x256xf32, #tpu.memory_space<vmem>>, %arg8: memref<128x256xf32, #tpu.memory_space<vmem>>, %arg9: memref<2000x256xf32, #tpu.memory_space<vmem>>) attributes {dimension_semantics = [#tpu.dimension_semantics<arbitrary>], iteration_bounds = array<i64: 5>, scalar_prefetch = 0 : i64, scratch_operands = 0 : i64, tpu.core_type = #tpu.core_type<tc>, window_params = [{transform_indices = @transform_0, window_bounds = array<i64: 2, 2000, 1, 128>}, {transform_indices = @transform_1, window_bounds = array<i64: 1, 32, 2000>}, {transform_indices = @transform_2, window_bounds = array<i64: 2000, 256>}, {transform_indices = @transform_3, window_bounds = array<i64: 2000, 256>}, {pipeline_mode = #tpu.pipeline_mode<synchronous>, transform_indices = @transform_4, window_bounds = array<i64: 256, 256>}, {pipeline_mode = #tpu.pipeline_mode<synchronous>, transform_indices = @transform_5, window_bounds = array<i64: 1, 256>}, {pipeline_mode = #tpu.pipeline_mode<synchronous>, transform_indices = @transform_6, window_bounds = array<i64: 128, 256>}, {pipeline_mode = #tpu.pipeline_mode<synchronous>, transform_indices = @transform_7, window_bounds = array<i64: 128, 256>}, {transform_indices = @transform_8, window_bounds = array<i64: 2000, 256>}]} {
    %get3A = arith.constant 0 : index
    %get3A_0 = arith.constant 0 : index
    %get3A_1 = arith.constant 0 : index
    %get3A_2 = arith.constant 0 : index
    %get3A_3 = vector.load %arg1[%get3A, %get3A_0, %get3A_1, %get3A_2] : memref<2x2000x1x128xi32, #tpu.memory_space<vmem>>, vector<2x2000x1x128xi32>
    %slice3A = vector.extract_strided_slice %get3A_3 {offsets = [0, 0, 0, 0], sizes = [1, 2000, 1, 128], strides = [1, 1, 1, 1]} : vector<2x2000x1x128xi32> to vector<1x2000x1x128xi32>
    %squeeze3A = vector.shape_cast %slice3A : vector<1x2000x1x128xi32> to vector<2000x128xi32>
    %slice3A_4 = vector.extract_strided_slice %get3A_3 {offsets = [1, 0, 0, 0], sizes = [1, 2000, 1, 128], strides = [1, 1, 1, 1]} : vector<2x2000x1x128xi32> to vector<1x2000x1x128xi32>
    %squeeze3A_5 = vector.shape_cast %slice3A_4 : vector<1x2000x1x128xi32> to vector<2000x128xi32>
    %shift_left3A = arith.constant 16 : i32
    %shift_left3A_6 = vector.broadcast %shift_left3A : i32 to vector<2000x128xi32>
    %shift_left3A_7 = arith.shli %squeeze3A, %shift_left3A_6 : vector<2000x128xi32>
    %bitcast_convert_type3A = tpu.bitcast %shift_left3A_7 : vector<2000x128xi32> -> vector<2000x128xf32>
    %shift_left3A_8 = arith.constant 16 : i32
    %shift_left3A_9 = vector.broadcast %shift_left3A_8 : i32 to vector<2000x128xi32>
    %shift_left3A_10 = arith.shli %squeeze3A_5, %shift_left3A_9 : vector<2000x128xi32>
    %bitcast_convert_type3A_11 = tpu.bitcast %shift_left3A_10 : vector<2000x128xi32> -> vector<2000x128xf32>
    %add3A = arith.addf %bitcast_convert_type3A, %bitcast_convert_type3A_11 : vector<2000x128xf32>
    %and3A = arith.constant -65536 : i32
    %and3A_12 = vector.broadcast %and3A : i32 to vector<2000x128xi32>
    %and3A_13 = arith.andi %squeeze3A, %and3A_12 : vector<2000x128xi32>
    %bitcast_convert_type3A_14 = tpu.bitcast %and3A_13 : vector<2000x128xi32> -> vector<2000x128xf32>
    %and3A_15 = arith.constant -65536 : i32
    %and3A_16 = vector.broadcast %and3A_15 : i32 to vector<2000x128xi32>
    %and3A_17 = arith.andi %squeeze3A_5, %and3A_16 : vector<2000x128xi32>
    %bitcast_convert_type3A_18 = tpu.bitcast %and3A_17 : vector<2000x128xi32> -> vector<2000x128xf32>
    %add3A_19 = arith.addf %bitcast_convert_type3A_14, %bitcast_convert_type3A_18 : vector<2000x128xf32>
    %get3A_20 = arith.constant 0 : index
    %get3A_21 = arith.constant 0 : index
    %get3A_22 = arith.constant 0 : index
    %get3A_23 = vector.load %arg2[%get3A_20, %get3A_21, %get3A_22] : memref<1x32x2000xi32, #tpu.memory_space<vmem>>, vector<1x32x2000xi32>
    %get3A_24 = vector.shape_cast %get3A_23 : vector<1x32x2000xi32> to vector<32x2000xi32>
    %reduce_sum3A = arith.constant dense<0> : vector<2000xi32>
    %reduce_sum3A_25 = vector.multi_reduction <add>, %get3A_24, %reduce_sum3A [0] : vector<32x2000xi32> to vector<2000xi32>
    %convert_element_type3A = arith.sitofp %reduce_sum3A_25 : vector<2000xi32> to vector<2000xf32>
    %gt3A = arith.constant 0.000000e+00 : f32
    %gt3A_26 = vector.broadcast %gt3A : f32 to vector<2000xf32>
    %gt3A_27 = arith.cmpf ogt, %convert_element_type3A, %gt3A_26 : vector<2000xf32>
    %rsqrt3A = math.rsqrt %convert_element_type3A : vector<2000xf32>
    %jit3A = arith.constant 0.000000e+00 : f32
    %broadcast_in_dim3A = vector.broadcast %jit3A : f32 to vector<2000xf32>
    %select_n3A = arith.select %gt3A_27, %rsqrt3A, %broadcast_in_dim3A : vector<2000xi1>, vector<2000xf32>
    %get3A_28 = arith.constant 0 : index
    %get3A_29 = arith.constant 0 : index
    %get3A_30 = vector.load %arg3[%get3A_28, %get3A_29] : memref<2000x256xf32, #tpu.memory_space<vmem>>, vector<2000x256xf32>
    %get3A_31 = arith.constant 0 : index
    %get3A_32 = arith.constant 0 : index
    %get3A_33 = vector.load %arg6[%get3A_31, %get3A_32] : memref<1x256xf32, #tpu.memory_space<vmem>>, vector<1x256xf32>
    %mul3A = vector.broadcast %get3A_33 : vector<1x256xf32> to vector<2000x256xf32>
    %mul3A_34 = arith.mulf %get3A_30, %mul3A : vector<2000x256xf32>
    %get3A_35 = arith.constant 0 : index
    %get3A_36 = arith.constant 0 : index
    %get3A_37 = vector.load %arg4[%get3A_35, %get3A_36] : memref<2000x256xf32, #tpu.memory_space<vmem>>, vector<2000x256xf32>
    %get3A_38 = arith.constant 0 : index
    %get3A_39 = arith.constant 0 : index
    %get3A_40 = vector.load %arg5[%get3A_38, %get3A_39] : memref<256x256xf32, #tpu.memory_space<vmem>>, vector<256x256xf32>
    %dot_general3A = arith.constant dense<0.000000e+00> : vector<2000x256xf32>
    %dot_general3A_41 = tpu.matmul %get3A_37, %get3A_40, %dot_general3A {dimension_numbers = #tpu.dot_dimension_numbers<[1], [0], [0], [1], [0, 0, 1, 1], [], []>, transpose_lhs_hint = false} : vector<2000x256xf32>, vector<256x256xf32>, vector<2000x256xf32> -> vector<2000x256xf32>
    %sub3A = arith.subf %mul3A_34, %dot_general3A_41 : vector<2000x256xf32>
    %broadcast_in_dim3A_42 = vector.shape_cast %select_n3A : vector<2000xf32> to vector<2000x1xf32>
    %mul3A_43 = vector.broadcast %broadcast_in_dim3A_42 : vector<2000x1xf32> to vector<2000x128xf32>
    %mul3A_44 = arith.mulf %add3A, %mul3A_43 : vector<2000x128xf32>
    %get3A_45 = arith.constant 0 : index
    %get3A_46 = arith.constant 0 : index
    %get3A_47 = vector.load %arg7[%get3A_45, %get3A_46] : memref<128x256xf32, #tpu.memory_space<vmem>>, vector<128x256xf32>
    %dot_general3A_48 = arith.constant dense<0.000000e+00> : vector<2000x256xf32>
    %dot_general3A_49 = tpu.matmul %mul3A_44, %get3A_47, %dot_general3A_48 {dimension_numbers = #tpu.dot_dimension_numbers<[1], [0], [0], [1], [0, 0, 1, 1], [], []>, transpose_lhs_hint = false} : vector<2000x128xf32>, vector<128x256xf32>, vector<2000x256xf32> -> vector<2000x256xf32>
    %add3A_50 = arith.addf %sub3A, %dot_general3A_49 : vector<2000x256xf32>
    %broadcast_in_dim3A_51 = vector.shape_cast %select_n3A : vector<2000xf32> to vector<2000x1xf32>
    %mul3A_52 = vector.broadcast %broadcast_in_dim3A_51 : vector<2000x1xf32> to vector<2000x128xf32>
    %mul3A_53 = arith.mulf %add3A_19, %mul3A_52 : vector<2000x128xf32>
    %get3A_54 = arith.constant 0 : index
    %get3A_55 = arith.constant 0 : index
    %get3A_56 = vector.load %arg8[%get3A_54, %get3A_55] : memref<128x256xf32, #tpu.memory_space<vmem>>, vector<128x256xf32>
    %dot_general3A_57 = arith.constant dense<0.000000e+00> : vector<2000x256xf32>
    %dot_general3A_58 = tpu.matmul %mul3A_53, %get3A_56, %dot_general3A_57 {dimension_numbers = #tpu.dot_dimension_numbers<[1], [0], [0], [1], [0, 0, 1, 1], [], []>, transpose_lhs_hint = false} : vector<2000x128xf32>, vector<128x256xf32>, vector<2000x256xf32> -> vector<2000x256xf32>
    %add3A_59 = arith.addf %add3A_50, %dot_general3A_58 : vector<2000x256xf32>
    %swap3A = arith.constant 0 : index
    %swap3A_60 = arith.constant 0 : index
    %swap3A_61 = vector.load %arg9[%swap3A, %swap3A_60] : memref<2000x256xf32, #tpu.memory_space<vmem>>, vector<2000x256xf32>
    tpu.vector_store %arg9[%swap3A, %swap3A_60], %add3A_59 {strides = array<i32>} : memref<2000x256xf32, #tpu.memory_space<vmem>>, vector<2000x256xf32>,
    return
  }
  func.func @transform_0(%arg0: i32) -> (i32, i32, i32, i32) {
    %c0_i32 = arith.constant 0 : i32
    %c0_i32_0 = arith.constant 0 : i32
    %c0_i32_1 = arith.constant 0 : i32
    %c0_i32_2 = arith.constant 0 : i32
    return %c0_i32, %arg0, %c0_i32_0, %c0_i32_1 : i32, i32, i32, i32
  }
  func.func @transform_1(%arg0: i32) -> (i32, i32, i32) {
    %c0_i32 = arith.constant 0 : i32
    %c0_i32_0 = arith.constant 0 : i32
    %c0_i32_1 = arith.constant 0 : i32
    return %arg0, %c0_i32, %c0_i32_0 : i32, i32, i32
  }
  func.func @transform_2(%arg0: i32) -> (i32, i32) {
    %c0_i32 = arith.constant 0 : i32
    %c0_i32_0 = arith.constant 0 : i32
    return %arg0, %c0_i32 : i32, i32
  }
  func.func @transform_3(%arg0: i32) -> (i32, i32) {
    %c0_i32 = arith.constant 0 : i32
    %c0_i32_0 = arith.constant 0 : i32
    return %arg0, %c0_i32 : i32, i32
  }
  func.func @transform_4(%arg0: i32) -> (i32, i32) {
    %c0_i32 = arith.constant 0 : i32
    %c0_i32_0 = arith.constant 0 : i32
    %c0_i32_1 = arith.constant 0 : i32
    return %c0_i32, %c0_i32_0 : i32, i32
  }
  func.func @transform_5(%arg0: i32) -> (i32, i32) {
    %c0_i32 = arith.constant 0 : i32
    %c0_i32_0 = arith.constant 0 : i32
    %c0_i32_1 = arith.constant 0 : i32
    return %c0_i32, %c0_i32_0 : i32, i32
  }
  func.func @transform_6(%arg0: i32) -> (i32, i32) {
    %c0_i32 = arith.constant 0 : i32
    %c0_i32_0 = arith.constant 0 : i32
    %c0_i32_1 = arith.constant 0 : i32
    return %c0_i32, %c0_i32_0 : i32, i32
  }
  func.func @transform_7(%arg0: i32) -> (i32, i32) {
    %c0_i32 = arith.constant 0 : i32
    %c0_i32_0 = arith.constant 0 : i32
    %c0_i32_1 = arith.constant 0 : i32
    return %c0_i32, %c0_i32_0 : i32, i32
  }
  func.func @transform_8(%arg0: i32) -> (i32, i32) {
    %c0_i32 = arith.constant 0 : i32
    %c0_i32_0 = arith.constant 0 : i32
    return %arg0, %c0_i32 : i32, i32
  }
}

</mosaic_0001>

<sc_bundles>
// kernel: kernel.6.cloned.1.call-start
scs
__scs_entry_jumppad:
0x0: {  	(pc) =	sbr.rel $0x88, $3  }
0x1: {  	(tag) =	ssettag $0x0;
	lr =	simm.s32 $0x1  }
0x2: {  	[smem:$0x3F9B] =	sst lr;
	_ =	strace $0xD0000000  }
0x3: {  	_ = 	snop  }
0x4: {  	_ = 	snop  }
0x5: {  	_ = 	snop  }
0x6: {  	_ = 	snop  }
0x7: {  	_ = 	snop  }
__scs_overlays_trampoline_lowered:
0x8: {  	[smem:$0x3FAA] =	sst s0  }
0x9: {  	[smem:$0x3FAB] =	sst s1  }
0xa: {  	[smem:$0x3FAC] =	sst s2  }
0xb: {  	[smem:$0x3FAD] =	sst s3  }
0xc: {  	[smem:$0x3FAE] =	sst s4  }
0xd: {  	[smem:$0x3FAF] =	sst s5  }
0xe: {  	[smem:$0x3FB0] =	sst s6  }
0xf: {  	[smem:$0x3FB1] =	sst s7  }
0x10: {  	[smem:$0x3FB2] =	sst s8  }
0x11: {  	[smem:$0x3FB3] =	sst s9;
	s0 =	simm.s32 @!p0 $0x0  }
0x12: {  	s1 =	sld [smem:$0x3F99];
	s0 =	simm.s32 @p0 $0x1  }
0x13: {  	[smem:$0x3FB4] =	sst s0;
	s0 =	simm.s32 @!p1 $0x0  }
0x14: {  	s2 =	sld [smem:$0x3F98];
	s0 =	simm.s32 @p1 $0x1  }
0x15: {  	[smem:$0x3FB5] =	sst s0;
	s0 =	simm.s32 @!p2 $0x0  }
0x16: {  	s3 =	sld [smem:$0x3FDB];
	s0 =	simm.s32 @p2 $0x1  }
0x17: {  	s4 =	simm.s32 $0x1BF5;
	[smem:$0x3FB7] =	sst s0  }
0x18: {  	s0 =	sld [smem:$0x3F9A];
	_ =	swait.ge [sflag:s4], $0x0  }
0x19: {  	s7 =	sld [smem:$0x3F9B]  }
0x1a: {  	s8 =	sadd.s32 $0xFFFFE003, lr  }
0x1b: {  	s9 =	sadd.s32 $0xFFFFFEF7, lr;
	s5 =	simm.s32 $0xFFFFFFFF;
	p2 =	slt.u32 s8, $0xFFFFF086  }
0x1c: {  	p1 =	slt.u32 s9, $0xF7A;
	s5 =	simm.s32 @!p2 $0x0  }
0x1d: {  	s5 =	simm.s32 @p1 $0x1;
	p0 =	seq.s32 s7, s2  }
0x1e: {  	s7 =	smul.u32 @!p0 $0xF7A, s2;
	p2 =	seq.s32 @!p0 s5, $0x0  }
0x1f: {  	s9 =	smul.u32 $0xF7A, s1;
	s8 =	simm.s32 @!p0 $0x1BF5;
	p2 =	por !p2, p0  }
0x20: {  	[sflag:s8] =	ssyncset.s32 @!p0 $0xFFFFF086;
	s6 =	sadd.s32 @!p0 s3, s7;
	s7 =	simm.s32 @!p0 $0x108  }
0x21: {  	s3 =	sadd.s32 s3, s9;
	s6 =	sadd.s32 @!p0 $0x88, s6;
	s7 =	simm.s32 @p2 $0x1082  }
0x22: {  	[simem:s7], [sflag:s8] =	dma.local @!p0 [hbm:s6], $0xF7A  }
0x23: {  	s9 =	sor.u32 $0xD0000000, s2;
	s6 =	simm.s32 $0x108;
	_ =	swait.ge @!p0 [sflag:s8], $0x0  }
0x24: {  	s3 =	sadd.s32 $0x88, s3;
	s6 =	simm.s32 @!p1 $0x1082;
	[sflag:s4] =	ssyncset.s32 $0xFFFFF086  }
0x25: {  	[simem:s6], [sflag:s4] =	dma.local [hbm:s3], $0xF7A  }
0x26: {  	[smem:$0x3F9B] =	sst s1;
	(tag) =	ssettag s2;
	_ =	strace s9  }
0x27: {  	s1 =	sld [smem:$0x3FAB]  }
0x28: {  	s2 =	sld [smem:$0x3FAC]  }
0x29: {  	s4 =	sld [smem:$0x3FAE]  }
0x2a: {  	p0 =	seq.s32 s5, $0x0;
	s5 =	sld [smem:$0x3FAF]  }
0x2b: {  	s6 =	sld [smem:$0x3FB0]  }
0x2c: {  	s7 =	sld [smem:$0x3FB1]  }
0x2d: {  	s3 =	simm.s32 $0x108;
	s8 =	sld [smem:$0x3FB2]  }
0x2e: {  	s3 =	simm.s32 @!p0 $0x1082;
	s9 =	sld [smem:$0x3FB3]  }
0x2f: {  	lr =	sadd.s32 s0, s3;
	s0 =	sld [smem:$0x3FAA]  }
0x30: {  	s3 =	sld [smem:$0x3FAD]  }
0x31: {  	[smem:$0x3FB6] =	sst s10  }
0x32: {  	s10 =	sld [smem:$0x3FB4];
	_ =	sdelay $0x3  }
0x33: {  	p0 =	seq.s32 s10, $0x1;
	s10 =	sld [smem:$0x3FB6];
	_ =	sdelay $0x3  }
0x34: {  	[smem:$0x3FB6] =	sst s10  }
0x35: {  	s10 =	sld [smem:$0x3FB5];
	_ =	sdelay $0x3  }
0x36: {  	p1 =	seq.s32 s10, $0x1;
	s10 =	sld [smem:$0x3FB6];
	_ =	sdelay $0x3  }
0x37: {  	[smem:$0x3FB6] =	sst s10  }
0x38: {  	s10 =	sld [smem:$0x3FB7]  }
0x39: {  	_ = 	snop;
	(pc) =	sbr.ind lr, $3  }
0x3a: {  	_ = 	snop  }
0x3b: {  	_ = 	snop  }
0x3c: {  	p2 =	seq.s32 s10, $0x1;
	s10 =	sld [smem:$0x3FB6]  }
0x3d: {  	_ =	shalt  }
0x3e: {  	_ =	shalt  }
0x3f: {  	_ =	shalt  }
0x40: {  	_ =	shalt  }
0x41: {  	_ =	shalt  }
0x42: {  	_ =	shalt  }
0x43: {  	_ =	shalt  }
0x44: {  	_ =	shalt  }
0x45: {  	_ =	shalt  }
0x46: {  	_ =	shalt  }
0x47: {  	_ =	shalt  }
0x48: {  	_ =	shalt  }
0x49: {  	_ =	shalt  }
0x4a: {  	_ =	shalt  }
0x4b: {  	_ =	shalt  }
0x4c: {  	_ =	shalt  }
0x4d: {  	_ =	shalt  }
0x4e: {  	_ =	shalt  }
0x4f: {  	_ =	shalt  }
0x50: {  	_ =	shalt  }
0x51: {  	_ =	shalt  }
0x52: {  	_ =	shalt  }
0x53: {  	_ =	shalt  }
0x54: {  	_ =	shalt  }
0x55: {  	_ =	shalt  }
0x56: {  	_ =	shalt  }
0x57: {  	_ =	shalt  }
0x58: {  	_ =	shalt  }
0x59: {  	_ =	shalt  }
0x5a: {  	_ =	shalt  }
0x5b: {  	_ =	shalt  }
0x5c: {  	_ =	shalt  }
0x5d: {  	_ =	shalt  }
0x5e: {  	_ =	shalt  }
0x5f: {  	_ =	shalt  }
0x60: {  	_ =	shalt  }
0x61: {  	_ =	shalt  }
0x62: {  	_ =	shalt  }
0x63: {  	_ =	shalt  }
0x64: {  	_ =	shalt  }
0x65: {  	_ =	shalt  }
0x66: {  	_ =	shalt  }
0x67: {  	_ =	shalt  }
0x68: {  	_ =	shalt  }
0x69: {  	_ =	shalt  }
0x6a: {  	_ =	shalt  }
0x6b: {  	_ =	shalt  }
0x6c: {  	_ =	shalt  }
0x6d: {  	_ =	shalt  }
0x6e: {  	_ =	shalt  }
0x6f: {  	_ =	shalt  }
0x70: {  	_ =	shalt  }
0x71: {  	_ =	shalt  }
0x72: {  	_ =	shalt  }
0x73: {  	_ =	shalt  }
0x74: {  	_ =	shalt  }
0x75: {  	_ =	shalt  }
0x76: {  	_ =	shalt  }
0x77: {  	_ =	shalt  }
0x78: {  	_ =	shalt  }
0x79: {  	_ =	shalt  }
0x7a: {  	_ =	shalt  }
0x7b: {  	_ =	shalt  }
0x7c: {  	_ =	shalt  }
0x7d: {  	_ =	shalt  }
0x7e: {  	_ =	shalt  }
0x7f: {  	_ =	shalt  }
0x80: {  	_ =	shalt  }
0x81: {  	_ =	shalt  }
0x82: {  	_ =	shalt  }
0x83: {  	_ =	shalt  }
0x84: {  	_ =	shalt  }
0x85: {  	_ =	shalt  }
0x86: {  	_ =	shalt  }
0x87: {  	_ =	shalt  }
.Lfunc_end0:
.L_simem_size_0:
called_computation_lowered:
.L_overlay_start_0:
0x88: {  	s2 =	sld [smem:$0x3FD9]  }
0x89: {  	s3 =	sld [smem:$0x3FFE];
	_ =	sdelay $0x1  }
0x8a: {  	s1 =	srdreg.scid  }
0x8b: {  	s0 =	sand.u32 $0x1, s1  }
0x8c: {  	s17 =	sshll.u32 s0, $0xA;
	s2 =	sadd.s32 s3, s2  }
0x8d: {  	s2 =	sadd.s32 s2, s17  }
0x8e: {  	[smem:$0x3FC2] =	sst s2  }
0x8f: {  	_ = 	snop  }
0x90: {  	s2 =	sld [smem:$0x3FD0];
	(tm) =	ssettm $0x1  }
0x91: {  	s18 =	sld [smem:$0x3FFB];
	_ =	sdelay $0x3  }
0x92: {  	_ =	strace s18  }
0x93: {  	s3 =	sld [smem:$0x3FFC];
	_ =	sdelay $0x3  }
0x94: {  	_ =	strace s3  }
0x95: {  	s3 =	sld [smem:$0x3FFD];
	_ =	sdelay $0x3  }
0x96: {  	_ =	strace s3  }
0x97: {  	_ =	strace $0x8FFFFFFF  }
0x98: {  	s19 =	sld [smem:$0x3FDB];
	_ =	sdelay $0x1  }
0x99: {  	s4 =	simm.s32 $_scs_section_size  }
0x9a: {  	s5 =	simm.s32 $_size__tile_overlayer_lowered;
	s6 =	simm.s32 $_tile_overlayer_lowered  }
0x9b: {  	s22 =	simm.s32 $0x1BFF;
	s21 =	sshll.u32 s6, $0x1;
	s3 =	sadd.s32 s4, s19  }
0x9c: {  	s7 =	simm.s32 $0x0;
	s20 =	sshll.u32 s5, $0x1;
	s5 =	sadd.s32 s21, s3  }
0x9d: {  	[timem:s7], [sflag:s22] =	dma.local [hbm:s5], s20  }
0x9e: {  	_ =	swait.ge [sflag:s22], s20  }
0x9f: {  	s4 =	ssub.s32 $0x0, s20;
	[sflag:s22] =	ssyncset.done $0x0  }
0xa0: {  	[sflag:s22] =	ssyncadd.s32 s4;
	_ =	sdelay $0x1  }
0xa1: {  	s23 =	simm.s32 $0x1B8B  }
0xa2: {  	_ =	swait.ge [sflag:s23], $0x1  }
0xa3: {  	[sflag:s23] =	ssyncset.done $0x0  }
0xa4: {  	s25 =	simm.s32 $0x1B8E;
	s24 =	sld [smem:$0x3FFE];
	[sflag:s23] =	ssyncadd.s32 $0xFFFFFFFF  }
0xa5: {  	s26 =	simm.s32 $execute0_lowered;
	[smem:$0x3FD2] =	sst s25  }
0xa6: {  	s5 =	sshll.u32 s26, $0x1;
	_ =	strace $0x80000046;
	[dreg:$0x1] =	wrdreg $0xFFFFFFFF  }
0xa7: {  	s28 =	simm.s32 $_size_execute0_lowered;
	s3 =	sadd.s32 s3, s5;
	[dreg:$0x0] =	wrdreg $0x0  }
0xa8: {  	s5 =	sshll.u32 s28, $0x1;
	[dreg:$0x2] =	wrdreg s3  }
0xa9: {  	[dreg:$0x3] =	wrdreg s5  }
0xaa: {  	[dreg:$0x4] =	wrdreg $0xC0  }
0xab: {  	_ =	task [dreg:s7], $0x5FFFF  }
0xac: {  	[dreg:$0x1] =	wrdreg $0xFFFFFFFF  }
0xad: {  	[dreg:$0x0] =	wrdreg $0x60  }
0xae: {  	[dreg:$0x2] =	wrdreg s24  }
0xaf: {  	[dreg:$0x3] =	wrdreg s2  }
0xb0: {  	[dreg:$0x4] =	wrdreg $0x9  }
0xb1: {  	_ =	task.clear_ibuf [dreg:s7], $0x5FFFF;
	_ =	strace $0x90000046  }
0xb2: {  	s29 =	simm.s32 $0x9;
	_ =	strace $0x80000048  }
0xb3: {  	_ =	swait.ge [sflag:s29], $0x1  }
0xb4: {  	[sflag:s29] =	ssyncadd.s32 $0xFFFFFFFF  }
0xb5: {  	_ =	strace $0x90000048  }
0xb6: {  	_ =	sfence  }
0xb7: {  	s30 =	sld [smem:$0x0];
	_ =	sdelay $0x2  }
0xb8: {  	s31 =	sshll.u32 s1, $0xD;
	s1 =	sshrl.u32 s1, $0x2  }
0xb9: {  	s3 =	sand.u32 $0x4000, s31;
	s1 =	sadd.s32 s1, s30  }
0xba: {  	s0 =	sor.u32 s3, s0;
	s1 =	sshll.u32 s1, $0x11  }
0xbb: {  	s0 =	sor.u32 s1, s0  }
0xbc: {  	s0 =	sadd.s32 $0x8F2B, s0  }
0xbd: {  	[sflag:s0] =	ssyncadd.remote.s32 $0x1  }
0xbe: {  	_ =	sfence.sel $0xFFFF  }
0xbf: {  	[dreg:$0x0] =	wrdreg $0xFFFFFFFF;
	(pc) =	sbr.abs _section_cstart, $3  }
0xc0: {  	[dreg:$0x1] =	wrdreg $0xFFFFFFFF  }
0xc1: {  	_ =	task.clear_ibuf [dreg:s7], $0x2FFFF;
	_ =	strace $0x9FFFFFFF  }
0xc2: {  	(tm) =	ssettm $0x7FFFFFFF  }
0xc3: {  	_ =	shalt  }
tec
execute0_lowered:
.L_overlay_start_1:
0x0: {  	(tag) =	ssettag $0x1  }
0x1: {  	s0 =	srdreg.scid;
	s4 =	rddreg [dreg:$0x0]  }
0x2: {  	s5 =	rddreg [dreg:$0x1];
	s2 =	simm.s32 $0x0;
	s3 =	sand.u32 $0x1, s0  }
0x3: {  	s10 =	simm.s32 $0x1;
	s0 =	stileid.u32;
	s1 =	sshll.u32 s3, $0x4  }
0x4: {  	s11 =	simm.s32 $0x1390;
	s12 =	simm.s32 $0x1B60;
	s6 =	sor.u32 s0, s1  }
0x5: {  	s13 =	simm.s32 $0x2330;
	s14 =	simm.s32 $0x2B00;
	s7 =	smul.u32 $0x271, s6  }
0x6: {  	s15 =	simm.s32 $0x32D0;
	[smem:$0x7FF] =	sst s2;
	s6 =	smul.u32 $0x7D0, s6  }
0x7: {  	s16 =	simm.s32 $0x0;
	s3 =	ssub.s32 $0x2, s3;
	s1 =	rddreg [dreg:$0x2]  }
0x8: {  	s31 =	sshrl.u32 s3, $0x1;
	s4 =	sadd.s32 s7, s4;
	s6 =	sshrl.u32 s6, $0x3  }
0x9: {  	s9 =	ssub.s32 s3, s31;
	s3 =	sadd.s32 $0x1C00, s4;
	s4 =	sadd.s32 s5, s6  }
0xa: {  	v0 =	vlaneseq.u32;
	_ =	strace $0x80000047;
	s9 =	smax.u32 s9, $0x1;
	s5 =	sadd.s32 $0x1F40, s4  }
0xb: {  	v1 =	vimm.s32 $0x0;
	v0 =	vor.u32 $0x2710, v0;
	s6 =	sadd.s32 $0x3E80, s4;
	s7 =	sadd.s32 $0x5DC0, s4;
	s8 =	sadd.s32 $0x7D00, s4  }
.LBB2_1:
0xc: {  	[tilespmem:$0x1380] =	vst v0  }
0xd: {  	[tilespmem:s2], [sflag:$0x1] =	stream.linear.gather [hbm4b:s3+s2], $0x1388, $0x38;
	[tilespmem:$0x3AB0] =	vst v63  }
0xe: {  	_ =	swait.ge [sflag:s10], $0x1388  }
0xf: {  	[sflag:s10] =	ssyncset.done $0x0  }
0x10: {  	s17 =	simm.s32 $0x13B0;
	[sflag:s10] =	ssyncadd.s32 $0xFFFFEC78  }
0x11: {  	[tilespmem:s17+$0xFFFFFFE0] =	vst v1  }
0x12: {  	[tilespmem:s17+$0x10] =	vst v1  }
0x13: {  	s18 =	simm.s32 $0x0;
	[tilespmem:s17+$0x0] =	vst v1  }
.LBB2_2:
0x14: {  	s18 =	sadd.s32 $0x4, s18  }
0x15: {  	[tilespmem:s17+$0xFFFFFFF0] =	vst v1;
	s17 =	sadd.s32 $0x40, s17;
	p0 =	slt.u32 s18, $0x26C  }
.Ltmp0:
0x16: {  	[tilespmem:s17+$0xFFFFFFE0] =	vst v1;
	(pc) =	sbr.rel @p0 .LBB2_2-.Ltmp0, $3  }
0x17: {  	_ =	sdelay $0x1  }
0x18: {  	[tilespmem:s17+$0x10] =	vst v1  }
0x19: {  	[tilespmem:s17+$0x0] =	vst v1  }
0x1a: {  	[tilespmem:s17+$0xFFFFFFF0] =	vst v1  }
0x1b: {  	[tilespmem:$0x3A90] =	vst v1  }
0x1c: {  	s17 =	simm.s32 $0xFFFFFFFC;
	s18 =	simm.s32 $0x20;
	[tilespmem:$0x3AA0] =	vst v1  }
.LBB2_4:
0x1d: {  	v2 =	vld [tilespmem:s18+$0xFFFFFFE0];
	_ =	sdelay $0x4  }
0x1e: {  	(xrf1) =	vunique.msk.u32 $0xffff, v2;
	_ =	sdelay $0xd  }
0x1f: {  	_, v3, vm0 =	vpop (xrf1);
	_ =	sdelay $0x5  }
0x20: {  	[tilespmem:v2+s11+$0x0] =	vst.idx.add.s32.msk vm0, v3  }
0x21: {  	v2 =	vld [tilespmem:s18+$0xFFFFFFF0];
	_ =	sdelay $0x4  }
0x22: {  	(xrf1) =	vunique.msk.u32 $0xffff, v2;
	_ =	sdelay $0xd  }
0x23: {  	_, v3, vm0 =	vpop (xrf1);
	_ =	sdelay $0x5  }
0x24: {  	[tilespmem:v2+s11+$0x0] =	vst.idx.add.s32.msk vm0, v3  }
0x25: {  	v2 =	vld [tilespmem:s18+$0x0];
	_ =	sdelay $0x4  }
0x26: {  	(xrf1) =	vunique.msk.u32 $0xffff, v2;
	_ =	sdelay $0xd  }
0x27: {  	_, v3, vm0 =	vpop (xrf1);
	_ =	sdelay $0x5  }
0x28: {  	[tilespmem:v2+s11+$0x0] =	vst.idx.add.s32.msk vm0, v3  }
0x29: {  	v2 =	vld [tilespmem:s18+$0x10];
	_ =	sdelay $0x4  }
0x2a: {  	(xrf1) =	vunique.msk.u32 $0xffff, v2;
	_ =	sdelay $0xd  }
0x2b: {  	s17 =	sadd.s32 $0x4, s17;
	_, v3, vm0 =	vpop (xrf1)  }
0x2c: {  	p0 =	slt.u32 s17, $0x134  }
.Ltmp1:
0x2d: {  	_ = 	snop;
	(pc) =	sbr.rel @p0 .LBB2_4-.Ltmp1, $2  }
0x2e: {  	_ =	sdelay $0x2  }
0x2f: {  	s18 =	sadd.s32 $0x40, s18;
	[tilespmem:v2+s11+$0x0] =	vst.idx.add.s32.msk vm0, v3  }
0x30: {  	v2 =	vld [tilespmem:$0x1380];
	_ =	sdelay $0x4  }
0x31: {  	(xrf1) =	vunique.msk.u32 $0xffff, v2;
	_ =	sdelay $0xd  }
0x32: {  	_, v3, vm0 =	vpop (xrf1);
	_ =	sdelay $0x5  }
0x33: {  	[tilespmem:v2+s11+$0x0] =	vst.idx.add.s32.msk vm0, v3  }
0x34: {  	[hbm4b:s4+s2] =	stream.linear.scatter [tilespmem:s11], [sflag:$0x1], $0x7D0, $0x38;
	[tilespmem:$0x3AB0] =	vst v63  }
0x35: {  	_ =	swait.ge [sflag:s10], $0x7D0  }
0x36: {  	[sflag:s10] =	ssyncset.done $0x0  }
0x37: {  	[sflag:s10] =	ssyncadd.s32 $0xFFFFF830  }
0x38: {  	[hbm4b:s5+s2] =	stream.linear.scatter [tilespmem:s12], [sflag:$0x1], $0x7D0, $0x38;
	[tilespmem:$0x3AB0] =	vst v63  }
0x39: {  	_ =	swait.ge [sflag:s10], $0x7D0  }
0x3a: {  	[sflag:s10] =	ssyncset.done $0x0  }
0x3b: {  	[sflag:s10] =	ssyncadd.s32 $0xFFFFF830  }
0x3c: {  	[hbm4b:s6+s2] =	stream.linear.scatter [tilespmem:s13], [sflag:$0x1], $0x7D0, $0x38;
	[tilespmem:$0x3AB0] =	vst v63  }
0x3d: {  	_ =	swait.ge [sflag:s10], $0x7D0  }
0x3e: {  	[sflag:s10] =	ssyncset.done $0x0  }
0x3f: {  	[sflag:s10] =	ssyncadd.s32 $0xFFFFF830  }
0x40: {  	[hbm4b:s7+s2] =	stream.linear.scatter [tilespmem:s14], [sflag:$0x1], $0x7D0, $0x38;
	[tilespmem:$0x3AB0] =	vst v63  }
0x41: {  	s16 =	sadd.s32 $0x1, s16;
	_ =	swait.ge [sflag:s10], $0x7D0  }
0x42: {  	p0 =	sne.s32 s16, s9;
	[sflag:s10] =	ssyncset.done $0x0  }
.Ltmp2:
0x43: {  	[sflag:s10] =	ssyncadd.s32 $0xFFFFF830;
	(pc) =	sbr.rel @p0 .LBB2_1-.Ltmp2, $4  }
0x44: {  	[hbm4b:s8+s2] =	stream.linear.scatter [tilespmem:s15], [sflag:$0x1], $0x7D0, $0x38;
	[tilespmem:$0x3AB0] =	vst v63  }
0x45: {  	_ =	swait.ge [sflag:s10], $0x7D0  }
0x46: {  	[sflag:s10] =	ssyncset.done $0x0  }
0x47: {  	[sflag:s10] =	ssyncadd.s32 $0xFFFFF830  }
0x48: {  	_ =	sfence.sel $0x180000  }
0x49: {  	[bflag:$0x0] =	sbarrier.arrive $0xFFFF  }
0x4a: {  	p0 =	sne.s32 s0, $0x0;
	_ =	strace $0x90000047  }
0x4b: {  	s0 =	sadd.s32 @!p0 $0x100000, s1;
	[bflag:$0x2] =	sbarrier.arrive $0xFFFF  }
0x4c: {  	[sflag:s0] =	ssyncadd.tile.s32 @!p0 $0x1;
	_ =	shalt  }
.Lfunc_end2:
_tile_overlayer_lowered:
.L_overlay_start_2:
0x4d: {  	(tag) =	ssettag $0x2  }
0x4e: {  	s0 =	rddreg [dreg:$0x0];
	s2 =	stileid.u32  }
0x4f: {  	s1 =	rddreg [dreg:$0x1];
	p0 =	sne.s32 s2, $0x0  }
0x50: {  	s3 =	rddreg [dreg:$0x2];
	[bflag:$0x3] =	sbarrier.arrive $0xFFFF;
	s2 =	simm.s32 @!p0 $0x1C01  }
0x51: {  	[timem:s3], [sflag:s2] =	dma.local @!p0 [hbm:s0], s1  }
0x52: {  	s0 =	simm.s32 @!p0 $0x1  }
0x53: {  	_ =	swait.ge @!p0 [sflag:s0], s1  }
0x54: {  	s1 =	ssub.s32 @!p0 $0x0, s1;
	[sflag:s0] =	ssyncset.done @!p0 $0x0  }
0x55: {  	[sflag:s0] =	ssyncadd.s32 @!p0 s1  }
0x56: {  	[bflag:$0x3] =	sbarrier.arrive $0xFFFF  }
0x57: {  	_ =	shalt  }

// kernel: kernel.9.cloned.1.call-start
scs
__scs_entry_jumppad:
0x0: {  	(pc) =	sbr.rel $0x88, $3  }
0x1: {  	(tag) =	ssettag $0x0;
	lr =	simm.s32 $0x1  }
0x2: {  	[smem:$0x3F9B] =	sst lr;
	_ =	strace $0xD0000000  }
0x3: {  	_ = 	snop  }
0x4: {  	_ = 	snop  }
0x5: {  	_ = 	snop  }
0x6: {  	_ = 	snop  }
0x7: {  	_ = 	snop  }
__scs_overlays_trampoline_lowered:
0x8: {  	[smem:$0x3FAA] =	sst s0  }
0x9: {  	[smem:$0x3FAB] =	sst s1  }
0xa: {  	[smem:$0x3FAC] =	sst s2  }
0xb: {  	[smem:$0x3FAD] =	sst s3  }
0xc: {  	[smem:$0x3FAE] =	sst s4  }
0xd: {  	[smem:$0x3FAF] =	sst s5  }
0xe: {  	[smem:$0x3FB0] =	sst s6  }
0xf: {  	[smem:$0x3FB1] =	sst s7  }
0x10: {  	[smem:$0x3FB2] =	sst s8  }
0x11: {  	[smem:$0x3FB3] =	sst s9;
	s0 =	simm.s32 @!p0 $0x0  }
0x12: {  	s1 =	sld [smem:$0x3F99];
	s0 =	simm.s32 @p0 $0x1  }
0x13: {  	[smem:$0x3FB4] =	sst s0;
	s0 =	simm.s32 @!p1 $0x0  }
0x14: {  	s2 =	sld [smem:$0x3F98];
	s0 =	simm.s32 @p1 $0x1  }
0x15: {  	[smem:$0x3FB5] =	sst s0;
	s0 =	simm.s32 @!p2 $0x0  }
0x16: {  	s3 =	sld [smem:$0x3FDB];
	s0 =	simm.s32 @p2 $0x1  }
0x17: {  	s4 =	simm.s32 $0x1BF5;
	[smem:$0x3FB7] =	sst s0  }
0x18: {  	s0 =	sld [smem:$0x3F9A];
	_ =	swait.ge [sflag:s4], $0x0  }
0x19: {  	s7 =	sld [smem:$0x3F9B]  }
0x1a: {  	s8 =	sadd.s32 $0xFFFFE003, lr  }
0x1b: {  	s9 =	sadd.s32 $0xFFFFFEF7, lr;
	s5 =	simm.s32 $0xFFFFFFFF;
	p2 =	slt.u32 s8, $0xFFFFF086  }
0x1c: {  	p1 =	slt.u32 s9, $0xF7A;
	s5 =	simm.s32 @!p2 $0x0  }
0x1d: {  	s5 =	simm.s32 @p1 $0x1;
	p0 =	seq.s32 s7, s2  }
0x1e: {  	s7 =	smul.u32 @!p0 $0xF7A, s2;
	p2 =	seq.s32 @!p0 s5, $0x0  }
0x1f: {  	s9 =	smul.u32 $0xF7A, s1;
	s8 =	simm.s32 @!p0 $0x1BF5;
	p2 =	por !p2, p0  }
0x20: {  	[sflag:s8] =	ssyncset.s32 @!p0 $0xFFFFF086;
	s6 =	sadd.s32 @!p0 s3, s7;
	s7 =	simm.s32 @!p0 $0x108  }
0x21: {  	s3 =	sadd.s32 s3, s9;
	s6 =	sadd.s32 @!p0 $0x88, s6;
	s7 =	simm.s32 @p2 $0x1082  }
0x22: {  	[simem:s7], [sflag:s8] =	dma.local @!p0 [hbm:s6], $0xF7A  }
0x23: {  	s9 =	sor.u32 $0xD0000000, s2;
	s6 =	simm.s32 $0x108;
	_ =	swait.ge @!p0 [sflag:s8], $0x0  }
0x24: {  	s3 =	sadd.s32 $0x88, s3;
	s6 =	simm.s32 @!p1 $0x1082;
	[sflag:s4] =	ssyncset.s32 $0xFFFFF086  }
0x25: {  	[simem:s6], [sflag:s4] =	dma.local [hbm:s3], $0xF7A  }
0x26: {  	[smem:$0x3F9B] =	sst s1;
	(tag) =	ssettag s2;
	_ =	strace s9  }
0x27: {  	s1 =	sld [smem:$0x3FAB]  }
0x28: {  	s2 =	sld [smem:$0x3FAC]  }
0x29: {  	s4 =	sld [smem:$0x3FAE]  }
0x2a: {  	p0 =	seq.s32 s5, $0x0;
	s5 =	sld [smem:$0x3FAF]  }
0x2b: {  	s6 =	sld [smem:$0x3FB0]  }
0x2c: {  	s7 =	sld [smem:$0x3FB1]  }
0x2d: {  	s3 =	simm.s32 $0x108;
	s8 =	sld [smem:$0x3FB2]  }
0x2e: {  	s3 =	simm.s32 @!p0 $0x1082;
	s9 =	sld [smem:$0x3FB3]  }
0x2f: {  	lr =	sadd.s32 s0, s3;
	s0 =	sld [smem:$0x3FAA]  }
0x30: {  	s3 =	sld [smem:$0x3FAD]  }
0x31: {  	[smem:$0x3FB6] =	sst s10  }
0x32: {  	s10 =	sld [smem:$0x3FB4];
	_ =	sdelay $0x3  }
0x33: {  	p0 =	seq.s32 s10, $0x1;
	s10 =	sld [smem:$0x3FB6];
	_ =	sdelay $0x3  }
0x34: {  	[smem:$0x3FB6] =	sst s10  }
0x35: {  	s10 =	sld [smem:$0x3FB5];
	_ =	sdelay $0x3  }
0x36: {  	p1 =	seq.s32 s10, $0x1;
	s10 =	sld [smem:$0x3FB6];
	_ =	sdelay $0x3  }
0x37: {  	[smem:$0x3FB6] =	sst s10  }
0x38: {  	s10 =	sld [smem:$0x3FB7]  }
0x39: {  	_ = 	snop;
	(pc) =	sbr.ind lr, $3  }
0x3a: {  	_ = 	snop  }
0x3b: {  	_ = 	snop  }
0x3c: {  	p2 =	seq.s32 s10, $0x1;
	s10 =	sld [smem:$0x3FB6]  }
0x3d: {  	_ =	shalt  }
0x3e: {  	_ =	shalt  }
0x3f: {  	_ =	shalt  }
0x40: {  	_ =	shalt  }
0x41: {  	_ =	shalt  }
0x42: {  	_ =	shalt  }
0x43: {  	_ =	shalt  }
0x44: {  	_ =	shalt  }
0x45: {  	_ =	shalt  }
0x46: {  	_ =	shalt  }
0x47: {  	_ =	shalt  }
0x48: {  	_ =	shalt  }
0x49: {  	_ =	shalt  }
0x4a: {  	_ =	shalt  }
0x4b: {  	_ =	shalt  }
0x4c: {  	_ =	shalt  }
0x4d: {  	_ =	shalt  }
0x4e: {  	_ =	shalt  }
0x4f: {  	_ =	shalt  }
0x50: {  	_ =	shalt  }
0x51: {  	_ =	shalt  }
0x52: {  	_ =	shalt  }
0x53: {  	_ =	shalt  }
0x54: {  	_ =	shalt  }
0x55: {  	_ =	shalt  }
0x56: {  	_ =	shalt  }
0x57: {  	_ =	shalt  }
0x58: {  	_ =	shalt  }
0x59: {  	_ =	shalt  }
0x5a: {  	_ =	shalt  }
0x5b: {  	_ =	shalt  }
0x5c: {  	_ =	shalt  }
0x5d: {  	_ =	shalt  }
0x5e: {  	_ =	shalt  }
0x5f: {  	_ =	shalt  }
0x60: {  	_ =	shalt  }
0x61: {  	_ =	shalt  }
0x62: {  	_ =	shalt  }
0x63: {  	_ =	shalt  }
0x64: {  	_ =	shalt  }
0x65: {  	_ =	shalt  }
0x66: {  	_ =	shalt  }
0x67: {  	_ =	shalt  }
0x68: {  	_ =	shalt  }
0x69: {  	_ =	shalt  }
0x6a: {  	_ =	shalt  }
0x6b: {  	_ =	shalt  }
0x6c: {  	_ =	shalt  }
0x6d: {  	_ =	shalt  }
0x6e: {  	_ =	shalt  }
0x6f: {  	_ =	shalt  }
0x70: {  	_ =	shalt  }
0x71: {  	_ =	shalt  }
0x72: {  	_ =	shalt  }
0x73: {  	_ =	shalt  }
0x74: {  	_ =	shalt  }
0x75: {  	_ =	shalt  }
0x76: {  	_ =	shalt  }
0x77: {  	_ =	shalt  }
0x78: {  	_ =	shalt  }
0x79: {  	_ =	shalt  }
0x7a: {  	_ =	shalt  }
0x7b: {  	_ =	shalt  }
0x7c: {  	_ =	shalt  }
0x7d: {  	_ =	shalt  }
0x7e: {  	_ =	shalt  }
0x7f: {  	_ =	shalt  }
0x80: {  	_ =	shalt  }
0x81: {  	_ =	shalt  }
0x82: {  	_ =	shalt  }
0x83: {  	_ =	shalt  }
0x84: {  	_ =	shalt  }
0x85: {  	_ =	shalt  }
0x86: {  	_ =	shalt  }
0x87: {  	_ =	shalt  }
.Lfunc_end0:
.L_simem_size_0:
called_computation.1_lowered:
.L_overlay_start_0:
0x88: {  	s2 =	sld [smem:$0x3FD9]  }
0x89: {  	s3 =	sld [smem:$0x3FFE];
	_ =	sdelay $0x1  }
0x8a: {  	s1 =	srdreg.scid  }
0x8b: {  	s0 =	sand.u32 $0x1, s1  }
0x8c: {  	s17 =	sshll.u32 s0, $0xA;
	s2 =	sadd.s32 s3, s2  }
0x8d: {  	s2 =	sadd.s32 s2, s17  }
0x8e: {  	[smem:$0x3FC2] =	sst s2  }
0x8f: {  	_ = 	snop  }
0x90: {  	s2 =	sld [smem:$0x3FD0];
	(tm) =	ssettm $0x1  }
0x91: {  	s18 =	sld [smem:$0x3FFB];
	_ =	sdelay $0x3  }
0x92: {  	_ =	strace s18  }
0x93: {  	s3 =	sld [smem:$0x3FFC];
	_ =	sdelay $0x3  }
0x94: {  	_ =	strace s3  }
0x95: {  	s3 =	sld [smem:$0x3FFD];
	_ =	sdelay $0x3  }
0x96: {  	_ =	strace s3  }
0x97: {  	_ =	strace $0x8FFFFFFF  }
0x98: {  	s19 =	sld [smem:$0x3FDB];
	_ =	sdelay $0x1  }
0x99: {  	s4 =	simm.s32 $_scs_section_size  }
0x9a: {  	s5 =	simm.s32 $_size__tile_overlayer_lowered;
	s6 =	simm.s32 $_tile_overlayer_lowered  }
0x9b: {  	s22 =	simm.s32 $0x1BFF;
	s21 =	sshll.u32 s6, $0x1;
	s3 =	sadd.s32 s4, s19  }
0x9c: {  	s7 =	simm.s32 $0x0;
	s20 =	sshll.u32 s5, $0x1;
	s5 =	sadd.s32 s21, s3  }
0x9d: {  	[timem:s7], [sflag:s22] =	dma.local [hbm:s5], s20  }
0x9e: {  	_ =	swait.ge [sflag:s22], s20  }
0x9f: {  	s4 =	ssub.s32 $0x0, s20;
	[sflag:s22] =	ssyncset.done $0x0  }
0xa0: {  	[sflag:s22] =	ssyncadd.s32 s4;
	_ =	sdelay $0x1  }
0xa1: {  	s23 =	simm.s32 $0x1B8B  }
0xa2: {  	_ =	swait.ge [sflag:s23], $0x1  }
0xa3: {  	[sflag:s23] =	ssyncset.done $0x0  }
0xa4: {  	s25 =	simm.s32 $0x1B8E;
	s24 =	sld [smem:$0x3FFE];
	[sflag:s23] =	ssyncadd.s32 $0xFFFFFFFF  }
0xa5: {  	s26 =	simm.s32 $execute0_lowered;
	[smem:$0x3FD2] =	sst s25  }
0xa6: {  	s5 =	sshll.u32 s26, $0x1;
	_ =	strace $0x80000049;
	[dreg:$0x1] =	wrdreg $0xFFFFFFFF  }
0xa7: {  	s28 =	simm.s32 $_size_execute0_lowered;
	s3 =	sadd.s32 s3, s5;
	[dreg:$0x0] =	wrdreg $0x0  }
0xa8: {  	s5 =	sshll.u32 s28, $0x1;
	[dreg:$0x2] =	wrdreg s3  }
0xa9: {  	[dreg:$0x3] =	wrdreg s5  }
0xaa: {  	[dreg:$0x4] =	wrdreg $0xC0  }
0xab: {  	_ =	task [dreg:s7], $0x5FFFF  }
0xac: {  	[dreg:$0x1] =	wrdreg $0xFFFFFFFF  }
0xad: {  	[dreg:$0x0] =	wrdreg $0x60  }
0xae: {  	[dreg:$0x2] =	wrdreg s24  }
0xaf: {  	[dreg:$0x3] =	wrdreg s2  }
0xb0: {  	[dreg:$0x4] =	wrdreg $0x0  }
0xb1: {  	[dreg:$0x5] =	wrdreg $0x9  }
0xb2: {  	_ =	task.clear_ibuf [dreg:s7], $0x6FFFF;
	_ =	strace $0x90000049  }
0xb3: {  	s29 =	simm.s32 $0x9;
	_ =	strace $0x8000004B  }
0xb4: {  	_ =	swait.ge [sflag:s29], $0x1  }
0xb5: {  	[sflag:s29] =	ssyncadd.s32 $0xFFFFFFFF  }
0xb6: {  	_ =	strace $0x9000004B  }
0xb7: {  	_ =	sfence  }
0xb8: {  	s30 =	sld [smem:$0x0];
	_ =	sdelay $0x2  }
0xb9: {  	s31 =	sshll.u32 s1, $0xD;
	s1 =	sshrl.u32 s1, $0x2  }
0xba: {  	s3 =	sand.u32 $0x4000, s31;
	s1 =	sadd.s32 s1, s30  }
0xbb: {  	s0 =	sor.u32 s3, s0;
	s1 =	sshll.u32 s1, $0x11  }
0xbc: {  	s0 =	sor.u32 s1, s0  }
0xbd: {  	s0 =	sadd.s32 $0x8F2B, s0  }
0xbe: {  	[sflag:s0] =	ssyncadd.remote.s32 $0x1  }
0xbf: {  	_ =	sfence.sel $0xFFFF  }
0xc0: {  	[dreg:$0x0] =	wrdreg $0xFFFFFFFF;
	(pc) =	sbr.abs _section_cstart, $3  }
0xc1: {  	[dreg:$0x1] =	wrdreg $0xFFFFFFFF  }
0xc2: {  	_ =	task.clear_ibuf [dreg:s7], $0x2FFFF;
	_ =	strace $0x9FFFFFFF  }
0xc3: {  	(tm) =	ssettm $0x7FFFFFFF  }
tec
execute0_lowered:
.L_overlay_start_1:
0x0: {  	(tag) =	ssettag $0x1  }
0x1: {  	s0 =	srdreg.scid;
	s14 =	stileid.u32  }
0x2: {  	s3 =	rddreg [dreg:$0x0];
	s29 =	simm.s32 $0x13900;
	s30 =	simm.s32 $0x7  }
0x3: {  	s31 =	simm.s32 $0x14D00;
	s0 =	sand.u32 $0x1, s0;
	s7 =	smul.u32 $0x272, s14  }
0x4: {  	s1 =	sshll.u32 s0, $0x4;
	s5 =	smul.u32 $0x27200, s0;
	s0 =	ssub.s32 $0x2, s0  }
0x5: {  	s2 =	sor.u32 s14, s1;
	s1 =	rddreg [dreg:$0x1];
	s6 =	sshrl.u32 s0, $0x1  }
0x6: {  	s9 =	sadd.s32 $0x40, s7;
	s10 =	sadd.s32 $0x80, s7;
	s11 =	sadd.s32 $0xC0, s7  }
0x7: {  	s12 =	sadd.s32 $0x100, s7;
	s13 =	sadd.s32 $0x140, s7;
	s15 =	sadd.s32 $0x180, s7  }
0x8: {  	s16 =	sadd.s32 $0x1C0, s7;
	s24 =	sadd.s32 $0x200, s7;
	s4 =	smul.u32 $0x271, s2  }
0x9: {  	s7 =	sadd.s32 $0x240, s7;
	s0 =	ssub.s32 s0, s6;
	s6 =	smul.u32 $0x4E400, s14  }
0xa: {  	s2 =	simm.s32 $0x0;
	s5 =	sadd.s32 s5, s3;
	s14 =	smul.u32 $0x2720, s14  }
0xb: {  	s17 =	sshll.u32 s9, $0x4;
	s18 =	sshll.u32 s10, $0x4;
	s19 =	sshll.u32 s11, $0x4  }
0xc: {  	s20 =	sshll.u32 s12, $0x4;
	s21 =	sshll.u32 s13, $0x4;
	s22 =	sshll.u32 s15, $0x4  }
0xd: {  	s23 =	sshll.u32 s16, $0x4;
	s9 =	sshll.u32 s9, $0x7;
	s5 =	sadd.s32 $0xBA00, s5  }
0xe: {  	s10 =	sshll.u32 s10, $0x7;
	[smem:$0x7FF] =	sst s2;
	s14 =	sadd.s32 s14, s5  }
0xf: {  	s11 =	sshll.u32 s11, $0x7;
	s17 =	sadd.s32 s17, s5;
	[dreg:$0x5] =	wrdreg s14  }
0x10: {  	s12 =	sshll.u32 s12, $0x7;
	s18 =	sadd.s32 s18, s5;
	[dreg:$0x6] =	wrdreg s17  }
0x11: {  	s13 =	sshll.u32 s13, $0x7;
	s19 =	sadd.s32 s19, s5;
	[dreg:$0x7] =	wrdreg s18  }
0x12: {  	s15 =	sshll.u32 s15, $0x7;
	s20 =	sadd.s32 s20, s5;
	[dreg:$0x8] =	wrdreg s19  }
0x13: {  	s16 =	sshll.u32 s16, $0x7;
	s21 =	sadd.s32 s21, s5;
	[dreg:$0x9] =	wrdreg s20  }
0x14: {  	s28 =	smax.u32 s0, $0x1;
	s25 =	sadd.s32 s22, s5;
	[dreg:$0xa] =	wrdreg s21  }
0x15: {  	s0 =	simm.s32 $0x40;
	s26 =	sadd.s32 s23, s5;
	[dreg:$0xb] =	wrdreg s25  }
0x16: {  	s8 =	sadd.s32 s4, s3;
	s3 =	sadd.s32 $0x6A20, s3;
	[dreg:$0xc] =	wrdreg s26  }
0x17: {  	s6 =	sshrl.u32 s6, $0x2;
	s3 =	sadd.s32 s4, s3;
	s14 =	rddreg [dreg:$0x2]  }
0x18: {  	s4 =	sshll.u32 s7, $0x4;
	s8 =	sadd.s32 $0x1C00, s8;
	s25 =	sshll.u32 s24, $0x7  }
0x19: {  	s26 =	sshll.u32 s7, $0x7;
	s7 =	simm.s32 $0x4;
	[dreg:$0x4] =	wrdreg s3  }
0x1a: {  	s3 =	sshll.u32 s24, $0x4;
	s17 =	sadd.s32 s6, s14;
	s18 =	sadd.s32 s9, s14  }
0x1b: {  	s19 =	sadd.s32 s10, s14;
	s20 =	sadd.s32 s11, s14;
	s21 =	sadd.s32 s12, s14  }
0x1c: {  	s22 =	sadd.s32 s13, s14;
	s23 =	sadd.s32 s15, s14;
	s24 =	sadd.s32 s16, s14  }
0x1d: {  	s25 =	sadd.s32 s25, s14;
	s26 =	sadd.s32 s26, s14;
	s11 =	simm.s32 $0x16100  }
0x1e: {  	s6 =	simm.s32 $0x2;
	s9 =	simm.s32 $0x5;
	s10 =	simm.s32 $0x6  }
0x1f: {  	v0 =	vlaneseq.u32;
	s12 =	simm.s32 $0x1C100;
	s13 =	simm.s32 $0x0;
	s3 =	sadd.s32 s3, s5  }
0x20: {  	v9 =	vimm.bf16 $0.0e+00;
	v1 =	vor.u32 $0x2710, v0;
	v2 =	vor.u32 $0x10, v0;
	[dreg:$0xd] =	wrdreg s3;
	s3 =	sadd.s32 s4, s5;
	s4 =	simm.s32 $0x1  }
0x21: {  	v3 =	vor.u32 $0x20, v0;
	v4 =	vor.u32 $0x30, v0;
	v5 =	vor.u32 $0x40, v0;
	s5 =	simm.s32 $0x1A100;
	[dreg:$0xe] =	wrdreg s3;
	s3 =	simm.s32 $0x18100  }
0x22: {  	v6 =	vor.u32 $0x50, v0;
	v7 =	vor.u32 $0x60, v0;
	v8 =	vor.u32 $0x70, v0;
	_ =	strace $0x8000004A;
	[dreg:$0xf] =	wrdreg s8;
	s8 =	simm.s32 $0x3  }
.LBB2_1:
0x23: {  	[tilespmem:$0x14C80] =	vst v0  }
0x24: {  	[tilespmem:$0x16080] =	vst v1  }
0x25: {  	[tilespmem:$0x14C90] =	vst v2  }
0x26: {  	[tilespmem:$0x16090] =	vst v1  }
0x27: {  	[tilespmem:$0x14CA0] =	vst v3  }
0x28: {  	[tilespmem:$0x160A0] =	vst v1  }
0x29: {  	[tilespmem:$0x14CB0] =	vst v4  }
0x2a: {  	[tilespmem:$0x160B0] =	vst v1  }
0x2b: {  	[tilespmem:$0x14CC0] =	vst v5  }
0x2c: {  	[tilespmem:$0x160C0] =	vst v1  }
0x2d: {  	[tilespmem:$0x14CD0] =	vst v6  }
0x2e: {  	[tilespmem:$0x160D0] =	vst v1  }
0x2f: {  	[tilespmem:$0x14CE0] =	vst v7  }
0x30: {  	[tilespmem:$0x160E0] =	vst v1  }
0x31: {  	[tilespmem:$0x14CF0] =	vst v8  }
0x32: {  	[tilespmem:$0x160F0] =	vst v1;
	s15 =	rddreg [dreg:$0xf]  }
0x33: {  	[tilespmem:s29], [sflag:$0x7] =	stream.linear.gather [hbm4b:s15+s2], $0x1388, $0x38;
	[tilespmem:$0x1E100] =	vst v63  }
0x34: {  	_ =	swait.ge [sflag:s30], $0x1388  }
0x35: {  	[sflag:s30] =	ssyncset.done $0x0  }
0x36: {  	s16 =	rddreg [dreg:$0x4];
	[sflag:s30] =	ssyncadd.s32 $0xFFFFEC78  }
0x37: {  	[tilespmem:s31], [sflag:$0x7] =	stream.linear.gather [hbm4b:s16+s2], $0x1388, $0x38;
	[tilespmem:$0x1E100] =	vst v63  }
0x38: {  	_ =	swait.ge [sflag:s30], $0x1388  }
0x39: {  	[sflag:s30] =	ssyncset.done $0x0  }
0x3a: {  	s15 =	simm.s32 $0x0;
	s16 =	simm.s32 $0x200;
	[sflag:s30] =	ssyncadd.s32 $0xFFFFEC78  }
.LBB2_2:
0x3b: {  	p0 =	sne.s32 s16, $0x7E00;
	[tilespmem:s15+$0x16170] =	vst v9  }
0x3c: {  	[tilespmem:s15+$0x16100] =	vst v9  }
0x3d: {  	[tilespmem:s15+$0x16110] =	vst v9  }
.Ltmp0:
0x3e: {  	[tilespmem:s15+$0x16120] =	vst v9;
	(pc) =	sbr.rel @p0 .LBB2_2-.Ltmp0, $4  }
0x3f: {  	[tilespmem:s15+$0x16130] =	vst v9  }
0x40: {  	[tilespmem:s15+$0x16140] =	vst v9  }
0x41: {  	[tilespmem:s15+$0x16150] =	vst v9  }
0x42: {  	[tilespmem:s15+$0x16160] =	vst v9;
	s15 =	sshra.s32 s16, $0x2;
	s16 =	sadd.s32 $0x200, s16  }
0x43: {  	[tilespmem:s15+$0x16170] =	vst v9  }
0x44: {  	[tilespmem:s15+$0x16100] =	vst v9  }
0x45: {  	[tilespmem:s15+$0x16110] =	vst v9  }
0x46: {  	[tilespmem:s15+$0x16120] =	vst v9  }
0x47: {  	[tilespmem:s15+$0x16130] =	vst v9  }
0x48: {  	[tilespmem:s15+$0x16140] =	vst v9  }
0x49: {  	[tilespmem:s15+$0x16150] =	vst v9  }
0x4a: {  	[tilespmem:s15+$0x16160] =	vst v9  }
0x4b: {  	[spmem:s17] =	stream.linear.scatter [tilespmem:s11], [sflag:$0x7], $0x2000, $0x38;
	[tilespmem:$0x1E100] =	vst v63  }
0x4c: {  	_ =	swait.ge [sflag:s30], $0x2000  }
0x4d: {  	[sflag:s30] =	ssyncset.done $0x0  }
0x4e: {  	[sflag:s30] =	ssyncadd.s32 $0xFFFFE000  }
0x4f: {  	[spmem:s18] =	stream.linear.scatter [tilespmem:s11], [sflag:$0x7], $0x2000, $0x38;
	[tilespmem:$0x1E100] =	vst v63  }
0x50: {  	_ =	swait.ge [sflag:s30], $0x2000  }
0x51: {  	[sflag:s30] =	ssyncset.done $0x0  }
0x52: {  	[sflag:s30] =	ssyncadd.s32 $0xFFFFE000  }
0x53: {  	[spmem:s19] =	stream.linear.scatter [tilespmem:s11], [sflag:$0x7], $0x2000, $0x38;
	[tilespmem:$0x1E100] =	vst v63  }
0x54: {  	_ =	swait.ge [sflag:s30], $0x2000  }
0x55: {  	[sflag:s30] =	ssyncset.done $0x0  }
0x56: {  	[sflag:s30] =	ssyncadd.s32 $0xFFFFE000  }
0x57: {  	[spmem:s20] =	stream.linear.scatter [tilespmem:s11], [sflag:$0x7], $0x2000, $0x38;
	[tilespmem:$0x1E100] =	vst v63  }
0x58: {  	_ =	swait.ge [sflag:s30], $0x2000  }
0x59: {  	[sflag:s30] =	ssyncset.done $0x0  }
0x5a: {  	[sflag:s30] =	ssyncadd.s32 $0xFFFFE000  }
0x5b: {  	[spmem:s21] =	stream.linear.scatter [tilespmem:s11], [sflag:$0x7], $0x2000, $0x38;
	[tilespmem:$0x1E100] =	vst v63  }
0x5c: {  	_ =	swait.ge [sflag:s30], $0x2000  }
0x5d: {  	[sflag:s30] =	ssyncset.done $0x0  }
0x5e: {  	[sflag:s30] =	ssyncadd.s32 $0xFFFFE000  }
0x5f: {  	[spmem:s22] =	stream.linear.scatter [tilespmem:s11], [sflag:$0x7], $0x2000, $0x38;
	[tilespmem:$0x1E100] =	vst v63  }
0x60: {  	_ =	swait.ge [sflag:s30], $0x2000  }
0x61: {  	[sflag:s30] =	ssyncset.done $0x0  }
0x62: {  	[sflag:s30] =	ssyncadd.s32 $0xFFFFE000  }
0x63: {  	[spmem:s23] =	stream.linear.scatter [tilespmem:s11], [sflag:$0x7], $0x2000, $0x38;
	[tilespmem:$0x1E100] =	vst v63  }
0x64: {  	_ =	swait.ge [sflag:s30], $0x2000  }
0x65: {  	[sflag:s30] =	ssyncset.done $0x0  }
0x66: {  	[sflag:s30] =	ssyncadd.s32 $0xFFFFE000  }
0x67: {  	[spmem:s24] =	stream.linear.scatter [tilespmem:s11], [sflag:$0x7], $0x2000, $0x38;
	[tilespmem:$0x1E100] =	vst v63  }
0x68: {  	_ =	swait.ge [sflag:s30], $0x2000  }
0x69: {  	[sflag:s30] =	ssyncset.done $0x0  }
0x6a: {  	[sflag:s30] =	ssyncadd.s32 $0xFFFFE000  }
0x6b: {  	[spmem:s25] =	stream.linear.scatter [tilespmem:s11], [sflag:$0x7], $0x2000, $0x38;
	[tilespmem:$0x1E100] =	vst v63  }
0x6c: {  	_ =	swait.ge [sflag:s30], $0x2000  }
0x6d: {  	[sflag:s30] =	ssyncset.done $0x0  }
0x6e: {  	[sflag:s30] =	ssyncadd.s32 $0xFFFFE000  }
0x6f: {  	[spmem:s26] =	stream.linear.scatter [tilespmem:s11], [sflag:$0x7], $0x1900, $0x38;
	[tilespmem:$0x1E100] =	vst v63  }
0x70: {  	_ =	swait.ge [sflag:s30], $0x1900  }
0x71: {  	[sflag:s30] =	ssyncset.done $0x0  }
0x72: {  	[sflag:s30] =	ssyncadd.s32 $0xFFFFE700  }
0x73: {  	[bflag:$0x0] =	sbarrier.arrive $0xFFFF  }
0x74: {  	[tilespmem:s11], [sflag:$0x1] =	stream.indirect.gather [hbm4b:s1+s0], $0x80, s29, s0, $0xb8;
	[tilespmem:$0x1E100] =	vst v63  }
0x75: {  	s29 =	simm.s32 $0x13940  }
0x76: {  	[tilespmem:s3], [sflag:$0x2] =	stream.indirect.gather [hbm4b:s1+s0], $0x80, s29, s0, $0xb8;
	[tilespmem:$0x1E100] =	vst v63  }
0x77: {  	_ =	swait.ge [sflag:s4], $0x2000  }
0x78: {  	[sflag:s4] =	ssyncset.done $0x0  }
0x79: {  	[sflag:s4] =	ssyncadd.s32 $0xFFFFE000  }
0x7a: {  	[spmem:s14] =	stream.indirect.scatter.add.bf16 [tilespmem:s11], [sflag:$0x4], $0x80, s31, s0, $0xb8;
	[tilespmem:$0x1E100] =	vst v63  }
0x7b: {  	s16 =	simm.s32 $0x13980  }
0x7c: {  	[tilespmem:s5], [sflag:$0x3] =	stream.indirect.gather [hbm4b:s1+s0], $0x80, s16, s0, $0xb8;
	[tilespmem:$0x1E100] =	vst v63  }
0x7d: {  	_ =	swait.ge [sflag:s6], $0x2000  }
0x7e: {  	[sflag:s6] =	ssyncset.done $0x0  }
0x7f: {  	s29 =	simm.s32 $0x14D40;
	[sflag:s6] =	ssyncadd.s32 $0xFFFFE000  }
0x80: {  	[spmem:s14] =	stream.indirect.scatter.add.bf16 [tilespmem:s3], [sflag:$0x5], $0x80, s29, s0, $0xb8;
	[tilespmem:$0x1E100] =	vst v63  }
0x81: {  	_ =	swait.ge [sflag:s7], $0x2000  }
0x82: {  	[sflag:s7] =	ssyncset.done $0x0  }
0x83: {  	s16 =	simm.s32 $0x139C0;
	[sflag:s7] =	ssyncadd.s32 $0xFFFFE000  }
0x84: {  	[tilespmem:s11], [sflag:$0x1] =	stream.indirect.gather [hbm4b:s1+s0], $0x80, s16, s0, $0xb8;
	[tilespmem:$0x1E100] =	vst v63  }
0x85: {  	_ =	swait.ge [sflag:s8], $0x2000  }
0x86: {  	[sflag:s8] =	ssyncset.done $0x0  }
0x87: {  	s29 =	simm.s32 $0x14D80;
	[sflag:s8] =	ssyncadd.s32 $0xFFFFE000  }
0x88: {  	[spmem:s14] =	stream.indirect.scatter.add.bf16 [tilespmem:s5], [sflag:$0x6], $0x80, s29, s0, $0xb8;
	[tilespmem:$0x1E100] =	vst v63  }
0x89: {  	_ =	swait.ge [sflag:s9], $0x2000  }
0x8a: {  	[sflag:s9] =	ssyncset.done $0x0  }
0x8b: {  	s16 =	simm.s32 $0x13A00;
	[sflag:s9] =	ssyncadd.s32 $0xFFFFE000  }
0x8c: {  	[tilespmem:s3], [sflag:$0x2] =	stream.indirect.gather [hbm4b:s1+s0], $0x80, s16, s0, $0xb8;
	[tilespmem:$0x1E100] =	vst v63  }
0x8d: {  	_ =	swait.ge [sflag:s4], $0x2000  }
0x8e: {  	[sflag:s4] =	ssyncset.done $0x0  }
0x8f: {  	s29 =	simm.s32 $0x14DC0;
	[sflag:s4] =	ssyncadd.s32 $0xFFFFE000  }
0x90: {  	[spmem:s14] =	stream.indirect.scatter.add.bf16 [tilespmem:s11], [sflag:$0x4], $0x80, s29, s0, $0xb8;
	[tilespmem:$0x1E100] =	vst v63  }
0x91: {  	_ =	swait.ge [sflag:s10], $0x2000  }
0x92: {  	[sflag:s10] =	ssyncset.done $0x0  }
0x93: {  	s16 =	simm.s32 $0x13A40;
	[sflag:s10] =	ssyncadd.s32 $0xFFFFE000  }
0x94: {  	[tilespmem:s5], [sflag:$0x3] =	stream.indirect.gather [hbm4b:s1+s0], $0x80, s16, s0, $0xb8;
	[tilespmem:$0x1E100] =	vst v63  }
0x95: {  	_ =	swait.ge [sflag:s6], $0x2000  }
0x96: {  	[sflag:s6] =	ssyncset.done $0x0  }
0x97: {  	s29 =	simm.s32 $0x14E00;
	[sflag:s6] =	ssyncadd.s32 $0xFFFFE000  }
0x98: {  	[spmem:s14] =	stream.indirect.scatter.add.bf16 [tilespmem:s3], [sflag:$0x5], $0x80, s29, s0, $0xb8;
	[tilespmem:$0x1E100] =	vst v63  }
0x99: {  	_ =	swait.ge [sflag:s7], $0x2000  }
0x9a: {  	[sflag:s7] =	ssyncset.done $0x0  }
0x9b: {  	s16 =	simm.s32 $0x13A80;
	[sflag:s7] =	ssyncadd.s32 $0xFFFFE000  }
0x9c: {  	[tilespmem:s11], [sflag:$0x1] =	stream.indirect.gather [hbm4b:s1+s0], $0x80, s16, s0, $0xb8;
	[tilespmem:$0x1E100] =	vst v63  }
0x9d: {  	_ =	swait.ge [sflag:s8], $0x2000  }
0x9e: {  	[sflag:s8] =	ssyncset.done $0x0  }
0x9f: {  	s29 =	simm.s32 $0x14E40;
	[sflag:s8] =	ssyncadd.s32 $0xFFFFE000  }
0xa0: {  	[spmem:s14] =	stream.indirect.scatter.add.bf16 [tilespmem:s5], [sflag:$0x6], $0x80, s29, s0, $0xb8;
	[tilespmem:$0x1E100] =	vst v63  }
0xa1: {  	_ =	swait.ge [sflag:s9], $0x2000  }
0xa2: {  	[sflag:s9] =	ssyncset.done $0x0  }
0xa3: {  	s15 =	simm.s32 $0x300;
	s16 =	simm.s32 $0x13AC0;
	[sflag:s9] =	ssyncadd.s32 $0xFFFFE000  }
.LBB2_4:
0xa4: {  	[tilespmem:s3], [sflag:$0x2] =	stream.indirect.gather [hbm4b:s1+s0], $0x80, s16, s0, $0xb8;
	[tilespmem:$0x1E100] =	vst v63  }
0xa5: {  	s16 =	smov.u32 s15  }
0xa6: {  	p0 =	sne.s32 s15, $0x4800;
	s15 =	sadd.s32 $0x300, s15;
	_ =	swait.ge [sflag:s4], $0x2000  }
0xa7: {  	s16 =	sshra.s32 s16, $0x2;
	[sflag:s4] =	ssyncset.done $0x0  }
0xa8: {  	s29 =	sadd.s32 $0x14DC0, s16;
	[sflag:s4] =	ssyncadd.s32 $0xFFFFE000  }
0xa9: {  	[spmem:s14] =	stream.indirect.scatter.add.bf16 [tilespmem:s11], [sflag:$0x4], $0x80, s29, s0, $0xb8;
	[tilespmem:$0x1E100] =	vst v63  }
0xaa: {  	_ =	swait.ge [sflag:s10], $0x2000  }
0xab: {  	[sflag:s10] =	ssyncset.done $0x0  }
0xac: {  	s29 =	sadd.s32 $0x13A40, s16;
	[sflag:s10] =	ssyncadd.s32 $0xFFFFE000  }
0xad: {  	[tilespmem:s5], [sflag:$0x3] =	stream.indirect.gather [hbm4b:s1+s0], $0x80, s29, s0, $0xb8;
	[tilespmem:$0x1E100] =	vst v63  }
0xae: {  	_ =	swait.ge [sflag:s6], $0x2000  }
0xaf: {  	[sflag:s6] =	ssyncset.done $0x0  }
0xb0: {  	s29 =	sadd.s32 $0x14E00, s16;
	[sflag:s6] =	ssyncadd.s32 $0xFFFFE000  }
0xb1: {  	[spmem:s14] =	stream.indirect.scatter.add.bf16 [tilespmem:s3], [sflag:$0x5], $0x80, s29, s0, $0xb8;
	[tilespmem:$0x1E100] =	vst v63  }
0xb2: {  	_ =	swait.ge [sflag:s7], $0x2000  }
0xb3: {  	[sflag:s7] =	ssyncset.done $0x0  }
0xb4: {  	s29 =	sadd.s32 $0x13A80, s16;
	[sflag:s7] =	ssyncadd.s32 $0xFFFFE000  }
0xb5: {  	[tilespmem:s11], [sflag:$0x1] =	stream.indirect.gather [hbm4b:s1+s0], $0x80, s29, s0, $0xb8;
	[tilespmem:$0x1E100] =	vst v63  }
0xb6: {  	_ =	swait.ge [sflag:s8], $0x2000  }
0xb7: {  	[sflag:s8] =	ssyncset.done $0x0  }
.Ltmp1:
0xb8: {  	s29 =	sadd.s32 $0x14E40, s16;
	[sflag:s8] =	ssyncadd.s32 $0xFFFFE000;
	(pc) =	sbr.rel @p0 .LBB2_4-.Ltmp1, $4  }
0xb9: {  	[spmem:s14] =	stream.indirect.scatter.add.bf16 [tilespmem:s5], [sflag:$0x6], $0x80, s29, s0, $0xb8;
	[tilespmem:$0x1E100] =	vst v63  }
0xba: {  	_ =	swait.ge [sflag:s9], $0x2000  }
0xbb: {  	[sflag:s9] =	ssyncset.done $0x0  }
0xbc: {  	s16 =	sadd.s32 $0x13AC0, s16;
	[sflag:s9] =	ssyncadd.s32 $0xFFFFE000  }
0xbd: {  	[tilespmem:s3], [sflag:$0x2] =	stream.indirect.gather [hbm4b:s1+s0], $0x80, s16, s0, $0xb8;
	[tilespmem:$0x1E100] =	vst v63  }
0xbe: {  	_ =	swait.ge [sflag:s4], $0x2000  }
0xbf: {  	[sflag:s4] =	ssyncset.done $0x0  }
0xc0: {  	s15 =	simm.s32 $0x16080;
	[sflag:s4] =	ssyncadd.s32 $0xFFFFE000  }
0xc1: {  	[spmem:s14] =	stream.indirect.scatter.add.bf16 [tilespmem:s11], [sflag:$0x4], $0x80, s15, s0, $0xb8;
	[tilespmem:$0x1E100] =	vst v63  }
0xc2: {  	_ =	swait.ge [sflag:s10], $0x2000  }
0xc3: {  	[sflag:s10] =	ssyncset.done $0x0  }
0xc4: {  	[sflag:s10] =	ssyncadd.s32 $0xFFFFE000  }
0xc5: {  	_ =	swait.ge [sflag:s6], $0x2000  }
0xc6: {  	[sflag:s6] =	ssyncset.done $0x0  }
0xc7: {  	s16 =	simm.s32 $0x160C0;
	[sflag:s6] =	ssyncadd.s32 $0xFFFFE000  }
0xc8: {  	[spmem:s14] =	stream.indirect.scatter.add.bf16 [tilespmem:s3], [sflag:$0x5], $0x80, s16, s0, $0xb8;
	[tilespmem:$0x1E100] =	vst v63  }
0xc9: {  	_ =	swait.ge [sflag:s7], $0x2000  }
0xca: {  	[sflag:s7] =	ssyncset.done $0x0  }
0xcb: {  	[sflag:s7] =	ssyncadd.s32 $0xFFFFE000  }
0xcc: {  	_ =	swait.ge [sflag:s9], $0x2000  }
0xcd: {  	[sflag:s9] =	ssyncset.done $0x0  }
0xce: {  	[sflag:s9] =	ssyncadd.s32 $0xFFFFE000  }
0xcf: {  	[bflag:$0x0] =	sbarrier.arrive $0xFFFF  }
0xd0: {  	[tilespmem:s11], [sflag:$0x7] =	stream.linear.gather [spmem:s17], $0x2000, $0x38;
	[tilespmem:$0x1E100] =	vst v63  }
0xd1: {  	_ =	swait.ge [sflag:s30], $0x2000  }
0xd2: {  	[sflag:s30] =	ssyncset.done $0x0  }
0xd3: {  	s15 =	simm.s32 $0x0;
	[sflag:s30] =	ssyncadd.s32 $0xFFFFE000  }
0xd4: {  	v13 =	vld [tilespmem:s15+$0x16170]  }
0xd5: {  	v14 =	vld [tilespmem:s15+$0x16100]  }
0xd6: {  	v15 =	vld [tilespmem:s15+$0x16110]  }
0xd7: {  	v12 =	vld [tilespmem:s15+$0x16120]  }
0xd8: {  	v10 =	vld [tilespmem:s15+$0x16130]  }
0xd9: {  	v11 =	vld [tilespmem:s15+$0x16140];
	[tilespmem:s15+$0x1C170] =	vst v13  }
0xda: {  	[tilespmem:s15+$0x1C100] =	vst v14;
	v13 =	vld [tilespmem:s15+$0x16150]  }
0xdb: {  	s29 =	simm.s32 $0x400;
	s16 =	simm.s32 $0x80;
	[tilespmem:s15+$0x1C110] =	vst v15;
	v14 =	vld [tilespmem:s15+$0x16160]  }
.LBB2_6:
0xdc: {  	p0 =	sne.s32 s29, $0x7E00;
	v15 =	vld [tilespmem:s16+$0x16170];
	[tilespmem:s15+$0x1C120] =	vst v12  }
0xdd: {  	v16 =	vld [tilespmem:s16+$0x16100];
	[tilespmem:s15+$0x1C130] =	vst v10  }
0xde: {  	v17 =	vld [tilespmem:s16+$0x16110];
	[tilespmem:s15+$0x1C140] =	vst v11  }
.Ltmp2:
0xdf: {  	v12 =	vld [tilespmem:s16+$0x16120];
	[tilespmem:s15+$0x1C150] =	vst v13;
	(pc) =	sbr.rel @p0 .LBB2_6-.Ltmp2, $4  }
0xe0: {  	v10 =	vld [tilespmem:s16+$0x16130];
	[tilespmem:s15+$0x1C160] =	vst v14;
	s15 =	smov.u32 s16  }
0xe1: {  	v11 =	vld [tilespmem:s15+$0x16140];
	[tilespmem:s15+$0x1C170] =	vst v15  }
0xe2: {  	[tilespmem:s15+$0x1C100] =	vst v16;
	v13 =	vld [tilespmem:s15+$0x16150]  }
0xe3: {  	s16 =	sshra.s32 s29, $0x2;
	s29 =	sadd.s32 $0x200, s29;
	[tilespmem:s15+$0x1C110] =	vst v17;
	v14 =	vld [tilespmem:s15+$0x16160]  }
0xe4: {  	v15 =	vld [tilespmem:s16+$0x16170];
	[tilespmem:s15+$0x1C120] =	vst v12  }
0xe5: {  	v12 =	vld [tilespmem:s16+$0x16100];
	[tilespmem:s15+$0x1C130] =	vst v10  }
0xe6: {  	v10 =	vld [tilespmem:s16+$0x16110];
	[tilespmem:s15+$0x1C140] =	vst v11  }
0xe7: {  	v11 =	vld [tilespmem:s16+$0x16120];
	[tilespmem:s15+$0x1C150] =	vst v13  }
0xe8: {  	v13 =	vld [tilespmem:s16+$0x16130];
	[tilespmem:s15+$0x1C160] =	vst v14  }
0xe9: {  	v14 =	vld [tilespmem:s16+$0x16140];
	[tilespmem:s16+$0x1C170] =	vst v15  }
0xea: {  	[tilespmem:s16+$0x1C100] =	vst v12;
	v12 =	vld [tilespmem:s16+$0x16150]  }
0xeb: {  	[tilespmem:s16+$0x1C110] =	vst v10;
	v10 =	vld [tilespmem:s16+$0x16160]  }
0xec: {  	[tilespmem:s16+$0x1C120] =	vst v11  }
0xed: {  	[tilespmem:s16+$0x1C130] =	vst v13  }
0xee: {  	[tilespmem:s16+$0x1C140] =	vst v14  }
0xef: {  	[tilespmem:s16+$0x1C150] =	vst v12  }
0xf0: {  	s15 =	simm.s32 $0x0;
	[tilespmem:s16+$0x1C160] =	vst v10;
	s16 =	rddreg [dreg:$0x5]  }
0xf1: {  	[hbm4b:s16+s15] =	stream.linear.scatter [tilespmem:s12], [sflag:$0x7], $0x2000, $0x38;
	[tilespmem:$0x1E100] =	vst v63  }
0xf2: {  	_ =	swait.ge [sflag:s30], $0x2000  }
0xf3: {  	[sflag:s30] =	ssyncset.done $0x0  }
0xf4: {  	[sflag:s30] =	ssyncadd.s32 $0xFFFFE000  }
0xf5: {  	[tilespmem:s11], [sflag:$0x7] =	stream.linear.gather [spmem:s18], $0x2000, $0x38;
	[tilespmem:$0x1E100] =	vst v63  }
0xf6: {  	_ =	swait.ge [sflag:s30], $0x2000  }
0xf7: {  	[sflag:s30] =	ssyncset.done $0x0  }
0xf8: {  	s15 =	simm.s32 $0x0;
	[sflag:s30] =	ssyncadd.s32 $0xFFFFE000  }
0xf9: {  	v13 =	vld [tilespmem:s15+$0x16170]  }
0xfa: {  	v14 =	vld [tilespmem:s15+$0x16100]  }
0xfb: {  	v15 =	vld [tilespmem:s15+$0x16110]  }
0xfc: {  	v12 =	vld [tilespmem:s15+$0x16120]  }
0xfd: {  	v10 =	vld [tilespmem:s15+$0x16130]  }
0xfe: {  	v11 =	vld [tilespmem:s15+$0x16140];
	[tilespmem:s15+$0x1C170] =	vst v13  }
0xff: {  	[tilespmem:s15+$0x1C100] =	vst v14;
	v13 =	vld [tilespmem:s15+$0x16150]  }
0x100: {  	s29 =	simm.s32 $0x400;
	s16 =	simm.s32 $0x80;
	[tilespmem:s15+$0x1C110] =	vst v15;
	v14 =	vld [tilespmem:s15+$0x16160]  }
.LBB2_8:
0x101: {  	p0 =	sne.s32 s29, $0x7E00;
	v15 =	vld [tilespmem:s16+$0x16170];
	[tilespmem:s15+$0x1C120] =	vst v12  }
0x102: {  	v16 =	vld [tilespmem:s16+$0x16100];
	[tilespmem:s15+$0x1C130] =	vst v10  }
0x103: {  	v17 =	vld [tilespmem:s16+$0x16110];
	[tilespmem:s15+$0x1C140] =	vst v11  }
.Ltmp3:
0x104: {  	v12 =	vld [tilespmem:s16+$0x16120];
	[tilespmem:s15+$0x1C150] =	vst v13;
	(pc) =	sbr.rel @p0 .LBB2_8-.Ltmp3, $4  }
0x105: {  	v10 =	vld [tilespmem:s16+$0x16130];
	[tilespmem:s15+$0x1C160] =	vst v14;
	s15 =	smov.u32 s16  }
0x106: {  	v11 =	vld [tilespmem:s15+$0x16140];
	[tilespmem:s15+$0x1C170] =	vst v15  }
0x107: {  	[tilespmem:s15+$0x1C100] =	vst v16;
	v13 =	vld [tilespmem:s15+$0x16150]  }
0x108: {  	s16 =	sshra.s32 s29, $0x2;
	s29 =	sadd.s32 $0x200, s29;
	[tilespmem:s15+$0x1C110] =	vst v17;
	v14 =	vld [tilespmem:s15+$0x16160]  }
0x109: {  	v15 =	vld [tilespmem:s16+$0x16170];
	[tilespmem:s15+$0x1C120] =	vst v12  }
0x10a: {  	v12 =	vld [tilespmem:s16+$0x16100];
	[tilespmem:s15+$0x1C130] =	vst v10  }
0x10b: {  	v10 =	vld [tilespmem:s16+$0x16110];
	[tilespmem:s15+$0x1C140] =	vst v11  }
0x10c: {  	v11 =	vld [tilespmem:s16+$0x16120];
	[tilespmem:s15+$0x1C150] =	vst v13  }
0x10d: {  	v13 =	vld [tilespmem:s16+$0x16130];
	[tilespmem:s15+$0x1C160] =	vst v14  }
0x10e: {  	v14 =	vld [tilespmem:s16+$0x16140];
	[tilespmem:s16+$0x1C170] =	vst v15  }
0x10f: {  	[tilespmem:s16+$0x1C100] =	vst v12;
	v12 =	vld [tilespmem:s16+$0x16150]  }
0x110: {  	[tilespmem:s16+$0x1C110] =	vst v10;
	v10 =	vld [tilespmem:s16+$0x16160]  }
0x111: {  	[tilespmem:s16+$0x1C120] =	vst v11  }
0x112: {  	[tilespmem:s16+$0x1C130] =	vst v13  }
0x113: {  	[tilespmem:s16+$0x1C140] =	vst v14  }
0x114: {  	[tilespmem:s16+$0x1C150] =	vst v12  }
0x115: {  	s15 =	simm.s32 $0x0;
	[tilespmem:s16+$0x1C160] =	vst v10;
	s16 =	rddreg [dreg:$0x6]  }
0x116: {  	[hbm4b:s16+s15] =	stream.linear.scatter [tilespmem:s12], [sflag:$0x7], $0x2000, $0x38;
	[tilespmem:$0x1E100] =	vst v63  }
0x117: {  	_ =	swait.ge [sflag:s30], $0x2000  }
0x118: {  	[sflag:s30] =	ssyncset.done $0x0  }
0x119: {  	[sflag:s30] =	ssyncadd.s32 $0xFFFFE000  }
0x11a: {  	[tilespmem:s11], [sflag:$0x7] =	stream.linear.gather [spmem:s19], $0x2000, $0x38;
	[tilespmem:$0x1E100] =	vst v63  }
0x11b: {  	_ =	swait.ge [sflag:s30], $0x2000  }
0x11c: {  	[sflag:s30] =	ssyncset.done $0x0  }
0x11d: {  	s15 =	simm.s32 $0x0;
	[sflag:s30] =	ssyncadd.s32 $0xFFFFE000  }
0x11e: {  	v13 =	vld [tilespmem:s15+$0x16170]  }
0x11f: {  	v14 =	vld [tilespmem:s15+$0x16100]  }
0x120: {  	v15 =	vld [tilespmem:s15+$0x16110]  }
0x121: {  	v12 =	vld [tilespmem:s15+$0x16120]  }
0x122: {  	v10 =	vld [tilespmem:s15+$0x16130]  }
0x123: {  	v11 =	vld [tilespmem:s15+$0x16140];
	[tilespmem:s15+$0x1C170] =	vst v13  }
0x124: {  	[tilespmem:s15+$0x1C100] =	vst v14;
	v13 =	vld [tilespmem:s15+$0x16150]  }
0x125: {  	s29 =	simm.s32 $0x400;
	s16 =	simm.s32 $0x80;
	[tilespmem:s15+$0x1C110] =	vst v15;
	v14 =	vld [tilespmem:s15+$0x16160]  }
.LBB2_10:
0x126: {  	p0 =	sne.s32 s29, $0x7E00;
	v15 =	vld [tilespmem:s16+$0x16170];
	[tilespmem:s15+$0x1C120] =	vst v12  }
0x127: {  	v16 =	vld [tilespmem:s16+$0x16100];
	[tilespmem:s15+$0x1C130] =	vst v10  }
0x128: {  	v17 =	vld [tilespmem:s16+$0x16110];
	[tilespmem:s15+$0x1C140] =	vst v11  }
.Ltmp4:
0x129: {  	v12 =	vld [tilespmem:s16+$0x16120];
	[tilespmem:s15+$0x1C150] =	vst v13;
	(pc) =	sbr.rel @p0 .LBB2_10-.Ltmp4, $4  }
0x12a: {  	v10 =	vld [tilespmem:s16+$0x16130];
	[tilespmem:s15+$0x1C160] =	vst v14;
	s15 =	smov.u32 s16  }
0x12b: {  	v11 =	vld [tilespmem:s15+$0x16140];
	[tilespmem:s15+$0x1C170] =	vst v15  }
0x12c: {  	[tilespmem:s15+$0x1C100] =	vst v16;
	v13 =	vld [tilespmem:s15+$0x16150]  }
0x12d: {  	s16 =	sshra.s32 s29, $0x2;
	s29 =	sadd.s32 $0x200, s29;
	[tilespmem:s15+$0x1C110] =	vst v17;
	v14 =	vld [tilespmem:s15+$0x16160]  }
0x12e: {  	v15 =	vld [tilespmem:s16+$0x16170];
	[tilespmem:s15+$0x1C120] =	vst v12  }
0x12f: {  	v12 =	vld [tilespmem:s16+$0x16100];
	[tilespmem:s15+$0x1C130] =	vst v10  }
0x130: {  	v10 =	vld [tilespmem:s16+$0x16110];
	[tilespmem:s15+$0x1C140] =	vst v11  }
0x131: {  	v11 =	vld [tilespmem:s16+$0x16120];
	[tilespmem:s15+$0x1C150] =	vst v13  }
0x132: {  	v13 =	vld [tilespmem:s16+$0x16130];
	[tilespmem:s15+$0x1C160] =	vst v14  }
0x133: {  	v14 =	vld [tilespmem:s16+$0x16140];
	[tilespmem:s16+$0x1C170] =	vst v15  }
0x134: {  	[tilespmem:s16+$0x1C100] =	vst v12;
	v12 =	vld [tilespmem:s16+$0x16150]  }
0x135: {  	[tilespmem:s16+$0x1C110] =	vst v10;
	v10 =	vld [tilespmem:s16+$0x16160]  }
0x136: {  	[tilespmem:s16+$0x1C120] =	vst v11  }
0x137: {  	[tilespmem:s16+$0x1C130] =	vst v13  }
0x138: {  	[tilespmem:s16+$0x1C140] =	vst v14  }
0x139: {  	[tilespmem:s16+$0x1C150] =	vst v12  }
0x13a: {  	s15 =	simm.s32 $0x0;
	[tilespmem:s16+$0x1C160] =	vst v10;
	s16 =	rddreg [dreg:$0x7]  }
0x13b: {  	[hbm4b:s16+s15] =	stream.linear.scatter [tilespmem:s12], [sflag:$0x7], $0x2000, $0x38;
	[tilespmem:$0x1E100] =	vst v63  }
0x13c: {  	_ =	swait.ge [sflag:s30], $0x2000  }
0x13d: {  	[sflag:s30] =	ssyncset.done $0x0  }
0x13e: {  	[sflag:s30] =	ssyncadd.s32 $0xFFFFE000  }
0x13f: {  	[tilespmem:s11], [sflag:$0x7] =	stream.linear.gather [spmem:s20], $0x2000, $0x38;
	[tilespmem:$0x1E100] =	vst v63  }
0x140: {  	_ =	swait.ge [sflag:s30], $0x2000  }
0x141: {  	[sflag:s30] =	ssyncset.done $0x0  }
0x142: {  	s15 =	simm.s32 $0x0;
	[sflag:s30] =	ssyncadd.s32 $0xFFFFE000  }
0x143: {  	v13 =	vld [tilespmem:s15+$0x16170]  }
0x144: {  	v14 =	vld [tilespmem:s15+$0x16100]  }
0x145: {  	v15 =	vld [tilespmem:s15+$0x16110]  }
0x146: {  	v12 =	vld [tilespmem:s15+$0x16120]  }
0x147: {  	v10 =	vld [tilespmem:s15+$0x16130]  }
0x148: {  	v11 =	vld [tilespmem:s15+$0x16140];
	[tilespmem:s15+$0x1C170] =	vst v13  }
0x149: {  	[tilespmem:s15+$0x1C100] =	vst v14;
	v13 =	vld [tilespmem:s15+$0x16150]  }
0x14a: {  	s29 =	simm.s32 $0x400;
	s16 =	simm.s32 $0x80;
	[tilespmem:s15+$0x1C110] =	vst v15;
	v14 =	vld [tilespmem:s15+$0x16160]  }
.LBB2_12:
0x14b: {  	p0 =	sne.s32 s29, $0x7E00;
	v15 =	vld [tilespmem:s16+$0x16170];
	[tilespmem:s15+$0x1C120] =	vst v12  }
0x14c: {  	v16 =	vld [tilespmem:s16+$0x16100];
	[tilespmem:s15+$0x1C130] =	vst v10  }
0x14d: {  	v17 =	vld [tilespmem:s16+$0x16110];
	[tilespmem:s15+$0x1C140] =	vst v11  }
.Ltmp5:
0x14e: {  	v12 =	vld [tilespmem:s16+$0x16120];
	[tilespmem:s15+$0x1C150] =	vst v13;
	(pc) =	sbr.rel @p0 .LBB2_12-.Ltmp5, $4  }
0x14f: {  	v10 =	vld [tilespmem:s16+$0x16130];
	[tilespmem:s15+$0x1C160] =	vst v14;
	s15 =	smov.u32 s16  }
0x150: {  	v11 =	vld [tilespmem:s15+$0x16140];
	[tilespmem:s15+$0x1C170] =	vst v15  }
0x151: {  	[tilespmem:s15+$0x1C100] =	vst v16;
	v13 =	vld [tilespmem:s15+$0x16150]  }
0x152: {  	s16 =	sshra.s32 s29, $0x2;
	s29 =	sadd.s32 $0x200, s29;
	[tilespmem:s15+$0x1C110] =	vst v17;
	v14 =	vld [tilespmem:s15+$0x16160]  }
0x153: {  	v15 =	vld [tilespmem:s16+$0x16170];
	[tilespmem:s15+$0x1C120] =	vst v12  }
0x154: {  	v12 =	vld [tilespmem:s16+$0x16100];
	[tilespmem:s15+$0x1C130] =	vst v10  }
0x155: {  	v10 =	vld [tilespmem:s16+$0x16110];
	[tilespmem:s15+$0x1C140] =	vst v11  }
0x156: {  	v11 =	vld [tilespmem:s16+$0x16120];
	[tilespmem:s15+$0x1C150] =	vst v13  }
0x157: {  	v13 =	vld [tilespmem:s16+$0x16130];
	[tilespmem:s15+$0x1C160] =	vst v14  }
0x158: {  	v14 =	vld [tilespmem:s16+$0x16140];
	[tilespmem:s16+$0x1C170] =	vst v15  }
0x159: {  	[tilespmem:s16+$0x1C100] =	vst v12;
	v12 =	vld [tilespmem:s16+$0x16150]  }
0x15a: {  	[tilespmem:s16+$0x1C110] =	vst v10;
	v10 =	vld [tilespmem:s16+$0x16160]  }
0x15b: {  	[tilespmem:s16+$0x1C120] =	vst v11  }
0x15c: {  	[tilespmem:s16+$0x1C130] =	vst v13  }
0x15d: {  	[tilespmem:s16+$0x1C140] =	vst v14  }
0x15e: {  	[tilespmem:s16+$0x1C150] =	vst v12  }
0x15f: {  	s15 =	simm.s32 $0x0;
	[tilespmem:s16+$0x1C160] =	vst v10;
	s16 =	rddreg [dreg:$0x8]  }
0x160: {  	[hbm4b:s16+s15] =	stream.linear.scatter [tilespmem:s12], [sflag:$0x7], $0x2000, $0x38;
	[tilespmem:$0x1E100] =	vst v63  }
0x161: {  	_ =	swait.ge [sflag:s30], $0x2000  }
0x162: {  	[sflag:s30] =	ssyncset.done $0x0  }
0x163: {  	[sflag:s30] =	ssyncadd.s32 $0xFFFFE000  }
0x164: {  	[tilespmem:s11], [sflag:$0x7] =	stream.linear.gather [spmem:s21], $0x2000, $0x38;
	[tilespmem:$0x1E100] =	vst v63  }
0x165: {  	_ =	swait.ge [sflag:s30], $0x2000  }
0x166: {  	[sflag:s30] =	ssyncset.done $0x0  }
0x167: {  	s15 =	simm.s32 $0x0;
	[sflag:s30] =	ssyncadd.s32 $0xFFFFE000  }
0x168: {  	v13 =	vld [tilespmem:s15+$0x16170]  }
0x169: {  	v14 =	vld [tilespmem:s15+$0x16100]  }
0x16a: {  	v15 =	vld [tilespmem:s15+$0x16110]  }
0x16b: {  	v12 =	vld [tilespmem:s15+$0x16120]  }
0x16c: {  	v10 =	vld [tilespmem:s15+$0x16130]  }
0x16d: {  	v11 =	vld [tilespmem:s15+$0x16140];
	[tilespmem:s15+$0x1C170] =	vst v13  }
0x16e: {  	[tilespmem:s15+$0x1C100] =	vst v14;
	v13 =	vld [tilespmem:s15+$0x16150]  }
0x16f: {  	s29 =	simm.s32 $0x400;
	s16 =	simm.s32 $0x80;
	[tilespmem:s15+$0x1C110] =	vst v15;
	v14 =	vld [tilespmem:s15+$0x16160]  }
.LBB2_14:
0x170: {  	p0 =	sne.s32 s29, $0x7E00;
	v15 =	vld [tilespmem:s16+$0x16170];
	[tilespmem:s15+$0x1C120] =	vst v12  }
0x171: {  	v16 =	vld [tilespmem:s16+$0x16100];
	[tilespmem:s15+$0x1C130] =	vst v10  }
0x172: {  	v17 =	vld [tilespmem:s16+$0x16110];
	[tilespmem:s15+$0x1C140] =	vst v11  }
.Ltmp6:
0x173: {  	v12 =	vld [tilespmem:s16+$0x16120];
	[tilespmem:s15+$0x1C150] =	vst v13;
	(pc) =	sbr.rel @p0 .LBB2_14-.Ltmp6, $4  }
0x174: {  	v10 =	vld [tilespmem:s16+$0x16130];
	[tilespmem:s15+$0x1C160] =	vst v14;
	s15 =	smov.u32 s16  }
0x175: {  	v11 =	vld [tilespmem:s15+$0x16140];
	[tilespmem:s15+$0x1C170] =	vst v15  }
0x176: {  	[tilespmem:s15+$0x1C100] =	vst v16;
	v13 =	vld [tilespmem:s15+$0x16150]  }
0x177: {  	s16 =	sshra.s32 s29, $0x2;
	s29 =	sadd.s32 $0x200, s29;
	[tilespmem:s15+$0x1C110] =	vst v17;
	v14 =	vld [tilespmem:s15+$0x16160]  }
0x178: {  	v15 =	vld [tilespmem:s16+$0x16170];
	[tilespmem:s15+$0x1C120] =	vst v12  }
0x179: {  	v12 =	vld [tilespmem:s16+$0x16100];
	[tilespmem:s15+$0x1C130] =	vst v10  }
0x17a: {  	v10 =	vld [tilespmem:s16+$0x16110];
	[tilespmem:s15+$0x1C140] =	vst v11  }
0x17b: {  	v11 =	vld [tilespmem:s16+$0x16120];
	[tilespmem:s15+$0x1C150] =	vst v13  }
0x17c: {  	v13 =	vld [tilespmem:s16+$0x16130];
	[tilespmem:s15+$0x1C160] =	vst v14  }
0x17d: {  	v14 =	vld [tilespmem:s16+$0x16140];
	[tilespmem:s16+$0x1C170] =	vst v15  }
0x17e: {  	[tilespmem:s16+$0x1C100] =	vst v12;
	v12 =	vld [tilespmem:s16+$0x16150]  }
0x17f: {  	[tilespmem:s16+$0x1C110] =	vst v10;
	v10 =	vld [tilespmem:s16+$0x16160]  }
0x180: {  	[tilespmem:s16+$0x1C120] =	vst v11  }
0x181: {  	[tilespmem:s16+$0x1C130] =	vst v13  }
0x182: {  	[tilespmem:s16+$0x1C140] =	vst v14  }
0x183: {  	[tilespmem:s16+$0x1C150] =	vst v12  }
0x184: {  	s15 =	simm.s32 $0x0;
	[tilespmem:s16+$0x1C160] =	vst v10;
	s16 =	rddreg [dreg:$0x9]  }
0x185: {  	[hbm4b:s16+s15] =	stream.linear.scatter [tilespmem:s12], [sflag:$0x7], $0x2000, $0x38;
	[tilespmem:$0x1E100] =	vst v63  }
0x186: {  	_ =	swait.ge [sflag:s30], $0x2000  }
0x187: {  	[sflag:s30] =	ssyncset.done $0x0  }
0x188: {  	[sflag:s30] =	ssyncadd.s32 $0xFFFFE000  }
0x189: {  	[tilespmem:s11], [sflag:$0x7] =	stream.linear.gather [spmem:s22], $0x2000, $0x38;
	[tilespmem:$0x1E100] =	vst v63  }
0x18a: {  	_ =	swait.ge [sflag:s30], $0x2000  }
0x18b: {  	[sflag:s30] =	ssyncset.done $0x0  }
0x18c: {  	s15 =	simm.s32 $0x0;
	[sflag:s30] =	ssyncadd.s32 $0xFFFFE000  }
0x18d: {  	v13 =	vld [tilespmem:s15+$0x16170]  }
0x18e: {  	v14 =	vld [tilespmem:s15+$0x16100]  }
0x18f: {  	v15 =	vld [tilespmem:s15+$0x16110]  }
0x190: {  	v12 =	vld [tilespmem:s15+$0x16120]  }
0x191: {  	v10 =	vld [tilespmem:s15+$0x16130]  }
0x192: {  	v11 =	vld [tilespmem:s15+$0x16140];
	[tilespmem:s15+$0x1C170] =	vst v13  }
0x193: {  	[tilespmem:s15+$0x1C100] =	vst v14;
	v13 =	vld [tilespmem:s15+$0x16150]  }
0x194: {  	s29 =	simm.s32 $0x400;
	s16 =	simm.s32 $0x80;
	[tilespmem:s15+$0x1C110] =	vst v15;
	v14 =	vld [tilespmem:s15+$0x16160]  }
.LBB2_16:
0x195: {  	p0 =	sne.s32 s29, $0x7E00;
	v15 =	vld [tilespmem:s16+$0x16170];
	[tilespmem:s15+$0x1C120] =	vst v12  }
0x196: {  	v16 =	vld [tilespmem:s16+$0x16100];
	[tilespmem:s15+$0x1C130] =	vst v10  }
0x197: {  	v17 =	vld [tilespmem:s16+$0x16110];
	[tilespmem:s15+$0x1C140] =	vst v11  }
.Ltmp7:
0x198: {  	v12 =	vld [tilespmem:s16+$0x16120];
	[tilespmem:s15+$0x1C150] =	vst v13;
	(pc) =	sbr.rel @p0 .LBB2_16-.Ltmp7, $4  }
0x199: {  	v10 =	vld [tilespmem:s16+$0x16130];
	[tilespmem:s15+$0x1C160] =	vst v14;
	s15 =	smov.u32 s16  }
0x19a: {  	v11 =	vld [tilespmem:s15+$0x16140];
	[tilespmem:s15+$0x1C170] =	vst v15  }
0x19b: {  	[tilespmem:s15+$0x1C100] =	vst v16;
	v13 =	vld [tilespmem:s15+$0x16150]  }
0x19c: {  	s16 =	sshra.s32 s29, $0x2;
	s29 =	sadd.s32 $0x200, s29;
	[tilespmem:s15+$0x1C110] =	vst v17;
	v14 =	vld [tilespmem:s15+$0x16160]  }
0x19d: {  	v15 =	vld [tilespmem:s16+$0x16170];
	[tilespmem:s15+$0x1C120] =	vst v12  }
0x19e: {  	v12 =	vld [tilespmem:s16+$0x16100];
	[tilespmem:s15+$0x1C130] =	vst v10  }
0x19f: {  	v10 =	vld [tilespmem:s16+$0x16110];
	[tilespmem:s15+$0x1C140] =	vst v11  }
0x1a0: {  	v11 =	vld [tilespmem:s16+$0x16120];
	[tilespmem:s15+$0x1C150] =	vst v13  }
0x1a1: {  	v13 =	vld [tilespmem:s16+$0x16130];
	[tilespmem:s15+$0x1C160] =	vst v14  }
0x1a2: {  	v14 =	vld [tilespmem:s16+$0x16140];
	[tilespmem:s16+$0x1C170] =	vst v15  }
0x1a3: {  	[tilespmem:s16+$0x1C100] =	vst v12;
	v12 =	vld [tilespmem:s16+$0x16150]  }
0x1a4: {  	[tilespmem:s16+$0x1C110] =	vst v10;
	v10 =	vld [tilespmem:s16+$0x16160]  }
0x1a5: {  	[tilespmem:s16+$0x1C120] =	vst v11  }
0x1a6: {  	[tilespmem:s16+$0x1C130] =	vst v13  }
0x1a7: {  	[tilespmem:s16+$0x1C140] =	vst v14  }
0x1a8: {  	[tilespmem:s16+$0x1C150] =	vst v12  }
0x1a9: {  	s15 =	simm.s32 $0x0;
	[tilespmem:s16+$0x1C160] =	vst v10;
	s16 =	rddreg [dreg:$0xa]  }
0x1aa: {  	[hbm4b:s16+s15] =	stream.linear.scatter [tilespmem:s12], [sflag:$0x7], $0x2000, $0x38;
	[tilespmem:$0x1E100] =	vst v63  }
0x1ab: {  	_ =	swait.ge [sflag:s30], $0x2000  }
0x1ac: {  	[sflag:s30] =	ssyncset.done $0x0  }
0x1ad: {  	[sflag:s30] =	ssyncadd.s32 $0xFFFFE000  }
0x1ae: {  	[tilespmem:s11], [sflag:$0x7] =	stream.linear.gather [spmem:s23], $0x2000, $0x38;
	[tilespmem:$0x1E100] =	vst v63  }
0x1af: {  	_ =	swait.ge [sflag:s30], $0x2000  }
0x1b0: {  	[sflag:s30] =	ssyncset.done $0x0  }
0x1b1: {  	s15 =	simm.s32 $0x0;
	[sflag:s30] =	ssyncadd.s32 $0xFFFFE000  }
0x1b2: {  	v13 =	vld [tilespmem:s15+$0x16170]  }
0x1b3: {  	v14 =	vld [tilespmem:s15+$0x16100]  }
0x1b4: {  	v15 =	vld [tilespmem:s15+$0x16110]  }
0x1b5: {  	v12 =	vld [tilespmem:s15+$0x16120]  }
0x1b6: {  	v10 =	vld [tilespmem:s15+$0x16130]  }
0x1b7: {  	v11 =	vld [tilespmem:s15+$0x16140];
	[tilespmem:s15+$0x1C170] =	vst v13  }
0x1b8: {  	[tilespmem:s15+$0x1C100] =	vst v14;
	v13 =	vld [tilespmem:s15+$0x16150]  }
0x1b9: {  	s29 =	simm.s32 $0x400;
	s16 =	simm.s32 $0x80;
	[tilespmem:s15+$0x1C110] =	vst v15;
	v14 =	vld [tilespmem:s15+$0x16160]  }
.LBB2_18:
0x1ba: {  	p0 =	sne.s32 s29, $0x7E00;
	v15 =	vld [tilespmem:s16+$0x16170];
	[tilespmem:s15+$0x1C120] =	vst v12  }
0x1bb: {  	v16 =	vld [tilespmem:s16+$0x16100];
	[tilespmem:s15+$0x1C130] =	vst v10  }
0x1bc: {  	v17 =	vld [tilespmem:s16+$0x16110];
	[tilespmem:s15+$0x1C140] =	vst v11  }
.Ltmp8:
0x1bd: {  	v12 =	vld [tilespmem:s16+$0x16120];
	[tilespmem:s15+$0x1C150] =	vst v13;
	(pc) =	sbr.rel @p0 .LBB2_18-.Ltmp8, $4  }
0x1be: {  	v10 =	vld [tilespmem:s16+$0x16130];
	[tilespmem:s15+$0x1C160] =	vst v14;
	s15 =	smov.u32 s16  }
0x1bf: {  	v11 =	vld [tilespmem:s15+$0x16140];
	[tilespmem:s15+$0x1C170] =	vst v15  }
0x1c0: {  	[tilespmem:s15+$0x1C100] =	vst v16;
	v13 =	vld [tilespmem:s15+$0x16150]  }
0x1c1: {  	s16 =	sshra.s32 s29, $0x2;
	s29 =	sadd.s32 $0x200, s29;
	[tilespmem:s15+$0x1C110] =	vst v17;
	v14 =	vld [tilespmem:s15+$0x16160]  }
0x1c2: {  	v15 =	vld [tilespmem:s16+$0x16170];
	[tilespmem:s15+$0x1C120] =	vst v12  }
0x1c3: {  	v12 =	vld [tilespmem:s16+$0x16100];
	[tilespmem:s15+$0x1C130] =	vst v10  }
0x1c4: {  	v10 =	vld [tilespmem:s16+$0x16110];
	[tilespmem:s15+$0x1C140] =	vst v11  }
0x1c5: {  	v11 =	vld [tilespmem:s16+$0x16120];
	[tilespmem:s15+$0x1C150] =	vst v13  }
0x1c6: {  	v13 =	vld [tilespmem:s16+$0x16130];
	[tilespmem:s15+$0x1C160] =	vst v14  }
0x1c7: {  	v14 =	vld [tilespmem:s16+$0x16140];
	[tilespmem:s16+$0x1C170] =	vst v15  }
0x1c8: {  	[tilespmem:s16+$0x1C100] =	vst v12;
	v12 =	vld [tilespmem:s16+$0x16150]  }
0x1c9: {  	[tilespmem:s16+$0x1C110] =	vst v10;
	v10 =	vld [tilespmem:s16+$0x16160]  }
0x1ca: {  	[tilespmem:s16+$0x1C120] =	vst v11  }
0x1cb: {  	[tilespmem:s16+$0x1C130] =	vst v13  }
0x1cc: {  	[tilespmem:s16+$0x1C140] =	vst v14  }
0x1cd: {  	[tilespmem:s16+$0x1C150] =	vst v12  }
0x1ce: {  	s15 =	simm.s32 $0x0;
	[tilespmem:s16+$0x1C160] =	vst v10;
	s16 =	rddreg [dreg:$0xb]  }
0x1cf: {  	[hbm4b:s16+s15] =	stream.linear.scatter [tilespmem:s12], [sflag:$0x7], $0x2000, $0x38;
	[tilespmem:$0x1E100] =	vst v63  }
0x1d0: {  	_ =	swait.ge [sflag:s30], $0x2000  }
0x1d1: {  	[sflag:s30] =	ssyncset.done $0x0  }
0x1d2: {  	[sflag:s30] =	ssyncadd.s32 $0xFFFFE000  }
0x1d3: {  	[tilespmem:s11], [sflag:$0x7] =	stream.linear.gather [spmem:s24], $0x2000, $0x38;
	[tilespmem:$0x1E100] =	vst v63  }
0x1d4: {  	_ =	swait.ge [sflag:s30], $0x2000  }
0x1d5: {  	[sflag:s30] =	ssyncset.done $0x0  }
0x1d6: {  	s15 =	simm.s32 $0x0;
	[sflag:s30] =	ssyncadd.s32 $0xFFFFE000  }
0x1d7: {  	v13 =	vld [tilespmem:s15+$0x16170]  }
0x1d8: {  	v14 =	vld [tilespmem:s15+$0x16100]  }
0x1d9: {  	v15 =	vld [tilespmem:s15+$0x16110]  }
0x1da: {  	v12 =	vld [tilespmem:s15+$0x16120]  }
0x1db: {  	v10 =	vld [tilespmem:s15+$0x16130]  }
0x1dc: {  	v11 =	vld [tilespmem:s15+$0x16140];
	[tilespmem:s15+$0x1C170] =	vst v13  }
0x1dd: {  	[tilespmem:s15+$0x1C100] =	vst v14;
	v13 =	vld [tilespmem:s15+$0x16150]  }
0x1de: {  	s29 =	simm.s32 $0x400;
	s16 =	simm.s32 $0x80;
	[tilespmem:s15+$0x1C110] =	vst v15;
	v14 =	vld [tilespmem:s15+$0x16160]  }
.LBB2_20:
0x1df: {  	p0 =	sne.s32 s29, $0x7E00;
	v15 =	vld [tilespmem:s16+$0x16170];
	[tilespmem:s15+$0x1C120] =	vst v12  }
0x1e0: {  	v16 =	vld [tilespmem:s16+$0x16100];
	[tilespmem:s15+$0x1C130] =	vst v10  }
0x1e1: {  	v17 =	vld [tilespmem:s16+$0x16110];
	[tilespmem:s15+$0x1C140] =	vst v11  }
.Ltmp9:
0x1e2: {  	v12 =	vld [tilespmem:s16+$0x16120];
	[tilespmem:s15+$0x1C150] =	vst v13;
	(pc) =	sbr.rel @p0 .LBB2_20-.Ltmp9, $4  }
0x1e3: {  	v10 =	vld [tilespmem:s16+$0x16130];
	[tilespmem:s15+$0x1C160] =	vst v14;
	s15 =	smov.u32 s16  }
0x1e4: {  	v11 =	vld [tilespmem:s15+$0x16140];
	[tilespmem:s15+$0x1C170] =	vst v15  }
0x1e5: {  	[tilespmem:s15+$0x1C100] =	vst v16;
	v13 =	vld [tilespmem:s15+$0x16150]  }
0x1e6: {  	s16 =	sshra.s32 s29, $0x2;
	s29 =	sadd.s32 $0x200, s29;
	[tilespmem:s15+$0x1C110] =	vst v17;
	v14 =	vld [tilespmem:s15+$0x16160]  }
0x1e7: {  	v15 =	vld [tilespmem:s16+$0x16170];
	[tilespmem:s15+$0x1C120] =	vst v12  }
0x1e8: {  	v12 =	vld [tilespmem:s16+$0x16100];
	[tilespmem:s15+$0x1C130] =	vst v10  }
0x1e9: {  	v10 =	vld [tilespmem:s16+$0x16110];
	[tilespmem:s15+$0x1C140] =	vst v11  }
0x1ea: {  	v11 =	vld [tilespmem:s16+$0x16120];
	[tilespmem:s15+$0x1C150] =	vst v13  }
0x1eb: {  	v13 =	vld [tilespmem:s16+$0x16130];
	[tilespmem:s15+$0x1C160] =	vst v14  }
0x1ec: {  	v14 =	vld [tilespmem:s16+$0x16140];
	[tilespmem:s16+$0x1C170] =	vst v15  }
0x1ed: {  	[tilespmem:s16+$0x1C100] =	vst v12;
	v12 =	vld [tilespmem:s16+$0x16150]  }
0x1ee: {  	[tilespmem:s16+$0x1C110] =	vst v10;
	v10 =	vld [tilespmem:s16+$0x16160]  }
0x1ef: {  	[tilespmem:s16+$0x1C120] =	vst v11  }
0x1f0: {  	[tilespmem:s16+$0x1C130] =	vst v13  }
0x1f1: {  	[tilespmem:s16+$0x1C140] =	vst v14  }
0x1f2: {  	[tilespmem:s16+$0x1C150] =	vst v12  }
0x1f3: {  	s15 =	simm.s32 $0x0;
	[tilespmem:s16+$0x1C160] =	vst v10;
	s16 =	rddreg [dreg:$0xc]  }
0x1f4: {  	[hbm4b:s16+s15] =	stream.linear.scatter [tilespmem:s12], [sflag:$0x7], $0x2000, $0x38;
	[tilespmem:$0x1E100] =	vst v63  }
0x1f5: {  	_ =	swait.ge [sflag:s30], $0x2000  }
0x1f6: {  	[sflag:s30] =	ssyncset.done $0x0  }
0x1f7: {  	[sflag:s30] =	ssyncadd.s32 $0xFFFFE000  }
0x1f8: {  	[tilespmem:s11], [sflag:$0x7] =	stream.linear.gather [spmem:s25], $0x2000, $0x38;
	[tilespmem:$0x1E100] =	vst v63  }
0x1f9: {  	_ =	swait.ge [sflag:s30], $0x2000  }
0x1fa: {  	[sflag:s30] =	ssyncset.done $0x0  }
0x1fb: {  	s15 =	simm.s32 $0x0;
	[sflag:s30] =	ssyncadd.s32 $0xFFFFE000  }
0x1fc: {  	v13 =	vld [tilespmem:s15+$0x16170]  }
0x1fd: {  	v14 =	vld [tilespmem:s15+$0x16100]  }
0x1fe: {  	v15 =	vld [tilespmem:s15+$0x16110]  }
0x1ff: {  	v12 =	vld [tilespmem:s15+$0x16120]  }
0x200: {  	v10 =	vld [tilespmem:s15+$0x16130]  }
0x201: {  	v11 =	vld [tilespmem:s15+$0x16140];
	[tilespmem:s15+$0x1C170] =	vst v13  }
0x202: {  	[tilespmem:s15+$0x1C100] =	vst v14;
	v13 =	vld [tilespmem:s15+$0x16150]  }
0x203: {  	s29 =	simm.s32 $0x400;
	s16 =	simm.s32 $0x80;
	[tilespmem:s15+$0x1C110] =	vst v15;
	v14 =	vld [tilespmem:s15+$0x16160]  }
.LBB2_22:
0x204: {  	p0 =	sne.s32 s29, $0x7E00;
	v15 =	vld [tilespmem:s16+$0x16170];
	[tilespmem:s15+$0x1C120] =	vst v12  }
0x205: {  	v16 =	vld [tilespmem:s16+$0x16100];
	[tilespmem:s15+$0x1C130] =	vst v10  }
0x206: {  	v17 =	vld [tilespmem:s16+$0x16110];
	[tilespmem:s15+$0x1C140] =	vst v11  }
.Ltmp10:
0x207: {  	v12 =	vld [tilespmem:s16+$0x16120];
	[tilespmem:s15+$0x1C150] =	vst v13;
	(pc) =	sbr.rel @p0 .LBB2_22-.Ltmp10, $4  }
0x208: {  	v10 =	vld [tilespmem:s16+$0x16130];
	[tilespmem:s15+$0x1C160] =	vst v14;
	s15 =	smov.u32 s16  }
0x209: {  	v11 =	vld [tilespmem:s15+$0x16140];
	[tilespmem:s15+$0x1C170] =	vst v15  }
0x20a: {  	[tilespmem:s15+$0x1C100] =	vst v16;
	v13 =	vld [tilespmem:s15+$0x16150]  }
0x20b: {  	s16 =	sshra.s32 s29, $0x2;
	s29 =	sadd.s32 $0x200, s29;
	[tilespmem:s15+$0x1C110] =	vst v17;
	v14 =	vld [tilespmem:s15+$0x16160]  }
0x20c: {  	v15 =	vld [tilespmem:s16+$0x16170];
	[tilespmem:s15+$0x1C120] =	vst v12  }
0x20d: {  	v12 =	vld [tilespmem:s16+$0x16100];
	[tilespmem:s15+$0x1C130] =	vst v10  }
0x20e: {  	v10 =	vld [tilespmem:s16+$0x16110];
	[tilespmem:s15+$0x1C140] =	vst v11  }
0x20f: {  	v11 =	vld [tilespmem:s16+$0x16120];
	[tilespmem:s15+$0x1C150] =	vst v13  }
0x210: {  	v13 =	vld [tilespmem:s16+$0x16130];
	[tilespmem:s15+$0x1C160] =	vst v14  }
0x211: {  	v14 =	vld [tilespmem:s16+$0x16140];
	[tilespmem:s16+$0x1C170] =	vst v15  }
0x212: {  	[tilespmem:s16+$0x1C100] =	vst v12;
	v12 =	vld [tilespmem:s16+$0x16150]  }
0x213: {  	[tilespmem:s16+$0x1C110] =	vst v10;
	v10 =	vld [tilespmem:s16+$0x16160]  }
0x214: {  	[tilespmem:s16+$0x1C120] =	vst v11  }
0x215: {  	[tilespmem:s16+$0x1C130] =	vst v13  }
0x216: {  	[tilespmem:s16+$0x1C140] =	vst v14  }
0x217: {  	[tilespmem:s16+$0x1C150] =	vst v12  }
0x218: {  	s15 =	simm.s32 $0x0;
	[tilespmem:s16+$0x1C160] =	vst v10;
	s16 =	rddreg [dreg:$0xd]  }
0x219: {  	[hbm4b:s16+s15] =	stream.linear.scatter [tilespmem:s12], [sflag:$0x7], $0x2000, $0x38;
	[tilespmem:$0x1E100] =	vst v63  }
0x21a: {  	_ =	swait.ge [sflag:s30], $0x2000  }
0x21b: {  	[sflag:s30] =	ssyncset.done $0x0  }
0x21c: {  	[sflag:s30] =	ssyncadd.s32 $0xFFFFE000  }
0x21d: {  	[tilespmem:s11], [sflag:$0x7] =	stream.linear.gather [spmem:s26], $0x1900, $0x38;
	[tilespmem:$0x1E100] =	vst v63  }
0x21e: {  	_ =	swait.ge [sflag:s30], $0x1900  }
0x21f: {  	[sflag:s30] =	ssyncset.done $0x0  }
0x220: {  	s15 =	simm.s32 $0x0;
	[sflag:s30] =	ssyncadd.s32 $0xFFFFE700  }
0x221: {  	v13 =	vld [tilespmem:s15+$0x16170]  }
0x222: {  	v14 =	vld [tilespmem:s15+$0x16100]  }
0x223: {  	v15 =	vld [tilespmem:s15+$0x16110]  }
0x224: {  	v12 =	vld [tilespmem:s15+$0x16120]  }
0x225: {  	v10 =	vld [tilespmem:s15+$0x16130]  }
0x226: {  	v11 =	vld [tilespmem:s15+$0x16140];
	[tilespmem:s15+$0x1C170] =	vst v13  }
0x227: {  	[tilespmem:s15+$0x1C100] =	vst v14;
	v13 =	vld [tilespmem:s15+$0x16150]  }
0x228: {  	s29 =	simm.s32 $0x400;
	s16 =	simm.s32 $0x80;
	[tilespmem:s15+$0x1C110] =	vst v15;
	v14 =	vld [tilespmem:s15+$0x16160]  }
.LBB2_24:
0x229: {  	p0 =	sne.s32 s29, $0x6200;
	v15 =	vld [tilespmem:s16+$0x16170];
	[tilespmem:s15+$0x1C120] =	vst v12  }
0x22a: {  	v16 =	vld [tilespmem:s16+$0x16100];
	[tilespmem:s15+$0x1C130] =	vst v10  }
0x22b: {  	v17 =	vld [tilespmem:s16+$0x16110];
	[tilespmem:s15+$0x1C140] =	vst v11  }
.Ltmp11:
0x22c: {  	v12 =	vld [tilespmem:s16+$0x16120];
	[tilespmem:s15+$0x1C150] =	vst v13;
	(pc) =	sbr.rel @p0 .LBB2_24-.Ltmp11, $4  }
0x22d: {  	v10 =	vld [tilespmem:s16+$0x16130];
	[tilespmem:s15+$0x1C160] =	vst v14;
	s15 =	smov.u32 s16  }
0x22e: {  	v11 =	vld [tilespmem:s15+$0x16140];
	[tilespmem:s15+$0x1C170] =	vst v15  }
0x22f: {  	[tilespmem:s15+$0x1C100] =	vst v16;
	v13 =	vld [tilespmem:s15+$0x16150]  }
0x230: {  	s16 =	sshra.s32 s29, $0x2;
	s29 =	sadd.s32 $0x200, s29;
	[tilespmem:s15+$0x1C110] =	vst v17;
	v14 =	vld [tilespmem:s15+$0x16160]  }
0x231: {  	v15 =	vld [tilespmem:s16+$0x16170];
	[tilespmem:s15+$0x1C120] =	vst v12  }
0x232: {  	v12 =	vld [tilespmem:s16+$0x16100];
	[tilespmem:s15+$0x1C130] =	vst v10  }
0x233: {  	v10 =	vld [tilespmem:s16+$0x16110];
	[tilespmem:s15+$0x1C140] =	vst v11  }
0x234: {  	v11 =	vld [tilespmem:s16+$0x16120];
	[tilespmem:s15+$0x1C150] =	vst v13  }
0x235: {  	v13 =	vld [tilespmem:s16+$0x16130];
	[tilespmem:s15+$0x1C160] =	vst v14  }
0x236: {  	v14 =	vld [tilespmem:s16+$0x16140];
	[tilespmem:s16+$0x1C170] =	vst v15  }
0x237: {  	v63 =	vld [tilespmem:s16+$0x16150];
	[tilespmem:s16+$0x1C100] =	vst v12  }
0x238: {  	[tilespmem:s16+$0x1C110] =	vst v10;
	v10 =	vld [tilespmem:s16+$0x16160]  }
0x239: {  	[tilespmem:s16+$0x1C120] =	vst v11  }
0x23a: {  	[tilespmem:s16+$0x1C130] =	vst v13  }
0x23b: {  	s13 =	sadd.s32 $0x1, s13;
	[tilespmem:s16+$0x1C140] =	vst v14  }
0x23c: {  	p0 =	sne.s32 s13, s28;
	[tilespmem:s16+$0x1C150] =	vst v63  }
.Ltmp12:
0x23d: {  	[tilespmem:s16+$0x1C160] =	vst v10;
	s16 =	rddreg [dreg:$0xe];
	(pc) =	sbr.rel @p0 .LBB2_1-.Ltmp12, $4  }
0x23e: {  	[hbm4b:s16+s2] =	stream.linear.scatter [tilespmem:s12], [sflag:$0x7], $0x1900, $0x38;
	[tilespmem:$0x1E100] =	vst v63  }
0x23f: {  	_ =	swait.ge [sflag:s30], $0x1900  }
0x240: {  	[sflag:s30] =	ssyncset.done $0x0  }
0x241: {  	s29 =	simm.s32 $0x13900;
	[sflag:s30] =	ssyncadd.s32 $0xFFFFE700  }
0x242: {  	_ =	sfence.sel $0x180000  }
0x243: {  	[bflag:$0x0] =	sbarrier.arrive $0xFFFF  }
0x244: {  	_ =	strace $0x9000004A  }
0x245: {  	s0 =	stileid.u32;
	[bflag:$0x2] =	sbarrier.arrive $0xFFFF  }
0x246: {  	p0 =	sne.s32 s0, $0x0;
	s0 =	rddreg [dreg:$0x3]  }
0x247: {  	s0 =	sadd.s32 @!p0 $0x100000, s0  }
0x248: {  	[sflag:s0] =	ssyncadd.tile.s32 @!p0 $0x1;
	_ =	shalt  }
.Lfunc_end2:
_tile_overlayer_lowered:
.L_overlay_start_2:
0x249: {  	(tag) =	ssettag $0x2  }
0x24a: {  	s0 =	rddreg [dreg:$0x0];
	s2 =	stileid.u32  }
0x24b: {  	s1 =	rddreg [dreg:$0x1];
	p0 =	sne.s32 s2, $0x0  }
0x24c: {  	s3 =	rddreg [dreg:$0x2];
	[bflag:$0x3] =	sbarrier.arrive $0xFFFF;
	s2 =	simm.s32 @!p0 $0x1C07  }
0x24d: {  	[timem:s3], [sflag:s2] =	dma.local @!p0 [hbm:s0], s1  }
0x24e: {  	s0 =	simm.s32 @!p0 $0x7  }
0x24f: {  	_ =	swait.ge @!p0 [sflag:s0], s1  }
0x250: {  	s1 =	ssub.s32 @!p0 $0x0, s1;
	[sflag:s0] =	ssyncset.done @!p0 $0x0  }
0x251: {  	[sflag:s0] =	ssyncadd.s32 @!p0 s1  }
0x252: {  	[bflag:$0x3] =	sbarrier.arrive $0xFFFF  }
0x253: {  	_ =	shalt  }

</sc_bundles>
